<compile_context>
chip_gen: v7x
topology: tpu7x:2x2x1
jax: 0.10.2.dev20260603
libtpu: 0.0.44.dev20260713+nightly
codegen_flags: <defaults>
</compile_context>

<pallas_src>
import functools

import jax
import jax.numpy as jnp
from jax import lax
from jax.experimental import pallas as pl
from jax.experimental.pallas import tpu as pltpu
from jax.experimental.pallas import tpu_sc as plsc

_NBUF = 6
_AHEAD = 4
_UNROLL = 8


def kernel(x, emb_weight):
    B, S, D = x.shape
    info = plsc.get_sparse_core_info()
    NC, NS = info.num_cores, info.num_subcores
    NW = NC * NS
    ROWS = S // NW

    mesh = plsc.VectorSubcoreMesh(core_axis_name="c", subcore_axis_name="s")

    @functools.partial(
        pl.kernel,
        mesh=mesh,
        out_type=jax.ShapeDtypeStruct((B, S, D), jnp.float32),
        scratch_types=(
            [pltpu.VMEM((ROWS, D), jnp.float32)]
            + [pltpu.VMEM((1, ROWS, D), jnp.float32)] * _NBUF
            + [pltpu.SemaphoreType.DMA] * (2 * _NBUF + 1)
        ),
        compiler_params=pltpu.CompilerParams(use_tc_tiling_on_sc=True),
    )
    def run(x_hbm, emb_hbm, out_hbm, emb_v, *rest):
        buf = rest[:_NBUF]
        load_sems = rest[_NBUF : 2 * _NBUF]
        store_sems = rest[2 * _NBUF : 3 * _NBUF]
        emb_sem = rest[3 * _NBUF]
        wid = lax.axis_index("s") * NC + lax.axis_index("c")
        r0 = wid * ROWS

        emb_h = pltpu.async_copy(emb_hbm.at[pl.ds(r0, ROWS), :], emb_v, emb_sem)

        load_h = {}
        store_h = {}
        for b in range(min(_AHEAD, B)):
            load_h[b] = pltpu.async_copy(
                x_hbm.at[pl.ds(b, 1), pl.ds(r0, ROWS), :], buf[b], load_sems[b]
            )
        emb_h.wait()
        for b in range(B):
            k = b % _NBUF
            load_h[b].wait()
            bb = buf[k]

            d_shift = D.bit_length() - 1

            @plsc.parallel_loop(0, ROWS * D, step=16, unroll=_UNROLL)
            def body(off, bb=bb, d_shift=d_shift):
                r = off >> d_shift
                c = pl.multiple_of(off & (D - 1), 16)
                sl = pl.ds(c, 16)
                plsc.addupdate(bb.at[0, r, sl], emb_v[r, sl])

            store_h[b] = pltpu.async_copy(
                bb, out_hbm.at[pl.ds(b, 1), pl.ds(r0, ROWS), :], store_sems[k]
            )
            nb = b + _AHEAD
            if nb < B:
                if nb - _NBUF >= 0:
                    store_h[nb - _NBUF].wait()
                load_h[nb] = pltpu.async_copy(
                    x_hbm.at[pl.ds(nb, 1), pl.ds(r0, ROWS), :],
                    buf[nb % _NBUF],
                    load_sems[nb % _NBUF],
                )
        for b in range(B - _NBUF, B):
            store_h[b].wait()
    return run(x, emb_weight)

# --- scband reference (transcript-rebuilt; emitter-appended) ---
"""Pipeline reference for scband-positional-embedding-model-45148696216906 (READ-ONLY COPY).

The authoritative reference and input builder live on the scoring server;
editing this copy changes nothing except your own understanding.
"""

import jax, jax.numpy as jnp
import numpy as np

EMBEDDING_DIM = 512
SEQ_LEN = 1024
BATCH = 32


def setup_inputs(seed: int = 0) -> dict:
    key = jax.random.key(seed)
    kx, kw = jax.random.split(key)
    x = jax.random.normal(kx, (BATCH, SEQ_LEN, EMBEDDING_DIM), dtype=jnp.float32)
    # nn.Embedding(seq_len, embedding_dim) weight, default init N(0,1)
    emb_weight = jax.random.normal(kw, (SEQ_LEN, EMBEDDING_DIM), dtype=jnp.float32)
    return {"x": x, "emb_weight": emb_weight}


def reference(x, emb_weight):
    # pos_ids = arange(x.size(1)) broadcast over the batch dimension
    S = x.shape[1]
    pos_ids = jnp.arange(S, dtype=jnp.int32)
    pos_emb = jnp.take(emb_weight, pos_ids, axis=0)  # [S, D] embedding gather
    return pos_emb[None, :, :] + x  # [B, S, D]

if __name__ == "__main__":
    import jax
    _d = setup_inputs()
    print(jax.jit(kernel)(*tuple(_d.values())))

</pallas_src>

<mosaic_0001>
#map = affine_map<(d0, d1) -> (0, 0, 0)>
#map1 = affine_map<(d0, d1) -> (0, 0)>
module attributes {stable_mosaic.version = 14 : i64} {
  func.func @run(%arg0: i32, %arg1: i32, %arg2: memref<32x1024x512xf32, #tpu.memory_space<hbm>>, %arg3: memref<1024x512xf32, #tpu.memory_space<hbm>>, %arg4: memref<32x1024x512xf32, #tpu.memory_space<hbm>>, %arg5: memref<32x512xf32, #tpu.memory_space<vmem>>, %arg6: memref<1x32x512xf32, #tpu.memory_space<vmem>>, %arg7: memref<1x32x512xf32, #tpu.memory_space<vmem>>, %arg8: memref<1x32x512xf32, #tpu.memory_space<vmem>>, %arg9: memref<1x32x512xf32, #tpu.memory_space<vmem>>, %arg10: memref<1x32x512xf32, #tpu.memory_space<vmem>>, %arg11: memref<1x32x512xf32, #tpu.memory_space<vmem>>, %arg12: memref<!tpu.dma_semaphore, #tpu.memory_space<semaphore_mem>>, %arg13: memref<!tpu.dma_semaphore, #tpu.memory_space<semaphore_mem>>, %arg14: memref<!tpu.dma_semaphore, #tpu.memory_space<semaphore_mem>>, %arg15: memref<!tpu.dma_semaphore, #tpu.memory_space<semaphore_mem>>, %arg16: memref<!tpu.dma_semaphore, #tpu.memory_space<semaphore_mem>>, %arg17: memref<!tpu.dma_semaphore, #tpu.memory_space<semaphore_mem>>, %arg18: memref<!tpu.dma_semaphore, #tpu.memory_space<semaphore_mem>>, %arg19: memref<!tpu.dma_semaphore, #tpu.memory_space<semaphore_mem>>, %arg20: memref<!tpu.dma_semaphore, #tpu.memory_space<semaphore_mem>>, %arg21: memref<!tpu.dma_semaphore, #tpu.memory_space<semaphore_mem>>, %arg22: memref<!tpu.dma_semaphore, #tpu.memory_space<semaphore_mem>>, %arg23: memref<!tpu.dma_semaphore, #tpu.memory_space<semaphore_mem>>, %arg24: memref<!tpu.dma_semaphore, #tpu.memory_space<semaphore_mem>>) attributes {dimension_semantics = [#tpu.dimension_semantics<core_parallel>, #tpu.dimension_semantics<subcore_parallel>], iteration_bounds = array<i64: 2, 16>, scalar_prefetch = 0 : i64, scratch_operands = 20 : i64, tpu.core_type = #tpu.core_type<sc_vector_subcore>, window_params = [{transform_indices = #map}, {transform_indices = #map1}, {transform_indices = #map}]} {
    %mul3A = arith.constant 2 : i32
    %mul3A_0 = arith.muli %arg1, %mul3A : i32
    %add3A = arith.addi %mul3A_0, %arg0 : i32
    %mul3A_1 = arith.constant 32 : i32
    %mul3A_2 = arith.muli %add3A, %mul3A_1 : i32
    %dma_start3A = arith.constant 0 : i32
    %dma_start3A_3 = tpu.memref_slice %arg3[%mul3A_2, %dma_start3A] : memref<1024x512xf32, #tpu.memory_space<hbm>> -> memref<32x512xf32, #tpu.memory_space<hbm>>
    %dma_start3A_4 = arith.constant 0 : i32
    %dma_start3A_5 = tpu.memref_slice %arg3[%mul3A_2, %dma_start3A_4] : memref<1024x512xf32, #tpu.memory_space<hbm>> -> memref<32x512xf32, #tpu.memory_space<hbm>>
    tpu.enqueue_dma source(%dma_start3A_5 : memref<32x512xf32, #tpu.memory_space<hbm>>) target(%arg5 : memref<32x512xf32, #tpu.memory_space<vmem>>) target_semaphore(%arg24 : memref<!tpu.dma_semaphore, #tpu.memory_space<semaphore_mem>>)
    %dma_start3A_6 = arith.constant 0 : i32
    %dma_start3A_7 = arith.constant 0 : i32
    %dma_start3A_8 = tpu.memref_slice %arg2[%dma_start3A_6, %mul3A_2, %dma_start3A_7] : memref<32x1024x512xf32, #tpu.memory_space<hbm>> -> memref<1x32x512xf32, #tpu.memory_space<hbm>>
    %dma_start3A_9 = arith.constant 0 : i32
    %dma_start3A_10 = arith.constant 0 : i32
    %dma_start3A_11 = tpu.memref_slice %arg2[%dma_start3A_9, %mul3A_2, %dma_start3A_10] : memref<32x1024x512xf32, #tpu.memory_space<hbm>> -> memref<1x32x512xf32, #tpu.memory_space<hbm>>
    tpu.enqueue_dma source(%dma_start3A_11 : memref<1x32x512xf32, #tpu.memory_space<hbm>>) target(%arg6 : memref<1x32x512xf32, #tpu.memory_space<vmem>>) target_semaphore(%arg12 : memref<!tpu.dma_semaphore, #tpu.memory_space<semaphore_mem>>)
    %dma_start3A_12 = arith.constant 1 : i32
    %dma_start3A_13 = arith.constant 0 : i32
    %dma_start3A_14 = tpu.memref_slice %arg2[%dma_start3A_12, %mul3A_2, %dma_start3A_13] : memref<32x1024x512xf32, #tpu.memory_space<hbm>> -> memref<1x32x512xf32, #tpu.memory_space<hbm>>
    %dma_start3A_15 = arith.constant 1 : i32
    %dma_start3A_16 = arith.constant 0 : i32
    %dma_start3A_17 = tpu.memref_slice %arg2[%dma_start3A_15, %mul3A_2, %dma_start3A_16] : memref<32x1024x512xf32, #tpu.memory_space<hbm>> -> memref<1x32x512xf32, #tpu.memory_space<hbm>>
    tpu.enqueue_dma source(%dma_start3A_17 : memref<1x32x512xf32, #tpu.memory_space<hbm>>) target(%arg7 : memref<1x32x512xf32, #tpu.memory_space<vmem>>) target_semaphore(%arg13 : memref<!tpu.dma_semaphore, #tpu.memory_space<semaphore_mem>>)
    %dma_start3A_18 = arith.constant 2 : i32
    %dma_start3A_19 = arith.constant 0 : i32
    %dma_start3A_20 = tpu.memref_slice %arg2[%dma_start3A_18, %mul3A_2, %dma_start3A_19] : memref<32x1024x512xf32, #tpu.memory_space<hbm>> -> memref<1x32x512xf32, #tpu.memory_space<hbm>>
    %dma_start3A_21 = arith.constant 2 : i32
    %dma_start3A_22 = arith.constant 0 : i32
    %dma_start3A_23 = tpu.memref_slice %arg2[%dma_start3A_21, %mul3A_2, %dma_start3A_22] : memref<32x1024x512xf32, #tpu.memory_space<hbm>> -> memref<1x32x512xf32, #tpu.memory_space<hbm>>
    tpu.enqueue_dma source(%dma_start3A_23 : memref<1x32x512xf32, #tpu.memory_space<hbm>>) target(%arg8 : memref<1x32x512xf32, #tpu.memory_space<vmem>>) target_semaphore(%arg14 : memref<!tpu.dma_semaphore, #tpu.memory_space<semaphore_mem>>)
    %dma_start3A_24 = arith.constant 3 : i32
    %dma_start3A_25 = arith.constant 0 : i32
    %dma_start3A_26 = tpu.memref_slice %arg2[%dma_start3A_24, %mul3A_2, %dma_start3A_25] : memref<32x1024x512xf32, #tpu.memory_space<hbm>> -> memref<1x32x512xf32, #tpu.memory_space<hbm>>
    %dma_start3A_27 = arith.constant 3 : i32
    %dma_start3A_28 = arith.constant 0 : i32
    %dma_start3A_29 = tpu.memref_slice %arg2[%dma_start3A_27, %mul3A_2, %dma_start3A_28] : memref<32x1024x512xf32, #tpu.memory_space<hbm>> -> memref<1x32x512xf32, #tpu.memory_space<hbm>>
    tpu.enqueue_dma source(%dma_start3A_29 : memref<1x32x512xf32, #tpu.memory_space<hbm>>) target(%arg9 : memref<1x32x512xf32, #tpu.memory_space<vmem>>) target_semaphore(%arg15 : memref<!tpu.dma_semaphore, #tpu.memory_space<semaphore_mem>>)
    %dma_wait3A = arith.constant 0 : i32
    %dma_wait3A_30 = tpu.memref_slice %arg3[%mul3A_2, %dma_wait3A] : memref<1024x512xf32, #tpu.memory_space<hbm>> -> memref<32x512xf32, #tpu.memory_space<hbm>>
    %dma_wait3A_31 = arith.constant 0 : i32
    %dma_wait3A_32 = tpu.memref_slice %arg3[%mul3A_2, %dma_wait3A_31] : memref<1024x512xf32, #tpu.memory_space<hbm>> -> memref<32x512xf32, #tpu.memory_space<hbm>>
    tpu.wait_dma2 semaphore(%arg24 : memref<!tpu.dma_semaphore, #tpu.memory_space<semaphore_mem>>) src(%dma_wait3A_32 : memref<32x512xf32, #tpu.memory_space<hbm>>) dst(%arg5 : memref<32x512xf32, #tpu.memory_space<vmem>>)
    %dma_wait3A_33 = arith.constant 0 : i32
    %dma_wait3A_34 = arith.constant 0 : i32
    %dma_wait3A_35 = tpu.memref_slice %arg2[%dma_wait3A_33, %mul3A_2, %dma_wait3A_34] : memref<32x1024x512xf32, #tpu.memory_space<hbm>> -> memref<1x32x512xf32, #tpu.memory_space<hbm>>
    %dma_wait3A_36 = arith.constant 0 : i32
    %dma_wait3A_37 = arith.constant 0 : i32
    %dma_wait3A_38 = tpu.memref_slice %arg2[%dma_wait3A_36, %mul3A_2, %dma_wait3A_37] : memref<32x1024x512xf32, #tpu.memory_space<hbm>> -> memref<1x32x512xf32, #tpu.memory_space<hbm>>
    tpu.wait_dma2 semaphore(%arg12 : memref<!tpu.dma_semaphore, #tpu.memory_space<semaphore_mem>>) src(%dma_wait3A_38 : memref<1x32x512xf32, #tpu.memory_space<hbm>>) dst(%arg6 : memref<1x32x512xf32, #tpu.memory_space<vmem>>)
    %parallel_loop3A = arith.constant 0 : i32
    %parallel_loop3A_39 = arith.constant 16384 : i32
    %parallel_loop3A_40 = arith.constant 16 : i32
    scf.for %parallel_loop3A_872 = %parallel_loop3A to %parallel_loop3A_39 step %parallel_loop3A_40  : i32 {
      %parallel_loop3A_873 = arith.constant 9 : i32
      %parallel_loop3A_874 = arith.shrsi %parallel_loop3A_872, %parallel_loop3A_873 : i32
      %parallel_loop3A_875 = arith.constant 511 : i32
      %parallel_loop3A_876 = arith.andi %parallel_loop3A_872, %parallel_loop3A_875 : i32
      %parallel_loop3A_877 = tpu.assume_multiple %parallel_loop3A_876, 16 : i32
      %parallel_loop3A_878 = arith.index_cast %parallel_loop3A_874 : i32 to index
      %parallel_loop3A_879 = arith.index_cast %parallel_loop3A_877 : i32 to index
      %parallel_loop3A_880 = tpu.vector_load %arg5[%parallel_loop3A_878, %parallel_loop3A_879] {strides = array<i32>} : memref<32x512xf32, #tpu.memory_space<vmem>>, vector<1x16xf32>,
      %parallel_loop3A_881 = vector.shape_cast %parallel_loop3A_880 : vector<1x16xf32> to vector<16xf32>
      %parallel_loop3A_882 = arith.constant 0 : i32
      %parallel_loop3A_883 = arith.index_cast %parallel_loop3A_882 : i32 to index
      %parallel_loop3A_884 = arith.index_cast %parallel_loop3A_874 : i32 to index
      %parallel_loop3A_885 = arith.index_cast %parallel_loop3A_877 : i32 to index
      %parallel_loop3A_886 = tpu.vector_load %arg6[%parallel_loop3A_883, %parallel_loop3A_884, %parallel_loop3A_885] {strides = array<i32>} : memref<1x32x512xf32, #tpu.memory_space<vmem>>, vector<1x1x16xf32>,
      %parallel_loop3A_887 = vector.shape_cast %parallel_loop3A_886 : vector<1x1x16xf32> to vector<16xf32>
      %parallel_loop3A_888 = vector.shape_cast %parallel_loop3A_881 : vector<16xf32> to vector<1x1x16xf32>
      tpu.vector_store %arg6[%parallel_loop3A_883, %parallel_loop3A_884, %parallel_loop3A_885], %parallel_loop3A_888 {add = true, strides = array<i32>} : memref<1x32x512xf32, #tpu.memory_space<vmem>>, vector<1x1x16xf32>,
    } {sc.loop_unroll_factor = 8 : i64, sc.parallel_access}
    %dma_start3A_41 = arith.constant 0 : i32
    %dma_start3A_42 = arith.constant 0 : i32
    %dma_start3A_43 = tpu.memref_slice %arg4[%dma_start3A_41, %mul3A_2, %dma_start3A_42] : memref<32x1024x512xf32, #tpu.memory_space<hbm>> -> memref<1x32x512xf32, #tpu.memory_space<hbm>>
    %dma_start3A_44 = arith.constant 0 : i32
    %dma_start3A_45 = arith.constant 0 : i32
    %dma_start3A_46 = tpu.memref_slice %arg4[%dma_start3A_44, %mul3A_2, %dma_start3A_45] : memref<32x1024x512xf32, #tpu.memory_space<hbm>> -> memref<1x32x512xf32, #tpu.memory_space<hbm>>
    tpu.enqueue_dma source(%arg6 : memref<1x32x512xf32, #tpu.memory_space<vmem>>) target(%dma_start3A_46 : memref<1x32x512xf32, #tpu.memory_space<hbm>>) target_semaphore(%arg18 : memref<!tpu.dma_semaphore, #tpu.memory_space<semaphore_mem>>)
    %dma_start3A_47 = arith.constant 4 : i32
    %dma_start3A_48 = arith.constant 0 : i32
    %dma_start3A_49 = tpu.memref_slice %arg2[%dma_start3A_47, %mul3A_2, %dma_start3A_48] : memref<32x1024x512xf32, #tpu.memory_space<hbm>> -> memref<1x32x512xf32, #tpu.memory_space<hbm>>
    %dma_start3A_50 = arith.constant 4 : i32
    %dma_start3A_51 = arith.constant 0 : i32
    %dma_start3A_52 = tpu.memref_slice %arg2[%dma_start3A_50, %mul3A_2, %dma_start3A_51] : memref<32x1024x512xf32, #tpu.memory_space<hbm>> -> memref<1x32x512xf32, #tpu.memory_space<hbm>>
    tpu.enqueue_dma source(%dma_start3A_52 : memref<1x32x512xf32, #tpu.memory_space<hbm>>) target(%arg10 : memref<1x32x512xf32, #tpu.memory_space<vmem>>) target_semaphore(%arg16 : memref<!tpu.dma_semaphore, #tpu.memory_space<semaphore_mem>>)
    %dma_wait3A_53 = arith.constant 1 : i32
    %dma_wait3A_54 = arith.constant 0 : i32
    %dma_wait3A_55 = tpu.memref_slice %arg2[%dma_wait3A_53, %mul3A_2, %dma_wait3A_54] : memref<32x1024x512xf32, #tpu.memory_space<hbm>> -> memref<1x32x512xf32, #tpu.memory_space<hbm>>
    %dma_wait3A_56 = arith.constant 1 : i32
    %dma_wait3A_57 = arith.constant 0 : i32
    %dma_wait3A_58 = tpu.memref_slice %arg2[%dma_wait3A_56, %mul3A_2, %dma_wait3A_57] : memref<32x1024x512xf32, #tpu.memory_space<hbm>> -> memref<1x32x512xf32, #tpu.memory_space<hbm>>
    tpu.wait_dma2 semaphore(%arg13 : memref<!tpu.dma_semaphore, #tpu.memory_space<semaphore_mem>>) src(%dma_wait3A_58 : memref<1x32x512xf32, #tpu.memory_space<hbm>>) dst(%arg7 : memref<1x32x512xf32, #tpu.memory_space<vmem>>)
    %parallel_loop3A_59 = arith.constant 0 : i32
    %parallel_loop3A_60 = arith.constant 16384 : i32
    %parallel_loop3A_61 = arith.constant 16 : i32
    scf.for %parallel_loop3A_872 = %parallel_loop3A_59 to %parallel_loop3A_60 step %parallel_loop3A_61  : i32 {
      %parallel_loop3A_873 = arith.constant 9 : i32
      %parallel_loop3A_874 = arith.shrsi %parallel_loop3A_872, %parallel_loop3A_873 : i32
      %parallel_loop3A_875 = arith.constant 511 : i32
      %parallel_loop3A_876 = arith.andi %parallel_loop3A_872, %parallel_loop3A_875 : i32
      %parallel_loop3A_877 = tpu.assume_multiple %parallel_loop3A_876, 16 : i32
      %parallel_loop3A_878 = arith.index_cast %parallel_loop3A_874 : i32 to index
      %parallel_loop3A_879 = arith.index_cast %parallel_loop3A_877 : i32 to index
      %parallel_loop3A_880 = tpu.vector_load %arg5[%parallel_loop3A_878, %parallel_loop3A_879] {strides = array<i32>} : memref<32x512xf32, #tpu.memory_space<vmem>>, vector<1x16xf32>,
      %parallel_loop3A_881 = vector.shape_cast %parallel_loop3A_880 : vector<1x16xf32> to vector<16xf32>
      %parallel_loop3A_882 = arith.constant 0 : i32
      %parallel_loop3A_883 = arith.index_cast %parallel_loop3A_882 : i32 to index
      %parallel_loop3A_884 = arith.index_cast %parallel_loop3A_874 : i32 to index
      %parallel_loop3A_885 = arith.index_cast %parallel_loop3A_877 : i32 to index
      %parallel_loop3A_886 = tpu.vector_load %arg7[%parallel_loop3A_883, %parallel_loop3A_884, %parallel_loop3A_885] {strides = array<i32>} : memref<1x32x512xf32, #tpu.memory_space<vmem>>, vector<1x1x16xf32>,
      %parallel_loop3A_887 = vector.shape_cast %parallel_loop3A_886 : vector<1x1x16xf32> to vector<16xf32>
      %parallel_loop3A_888 = vector.shape_cast %parallel_loop3A_881 : vector<16xf32> to vector<1x1x16xf32>
      tpu.vector_store %arg7[%parallel_loop3A_883, %parallel_loop3A_884, %parallel_loop3A_885], %parallel_loop3A_888 {add = true, strides = array<i32>} : memref<1x32x512xf32, #tpu.memory_space<vmem>>, vector<1x1x16xf32>,
    } {sc.loop_unroll_factor = 8 : i64, sc.parallel_access}
    %dma_start3A_62 = arith.constant 1 : i32
    %dma_start3A_63 = arith.constant 0 : i32
    %dma_start3A_64 = tpu.memref_slice %arg4[%dma_start3A_62, %mul3A_2, %dma_start3A_63] : memref<32x1024x512xf32, #tpu.memory_space<hbm>> -> memref<1x32x512xf32, #tpu.memory_space<hbm>>
    %dma_start3A_65 = arith.constant 1 : i32
    %dma_start3A_66 = arith.constant 0 : i32
    %dma_start3A_67 = tpu.memref_slice %arg4[%dma_start3A_65, %mul3A_2, %dma_start3A_66] : memref<32x1024x512xf32, #tpu.memory_space<hbm>> -> memref<1x32x512xf32, #tpu.memory_space<hbm>>
    tpu.enqueue_dma source(%arg7 : memref<1x32x512xf32, #tpu.memory_space<vmem>>) target(%dma_start3A_67 : memref<1x32x512xf32, #tpu.memory_space<hbm>>) target_semaphore(%arg19 : memref<!tpu.dma_semaphore, #tpu.memory_space<semaphore_mem>>)
    %dma_start3A_68 = arith.constant 5 : i32
    %dma_start3A_69 = arith.constant 0 : i32
    %dma_start3A_70 = tpu.memref_slice %arg2[%dma_start3A_68, %mul3A_2, %dma_start3A_69] : memref<32x1024x512xf32, #tpu.memory_space<hbm>> -> memref<1x32x512xf32, #tpu.memory_space<hbm>>
    %dma_start3A_71 = arith.constant 5 : i32
    %dma_start3A_72 = arith.constant 0 : i32
    %dma_start3A_73 = tpu.memref_slice %arg2[%dma_start3A_71, %mul3A_2, %dma_start3A_72] : memref<32x1024x512xf32, #tpu.memory_space<hbm>> -> memref<1x32x512xf32, #tpu.memory_space<hbm>>
    tpu.enqueue_dma source(%dma_start3A_73 : memref<1x32x512xf32, #tpu.memory_space<hbm>>) target(%arg11 : memref<1x32x512xf32, #tpu.memory_space<vmem>>) target_semaphore(%arg17 : memref<!tpu.dma_semaphore, #tpu.memory_space<semaphore_mem>>)
    %dma_wait3A_74 = arith.constant 2 : i32
    %dma_wait3A_75 = arith.constant 0 : i32
    %dma_wait3A_76 = tpu.memref_slice %arg2[%dma_wait3A_74, %mul3A_2, %dma_wait3A_75] : memref<32x1024x512xf32, #tpu.memory_space<hbm>> -> memref<1x32x512xf32, #tpu.memory_space<hbm>>
    %dma_wait3A_77 = arith.constant 2 : i32
    %dma_wait3A_78 = arith.constant 0 : i32
    %dma_wait3A_79 = tpu.memref_slice %arg2[%dma_wait3A_77, %mul3A_2, %dma_wait3A_78] : memref<32x1024x512xf32, #tpu.memory_space<hbm>> -> memref<1x32x512xf32, #tpu.memory_space<hbm>>
    tpu.wait_dma2 semaphore(%arg14 : memref<!tpu.dma_semaphore, #tpu.memory_space<semaphore_mem>>) src(%dma_wait3A_79 : memref<1x32x512xf32, #tpu.memory_space<hbm>>) dst(%arg8 : memref<1x32x512xf32, #tpu.memory_space<vmem>>)
    %parallel_loop3A_80 = arith.constant 0 : i32
    %parallel_loop3A_81 = arith.constant 16384 : i32
    %parallel_loop3A_82 = arith.constant 16 : i32
    scf.for %parallel_loop3A_872 = %parallel_loop3A_80 to %parallel_loop3A_81 step %parallel_loop3A_82  : i32 {
      %parallel_loop3A_873 = arith.constant 9 : i32
      %parallel_loop3A_874 = arith.shrsi %parallel_loop3A_872, %parallel_loop3A_873 : i32
      %parallel_loop3A_875 = arith.constant 511 : i32
      %parallel_loop3A_876 = arith.andi %parallel_loop3A_872, %parallel_loop3A_875 : i32
      %parallel_loop3A_877 = tpu.assume_multiple %parallel_loop3A_876, 16 : i32
      %parallel_loop3A_878 = arith.index_cast %parallel_loop3A_874 : i32 to index
      %parallel_loop3A_879 = arith.index_cast %parallel_loop3A_877 : i32 to index
      %parallel_loop3A_880 = tpu.vector_load %arg5[%parallel_loop3A_878, %parallel_loop3A_879] {strides = array<i32>} : memref<32x512xf32, #tpu.memory_space<vmem>>, vector<1x16xf32>,
      %parallel_loop3A_881 = vector.shape_cast %parallel_loop3A_880 : vector<1x16xf32> to vector<16xf32>
      %parallel_loop3A_882 = arith.constant 0 : i32
      %parallel_loop3A_883 = arith.index_cast %parallel_loop3A_882 : i32 to index
      %parallel_loop3A_884 = arith.index_cast %parallel_loop3A_874 : i32 to index
      %parallel_loop3A_885 = arith.index_cast %parallel_loop3A_877 : i32 to index
      %parallel_loop3A_886 = tpu.vector_load %arg8[%parallel_loop3A_883, %parallel_loop3A_884, %parallel_loop3A_885] {strides = array<i32>} : memref<1x32x512xf32, #tpu.memory_space<vmem>>, vector<1x1x16xf32>,
      %parallel_loop3A_887 = vector.shape_cast %parallel_loop3A_886 : vector<1x1x16xf32> to vector<16xf32>
      %parallel_loop3A_888 = vector.shape_cast %parallel_loop3A_881 : vector<16xf32> to vector<1x1x16xf32>
      tpu.vector_store %arg8[%parallel_loop3A_883, %parallel_loop3A_884, %parallel_loop3A_885], %parallel_loop3A_888 {add = true, strides = array<i32>} : memref<1x32x512xf32, #tpu.memory_space<vmem>>, vector<1x1x16xf32>,
    } {sc.loop_unroll_factor = 8 : i64, sc.parallel_access}
    %dma_start3A_83 = arith.constant 2 : i32
    %dma_start3A_84 = arith.constant 0 : i32
    %dma_start3A_85 = tpu.memref_slice %arg4[%dma_start3A_83, %mul3A_2, %dma_start3A_84] : memref<32x1024x512xf32, #tpu.memory_space<hbm>> -> memref<1x32x512xf32, #tpu.memory_space<hbm>>
    %dma_start3A_86 = arith.constant 2 : i32
    %dma_start3A_87 = arith.constant 0 : i32
    %dma_start3A_88 = tpu.memref_slice %arg4[%dma_start3A_86, %mul3A_2, %dma_start3A_87] : memref<32x1024x512xf32, #tpu.memory_space<hbm>> -> memref<1x32x512xf32, #tpu.memory_space<hbm>>
    tpu.enqueue_dma source(%arg8 : memref<1x32x512xf32, #tpu.memory_space<vmem>>) target(%dma_start3A_88 : memref<1x32x512xf32, #tpu.memory_space<hbm>>) target_semaphore(%arg20 : memref<!tpu.dma_semaphore, #tpu.memory_space<semaphore_mem>>)
    %dma_wait3A_89 = arith.constant 0 : i32
    %dma_wait3A_90 = arith.constant 0 : i32
    %dma_wait3A_91 = tpu.memref_slice %arg4[%dma_wait3A_89, %mul3A_2, %dma_wait3A_90] : memref<32x1024x512xf32, #tpu.memory_space<hbm>> -> memref<1x32x512xf32, #tpu.memory_space<hbm>>
    %dma_wait3A_92 = arith.constant 0 : i32
    %dma_wait3A_93 = arith.constant 0 : i32
    %dma_wait3A_94 = tpu.memref_slice %arg4[%dma_wait3A_92, %mul3A_2, %dma_wait3A_93] : memref<32x1024x512xf32, #tpu.memory_space<hbm>> -> memref<1x32x512xf32, #tpu.memory_space<hbm>>
    tpu.wait_dma2 semaphore(%arg18 : memref<!tpu.dma_semaphore, #tpu.memory_space<semaphore_mem>>) src(%arg6 : memref<1x32x512xf32, #tpu.memory_space<vmem>>) dst(%dma_wait3A_94 : memref<1x32x512xf32, #tpu.memory_space<hbm>>)
    %dma_start3A_95 = arith.constant 6 : i32
    %dma_start3A_96 = arith.constant 0 : i32
    %dma_start3A_97 = tpu.memref_slice %arg2[%dma_start3A_95, %mul3A_2, %dma_start3A_96] : memref<32x1024x512xf32, #tpu.memory_space<hbm>> -> memref<1x32x512xf32, #tpu.memory_space<hbm>>
    %dma_start3A_98 = arith.constant 6 : i32
    %dma_start3A_99 = arith.constant 0 : i32
    %dma_start3A_100 = tpu.memref_slice %arg2[%dma_start3A_98, %mul3A_2, %dma_start3A_99] : memref<32x1024x512xf32, #tpu.memory_space<hbm>> -> memref<1x32x512xf32, #tpu.memory_space<hbm>>
    tpu.enqueue_dma source(%dma_start3A_100 : memref<1x32x512xf32, #tpu.memory_space<hbm>>) target(%arg6 : memref<1x32x512xf32, #tpu.memory_space<vmem>>) target_semaphore(%arg12 : memref<!tpu.dma_semaphore, #tpu.memory_space<semaphore_mem>>)
    %dma_wait3A_101 = arith.constant 3 : i32
    %dma_wait3A_102 = arith.constant 0 : i32
    %dma_wait3A_103 = tpu.memref_slice %arg2[%dma_wait3A_101, %mul3A_2, %dma_wait3A_102] : memref<32x1024x512xf32, #tpu.memory_space<hbm>> -> memref<1x32x512xf32, #tpu.memory_space<hbm>>
    %dma_wait3A_104 = arith.constant 3 : i32
    %dma_wait3A_105 = arith.constant 0 : i32
    %dma_wait3A_106 = tpu.memref_slice %arg2[%dma_wait3A_104, %mul3A_2, %dma_wait3A_105] : memref<32x1024x512xf32, #tpu.memory_space<hbm>> -> memref<1x32x512xf32, #tpu.memory_space<hbm>>
    tpu.wait_dma2 semaphore(%arg15 : memref<!tpu.dma_semaphore, #tpu.memory_space<semaphore_mem>>) src(%dma_wait3A_106 : memref<1x32x512xf32, #tpu.memory_space<hbm>>) dst(%arg9 : memref<1x32x512xf32, #tpu.memory_space<vmem>>)
    %parallel_loop3A_107 = arith.constant 0 : i32
    %parallel_loop3A_108 = arith.constant 16384 : i32
    %parallel_loop3A_109 = arith.constant 16 : i32
    scf.for %parallel_loop3A_872 = %parallel_loop3A_107 to %parallel_loop3A_108 step %parallel_loop3A_109  : i32 {
      %parallel_loop3A_873 = arith.constant 9 : i32
      %parallel_loop3A_874 = arith.shrsi %parallel_loop3A_872, %parallel_loop3A_873 : i32
      %parallel_loop3A_875 = arith.constant 511 : i32
      %parallel_loop3A_876 = arith.andi %parallel_loop3A_872, %parallel_loop3A_875 : i32
      %parallel_loop3A_877 = tpu.assume_multiple %parallel_loop3A_876, 16 : i32
      %parallel_loop3A_878 = arith.index_cast %parallel_loop3A_874 : i32 to index
      %parallel_loop3A_879 = arith.index_cast %parallel_loop3A_877 : i32 to index
      %parallel_loop3A_880 = tpu.vector_load %arg5[%parallel_loop3A_878, %parallel_loop3A_879] {strides = array<i32>} : memref<32x512xf32, #tpu.memory_space<vmem>>, vector<1x16xf32>,
      %parallel_loop3A_881 = vector.shape_cast %parallel_loop3A_880 : vector<1x16xf32> to vector<16xf32>
      %parallel_loop3A_882 = arith.constant 0 : i32
      %parallel_loop3A_883 = arith.index_cast %parallel_loop3A_882 : i32 to index
      %parallel_loop3A_884 = arith.index_cast %parallel_loop3A_874 : i32 to index
      %parallel_loop3A_885 = arith.index_cast %parallel_loop3A_877 : i32 to index
      %parallel_loop3A_886 = tpu.vector_load %arg9[%parallel_loop3A_883, %parallel_loop3A_884, %parallel_loop3A_885] {strides = array<i32>} : memref<1x32x512xf32, #tpu.memory_space<vmem>>, vector<1x1x16xf32>,
      %parallel_loop3A_887 = vector.shape_cast %parallel_loop3A_886 : vector<1x1x16xf32> to vector<16xf32>
      %parallel_loop3A_888 = vector.shape_cast %parallel_loop3A_881 : vector<16xf32> to vector<1x1x16xf32>
      tpu.vector_store %arg9[%parallel_loop3A_883, %parallel_loop3A_884, %parallel_loop3A_885], %parallel_loop3A_888 {add = true, strides = array<i32>} : memref<1x32x512xf32, #tpu.memory_space<vmem>>, vector<1x1x16xf32>,
    } {sc.loop_unroll_factor = 8 : i64, sc.parallel_access}
    %dma_start3A_110 = arith.constant 3 : i32
    %dma_start3A_111 = arith.constant 0 : i32
    %dma_start3A_112 = tpu.memref_slice %arg4[%dma_start3A_110, %mul3A_2, %dma_start3A_111] : memref<32x1024x512xf32, #tpu.memory_space<hbm>> -> memref<1x32x512xf32, #tpu.memory_space<hbm>>
    %dma_start3A_113 = arith.constant 3 : i32
    %dma_start3A_114 = arith.constant 0 : i32
    %dma_start3A_115 = tpu.memref_slice %arg4[%dma_start3A_113, %mul3A_2, %dma_start3A_114] : memref<32x1024x512xf32, #tpu.memory_space<hbm>> -> memref<1x32x512xf32, #tpu.memory_space<hbm>>
    tpu.enqueue_dma source(%arg9 : memref<1x32x512xf32, #tpu.memory_space<vmem>>) target(%dma_start3A_115 : memref<1x32x512xf32, #tpu.memory_space<hbm>>) target_semaphore(%arg21 : memref<!tpu.dma_semaphore, #tpu.memory_space<semaphore_mem>>)
    %dma_wait3A_116 = arith.constant 1 : i32
    %dma_wait3A_117 = arith.constant 0 : i32
    %dma_wait3A_118 = tpu.memref_slice %arg4[%dma_wait3A_116, %mul3A_2, %dma_wait3A_117] : memref<32x1024x512xf32, #tpu.memory_space<hbm>> -> memref<1x32x512xf32, #tpu.memory_space<hbm>>
    %dma_wait3A_119 = arith.constant 1 : i32
    %dma_wait3A_120 = arith.constant 0 : i32
    %dma_wait3A_121 = tpu.memref_slice %arg4[%dma_wait3A_119, %mul3A_2, %dma_wait3A_120] : memref<32x1024x512xf32, #tpu.memory_space<hbm>> -> memref<1x32x512xf32, #tpu.memory_space<hbm>>
    tpu.wait_dma2 semaphore(%arg19 : memref<!tpu.dma_semaphore, #tpu.memory_space<semaphore_mem>>) src(%arg7 : memref<1x32x512xf32, #tpu.memory_space<vmem>>) dst(%dma_wait3A_121 : memref<1x32x512xf32, #tpu.memory_space<hbm>>)
    %dma_start3A_122 = arith.constant 7 : i32
    %dma_start3A_123 = arith.constant 0 : i32
    %dma_start3A_124 = tpu.memref_slice %arg2[%dma_start3A_122, %mul3A_2, %dma_start3A_123] : memref<32x1024x512xf32, #tpu.memory_space<hbm>> -> memref<1x32x512xf32, #tpu.memory_space<hbm>>
    %dma_start3A_125 = arith.constant 7 : i32
    %dma_start3A_126 = arith.constant 0 : i32
    %dma_start3A_127 = tpu.memref_slice %arg2[%dma_start3A_125, %mul3A_2, %dma_start3A_126] : memref<32x1024x512xf32, #tpu.memory_space<hbm>> -> memref<1x32x512xf32, #tpu.memory_space<hbm>>
    tpu.enqueue_dma source(%dma_start3A_127 : memref<1x32x512xf32, #tpu.memory_space<hbm>>) target(%arg7 : memref<1x32x512xf32, #tpu.memory_space<vmem>>) target_semaphore(%arg13 : memref<!tpu.dma_semaphore, #tpu.memory_space<semaphore_mem>>)
    %dma_wait3A_128 = arith.constant 4 : i32
    %dma_wait3A_129 = arith.constant 0 : i32
    %dma_wait3A_130 = tpu.memref_slice %arg2[%dma_wait3A_128, %mul3A_2, %dma_wait3A_129] : memref<32x1024x512xf32, #tpu.memory_space<hbm>> -> memref<1x32x512xf32, #tpu.memory_space<hbm>>
    %dma_wait3A_131 = arith.constant 4 : i32
    %dma_wait3A_132 = arith.constant 0 : i32
    %dma_wait3A_133 = tpu.memref_slice %arg2[%dma_wait3A_131, %mul3A_2, %dma_wait3A_132] : memref<32x1024x512xf32, #tpu.memory_space<hbm>> -> memref<1x32x512xf32, #tpu.memory_space<hbm>>
    tpu.wait_dma2 semaphore(%arg16 : memref<!tpu.dma_semaphore, #tpu.memory_space<semaphore_mem>>) src(%dma_wait3A_133 : memref<1x32x512xf32, #tpu.memory_space<hbm>>) dst(%arg10 : memref<1x32x512xf32, #tpu.memory_space<vmem>>)
    %parallel_loop3A_134 = arith.constant 0 : i32
    %parallel_loop3A_135 = arith.constant 16384 : i32
    %parallel_loop3A_136 = arith.constant 16 : i32
    scf.for %parallel_loop3A_872 = %parallel_loop3A_134 to %parallel_loop3A_135 step %parallel_loop3A_136  : i32 {
      %parallel_loop3A_873 = arith.constant 9 : i32
      %parallel_loop3A_874 = arith.shrsi %parallel_loop3A_872, %parallel_loop3A_873 : i32
      %parallel_loop3A_875 = arith.constant 511 : i32
      %parallel_loop3A_876 = arith.andi %parallel_loop3A_872, %parallel_loop3A_875 : i32
      %parallel_loop3A_877 = tpu.assume_multiple %parallel_loop3A_876, 16 : i32
      %parallel_loop3A_878 = arith.index_cast %parallel_loop3A_874 : i32 to index
      %parallel_loop3A_879 = arith.index_cast %parallel_loop3A_877 : i32 to index
      %parallel_loop3A_880 = tpu.vector_load %arg5[%parallel_loop3A_878, %parallel_loop3A_879] {strides = array<i32>} : memref<32x512xf32, #tpu.memory_space<vmem>>, vector<1x16xf32>,
      %parallel_loop3A_881 = vector.shape_cast %parallel_loop3A_880 : vector<1x16xf32> to vector<16xf32>
      %parallel_loop3A_882 = arith.constant 0 : i32
      %parallel_loop3A_883 = arith.index_cast %parallel_loop3A_882 : i32 to index
      %parallel_loop3A_884 = arith.index_cast %parallel_loop3A_874 : i32 to index
      %parallel_loop3A_885 = arith.index_cast %parallel_loop3A_877 : i32 to index
      %parallel_loop3A_886 = tpu.vector_load %arg10[%parallel_loop3A_883, %parallel_loop3A_884, %parallel_loop3A_885] {strides = array<i32>} : memref<1x32x512xf32, #tpu.memory_space<vmem>>, vector<1x1x16xf32>,
      %parallel_loop3A_887 = vector.shape_cast %parallel_loop3A_886 : vector<1x1x16xf32> to vector<16xf32>
      %parallel_loop3A_888 = vector.shape_cast %parallel_loop3A_881 : vector<16xf32> to vector<1x1x16xf32>
      tpu.vector_store %arg10[%parallel_loop3A_883, %parallel_loop3A_884, %parallel_loop3A_885], %parallel_loop3A_888 {add = true, strides = array<i32>} : memref<1x32x512xf32, #tpu.memory_space<vmem>>, vector<1x1x16xf32>,
    } {sc.loop_unroll_factor = 8 : i64, sc.parallel_access}
    %dma_start3A_137 = arith.constant 4 : i32
    %dma_start3A_138 = arith.constant 0 : i32
    %dma_start3A_139 = tpu.memref_slice %arg4[%dma_start3A_137, %mul3A_2, %dma_start3A_138] : memref<32x1024x512xf32, #tpu.memory_space<hbm>> -> memref<1x32x512xf32, #tpu.memory_space<hbm>>
    %dma_start3A_140 = arith.constant 4 : i32
    %dma_start3A_141 = arith.constant 0 : i32
    %dma_start3A_142 = tpu.memref_slice %arg4[%dma_start3A_140, %mul3A_2, %dma_start3A_141] : memref<32x1024x512xf32, #tpu.memory_space<hbm>> -> memref<1x32x512xf32, #tpu.memory_space<hbm>>
    tpu.enqueue_dma source(%arg10 : memref<1x32x512xf32, #tpu.memory_space<vmem>>) target(%dma_start3A_142 : memref<1x32x512xf32, #tpu.memory_space<hbm>>) target_semaphore(%arg22 : memref<!tpu.dma_semaphore, #tpu.memory_space<semaphore_mem>>)
    %dma_wait3A_143 = arith.constant 2 : i32
    %dma_wait3A_144 = arith.constant 0 : i32
    %dma_wait3A_145 = tpu.memref_slice %arg4[%dma_wait3A_143, %mul3A_2, %dma_wait3A_144] : memref<32x1024x512xf32, #tpu.memory_space<hbm>> -> memref<1x32x512xf32, #tpu.memory_space<hbm>>
    %dma_wait3A_146 = arith.constant 2 : i32
    %dma_wait3A_147 = arith.constant 0 : i32
    %dma_wait3A_148 = tpu.memref_slice %arg4[%dma_wait3A_146, %mul3A_2, %dma_wait3A_147] : memref<32x1024x512xf32, #tpu.memory_space<hbm>> -> memref<1x32x512xf32, #tpu.memory_space<hbm>>
    tpu.wait_dma2 semaphore(%arg20 : memref<!tpu.dma_semaphore, #tpu.memory_space<semaphore_mem>>) src(%arg8 : memref<1x32x512xf32, #tpu.memory_space<vmem>>) dst(%dma_wait3A_148 : memref<1x32x512xf32, #tpu.memory_space<hbm>>)
    %dma_start3A_149 = arith.constant 8 : i32
    %dma_start3A_150 = arith.constant 0 : i32
    %dma_start3A_151 = tpu.memref_slice %arg2[%dma_start3A_149, %mul3A_2, %dma_start3A_150] : memref<32x1024x512xf32, #tpu.memory_space<hbm>> -> memref<1x32x512xf32, #tpu.memory_space<hbm>>
    %dma_start3A_152 = arith.constant 8 : i32
    %dma_start3A_153 = arith.constant 0 : i32
    %dma_start3A_154 = tpu.memref_slice %arg2[%dma_start3A_152, %mul3A_2, %dma_start3A_153] : memref<32x1024x512xf32, #tpu.memory_space<hbm>> -> memref<1x32x512xf32, #tpu.memory_space<hbm>>
    tpu.enqueue_dma source(%dma_start3A_154 : memref<1x32x512xf32, #tpu.memory_space<hbm>>) target(%arg8 : memref<1x32x512xf32, #tpu.memory_space<vmem>>) target_semaphore(%arg14 : memref<!tpu.dma_semaphore, #tpu.memory_space<semaphore_mem>>)
    %dma_wait3A_155 = arith.constant 5 : i32
    %dma_wait3A_156 = arith.constant 0 : i32
    %dma_wait3A_157 = tpu.memref_slice %arg2[%dma_wait3A_155, %mul3A_2, %dma_wait3A_156] : memref<32x1024x512xf32, #tpu.memory_space<hbm>> -> memref<1x32x512xf32, #tpu.memory_space<hbm>>
    %dma_wait3A_158 = arith.constant 5 : i32
    %dma_wait3A_159 = arith.constant 0 : i32
    %dma_wait3A_160 = tpu.memref_slice %arg2[%dma_wait3A_158, %mul3A_2, %dma_wait3A_159] : memref<32x1024x512xf32, #tpu.memory_space<hbm>> -> memref<1x32x512xf32, #tpu.memory_space<hbm>>
    tpu.wait_dma2 semaphore(%arg17 : memref<!tpu.dma_semaphore, #tpu.memory_space<semaphore_mem>>) src(%dma_wait3A_160 : memref<1x32x512xf32, #tpu.memory_space<hbm>>) dst(%arg11 : memref<1x32x512xf32, #tpu.memory_space<vmem>>)
    %parallel_loop3A_161 = arith.constant 0 : i32
    %parallel_loop3A_162 = arith.constant 16384 : i32
    %parallel_loop3A_163 = arith.constant 16 : i32
    scf.for %parallel_loop3A_872 = %parallel_loop3A_161 to %parallel_loop3A_162 step %parallel_loop3A_163  : i32 {
      %parallel_loop3A_873 = arith.constant 9 : i32
      %parallel_loop3A_874 = arith.shrsi %parallel_loop3A_872, %parallel_loop3A_873 : i32
      %parallel_loop3A_875 = arith.constant 511 : i32
      %parallel_loop3A_876 = arith.andi %parallel_loop3A_872, %parallel_loop3A_875 : i32
      %parallel_loop3A_877 = tpu.assume_multiple %parallel_loop3A_876, 16 : i32
      %parallel_loop3A_878 = arith.index_cast %parallel_loop3A_874 : i32 to index
      %parallel_loop3A_879 = arith.index_cast %parallel_loop3A_877 : i32 to index
      %parallel_loop3A_880 = tpu.vector_load %arg5[%parallel_loop3A_878, %parallel_loop3A_879] {strides = array<i32>} : memref<32x512xf32, #tpu.memory_space<vmem>>, vector<1x16xf32>,
      %parallel_loop3A_881 = vector.shape_cast %parallel_loop3A_880 : vector<1x16xf32> to vector<16xf32>
      %parallel_loop3A_882 = arith.constant 0 : i32
      %parallel_loop3A_883 = arith.index_cast %parallel_loop3A_882 : i32 to index
      %parallel_loop3A_884 = arith.index_cast %parallel_loop3A_874 : i32 to index
      %parallel_loop3A_885 = arith.index_cast %parallel_loop3A_877 : i32 to index
      %parallel_loop3A_886 = tpu.vector_load %arg11[%parallel_loop3A_883, %parallel_loop3A_884, %parallel_loop3A_885] {strides = array<i32>} : memref<1x32x512xf32, #tpu.memory_space<vmem>>, vector<1x1x16xf32>,
      %parallel_loop3A_887 = vector.shape_cast %parallel_loop3A_886 : vector<1x1x16xf32> to vector<16xf32>
      %parallel_loop3A_888 = vector.shape_cast %parallel_loop3A_881 : vector<16xf32> to vector<1x1x16xf32>
      tpu.vector_store %arg11[%parallel_loop3A_883, %parallel_loop3A_884, %parallel_loop3A_885], %parallel_loop3A_888 {add = true, strides = array<i32>} : memref<1x32x512xf32, #tpu.memory_space<vmem>>, vector<1x1x16xf32>,
    } {sc.loop_unroll_factor = 8 : i64, sc.parallel_access}
    %dma_start3A_164 = arith.constant 5 : i32
    %dma_start3A_165 = arith.constant 0 : i32
    %dma_start3A_166 = tpu.memref_slice %arg4[%dma_start3A_164, %mul3A_2, %dma_start3A_165] : memref<32x1024x512xf32, #tpu.memory_space<hbm>> -> memref<1x32x512xf32, #tpu.memory_space<hbm>>
    %dma_start3A_167 = arith.constant 5 : i32
    %dma_start3A_168 = arith.constant 0 : i32
    %dma_start3A_169 = tpu.memref_slice %arg4[%dma_start3A_167, %mul3A_2, %dma_start3A_168] : memref<32x1024x512xf32, #tpu.memory_space<hbm>> -> memref<1x32x512xf32, #tpu.memory_space<hbm>>
    tpu.enqueue_dma source(%arg11 : memref<1x32x512xf32, #tpu.memory_space<vmem>>) target(%dma_start3A_169 : memref<1x32x512xf32, #tpu.memory_space<hbm>>) target_semaphore(%arg23 : memref<!tpu.dma_semaphore, #tpu.memory_space<semaphore_mem>>)
    %dma_wait3A_170 = arith.constant 3 : i32
    %dma_wait3A_171 = arith.constant 0 : i32
    %dma_wait3A_172 = tpu.memref_slice %arg4[%dma_wait3A_170, %mul3A_2, %dma_wait3A_171] : memref<32x1024x512xf32, #tpu.memory_space<hbm>> -> memref<1x32x512xf32, #tpu.memory_space<hbm>>
    %dma_wait3A_173 = arith.constant 3 : i32
    %dma_wait3A_174 = arith.constant 0 : i32
    %dma_wait3A_175 = tpu.memref_slice %arg4[%dma_wait3A_173, %mul3A_2, %dma_wait3A_174] : memref<32x1024x512xf32, #tpu.memory_space<hbm>> -> memref<1x32x512xf32, #tpu.memory_space<hbm>>
    tpu.wait_dma2 semaphore(%arg21 : memref<!tpu.dma_semaphore, #tpu.memory_space<semaphore_mem>>) src(%arg9 : memref<1x32x512xf32, #tpu.memory_space<vmem>>) dst(%dma_wait3A_175 : memref<1x32x512xf32, #tpu.memory_space<hbm>>)
    %dma_start3A_176 = arith.constant 9 : i32
    %dma_start3A_177 = arith.constant 0 : i32
    %dma_start3A_178 = tpu.memref_slice %arg2[%dma_start3A_176, %mul3A_2, %dma_start3A_177] : memref<32x1024x512xf32, #tpu.memory_space<hbm>> -> memref<1x32x512xf32, #tpu.memory_space<hbm>>
    %dma_start3A_179 = arith.constant 9 : i32
    %dma_start3A_180 = arith.constant 0 : i32
    %dma_start3A_181 = tpu.memref_slice %arg2[%dma_start3A_179, %mul3A_2, %dma_start3A_180] : memref<32x1024x512xf32, #tpu.memory_space<hbm>> -> memref<1x32x512xf32, #tpu.memory_space<hbm>>
    tpu.enqueue_dma source(%dma_start3A_181 : memref<1x32x512xf32, #tpu.memory_space<hbm>>) target(%arg9 : memref<1x32x512xf32, #tpu.memory_space<vmem>>) target_semaphore(%arg15 : memref<!tpu.dma_semaphore, #tpu.memory_space<semaphore_mem>>)
    %dma_wait3A_182 = arith.constant 6 : i32
    %dma_wait3A_183 = arith.constant 0 : i32
    %dma_wait3A_184 = tpu.memref_slice %arg2[%dma_wait3A_182, %mul3A_2, %dma_wait3A_183] : memref<32x1024x512xf32, #tpu.memory_space<hbm>> -> memref<1x32x512xf32, #tpu.memory_space<hbm>>
    %dma_wait3A_185 = arith.constant 6 : i32
    %dma_wait3A_186 = arith.constant 0 : i32
    %dma_wait3A_187 = tpu.memref_slice %arg2[%dma_wait3A_185, %mul3A_2, %dma_wait3A_186] : memref<32x1024x512xf32, #tpu.memory_space<hbm>> -> memref<1x32x512xf32, #tpu.memory_space<hbm>>
    tpu.wait_dma2 semaphore(%arg12 : memref<!tpu.dma_semaphore, #tpu.memory_space<semaphore_mem>>) src(%dma_wait3A_187 : memref<1x32x512xf32, #tpu.memory_space<hbm>>) dst(%arg6 : memref<1x32x512xf32, #tpu.memory_space<vmem>>)
    %parallel_loop3A_188 = arith.constant 0 : i32
    %parallel_loop3A_189 = arith.constant 16384 : i32
    %parallel_loop3A_190 = arith.constant 16 : i32
    scf.for %parallel_loop3A_872 = %parallel_loop3A_188 to %parallel_loop3A_189 step %parallel_loop3A_190  : i32 {
      %parallel_loop3A_873 = arith.constant 9 : i32
      %parallel_loop3A_874 = arith.shrsi %parallel_loop3A_872, %parallel_loop3A_873 : i32
      %parallel_loop3A_875 = arith.constant 511 : i32
      %parallel_loop3A_876 = arith.andi %parallel_loop3A_872, %parallel_loop3A_875 : i32
      %parallel_loop3A_877 = tpu.assume_multiple %parallel_loop3A_876, 16 : i32
      %parallel_loop3A_878 = arith.index_cast %parallel_loop3A_874 : i32 to index
      %parallel_loop3A_879 = arith.index_cast %parallel_loop3A_877 : i32 to index
      %parallel_loop3A_880 = tpu.vector_load %arg5[%parallel_loop3A_878, %parallel_loop3A_879] {strides = array<i32>} : memref<32x512xf32, #tpu.memory_space<vmem>>, vector<1x16xf32>,
      %parallel_loop3A_881 = vector.shape_cast %parallel_loop3A_880 : vector<1x16xf32> to vector<16xf32>
      %parallel_loop3A_882 = arith.constant 0 : i32
      %parallel_loop3A_883 = arith.index_cast %parallel_loop3A_882 : i32 to index
      %parallel_loop3A_884 = arith.index_cast %parallel_loop3A_874 : i32 to index
      %parallel_loop3A_885 = arith.index_cast %parallel_loop3A_877 : i32 to index
      %parallel_loop3A_886 = tpu.vector_load %arg6[%parallel_loop3A_883, %parallel_loop3A_884, %parallel_loop3A_885] {strides = array<i32>} : memref<1x32x512xf32, #tpu.memory_space<vmem>>, vector<1x1x16xf32>,
      %parallel_loop3A_887 = vector.shape_cast %parallel_loop3A_886 : vector<1x1x16xf32> to vector<16xf32>
      %parallel_loop3A_888 = vector.shape_cast %parallel_loop3A_881 : vector<16xf32> to vector<1x1x16xf32>
      tpu.vector_store %arg6[%parallel_loop3A_883, %parallel_loop3A_884, %parallel_loop3A_885], %parallel_loop3A_888 {add = true, strides = array<i32>} : memref<1x32x512xf32, #tpu.memory_space<vmem>>, vector<1x1x16xf32>,
    } {sc.loop_unroll_factor = 8 : i64, sc.parallel_access}
    %dma_start3A_191 = arith.constant 6 : i32
    %dma_start3A_192 = arith.constant 0 : i32
    %dma_start3A_193 = tpu.memref_slice %arg4[%dma_start3A_191, %mul3A_2, %dma_start3A_192] : memref<32x1024x512xf32, #tpu.memory_space<hbm>> -> memref<1x32x512xf32, #tpu.memory_space<hbm>>
    %dma_start3A_194 = arith.constant 6 : i32
    %dma_start3A_195 = arith.constant 0 : i32
    %dma_start3A_196 = tpu.memref_slice %arg4[%dma_start3A_194, %mul3A_2, %dma_start3A_195] : memref<32x1024x512xf32, #tpu.memory_space<hbm>> -> memref<1x32x512xf32, #tpu.memory_space<hbm>>
    tpu.enqueue_dma source(%arg6 : memref<1x32x512xf32, #tpu.memory_space<vmem>>) target(%dma_start3A_196 : memref<1x32x512xf32, #tpu.memory_space<hbm>>) target_semaphore(%arg18 : memref<!tpu.dma_semaphore, #tpu.memory_space<semaphore_mem>>)
    %dma_wait3A_197 = arith.constant 4 : i32
    %dma_wait3A_198 = arith.constant 0 : i32
    %dma_wait3A_199 = tpu.memref_slice %arg4[%dma_wait3A_197, %mul3A_2, %dma_wait3A_198] : memref<32x1024x512xf32, #tpu.memory_space<hbm>> -> memref<1x32x512xf32, #tpu.memory_space<hbm>>
    %dma_wait3A_200 = arith.constant 4 : i32
    %dma_wait3A_201 = arith.constant 0 : i32
    %dma_wait3A_202 = tpu.memref_slice %arg4[%dma_wait3A_200, %mul3A_2, %dma_wait3A_201] : memref<32x1024x512xf32, #tpu.memory_space<hbm>> -> memref<1x32x512xf32, #tpu.memory_space<hbm>>
    tpu.wait_dma2 semaphore(%arg22 : memref<!tpu.dma_semaphore, #tpu.memory_space<semaphore_mem>>) src(%arg10 : memref<1x32x512xf32, #tpu.memory_space<vmem>>) dst(%dma_wait3A_202 : memref<1x32x512xf32, #tpu.memory_space<hbm>>)
    %dma_start3A_203 = arith.constant 10 : i32
    %dma_start3A_204 = arith.constant 0 : i32
    %dma_start3A_205 = tpu.memref_slice %arg2[%dma_start3A_203, %mul3A_2, %dma_start3A_204] : memref<32x1024x512xf32, #tpu.memory_space<hbm>> -> memref<1x32x512xf32, #tpu.memory_space<hbm>>
    %dma_start3A_206 = arith.constant 10 : i32
    %dma_start3A_207 = arith.constant 0 : i32
    %dma_start3A_208 = tpu.memref_slice %arg2[%dma_start3A_206, %mul3A_2, %dma_start3A_207] : memref<32x1024x512xf32, #tpu.memory_space<hbm>> -> memref<1x32x512xf32, #tpu.memory_space<hbm>>
    tpu.enqueue_dma source(%dma_start3A_208 : memref<1x32x512xf32, #tpu.memory_space<hbm>>) target(%arg10 : memref<1x32x512xf32, #tpu.memory_space<vmem>>) target_semaphore(%arg16 : memref<!tpu.dma_semaphore, #tpu.memory_space<semaphore_mem>>)
    %dma_wait3A_209 = arith.constant 7 : i32
    %dma_wait3A_210 = arith.constant 0 : i32
    %dma_wait3A_211 = tpu.memref_slice %arg2[%dma_wait3A_209, %mul3A_2, %dma_wait3A_210] : memref<32x1024x512xf32, #tpu.memory_space<hbm>> -> memref<1x32x512xf32, #tpu.memory_space<hbm>>
    %dma_wait3A_212 = arith.constant 7 : i32
    %dma_wait3A_213 = arith.constant 0 : i32
    %dma_wait3A_214 = tpu.memref_slice %arg2[%dma_wait3A_212, %mul3A_2, %dma_wait3A_213] : memref<32x1024x512xf32, #tpu.memory_space<hbm>> -> memref<1x32x512xf32, #tpu.memory_space<hbm>>
    tpu.wait_dma2 semaphore(%arg13 : memref<!tpu.dma_semaphore, #tpu.memory_space<semaphore_mem>>) src(%dma_wait3A_214 : memref<1x32x512xf32, #tpu.memory_space<hbm>>) dst(%arg7 : memref<1x32x512xf32, #tpu.memory_space<vmem>>)
    %parallel_loop3A_215 = arith.constant 0 : i32
    %parallel_loop3A_216 = arith.constant 16384 : i32
    %parallel_loop3A_217 = arith.constant 16 : i32
    scf.for %parallel_loop3A_872 = %parallel_loop3A_215 to %parallel_loop3A_216 step %parallel_loop3A_217  : i32 {
      %parallel_loop3A_873 = arith.constant 9 : i32
      %parallel_loop3A_874 = arith.shrsi %parallel_loop3A_872, %parallel_loop3A_873 : i32
      %parallel_loop3A_875 = arith.constant 511 : i32
      %parallel_loop3A_876 = arith.andi %parallel_loop3A_872, %parallel_loop3A_875 : i32
      %parallel_loop3A_877 = tpu.assume_multiple %parallel_loop3A_876, 16 : i32
      %parallel_loop3A_878 = arith.index_cast %parallel_loop3A_874 : i32 to index
      %parallel_loop3A_879 = arith.index_cast %parallel_loop3A_877 : i32 to index
      %parallel_loop3A_880 = tpu.vector_load %arg5[%parallel_loop3A_878, %parallel_loop3A_879] {strides = array<i32>} : memref<32x512xf32, #tpu.memory_space<vmem>>, vector<1x16xf32>,
      %parallel_loop3A_881 = vector.shape_cast %parallel_loop3A_880 : vector<1x16xf32> to vector<16xf32>
      %parallel_loop3A_882 = arith.constant 0 : i32
      %parallel_loop3A_883 = arith.index_cast %parallel_loop3A_882 : i32 to index
      %parallel_loop3A_884 = arith.index_cast %parallel_loop3A_874 : i32 to index
      %parallel_loop3A_885 = arith.index_cast %parallel_loop3A_877 : i32 to index
      %parallel_loop3A_886 = tpu.vector_load %arg7[%parallel_loop3A_883, %parallel_loop3A_884, %parallel_loop3A_885] {strides = array<i32>} : memref<1x32x512xf32, #tpu.memory_space<vmem>>, vector<1x1x16xf32>,
      %parallel_loop3A_887 = vector.shape_cast %parallel_loop3A_886 : vector<1x1x16xf32> to vector<16xf32>
      %parallel_loop3A_888 = vector.shape_cast %parallel_loop3A_881 : vector<16xf32> to vector<1x1x16xf32>
      tpu.vector_store %arg7[%parallel_loop3A_883, %parallel_loop3A_884, %parallel_loop3A_885], %parallel_loop3A_888 {add = true, strides = array<i32>} : memref<1x32x512xf32, #tpu.memory_space<vmem>>, vector<1x1x16xf32>,
    } {sc.loop_unroll_factor = 8 : i64, sc.parallel_access}
    %dma_start3A_218 = arith.constant 7 : i32
    %dma_start3A_219 = arith.constant 0 : i32
    %dma_start3A_220 = tpu.memref_slice %arg4[%dma_start3A_218, %mul3A_2, %dma_start3A_219] : memref<32x1024x512xf32, #tpu.memory_space<hbm>> -> memref<1x32x512xf32, #tpu.memory_space<hbm>>
    %dma_start3A_221 = arith.constant 7 : i32
    %dma_start3A_222 = arith.constant 0 : i32
    %dma_start3A_223 = tpu.memref_slice %arg4[%dma_start3A_221, %mul3A_2, %dma_start3A_222] : memref<32x1024x512xf32, #tpu.memory_space<hbm>> -> memref<1x32x512xf32, #tpu.memory_space<hbm>>
    tpu.enqueue_dma source(%arg7 : memref<1x32x512xf32, #tpu.memory_space<vmem>>) target(%dma_start3A_223 : memref<1x32x512xf32, #tpu.memory_space<hbm>>) target_semaphore(%arg19 : memref<!tpu.dma_semaphore, #tpu.memory_space<semaphore_mem>>)
    %dma_wait3A_224 = arith.constant 5 : i32
    %dma_wait3A_225 = arith.constant 0 : i32
    %dma_wait3A_226 = tpu.memref_slice %arg4[%dma_wait3A_224, %mul3A_2, %dma_wait3A_225] : memref<32x1024x512xf32, #tpu.memory_space<hbm>> -> memref<1x32x512xf32, #tpu.memory_space<hbm>>
    %dma_wait3A_227 = arith.constant 5 : i32
    %dma_wait3A_228 = arith.constant 0 : i32
    %dma_wait3A_229 = tpu.memref_slice %arg4[%dma_wait3A_227, %mul3A_2, %dma_wait3A_228] : memref<32x1024x512xf32, #tpu.memory_space<hbm>> -> memref<1x32x512xf32, #tpu.memory_space<hbm>>
    tpu.wait_dma2 semaphore(%arg23 : memref<!tpu.dma_semaphore, #tpu.memory_space<semaphore_mem>>) src(%arg11 : memref<1x32x512xf32, #tpu.memory_space<vmem>>) dst(%dma_wait3A_229 : memref<1x32x512xf32, #tpu.memory_space<hbm>>)
    %dma_start3A_230 = arith.constant 11 : i32
    %dma_start3A_231 = arith.constant 0 : i32
    %dma_start3A_232 = tpu.memref_slice %arg2[%dma_start3A_230, %mul3A_2, %dma_start3A_231] : memref<32x1024x512xf32, #tpu.memory_space<hbm>> -> memref<1x32x512xf32, #tpu.memory_space<hbm>>
    %dma_start3A_233 = arith.constant 11 : i32
    %dma_start3A_234 = arith.constant 0 : i32
    %dma_start3A_235 = tpu.memref_slice %arg2[%dma_start3A_233, %mul3A_2, %dma_start3A_234] : memref<32x1024x512xf32, #tpu.memory_space<hbm>> -> memref<1x32x512xf32, #tpu.memory_space<hbm>>
    tpu.enqueue_dma source(%dma_start3A_235 : memref<1x32x512xf32, #tpu.memory_space<hbm>>) target(%arg11 : memref<1x32x512xf32, #tpu.memory_space<vmem>>) target_semaphore(%arg17 : memref<!tpu.dma_semaphore, #tpu.memory_space<semaphore_mem>>)
    %dma_wait3A_236 = arith.constant 8 : i32
    %dma_wait3A_237 = arith.constant 0 : i32
    %dma_wait3A_238 = tpu.memref_slice %arg2[%dma_wait3A_236, %mul3A_2, %dma_wait3A_237] : memref<32x1024x512xf32, #tpu.memory_space<hbm>> -> memref<1x32x512xf32, #tpu.memory_space<hbm>>
    %dma_wait3A_239 = arith.constant 8 : i32
    %dma_wait3A_240 = arith.constant 0 : i32
    %dma_wait3A_241 = tpu.memref_slice %arg2[%dma_wait3A_239, %mul3A_2, %dma_wait3A_240] : memref<32x1024x512xf32, #tpu.memory_space<hbm>> -> memref<1x32x512xf32, #tpu.memory_space<hbm>>
    tpu.wait_dma2 semaphore(%arg14 : memref<!tpu.dma_semaphore, #tpu.memory_space<semaphore_mem>>) src(%dma_wait3A_241 : memref<1x32x512xf32, #tpu.memory_space<hbm>>) dst(%arg8 : memref<1x32x512xf32, #tpu.memory_space<vmem>>)
    %parallel_loop3A_242 = arith.constant 0 : i32
    %parallel_loop3A_243 = arith.constant 16384 : i32
    %parallel_loop3A_244 = arith.constant 16 : i32
    scf.for %parallel_loop3A_872 = %parallel_loop3A_242 to %parallel_loop3A_243 step %parallel_loop3A_244  : i32 {
      %parallel_loop3A_873 = arith.constant 9 : i32
      %parallel_loop3A_874 = arith.shrsi %parallel_loop3A_872, %parallel_loop3A_873 : i32
      %parallel_loop3A_875 = arith.constant 511 : i32
      %parallel_loop3A_876 = arith.andi %parallel_loop3A_872, %parallel_loop3A_875 : i32
      %parallel_loop3A_877 = tpu.assume_multiple %parallel_loop3A_876, 16 : i32
      %parallel_loop3A_878 = arith.index_cast %parallel_loop3A_874 : i32 to index
      %parallel_loop3A_879 = arith.index_cast %parallel_loop3A_877 : i32 to index
      %parallel_loop3A_880 = tpu.vector_load %arg5[%parallel_loop3A_878, %parallel_loop3A_879] {strides = array<i32>} : memref<32x512xf32, #tpu.memory_space<vmem>>, vector<1x16xf32>,
      %parallel_loop3A_881 = vector.shape_cast %parallel_loop3A_880 : vector<1x16xf32> to vector<16xf32>
      %parallel_loop3A_882 = arith.constant 0 : i32
      %parallel_loop3A_883 = arith.index_cast %parallel_loop3A_882 : i32 to index
      %parallel_loop3A_884 = arith.index_cast %parallel_loop3A_874 : i32 to index
      %parallel_loop3A_885 = arith.index_cast %parallel_loop3A_877 : i32 to index
      %parallel_loop3A_886 = tpu.vector_load %arg8[%parallel_loop3A_883, %parallel_loop3A_884, %parallel_loop3A_885] {strides = array<i32>} : memref<1x32x512xf32, #tpu.memory_space<vmem>>, vector<1x1x16xf32>,
      %parallel_loop3A_887 = vector.shape_cast %parallel_loop3A_886 : vector<1x1x16xf32> to vector<16xf32>
      %parallel_loop3A_888 = vector.shape_cast %parallel_loop3A_881 : vector<16xf32> to vector<1x1x16xf32>
      tpu.vector_store %arg8[%parallel_loop3A_883, %parallel_loop3A_884, %parallel_loop3A_885], %parallel_loop3A_888 {add = true, strides = array<i32>} : memref<1x32x512xf32, #tpu.memory_space<vmem>>, vector<1x1x16xf32>,
    } {sc.loop_unroll_factor = 8 : i64, sc.parallel_access}
    %dma_start3A_245 = arith.constant 8 : i32
    %dma_start3A_246 = arith.constant 0 : i32
    %dma_start3A_247 = tpu.memref_slice %arg4[%dma_start3A_245, %mul3A_2, %dma_start3A_246] : memref<32x1024x512xf32, #tpu.memory_space<hbm>> -> memref<1x32x512xf32, #tpu.memory_space<hbm>>
    %dma_start3A_248 = arith.constant 8 : i32
    %dma_start3A_249 = arith.constant 0 : i32
    %dma_start3A_250 = tpu.memref_slice %arg4[%dma_start3A_248, %mul3A_2, %dma_start3A_249] : memref<32x1024x512xf32, #tpu.memory_space<hbm>> -> memref<1x32x512xf32, #tpu.memory_space<hbm>>
    tpu.enqueue_dma source(%arg8 : memref<1x32x512xf32, #tpu.memory_space<vmem>>) target(%dma_start3A_250 : memref<1x32x512xf32, #tpu.memory_space<hbm>>) target_semaphore(%arg20 : memref<!tpu.dma_semaphore, #tpu.memory_space<semaphore_mem>>)
    %dma_wait3A_251 = arith.constant 6 : i32
    %dma_wait3A_252 = arith.constant 0 : i32
    %dma_wait3A_253 = tpu.memref_slice %arg4[%dma_wait3A_251, %mul3A_2, %dma_wait3A_252] : memref<32x1024x512xf32, #tpu.memory_space<hbm>> -> memref<1x32x512xf32, #tpu.memory_space<hbm>>
    %dma_wait3A_254 = arith.constant 6 : i32
    %dma_wait3A_255 = arith.constant 0 : i32
    %dma_wait3A_256 = tpu.memref_slice %arg4[%dma_wait3A_254, %mul3A_2, %dma_wait3A_255] : memref<32x1024x512xf32, #tpu.memory_space<hbm>> -> memref<1x32x512xf32, #tpu.memory_space<hbm>>
    tpu.wait_dma2 semaphore(%arg18 : memref<!tpu.dma_semaphore, #tpu.memory_space<semaphore_mem>>) src(%arg6 : memref<1x32x512xf32, #tpu.memory_space<vmem>>) dst(%dma_wait3A_256 : memref<1x32x512xf32, #tpu.memory_space<hbm>>)
    %dma_start3A_257 = arith.constant 12 : i32
    %dma_start3A_258 = arith.constant 0 : i32
    %dma_start3A_259 = tpu.memref_slice %arg2[%dma_start3A_257, %mul3A_2, %dma_start3A_258] : memref<32x1024x512xf32, #tpu.memory_space<hbm>> -> memref<1x32x512xf32, #tpu.memory_space<hbm>>
    %dma_start3A_260 = arith.constant 12 : i32
    %dma_start3A_261 = arith.constant 0 : i32
    %dma_start3A_262 = tpu.memref_slice %arg2[%dma_start3A_260, %mul3A_2, %dma_start3A_261] : memref<32x1024x512xf32, #tpu.memory_space<hbm>> -> memref<1x32x512xf32, #tpu.memory_space<hbm>>
    tpu.enqueue_dma source(%dma_start3A_262 : memref<1x32x512xf32, #tpu.memory_space<hbm>>) target(%arg6 : memref<1x32x512xf32, #tpu.memory_space<vmem>>) target_semaphore(%arg12 : memref<!tpu.dma_semaphore, #tpu.memory_space<semaphore_mem>>)
    %dma_wait3A_263 = arith.constant 9 : i32
    %dma_wait3A_264 = arith.constant 0 : i32
    %dma_wait3A_265 = tpu.memref_slice %arg2[%dma_wait3A_263, %mul3A_2, %dma_wait3A_264] : memref<32x1024x512xf32, #tpu.memory_space<hbm>> -> memref<1x32x512xf32, #tpu.memory_space<hbm>>
    %dma_wait3A_266 = arith.constant 9 : i32
    %dma_wait3A_267 = arith.constant 0 : i32
    %dma_wait3A_268 = tpu.memref_slice %arg2[%dma_wait3A_266, %mul3A_2, %dma_wait3A_267] : memref<32x1024x512xf32, #tpu.memory_space<hbm>> -> memref<1x32x512xf32, #tpu.memory_space<hbm>>
    tpu.wait_dma2 semaphore(%arg15 : memref<!tpu.dma_semaphore, #tpu.memory_space<semaphore_mem>>) src(%dma_wait3A_268 : memref<1x32x512xf32, #tpu.memory_space<hbm>>) dst(%arg9 : memref<1x32x512xf32, #tpu.memory_space<vmem>>)
    %parallel_loop3A_269 = arith.constant 0 : i32
    %parallel_loop3A_270 = arith.constant 16384 : i32
    %parallel_loop3A_271 = arith.constant 16 : i32
    scf.for %parallel_loop3A_872 = %parallel_loop3A_269 to %parallel_loop3A_270 step %parallel_loop3A_271  : i32 {
      %parallel_loop3A_873 = arith.constant 9 : i32
      %parallel_loop3A_874 = arith.shrsi %parallel_loop3A_872, %parallel_loop3A_873 : i32
      %parallel_loop3A_875 = arith.constant 511 : i32
      %parallel_loop3A_876 = arith.andi %parallel_loop3A_872, %parallel_loop3A_875 : i32
      %parallel_loop3A_877 = tpu.assume_multiple %parallel_loop3A_876, 16 : i32
      %parallel_loop3A_878 = arith.index_cast %parallel_loop3A_874 : i32 to index
      %parallel_loop3A_879 = arith.index_cast %parallel_loop3A_877 : i32 to index
      %parallel_loop3A_880 = tpu.vector_load %arg5[%parallel_loop3A_878, %parallel_loop3A_879] {strides = array<i32>} : memref<32x512xf32, #tpu.memory_space<vmem>>, vector<1x16xf32>,
      %parallel_loop3A_881 = vector.shape_cast %parallel_loop3A_880 : vector<1x16xf32> to vector<16xf32>
      %parallel_loop3A_882 = arith.constant 0 : i32
      %parallel_loop3A_883 = arith.index_cast %parallel_loop3A_882 : i32 to index
      %parallel_loop3A_884 = arith.index_cast %parallel_loop3A_874 : i32 to index
      %parallel_loop3A_885 = arith.index_cast %parallel_loop3A_877 : i32 to index
      %parallel_loop3A_886 = tpu.vector_load %arg9[%parallel_loop3A_883, %parallel_loop3A_884, %parallel_loop3A_885] {strides = array<i32>} : memref<1x32x512xf32, #tpu.memory_space<vmem>>, vector<1x1x16xf32>,
      %parallel_loop3A_887 = vector.shape_cast %parallel_loop3A_886 : vector<1x1x16xf32> to vector<16xf32>
      %parallel_loop3A_888 = vector.shape_cast %parallel_loop3A_881 : vector<16xf32> to vector<1x1x16xf32>
      tpu.vector_store %arg9[%parallel_loop3A_883, %parallel_loop3A_884, %parallel_loop3A_885], %parallel_loop3A_888 {add = true, strides = array<i32>} : memref<1x32x512xf32, #tpu.memory_space<vmem>>, vector<1x1x16xf32>,
    } {sc.loop_unroll_factor = 8 : i64, sc.parallel_access}
    %dma_start3A_272 = arith.constant 9 : i32
    %dma_start3A_273 = arith.constant 0 : i32
    %dma_start3A_274 = tpu.memref_slice %arg4[%dma_start3A_272, %mul3A_2, %dma_start3A_273] : memref<32x1024x512xf32, #tpu.memory_space<hbm>> -> memref<1x32x512xf32, #tpu.memory_space<hbm>>
    %dma_start3A_275 = arith.constant 9 : i32
    %dma_start3A_276 = arith.constant 0 : i32
    %dma_start3A_277 = tpu.memref_slice %arg4[%dma_start3A_275, %mul3A_2, %dma_start3A_276] : memref<32x1024x512xf32, #tpu.memory_space<hbm>> -> memref<1x32x512xf32, #tpu.memory_space<hbm>>
    tpu.enqueue_dma source(%arg9 : memref<1x32x512xf32, #tpu.memory_space<vmem>>) target(%dma_start3A_277 : memref<1x32x512xf32, #tpu.memory_space<hbm>>) target_semaphore(%arg21 : memref<!tpu.dma_semaphore, #tpu.memory_space<semaphore_mem>>)
    %dma_wait3A_278 = arith.constant 7 : i32
    %dma_wait3A_279 = arith.constant 0 : i32
    %dma_wait3A_280 = tpu.memref_slice %arg4[%dma_wait3A_278, %mul3A_2, %dma_wait3A_279] : memref<32x1024x512xf32, #tpu.memory_space<hbm>> -> memref<1x32x512xf32, #tpu.memory_space<hbm>>
    %dma_wait3A_281 = arith.constant 7 : i32
    %dma_wait3A_282 = arith.constant 0 : i32
    %dma_wait3A_283 = tpu.memref_slice %arg4[%dma_wait3A_281, %mul3A_2, %dma_wait3A_282] : memref<32x1024x512xf32, #tpu.memory_space<hbm>> -> memref<1x32x512xf32, #tpu.memory_space<hbm>>
    tpu.wait_dma2 semaphore(%arg19 : memref<!tpu.dma_semaphore, #tpu.memory_space<semaphore_mem>>) src(%arg7 : memref<1x32x512xf32, #tpu.memory_space<vmem>>) dst(%dma_wait3A_283 : memref<1x32x512xf32, #tpu.memory_space<hbm>>)
    %dma_start3A_284 = arith.constant 13 : i32
    %dma_start3A_285 = arith.constant 0 : i32
    %dma_start3A_286 = tpu.memref_slice %arg2[%dma_start3A_284, %mul3A_2, %dma_start3A_285] : memref<32x1024x512xf32, #tpu.memory_space<hbm>> -> memref<1x32x512xf32, #tpu.memory_space<hbm>>
    %dma_start3A_287 = arith.constant 13 : i32
    %dma_start3A_288 = arith.constant 0 : i32
    %dma_start3A_289 = tpu.memref_slice %arg2[%dma_start3A_287, %mul3A_2, %dma_start3A_288] : memref<32x1024x512xf32, #tpu.memory_space<hbm>> -> memref<1x32x512xf32, #tpu.memory_space<hbm>>
    tpu.enqueue_dma source(%dma_start3A_289 : memref<1x32x512xf32, #tpu.memory_space<hbm>>) target(%arg7 : memref<1x32x512xf32, #tpu.memory_space<vmem>>) target_semaphore(%arg13 : memref<!tpu.dma_semaphore, #tpu.memory_space<semaphore_mem>>)
    %dma_wait3A_290 = arith.constant 10 : i32
    %dma_wait3A_291 = arith.constant 0 : i32
    %dma_wait3A_292 = tpu.memref_slice %arg2[%dma_wait3A_290, %mul3A_2, %dma_wait3A_291] : memref<32x1024x512xf32, #tpu.memory_space<hbm>> -> memref<1x32x512xf32, #tpu.memory_space<hbm>>
    %dma_wait3A_293 = arith.constant 10 : i32
    %dma_wait3A_294 = arith.constant 0 : i32
    %dma_wait3A_295 = tpu.memref_slice %arg2[%dma_wait3A_293, %mul3A_2, %dma_wait3A_294] : memref<32x1024x512xf32, #tpu.memory_space<hbm>> -> memref<1x32x512xf32, #tpu.memory_space<hbm>>
    tpu.wait_dma2 semaphore(%arg16 : memref<!tpu.dma_semaphore, #tpu.memory_space<semaphore_mem>>) src(%dma_wait3A_295 : memref<1x32x512xf32, #tpu.memory_space<hbm>>) dst(%arg10 : memref<1x32x512xf32, #tpu.memory_space<vmem>>)
    %parallel_loop3A_296 = arith.constant 0 : i32
    %parallel_loop3A_297 = arith.constant 16384 : i32
    %parallel_loop3A_298 = arith.constant 16 : i32
    scf.for %parallel_loop3A_872 = %parallel_loop3A_296 to %parallel_loop3A_297 step %parallel_loop3A_298  : i32 {
      %parallel_loop3A_873 = arith.constant 9 : i32
      %parallel_loop3A_874 = arith.shrsi %parallel_loop3A_872, %parallel_loop3A_873 : i32
      %parallel_loop3A_875 = arith.constant 511 : i32
      %parallel_loop3A_876 = arith.andi %parallel_loop3A_872, %parallel_loop3A_875 : i32
      %parallel_loop3A_877 = tpu.assume_multiple %parallel_loop3A_876, 16 : i32
      %parallel_loop3A_878 = arith.index_cast %parallel_loop3A_874 : i32 to index
      %parallel_loop3A_879 = arith.index_cast %parallel_loop3A_877 : i32 to index
      %parallel_loop3A_880 = tpu.vector_load %arg5[%parallel_loop3A_878, %parallel_loop3A_879] {strides = array<i32>} : memref<32x512xf32, #tpu.memory_space<vmem>>, vector<1x16xf32>,
      %parallel_loop3A_881 = vector.shape_cast %parallel_loop3A_880 : vector<1x16xf32> to vector<16xf32>
      %parallel_loop3A_882 = arith.constant 0 : i32
      %parallel_loop3A_883 = arith.index_cast %parallel_loop3A_882 : i32 to index
      %parallel_loop3A_884 = arith.index_cast %parallel_loop3A_874 : i32 to index
      %parallel_loop3A_885 = arith.index_cast %parallel_loop3A_877 : i32 to index
      %parallel_loop3A_886 = tpu.vector_load %arg10[%parallel_loop3A_883, %parallel_loop3A_884, %parallel_loop3A_885] {strides = array<i32>} : memref<1x32x512xf32, #tpu.memory_space<vmem>>, vector<1x1x16xf32>,
      %parallel_loop3A_887 = vector.shape_cast %parallel_loop3A_886 : vector<1x1x16xf32> to vector<16xf32>
      %parallel_loop3A_888 = vector.shape_cast %parallel_loop3A_881 : vector<16xf32> to vector<1x1x16xf32>
      tpu.vector_store %arg10[%parallel_loop3A_883, %parallel_loop3A_884, %parallel_loop3A_885], %parallel_loop3A_888 {add = true, strides = array<i32>} : memref<1x32x512xf32, #tpu.memory_space<vmem>>, vector<1x1x16xf32>,
    } {sc.loop_unroll_factor = 8 : i64, sc.parallel_access}
    %dma_start3A_299 = arith.constant 10 : i32
    %dma_start3A_300 = arith.constant 0 : i32
    %dma_start3A_301 = tpu.memref_slice %arg4[%dma_start3A_299, %mul3A_2, %dma_start3A_300] : memref<32x1024x512xf32, #tpu.memory_space<hbm>> -> memref<1x32x512xf32, #tpu.memory_space<hbm>>
    %dma_start3A_302 = arith.constant 10 : i32
    %dma_start3A_303 = arith.constant 0 : i32
    %dma_start3A_304 = tpu.memref_slice %arg4[%dma_start3A_302, %mul3A_2, %dma_start3A_303] : memref<32x1024x512xf32, #tpu.memory_space<hbm>> -> memref<1x32x512xf32, #tpu.memory_space<hbm>>
    tpu.enqueue_dma source(%arg10 : memref<1x32x512xf32, #tpu.memory_space<vmem>>) target(%dma_start3A_304 : memref<1x32x512xf32, #tpu.memory_space<hbm>>) target_semaphore(%arg22 : memref<!tpu.dma_semaphore, #tpu.memory_space<semaphore_mem>>)
    %dma_wait3A_305 = arith.constant 8 : i32
    %dma_wait3A_306 = arith.constant 0 : i32
    %dma_wait3A_307 = tpu.memref_slice %arg4[%dma_wait3A_305, %mul3A_2, %dma_wait3A_306] : memref<32x1024x512xf32, #tpu.memory_space<hbm>> -> memref<1x32x512xf32, #tpu.memory_space<hbm>>
    %dma_wait3A_308 = arith.constant 8 : i32
    %dma_wait3A_309 = arith.constant 0 : i32
    %dma_wait3A_310 = tpu.memref_slice %arg4[%dma_wait3A_308, %mul3A_2, %dma_wait3A_309] : memref<32x1024x512xf32, #tpu.memory_space<hbm>> -> memref<1x32x512xf32, #tpu.memory_space<hbm>>
    tpu.wait_dma2 semaphore(%arg20 : memref<!tpu.dma_semaphore, #tpu.memory_space<semaphore_mem>>) src(%arg8 : memref<1x32x512xf32, #tpu.memory_space<vmem>>) dst(%dma_wait3A_310 : memref<1x32x512xf32, #tpu.memory_space<hbm>>)
    %dma_start3A_311 = arith.constant 14 : i32
    %dma_start3A_312 = arith.constant 0 : i32
    %dma_start3A_313 = tpu.memref_slice %arg2[%dma_start3A_311, %mul3A_2, %dma_start3A_312] : memref<32x1024x512xf32, #tpu.memory_space<hbm>> -> memref<1x32x512xf32, #tpu.memory_space<hbm>>
    %dma_start3A_314 = arith.constant 14 : i32
    %dma_start3A_315 = arith.constant 0 : i32
    %dma_start3A_316 = tpu.memref_slice %arg2[%dma_start3A_314, %mul3A_2, %dma_start3A_315] : memref<32x1024x512xf32, #tpu.memory_space<hbm>> -> memref<1x32x512xf32, #tpu.memory_space<hbm>>
    tpu.enqueue_dma source(%dma_start3A_316 : memref<1x32x512xf32, #tpu.memory_space<hbm>>) target(%arg8 : memref<1x32x512xf32, #tpu.memory_space<vmem>>) target_semaphore(%arg14 : memref<!tpu.dma_semaphore, #tpu.memory_space<semaphore_mem>>)
    %dma_wait3A_317 = arith.constant 11 : i32
    %dma_wait3A_318 = arith.constant 0 : i32
    %dma_wait3A_319 = tpu.memref_slice %arg2[%dma_wait3A_317, %mul3A_2, %dma_wait3A_318] : memref<32x1024x512xf32, #tpu.memory_space<hbm>> -> memref<1x32x512xf32, #tpu.memory_space<hbm>>
    %dma_wait3A_320 = arith.constant 11 : i32
    %dma_wait3A_321 = arith.constant 0 : i32
    %dma_wait3A_322 = tpu.memref_slice %arg2[%dma_wait3A_320, %mul3A_2, %dma_wait3A_321] : memref<32x1024x512xf32, #tpu.memory_space<hbm>> -> memref<1x32x512xf32, #tpu.memory_space<hbm>>
    tpu.wait_dma2 semaphore(%arg17 : memref<!tpu.dma_semaphore, #tpu.memory_space<semaphore_mem>>) src(%dma_wait3A_322 : memref<1x32x512xf32, #tpu.memory_space<hbm>>) dst(%arg11 : memref<1x32x512xf32, #tpu.memory_space<vmem>>)
    %parallel_loop3A_323 = arith.constant 0 : i32
    %parallel_loop3A_324 = arith.constant 16384 : i32
    %parallel_loop3A_325 = arith.constant 16 : i32
    scf.for %parallel_loop3A_872 = %parallel_loop3A_323 to %parallel_loop3A_324 step %parallel_loop3A_325  : i32 {
      %parallel_loop3A_873 = arith.constant 9 : i32
      %parallel_loop3A_874 = arith.shrsi %parallel_loop3A_872, %parallel_loop3A_873 : i32
      %parallel_loop3A_875 = arith.constant 511 : i32
      %parallel_loop3A_876 = arith.andi %parallel_loop3A_872, %parallel_loop3A_875 : i32
      %parallel_loop3A_877 = tpu.assume_multiple %parallel_loop3A_876, 16 : i32
      %parallel_loop3A_878 = arith.index_cast %parallel_loop3A_874 : i32 to index
      %parallel_loop3A_879 = arith.index_cast %parallel_loop3A_877 : i32 to index
      %parallel_loop3A_880 = tpu.vector_load %arg5[%parallel_loop3A_878, %parallel_loop3A_879] {strides = array<i32>} : memref<32x512xf32, #tpu.memory_space<vmem>>, vector<1x16xf32>,
      %parallel_loop3A_881 = vector.shape_cast %parallel_loop3A_880 : vector<1x16xf32> to vector<16xf32>
      %parallel_loop3A_882 = arith.constant 0 : i32
      %parallel_loop3A_883 = arith.index_cast %parallel_loop3A_882 : i32 to index
      %parallel_loop3A_884 = arith.index_cast %parallel_loop3A_874 : i32 to index
      %parallel_loop3A_885 = arith.index_cast %parallel_loop3A_877 : i32 to index
      %parallel_loop3A_886 = tpu.vector_load %arg11[%parallel_loop3A_883, %parallel_loop3A_884, %parallel_loop3A_885] {strides = array<i32>} : memref<1x32x512xf32, #tpu.memory_space<vmem>>, vector<1x1x16xf32>,
      %parallel_loop3A_887 = vector.shape_cast %parallel_loop3A_886 : vector<1x1x16xf32> to vector<16xf32>
      %parallel_loop3A_888 = vector.shape_cast %parallel_loop3A_881 : vector<16xf32> to vector<1x1x16xf32>
      tpu.vector_store %arg11[%parallel_loop3A_883, %parallel_loop3A_884, %parallel_loop3A_885], %parallel_loop3A_888 {add = true, strides = array<i32>} : memref<1x32x512xf32, #tpu.memory_space<vmem>>, vector<1x1x16xf32>,
    } {sc.loop_unroll_factor = 8 : i64, sc.parallel_access}
    %dma_start3A_326 = arith.constant 11 : i32
    %dma_start3A_327 = arith.constant 0 : i32
    %dma_start3A_328 = tpu.memref_slice %arg4[%dma_start3A_326, %mul3A_2, %dma_start3A_327] : memref<32x1024x512xf32, #tpu.memory_space<hbm>> -> memref<1x32x512xf32, #tpu.memory_space<hbm>>
    %dma_start3A_329 = arith.constant 11 : i32
    %dma_start3A_330 = arith.constant 0 : i32
    %dma_start3A_331 = tpu.memref_slice %arg4[%dma_start3A_329, %mul3A_2, %dma_start3A_330] : memref<32x1024x512xf32, #tpu.memory_space<hbm>> -> memref<1x32x512xf32, #tpu.memory_space<hbm>>
    tpu.enqueue_dma source(%arg11 : memref<1x32x512xf32, #tpu.memory_space<vmem>>) target(%dma_start3A_331 : memref<1x32x512xf32, #tpu.memory_space<hbm>>) target_semaphore(%arg23 : memref<!tpu.dma_semaphore, #tpu.memory_space<semaphore_mem>>)
    %dma_wait3A_332 = arith.constant 9 : i32
    %dma_wait3A_333 = arith.constant 0 : i32
    %dma_wait3A_334 = tpu.memref_slice %arg4[%dma_wait3A_332, %mul3A_2, %dma_wait3A_333] : memref<32x1024x512xf32, #tpu.memory_space<hbm>> -> memref<1x32x512xf32, #tpu.memory_space<hbm>>
    %dma_wait3A_335 = arith.constant 9 : i32
    %dma_wait3A_336 = arith.constant 0 : i32
    %dma_wait3A_337 = tpu.memref_slice %arg4[%dma_wait3A_335, %mul3A_2, %dma_wait3A_336] : memref<32x1024x512xf32, #tpu.memory_space<hbm>> -> memref<1x32x512xf32, #tpu.memory_space<hbm>>
    tpu.wait_dma2 semaphore(%arg21 : memref<!tpu.dma_semaphore, #tpu.memory_space<semaphore_mem>>) src(%arg9 : memref<1x32x512xf32, #tpu.memory_space<vmem>>) dst(%dma_wait3A_337 : memref<1x32x512xf32, #tpu.memory_space<hbm>>)
    %dma_start3A_338 = arith.constant 15 : i32
    %dma_start3A_339 = arith.constant 0 : i32
    %dma_start3A_340 = tpu.memref_slice %arg2[%dma_start3A_338, %mul3A_2, %dma_start3A_339] : memref<32x1024x512xf32, #tpu.memory_space<hbm>> -> memref<1x32x512xf32, #tpu.memory_space<hbm>>
    %dma_start3A_341 = arith.constant 15 : i32
    %dma_start3A_342 = arith.constant 0 : i32
    %dma_start3A_343 = tpu.memref_slice %arg2[%dma_start3A_341, %mul3A_2, %dma_start3A_342] : memref<32x1024x512xf32, #tpu.memory_space<hbm>> -> memref<1x32x512xf32, #tpu.memory_space<hbm>>
    tpu.enqueue_dma source(%dma_start3A_343 : memref<1x32x512xf32, #tpu.memory_space<hbm>>) target(%arg9 : memref<1x32x512xf32, #tpu.memory_space<vmem>>) target_semaphore(%arg15 : memref<!tpu.dma_semaphore, #tpu.memory_space<semaphore_mem>>)
    %dma_wait3A_344 = arith.constant 12 : i32
    %dma_wait3A_345 = arith.constant 0 : i32
    %dma_wait3A_346 = tpu.memref_slice %arg2[%dma_wait3A_344, %mul3A_2, %dma_wait3A_345] : memref<32x1024x512xf32, #tpu.memory_space<hbm>> -> memref<1x32x512xf32, #tpu.memory_space<hbm>>
    %dma_wait3A_347 = arith.constant 12 : i32
    %dma_wait3A_348 = arith.constant 0 : i32
    %dma_wait3A_349 = tpu.memref_slice %arg2[%dma_wait3A_347, %mul3A_2, %dma_wait3A_348] : memref<32x1024x512xf32, #tpu.memory_space<hbm>> -> memref<1x32x512xf32, #tpu.memory_space<hbm>>
    tpu.wait_dma2 semaphore(%arg12 : memref<!tpu.dma_semaphore, #tpu.memory_space<semaphore_mem>>) src(%dma_wait3A_349 : memref<1x32x512xf32, #tpu.memory_space<hbm>>) dst(%arg6 : memref<1x32x512xf32, #tpu.memory_space<vmem>>)
    %parallel_loop3A_350 = arith.constant 0 : i32
    %parallel_loop3A_351 = arith.constant 16384 : i32
    %parallel_loop3A_352 = arith.constant 16 : i32
    scf.for %parallel_loop3A_872 = %parallel_loop3A_350 to %parallel_loop3A_351 step %parallel_loop3A_352  : i32 {
      %parallel_loop3A_873 = arith.constant 9 : i32
      %parallel_loop3A_874 = arith.shrsi %parallel_loop3A_872, %parallel_loop3A_873 : i32
      %parallel_loop3A_875 = arith.constant 511 : i32
      %parallel_loop3A_876 = arith.andi %parallel_loop3A_872, %parallel_loop3A_875 : i32
      %parallel_loop3A_877 = tpu.assume_multiple %parallel_loop3A_876, 16 : i32
      %parallel_loop3A_878 = arith.index_cast %parallel_loop3A_874 : i32 to index
      %parallel_loop3A_879 = arith.index_cast %parallel_loop3A_877 : i32 to index
      %parallel_loop3A_880 = tpu.vector_load %arg5[%parallel_loop3A_878, %parallel_loop3A_879] {strides = array<i32>} : memref<32x512xf32, #tpu.memory_space<vmem>>, vector<1x16xf32>,
      %parallel_loop3A_881 = vector.shape_cast %parallel_loop3A_880 : vector<1x16xf32> to vector<16xf32>
      %parallel_loop3A_882 = arith.constant 0 : i32
      %parallel_loop3A_883 = arith.index_cast %parallel_loop3A_882 : i32 to index
      %parallel_loop3A_884 = arith.index_cast %parallel_loop3A_874 : i32 to index
      %parallel_loop3A_885 = arith.index_cast %parallel_loop3A_877 : i32 to index
      %parallel_loop3A_886 = tpu.vector_load %arg6[%parallel_loop3A_883, %parallel_loop3A_884, %parallel_loop3A_885] {strides = array<i32>} : memref<1x32x512xf32, #tpu.memory_space<vmem>>, vector<1x1x16xf32>,
      %parallel_loop3A_887 = vector.shape_cast %parallel_loop3A_886 : vector<1x1x16xf32> to vector<16xf32>
      %parallel_loop3A_888 = vector.shape_cast %parallel_loop3A_881 : vector<16xf32> to vector<1x1x16xf32>
      tpu.vector_store %arg6[%parallel_loop3A_883, %parallel_loop3A_884, %parallel_loop3A_885], %parallel_loop3A_888 {add = true, strides = array<i32>} : memref<1x32x512xf32, #tpu.memory_space<vmem>>, vector<1x1x16xf32>,
    } {sc.loop_unroll_factor = 8 : i64, sc.parallel_access}
    %dma_start3A_353 = arith.constant 12 : i32
    %dma_start3A_354 = arith.constant 0 : i32
    %dma_start3A_355 = tpu.memref_slice %arg4[%dma_start3A_353, %mul3A_2, %dma_start3A_354] : memref<32x1024x512xf32, #tpu.memory_space<hbm>> -> memref<1x32x512xf32, #tpu.memory_space<hbm>>
    %dma_start3A_356 = arith.constant 12 : i32
    %dma_start3A_357 = arith.constant 0 : i32
    %dma_start3A_358 = tpu.memref_slice %arg4[%dma_start3A_356, %mul3A_2, %dma_start3A_357] : memref<32x1024x512xf32, #tpu.memory_space<hbm>> -> memref<1x32x512xf32, #tpu.memory_space<hbm>>
    tpu.enqueue_dma source(%arg6 : memref<1x32x512xf32, #tpu.memory_space<vmem>>) target(%dma_start3A_358 : memref<1x32x512xf32, #tpu.memory_space<hbm>>) target_semaphore(%arg18 : memref<!tpu.dma_semaphore, #tpu.memory_space<semaphore_mem>>)
    %dma_wait3A_359 = arith.constant 10 : i32
    %dma_wait3A_360 = arith.constant 0 : i32
    %dma_wait3A_361 = tpu.memref_slice %arg4[%dma_wait3A_359, %mul3A_2, %dma_wait3A_360] : memref<32x1024x512xf32, #tpu.memory_space<hbm>> -> memref<1x32x512xf32, #tpu.memory_space<hbm>>
    %dma_wait3A_362 = arith.constant 10 : i32
    %dma_wait3A_363 = arith.constant 0 : i32
    %dma_wait3A_364 = tpu.memref_slice %arg4[%dma_wait3A_362, %mul3A_2, %dma_wait3A_363] : memref<32x1024x512xf32, #tpu.memory_space<hbm>> -> memref<1x32x512xf32, #tpu.memory_space<hbm>>
    tpu.wait_dma2 semaphore(%arg22 : memref<!tpu.dma_semaphore, #tpu.memory_space<semaphore_mem>>) src(%arg10 : memref<1x32x512xf32, #tpu.memory_space<vmem>>) dst(%dma_wait3A_364 : memref<1x32x512xf32, #tpu.memory_space<hbm>>)
    %dma_start3A_365 = arith.constant 16 : i32
    %dma_start3A_366 = arith.constant 0 : i32
    %dma_start3A_367 = tpu.memref_slice %arg2[%dma_start3A_365, %mul3A_2, %dma_start3A_366] : memref<32x1024x512xf32, #tpu.memory_space<hbm>> -> memref<1x32x512xf32, #tpu.memory_space<hbm>>
    %dma_start3A_368 = arith.constant 16 : i32
    %dma_start3A_369 = arith.constant 0 : i32
    %dma_start3A_370 = tpu.memref_slice %arg2[%dma_start3A_368, %mul3A_2, %dma_start3A_369] : memref<32x1024x512xf32, #tpu.memory_space<hbm>> -> memref<1x32x512xf32, #tpu.memory_space<hbm>>
    tpu.enqueue_dma source(%dma_start3A_370 : memref<1x32x512xf32, #tpu.memory_space<hbm>>) target(%arg10 : memref<1x32x512xf32, #tpu.memory_space<vmem>>) target_semaphore(%arg16 : memref<!tpu.dma_semaphore, #tpu.memory_space<semaphore_mem>>)
    %dma_wait3A_371 = arith.constant 13 : i32
    %dma_wait3A_372 = arith.constant 0 : i32
    %dma_wait3A_373 = tpu.memref_slice %arg2[%dma_wait3A_371, %mul3A_2, %dma_wait3A_372] : memref<32x1024x512xf32, #tpu.memory_space<hbm>> -> memref<1x32x512xf32, #tpu.memory_space<hbm>>
    %dma_wait3A_374 = arith.constant 13 : i32
    %dma_wait3A_375 = arith.constant 0 : i32
    %dma_wait3A_376 = tpu.memref_slice %arg2[%dma_wait3A_374, %mul3A_2, %dma_wait3A_375] : memref<32x1024x512xf32, #tpu.memory_space<hbm>> -> memref<1x32x512xf32, #tpu.memory_space<hbm>>
    tpu.wait_dma2 semaphore(%arg13 : memref<!tpu.dma_semaphore, #tpu.memory_space<semaphore_mem>>) src(%dma_wait3A_376 : memref<1x32x512xf32, #tpu.memory_space<hbm>>) dst(%arg7 : memref<1x32x512xf32, #tpu.memory_space<vmem>>)
    %parallel_loop3A_377 = arith.constant 0 : i32
    %parallel_loop3A_378 = arith.constant 16384 : i32
    %parallel_loop3A_379 = arith.constant 16 : i32
    scf.for %parallel_loop3A_872 = %parallel_loop3A_377 to %parallel_loop3A_378 step %parallel_loop3A_379  : i32 {
      %parallel_loop3A_873 = arith.constant 9 : i32
      %parallel_loop3A_874 = arith.shrsi %parallel_loop3A_872, %parallel_loop3A_873 : i32
      %parallel_loop3A_875 = arith.constant 511 : i32
      %parallel_loop3A_876 = arith.andi %parallel_loop3A_872, %parallel_loop3A_875 : i32
      %parallel_loop3A_877 = tpu.assume_multiple %parallel_loop3A_876, 16 : i32
      %parallel_loop3A_878 = arith.index_cast %parallel_loop3A_874 : i32 to index
      %parallel_loop3A_879 = arith.index_cast %parallel_loop3A_877 : i32 to index
      %parallel_loop3A_880 = tpu.vector_load %arg5[%parallel_loop3A_878, %parallel_loop3A_879] {strides = array<i32>} : memref<32x512xf32, #tpu.memory_space<vmem>>, vector<1x16xf32>,
      %parallel_loop3A_881 = vector.shape_cast %parallel_loop3A_880 : vector<1x16xf32> to vector<16xf32>
      %parallel_loop3A_882 = arith.constant 0 : i32
      %parallel_loop3A_883 = arith.index_cast %parallel_loop3A_882 : i32 to index
      %parallel_loop3A_884 = arith.index_cast %parallel_loop3A_874 : i32 to index
      %parallel_loop3A_885 = arith.index_cast %parallel_loop3A_877 : i32 to index
      %parallel_loop3A_886 = tpu.vector_load %arg7[%parallel_loop3A_883, %parallel_loop3A_884, %parallel_loop3A_885] {strides = array<i32>} : memref<1x32x512xf32, #tpu.memory_space<vmem>>, vector<1x1x16xf32>,
      %parallel_loop3A_887 = vector.shape_cast %parallel_loop3A_886 : vector<1x1x16xf32> to vector<16xf32>
      %parallel_loop3A_888 = vector.shape_cast %parallel_loop3A_881 : vector<16xf32> to vector<1x1x16xf32>
      tpu.vector_store %arg7[%parallel_loop3A_883, %parallel_loop3A_884, %parallel_loop3A_885], %parallel_loop3A_888 {add = true, strides = array<i32>} : memref<1x32x512xf32, #tpu.memory_space<vmem>>, vector<1x1x16xf32>,
    } {sc.loop_unroll_factor = 8 : i64, sc.parallel_access}
    %dma_start3A_380 = arith.constant 13 : i32
    %dma_start3A_381 = arith.constant 0 : i32
    %dma_start3A_382 = tpu.memref_slice %arg4[%dma_start3A_380, %mul3A_2, %dma_start3A_381] : memref<32x1024x512xf32, #tpu.memory_space<hbm>> -> memref<1x32x512xf32, #tpu.memory_space<hbm>>
    %dma_start3A_383 = arith.constant 13 : i32
    %dma_start3A_384 = arith.constant 0 : i32
    %dma_start3A_385 = tpu.memref_slice %arg4[%dma_start3A_383, %mul3A_2, %dma_start3A_384] : memref<32x1024x512xf32, #tpu.memory_space<hbm>> -> memref<1x32x512xf32, #tpu.memory_space<hbm>>
    tpu.enqueue_dma source(%arg7 : memref<1x32x512xf32, #tpu.memory_space<vmem>>) target(%dma_start3A_385 : memref<1x32x512xf32, #tpu.memory_space<hbm>>) target_semaphore(%arg19 : memref<!tpu.dma_semaphore, #tpu.memory_space<semaphore_mem>>)
    %dma_wait3A_386 = arith.constant 11 : i32
    %dma_wait3A_387 = arith.constant 0 : i32
    %dma_wait3A_388 = tpu.memref_slice %arg4[%dma_wait3A_386, %mul3A_2, %dma_wait3A_387] : memref<32x1024x512xf32, #tpu.memory_space<hbm>> -> memref<1x32x512xf32, #tpu.memory_space<hbm>>
    %dma_wait3A_389 = arith.constant 11 : i32
    %dma_wait3A_390 = arith.constant 0 : i32
    %dma_wait3A_391 = tpu.memref_slice %arg4[%dma_wait3A_389, %mul3A_2, %dma_wait3A_390] : memref<32x1024x512xf32, #tpu.memory_space<hbm>> -> memref<1x32x512xf32, #tpu.memory_space<hbm>>
    tpu.wait_dma2 semaphore(%arg23 : memref<!tpu.dma_semaphore, #tpu.memory_space<semaphore_mem>>) src(%arg11 : memref<1x32x512xf32, #tpu.memory_space<vmem>>) dst(%dma_wait3A_391 : memref<1x32x512xf32, #tpu.memory_space<hbm>>)
    %dma_start3A_392 = arith.constant 17 : i32
    %dma_start3A_393 = arith.constant 0 : i32
    %dma_start3A_394 = tpu.memref_slice %arg2[%dma_start3A_392, %mul3A_2, %dma_start3A_393] : memref<32x1024x512xf32, #tpu.memory_space<hbm>> -> memref<1x32x512xf32, #tpu.memory_space<hbm>>
    %dma_start3A_395 = arith.constant 17 : i32
    %dma_start3A_396 = arith.constant 0 : i32
    %dma_start3A_397 = tpu.memref_slice %arg2[%dma_start3A_395, %mul3A_2, %dma_start3A_396] : memref<32x1024x512xf32, #tpu.memory_space<hbm>> -> memref<1x32x512xf32, #tpu.memory_space<hbm>>
    tpu.enqueue_dma source(%dma_start3A_397 : memref<1x32x512xf32, #tpu.memory_space<hbm>>) target(%arg11 : memref<1x32x512xf32, #tpu.memory_space<vmem>>) target_semaphore(%arg17 : memref<!tpu.dma_semaphore, #tpu.memory_space<semaphore_mem>>)
    %dma_wait3A_398 = arith.constant 14 : i32
    %dma_wait3A_399 = arith.constant 0 : i32
    %dma_wait3A_400 = tpu.memref_slice %arg2[%dma_wait3A_398, %mul3A_2, %dma_wait3A_399] : memref<32x1024x512xf32, #tpu.memory_space<hbm>> -> memref<1x32x512xf32, #tpu.memory_space<hbm>>
    %dma_wait3A_401 = arith.constant 14 : i32
    %dma_wait3A_402 = arith.constant 0 : i32
    %dma_wait3A_403 = tpu.memref_slice %arg2[%dma_wait3A_401, %mul3A_2, %dma_wait3A_402] : memref<32x1024x512xf32, #tpu.memory_space<hbm>> -> memref<1x32x512xf32, #tpu.memory_space<hbm>>
    tpu.wait_dma2 semaphore(%arg14 : memref<!tpu.dma_semaphore, #tpu.memory_space<semaphore_mem>>) src(%dma_wait3A_403 : memref<1x32x512xf32, #tpu.memory_space<hbm>>) dst(%arg8 : memref<1x32x512xf32, #tpu.memory_space<vmem>>)
    %parallel_loop3A_404 = arith.constant 0 : i32
    %parallel_loop3A_405 = arith.constant 16384 : i32
    %parallel_loop3A_406 = arith.constant 16 : i32
    scf.for %parallel_loop3A_872 = %parallel_loop3A_404 to %parallel_loop3A_405 step %parallel_loop3A_406  : i32 {
      %parallel_loop3A_873 = arith.constant 9 : i32
      %parallel_loop3A_874 = arith.shrsi %parallel_loop3A_872, %parallel_loop3A_873 : i32
      %parallel_loop3A_875 = arith.constant 511 : i32
      %parallel_loop3A_876 = arith.andi %parallel_loop3A_872, %parallel_loop3A_875 : i32
      %parallel_loop3A_877 = tpu.assume_multiple %parallel_loop3A_876, 16 : i32
      %parallel_loop3A_878 = arith.index_cast %parallel_loop3A_874 : i32 to index
      %parallel_loop3A_879 = arith.index_cast %parallel_loop3A_877 : i32 to index
      %parallel_loop3A_880 = tpu.vector_load %arg5[%parallel_loop3A_878, %parallel_loop3A_879] {strides = array<i32>} : memref<32x512xf32, #tpu.memory_space<vmem>>, vector<1x16xf32>,
      %parallel_loop3A_881 = vector.shape_cast %parallel_loop3A_880 : vector<1x16xf32> to vector<16xf32>
      %parallel_loop3A_882 = arith.constant 0 : i32
      %parallel_loop3A_883 = arith.index_cast %parallel_loop3A_882 : i32 to index
      %parallel_loop3A_884 = arith.index_cast %parallel_loop3A_874 : i32 to index
      %parallel_loop3A_885 = arith.index_cast %parallel_loop3A_877 : i32 to index
      %parallel_loop3A_886 = tpu.vector_load %arg8[%parallel_loop3A_883, %parallel_loop3A_884, %parallel_loop3A_885] {strides = array<i32>} : memref<1x32x512xf32, #tpu.memory_space<vmem>>, vector<1x1x16xf32>,
      %parallel_loop3A_887 = vector.shape_cast %parallel_loop3A_886 : vector<1x1x16xf32> to vector<16xf32>
      %parallel_loop3A_888 = vector.shape_cast %parallel_loop3A_881 : vector<16xf32> to vector<1x1x16xf32>
      tpu.vector_store %arg8[%parallel_loop3A_883, %parallel_loop3A_884, %parallel_loop3A_885], %parallel_loop3A_888 {add = true, strides = array<i32>} : memref<1x32x512xf32, #tpu.memory_space<vmem>>, vector<1x1x16xf32>,
    } {sc.loop_unroll_factor = 8 : i64, sc.parallel_access}
    %dma_start3A_407 = arith.constant 14 : i32
    %dma_start3A_408 = arith.constant 0 : i32
    %dma_start3A_409 = tpu.memref_slice %arg4[%dma_start3A_407, %mul3A_2, %dma_start3A_408] : memref<32x1024x512xf32, #tpu.memory_space<hbm>> -> memref<1x32x512xf32, #tpu.memory_space<hbm>>
    %dma_start3A_410 = arith.constant 14 : i32
    %dma_start3A_411 = arith.constant 0 : i32
    %dma_start3A_412 = tpu.memref_slice %arg4[%dma_start3A_410, %mul3A_2, %dma_start3A_411] : memref<32x1024x512xf32, #tpu.memory_space<hbm>> -> memref<1x32x512xf32, #tpu.memory_space<hbm>>
    tpu.enqueue_dma source(%arg8 : memref<1x32x512xf32, #tpu.memory_space<vmem>>) target(%dma_start3A_412 : memref<1x32x512xf32, #tpu.memory_space<hbm>>) target_semaphore(%arg20 : memref<!tpu.dma_semaphore, #tpu.memory_space<semaphore_mem>>)
    %dma_wait3A_413 = arith.constant 12 : i32
    %dma_wait3A_414 = arith.constant 0 : i32
    %dma_wait3A_415 = tpu.memref_slice %arg4[%dma_wait3A_413, %mul3A_2, %dma_wait3A_414] : memref<32x1024x512xf32, #tpu.memory_space<hbm>> -> memref<1x32x512xf32, #tpu.memory_space<hbm>>
    %dma_wait3A_416 = arith.constant 12 : i32
    %dma_wait3A_417 = arith.constant 0 : i32
    %dma_wait3A_418 = tpu.memref_slice %arg4[%dma_wait3A_416, %mul3A_2, %dma_wait3A_417] : memref<32x1024x512xf32, #tpu.memory_space<hbm>> -> memref<1x32x512xf32, #tpu.memory_space<hbm>>
    tpu.wait_dma2 semaphore(%arg18 : memref<!tpu.dma_semaphore, #tpu.memory_space<semaphore_mem>>) src(%arg6 : memref<1x32x512xf32, #tpu.memory_space<vmem>>) dst(%dma_wait3A_418 : memref<1x32x512xf32, #tpu.memory_space<hbm>>)
    %dma_start3A_419 = arith.constant 18 : i32
    %dma_start3A_420 = arith.constant 0 : i32
    %dma_start3A_421 = tpu.memref_slice %arg2[%dma_start3A_419, %mul3A_2, %dma_start3A_420] : memref<32x1024x512xf32, #tpu.memory_space<hbm>> -> memref<1x32x512xf32, #tpu.memory_space<hbm>>
    %dma_start3A_422 = arith.constant 18 : i32
    %dma_start3A_423 = arith.constant 0 : i32
    %dma_start3A_424 = tpu.memref_slice %arg2[%dma_start3A_422, %mul3A_2, %dma_start3A_423] : memref<32x1024x512xf32, #tpu.memory_space<hbm>> -> memref<1x32x512xf32, #tpu.memory_space<hbm>>
    tpu.enqueue_dma source(%dma_start3A_424 : memref<1x32x512xf32, #tpu.memory_space<hbm>>) target(%arg6 : memref<1x32x512xf32, #tpu.memory_space<vmem>>) target_semaphore(%arg12 : memref<!tpu.dma_semaphore, #tpu.memory_space<semaphore_mem>>)
    %dma_wait3A_425 = arith.constant 15 : i32
    %dma_wait3A_426 = arith.constant 0 : i32
    %dma_wait3A_427 = tpu.memref_slice %arg2[%dma_wait3A_425, %mul3A_2, %dma_wait3A_426] : memref<32x1024x512xf32, #tpu.memory_space<hbm>> -> memref<1x32x512xf32, #tpu.memory_space<hbm>>
    %dma_wait3A_428 = arith.constant 15 : i32
    %dma_wait3A_429 = arith.constant 0 : i32
    %dma_wait3A_430 = tpu.memref_slice %arg2[%dma_wait3A_428, %mul3A_2, %dma_wait3A_429] : memref<32x1024x512xf32, #tpu.memory_space<hbm>> -> memref<1x32x512xf32, #tpu.memory_space<hbm>>
    tpu.wait_dma2 semaphore(%arg15 : memref<!tpu.dma_semaphore, #tpu.memory_space<semaphore_mem>>) src(%dma_wait3A_430 : memref<1x32x512xf32, #tpu.memory_space<hbm>>) dst(%arg9 : memref<1x32x512xf32, #tpu.memory_space<vmem>>)
    %parallel_loop3A_431 = arith.constant 0 : i32
    %parallel_loop3A_432 = arith.constant 16384 : i32
    %parallel_loop3A_433 = arith.constant 16 : i32
    scf.for %parallel_loop3A_872 = %parallel_loop3A_431 to %parallel_loop3A_432 step %parallel_loop3A_433  : i32 {
      %parallel_loop3A_873 = arith.constant 9 : i32
      %parallel_loop3A_874 = arith.shrsi %parallel_loop3A_872, %parallel_loop3A_873 : i32
      %parallel_loop3A_875 = arith.constant 511 : i32
      %parallel_loop3A_876 = arith.andi %parallel_loop3A_872, %parallel_loop3A_875 : i32
      %parallel_loop3A_877 = tpu.assume_multiple %parallel_loop3A_876, 16 : i32
      %parallel_loop3A_878 = arith.index_cast %parallel_loop3A_874 : i32 to index
      %parallel_loop3A_879 = arith.index_cast %parallel_loop3A_877 : i32 to index
      %parallel_loop3A_880 = tpu.vector_load %arg5[%parallel_loop3A_878, %parallel_loop3A_879] {strides = array<i32>} : memref<32x512xf32, #tpu.memory_space<vmem>>, vector<1x16xf32>,
      %parallel_loop3A_881 = vector.shape_cast %parallel_loop3A_880 : vector<1x16xf32> to vector<16xf32>
      %parallel_loop3A_882 = arith.constant 0 : i32
      %parallel_loop3A_883 = arith.index_cast %parallel_loop3A_882 : i32 to index
      %parallel_loop3A_884 = arith.index_cast %parallel_loop3A_874 : i32 to index
      %parallel_loop3A_885 = arith.index_cast %parallel_loop3A_877 : i32 to index
      %parallel_loop3A_886 = tpu.vector_load %arg9[%parallel_loop3A_883, %parallel_loop3A_884, %parallel_loop3A_885] {strides = array<i32>} : memref<1x32x512xf32, #tpu.memory_space<vmem>>, vector<1x1x16xf32>,
      %parallel_loop3A_887 = vector.shape_cast %parallel_loop3A_886 : vector<1x1x16xf32> to vector<16xf32>
      %parallel_loop3A_888 = vector.shape_cast %parallel_loop3A_881 : vector<16xf32> to vector<1x1x16xf32>
      tpu.vector_store %arg9[%parallel_loop3A_883, %parallel_loop3A_884, %parallel_loop3A_885], %parallel_loop3A_888 {add = true, strides = array<i32>} : memref<1x32x512xf32, #tpu.memory_space<vmem>>, vector<1x1x16xf32>,
    } {sc.loop_unroll_factor = 8 : i64, sc.parallel_access}
    %dma_start3A_434 = arith.constant 15 : i32
    %dma_start3A_435 = arith.constant 0 : i32
    %dma_start3A_436 = tpu.memref_slice %arg4[%dma_start3A_434, %mul3A_2, %dma_start3A_435] : memref<32x1024x512xf32, #tpu.memory_space<hbm>> -> memref<1x32x512xf32, #tpu.memory_space<hbm>>
    %dma_start3A_437 = arith.constant 15 : i32
    %dma_start3A_438 = arith.constant 0 : i32
    %dma_start3A_439 = tpu.memref_slice %arg4[%dma_start3A_437, %mul3A_2, %dma_start3A_438] : memref<32x1024x512xf32, #tpu.memory_space<hbm>> -> memref<1x32x512xf32, #tpu.memory_space<hbm>>
    tpu.enqueue_dma source(%arg9 : memref<1x32x512xf32, #tpu.memory_space<vmem>>) target(%dma_start3A_439 : memref<1x32x512xf32, #tpu.memory_space<hbm>>) target_semaphore(%arg21 : memref<!tpu.dma_semaphore, #tpu.memory_space<semaphore_mem>>)
    %dma_wait3A_440 = arith.constant 13 : i32
    %dma_wait3A_441 = arith.constant 0 : i32
    %dma_wait3A_442 = tpu.memref_slice %arg4[%dma_wait3A_440, %mul3A_2, %dma_wait3A_441] : memref<32x1024x512xf32, #tpu.memory_space<hbm>> -> memref<1x32x512xf32, #tpu.memory_space<hbm>>
    %dma_wait3A_443 = arith.constant 13 : i32
    %dma_wait3A_444 = arith.constant 0 : i32
    %dma_wait3A_445 = tpu.memref_slice %arg4[%dma_wait3A_443, %mul3A_2, %dma_wait3A_444] : memref<32x1024x512xf32, #tpu.memory_space<hbm>> -> memref<1x32x512xf32, #tpu.memory_space<hbm>>
    tpu.wait_dma2 semaphore(%arg19 : memref<!tpu.dma_semaphore, #tpu.memory_space<semaphore_mem>>) src(%arg7 : memref<1x32x512xf32, #tpu.memory_space<vmem>>) dst(%dma_wait3A_445 : memref<1x32x512xf32, #tpu.memory_space<hbm>>)
    %dma_start3A_446 = arith.constant 19 : i32
    %dma_start3A_447 = arith.constant 0 : i32
    %dma_start3A_448 = tpu.memref_slice %arg2[%dma_start3A_446, %mul3A_2, %dma_start3A_447] : memref<32x1024x512xf32, #tpu.memory_space<hbm>> -> memref<1x32x512xf32, #tpu.memory_space<hbm>>
    %dma_start3A_449 = arith.constant 19 : i32
    %dma_start3A_450 = arith.constant 0 : i32
    %dma_start3A_451 = tpu.memref_slice %arg2[%dma_start3A_449, %mul3A_2, %dma_start3A_450] : memref<32x1024x512xf32, #tpu.memory_space<hbm>> -> memref<1x32x512xf32, #tpu.memory_space<hbm>>
    tpu.enqueue_dma source(%dma_start3A_451 : memref<1x32x512xf32, #tpu.memory_space<hbm>>) target(%arg7 : memref<1x32x512xf32, #tpu.memory_space<vmem>>) target_semaphore(%arg13 : memref<!tpu.dma_semaphore, #tpu.memory_space<semaphore_mem>>)
    %dma_wait3A_452 = arith.constant 16 : i32
    %dma_wait3A_453 = arith.constant 0 : i32
    %dma_wait3A_454 = tpu.memref_slice %arg2[%dma_wait3A_452, %mul3A_2, %dma_wait3A_453] : memref<32x1024x512xf32, #tpu.memory_space<hbm>> -> memref<1x32x512xf32, #tpu.memory_space<hbm>>
    %dma_wait3A_455 = arith.constant 16 : i32
    %dma_wait3A_456 = arith.constant 0 : i32
    %dma_wait3A_457 = tpu.memref_slice %arg2[%dma_wait3A_455, %mul3A_2, %dma_wait3A_456] : memref<32x1024x512xf32, #tpu.memory_space<hbm>> -> memref<1x32x512xf32, #tpu.memory_space<hbm>>
    tpu.wait_dma2 semaphore(%arg16 : memref<!tpu.dma_semaphore, #tpu.memory_space<semaphore_mem>>) src(%dma_wait3A_457 : memref<1x32x512xf32, #tpu.memory_space<hbm>>) dst(%arg10 : memref<1x32x512xf32, #tpu.memory_space<vmem>>)
    %parallel_loop3A_458 = arith.constant 0 : i32
    %parallel_loop3A_459 = arith.constant 16384 : i32
    %parallel_loop3A_460 = arith.constant 16 : i32
    scf.for %parallel_loop3A_872 = %parallel_loop3A_458 to %parallel_loop3A_459 step %parallel_loop3A_460  : i32 {
      %parallel_loop3A_873 = arith.constant 9 : i32
      %parallel_loop3A_874 = arith.shrsi %parallel_loop3A_872, %parallel_loop3A_873 : i32
      %parallel_loop3A_875 = arith.constant 511 : i32
      %parallel_loop3A_876 = arith.andi %parallel_loop3A_872, %parallel_loop3A_875 : i32
      %parallel_loop3A_877 = tpu.assume_multiple %parallel_loop3A_876, 16 : i32
      %parallel_loop3A_878 = arith.index_cast %parallel_loop3A_874 : i32 to index
      %parallel_loop3A_879 = arith.index_cast %parallel_loop3A_877 : i32 to index
      %parallel_loop3A_880 = tpu.vector_load %arg5[%parallel_loop3A_878, %parallel_loop3A_879] {strides = array<i32>} : memref<32x512xf32, #tpu.memory_space<vmem>>, vector<1x16xf32>,
      %parallel_loop3A_881 = vector.shape_cast %parallel_loop3A_880 : vector<1x16xf32> to vector<16xf32>
      %parallel_loop3A_882 = arith.constant 0 : i32
      %parallel_loop3A_883 = arith.index_cast %parallel_loop3A_882 : i32 to index
      %parallel_loop3A_884 = arith.index_cast %parallel_loop3A_874 : i32 to index
      %parallel_loop3A_885 = arith.index_cast %parallel_loop3A_877 : i32 to index
      %parallel_loop3A_886 = tpu.vector_load %arg10[%parallel_loop3A_883, %parallel_loop3A_884, %parallel_loop3A_885] {strides = array<i32>} : memref<1x32x512xf32, #tpu.memory_space<vmem>>, vector<1x1x16xf32>,
      %parallel_loop3A_887 = vector.shape_cast %parallel_loop3A_886 : vector<1x1x16xf32> to vector<16xf32>
      %parallel_loop3A_888 = vector.shape_cast %parallel_loop3A_881 : vector<16xf32> to vector<1x1x16xf32>
      tpu.vector_store %arg10[%parallel_loop3A_883, %parallel_loop3A_884, %parallel_loop3A_885], %parallel_loop3A_888 {add = true, strides = array<i32>} : memref<1x32x512xf32, #tpu.memory_space<vmem>>, vector<1x1x16xf32>,
    } {sc.loop_unroll_factor = 8 : i64, sc.parallel_access}
    %dma_start3A_461 = arith.constant 16 : i32
    %dma_start3A_462 = arith.constant 0 : i32
    %dma_start3A_463 = tpu.memref_slice %arg4[%dma_start3A_461, %mul3A_2, %dma_start3A_462] : memref<32x1024x512xf32, #tpu.memory_space<hbm>> -> memref<1x32x512xf32, #tpu.memory_space<hbm>>
    %dma_start3A_464 = arith.constant 16 : i32
    %dma_start3A_465 = arith.constant 0 : i32
    %dma_start3A_466 = tpu.memref_slice %arg4[%dma_start3A_464, %mul3A_2, %dma_start3A_465] : memref<32x1024x512xf32, #tpu.memory_space<hbm>> -> memref<1x32x512xf32, #tpu.memory_space<hbm>>
    tpu.enqueue_dma source(%arg10 : memref<1x32x512xf32, #tpu.memory_space<vmem>>) target(%dma_start3A_466 : memref<1x32x512xf32, #tpu.memory_space<hbm>>) target_semaphore(%arg22 : memref<!tpu.dma_semaphore, #tpu.memory_space<semaphore_mem>>)
    %dma_wait3A_467 = arith.constant 14 : i32
    %dma_wait3A_468 = arith.constant 0 : i32
    %dma_wait3A_469 = tpu.memref_slice %arg4[%dma_wait3A_467, %mul3A_2, %dma_wait3A_468] : memref<32x1024x512xf32, #tpu.memory_space<hbm>> -> memref<1x32x512xf32, #tpu.memory_space<hbm>>
    %dma_wait3A_470 = arith.constant 14 : i32
    %dma_wait3A_471 = arith.constant 0 : i32
    %dma_wait3A_472 = tpu.memref_slice %arg4[%dma_wait3A_470, %mul3A_2, %dma_wait3A_471] : memref<32x1024x512xf32, #tpu.memory_space<hbm>> -> memref<1x32x512xf32, #tpu.memory_space<hbm>>
    tpu.wait_dma2 semaphore(%arg20 : memref<!tpu.dma_semaphore, #tpu.memory_space<semaphore_mem>>) src(%arg8 : memref<1x32x512xf32, #tpu.memory_space<vmem>>) dst(%dma_wait3A_472 : memref<1x32x512xf32, #tpu.memory_space<hbm>>)
    %dma_start3A_473 = arith.constant 20 : i32
    %dma_start3A_474 = arith.constant 0 : i32
    %dma_start3A_475 = tpu.memref_slice %arg2[%dma_start3A_473, %mul3A_2, %dma_start3A_474] : memref<32x1024x512xf32, #tpu.memory_space<hbm>> -> memref<1x32x512xf32, #tpu.memory_space<hbm>>
    %dma_start3A_476 = arith.constant 20 : i32
    %dma_start3A_477 = arith.constant 0 : i32
    %dma_start3A_478 = tpu.memref_slice %arg2[%dma_start3A_476, %mul3A_2, %dma_start3A_477] : memref<32x1024x512xf32, #tpu.memory_space<hbm>> -> memref<1x32x512xf32, #tpu.memory_space<hbm>>
    tpu.enqueue_dma source(%dma_start3A_478 : memref<1x32x512xf32, #tpu.memory_space<hbm>>) target(%arg8 : memref<1x32x512xf32, #tpu.memory_space<vmem>>) target_semaphore(%arg14 : memref<!tpu.dma_semaphore, #tpu.memory_space<semaphore_mem>>)
    %dma_wait3A_479 = arith.constant 17 : i32
    %dma_wait3A_480 = arith.constant 0 : i32
    %dma_wait3A_481 = tpu.memref_slice %arg2[%dma_wait3A_479, %mul3A_2, %dma_wait3A_480] : memref<32x1024x512xf32, #tpu.memory_space<hbm>> -> memref<1x32x512xf32, #tpu.memory_space<hbm>>
    %dma_wait3A_482 = arith.constant 17 : i32
    %dma_wait3A_483 = arith.constant 0 : i32
    %dma_wait3A_484 = tpu.memref_slice %arg2[%dma_wait3A_482, %mul3A_2, %dma_wait3A_483] : memref<32x1024x512xf32, #tpu.memory_space<hbm>> -> memref<1x32x512xf32, #tpu.memory_space<hbm>>
    tpu.wait_dma2 semaphore(%arg17 : memref<!tpu.dma_semaphore, #tpu.memory_space<semaphore_mem>>) src(%dma_wait3A_484 : memref<1x32x512xf32, #tpu.memory_space<hbm>>) dst(%arg11 : memref<1x32x512xf32, #tpu.memory_space<vmem>>)
    %parallel_loop3A_485 = arith.constant 0 : i32
    %parallel_loop3A_486 = arith.constant 16384 : i32
    %parallel_loop3A_487 = arith.constant 16 : i32
    scf.for %parallel_loop3A_872 = %parallel_loop3A_485 to %parallel_loop3A_486 step %parallel_loop3A_487  : i32 {
      %parallel_loop3A_873 = arith.constant 9 : i32
      %parallel_loop3A_874 = arith.shrsi %parallel_loop3A_872, %parallel_loop3A_873 : i32
      %parallel_loop3A_875 = arith.constant 511 : i32
      %parallel_loop3A_876 = arith.andi %parallel_loop3A_872, %parallel_loop3A_875 : i32
      %parallel_loop3A_877 = tpu.assume_multiple %parallel_loop3A_876, 16 : i32
      %parallel_loop3A_878 = arith.index_cast %parallel_loop3A_874 : i32 to index
      %parallel_loop3A_879 = arith.index_cast %parallel_loop3A_877 : i32 to index
      %parallel_loop3A_880 = tpu.vector_load %arg5[%parallel_loop3A_878, %parallel_loop3A_879] {strides = array<i32>} : memref<32x512xf32, #tpu.memory_space<vmem>>, vector<1x16xf32>,
      %parallel_loop3A_881 = vector.shape_cast %parallel_loop3A_880 : vector<1x16xf32> to vector<16xf32>
      %parallel_loop3A_882 = arith.constant 0 : i32
      %parallel_loop3A_883 = arith.index_cast %parallel_loop3A_882 : i32 to index
      %parallel_loop3A_884 = arith.index_cast %parallel_loop3A_874 : i32 to index
      %parallel_loop3A_885 = arith.index_cast %parallel_loop3A_877 : i32 to index
      %parallel_loop3A_886 = tpu.vector_load %arg11[%parallel_loop3A_883, %parallel_loop3A_884, %parallel_loop3A_885] {strides = array<i32>} : memref<1x32x512xf32, #tpu.memory_space<vmem>>, vector<1x1x16xf32>,
      %parallel_loop3A_887 = vector.shape_cast %parallel_loop3A_886 : vector<1x1x16xf32> to vector<16xf32>
      %parallel_loop3A_888 = vector.shape_cast %parallel_loop3A_881 : vector<16xf32> to vector<1x1x16xf32>
      tpu.vector_store %arg11[%parallel_loop3A_883, %parallel_loop3A_884, %parallel_loop3A_885], %parallel_loop3A_888 {add = true, strides = array<i32>} : memref<1x32x512xf32, #tpu.memory_space<vmem>>, vector<1x1x16xf32>,
    } {sc.loop_unroll_factor = 8 : i64, sc.parallel_access}
    %dma_start3A_488 = arith.constant 17 : i32
    %dma_start3A_489 = arith.constant 0 : i32
    %dma_start3A_490 = tpu.memref_slice %arg4[%dma_start3A_488, %mul3A_2, %dma_start3A_489] : memref<32x1024x512xf32, #tpu.memory_space<hbm>> -> memref<1x32x512xf32, #tpu.memory_space<hbm>>
    %dma_start3A_491 = arith.constant 17 : i32
    %dma_start3A_492 = arith.constant 0 : i32
    %dma_start3A_493 = tpu.memref_slice %arg4[%dma_start3A_491, %mul3A_2, %dma_start3A_492] : memref<32x1024x512xf32, #tpu.memory_space<hbm>> -> memref<1x32x512xf32, #tpu.memory_space<hbm>>
    tpu.enqueue_dma source(%arg11 : memref<1x32x512xf32, #tpu.memory_space<vmem>>) target(%dma_start3A_493 : memref<1x32x512xf32, #tpu.memory_space<hbm>>) target_semaphore(%arg23 : memref<!tpu.dma_semaphore, #tpu.memory_space<semaphore_mem>>)
    %dma_wait3A_494 = arith.constant 15 : i32
    %dma_wait3A_495 = arith.constant 0 : i32
    %dma_wait3A_496 = tpu.memref_slice %arg4[%dma_wait3A_494, %mul3A_2, %dma_wait3A_495] : memref<32x1024x512xf32, #tpu.memory_space<hbm>> -> memref<1x32x512xf32, #tpu.memory_space<hbm>>
    %dma_wait3A_497 = arith.constant 15 : i32
    %dma_wait3A_498 = arith.constant 0 : i32
    %dma_wait3A_499 = tpu.memref_slice %arg4[%dma_wait3A_497, %mul3A_2, %dma_wait3A_498] : memref<32x1024x512xf32, #tpu.memory_space<hbm>> -> memref<1x32x512xf32, #tpu.memory_space<hbm>>
    tpu.wait_dma2 semaphore(%arg21 : memref<!tpu.dma_semaphore, #tpu.memory_space<semaphore_mem>>) src(%arg9 : memref<1x32x512xf32, #tpu.memory_space<vmem>>) dst(%dma_wait3A_499 : memref<1x32x512xf32, #tpu.memory_space<hbm>>)
    %dma_start3A_500 = arith.constant 21 : i32
    %dma_start3A_501 = arith.constant 0 : i32
    %dma_start3A_502 = tpu.memref_slice %arg2[%dma_start3A_500, %mul3A_2, %dma_start3A_501] : memref<32x1024x512xf32, #tpu.memory_space<hbm>> -> memref<1x32x512xf32, #tpu.memory_space<hbm>>
    %dma_start3A_503 = arith.constant 21 : i32
    %dma_start3A_504 = arith.constant 0 : i32
    %dma_start3A_505 = tpu.memref_slice %arg2[%dma_start3A_503, %mul3A_2, %dma_start3A_504] : memref<32x1024x512xf32, #tpu.memory_space<hbm>> -> memref<1x32x512xf32, #tpu.memory_space<hbm>>
    tpu.enqueue_dma source(%dma_start3A_505 : memref<1x32x512xf32, #tpu.memory_space<hbm>>) target(%arg9 : memref<1x32x512xf32, #tpu.memory_space<vmem>>) target_semaphore(%arg15 : memref<!tpu.dma_semaphore, #tpu.memory_space<semaphore_mem>>)
    %dma_wait3A_506 = arith.constant 18 : i32
    %dma_wait3A_507 = arith.constant 0 : i32
    %dma_wait3A_508 = tpu.memref_slice %arg2[%dma_wait3A_506, %mul3A_2, %dma_wait3A_507] : memref<32x1024x512xf32, #tpu.memory_space<hbm>> -> memref<1x32x512xf32, #tpu.memory_space<hbm>>
    %dma_wait3A_509 = arith.constant 18 : i32
    %dma_wait3A_510 = arith.constant 0 : i32
    %dma_wait3A_511 = tpu.memref_slice %arg2[%dma_wait3A_509, %mul3A_2, %dma_wait3A_510] : memref<32x1024x512xf32, #tpu.memory_space<hbm>> -> memref<1x32x512xf32, #tpu.memory_space<hbm>>
    tpu.wait_dma2 semaphore(%arg12 : memref<!tpu.dma_semaphore, #tpu.memory_space<semaphore_mem>>) src(%dma_wait3A_511 : memref<1x32x512xf32, #tpu.memory_space<hbm>>) dst(%arg6 : memref<1x32x512xf32, #tpu.memory_space<vmem>>)
    %parallel_loop3A_512 = arith.constant 0 : i32
    %parallel_loop3A_513 = arith.constant 16384 : i32
    %parallel_loop3A_514 = arith.constant 16 : i32
    scf.for %parallel_loop3A_872 = %parallel_loop3A_512 to %parallel_loop3A_513 step %parallel_loop3A_514  : i32 {
      %parallel_loop3A_873 = arith.constant 9 : i32
      %parallel_loop3A_874 = arith.shrsi %parallel_loop3A_872, %parallel_loop3A_873 : i32
      %parallel_loop3A_875 = arith.constant 511 : i32
      %parallel_loop3A_876 = arith.andi %parallel_loop3A_872, %parallel_loop3A_875 : i32
      %parallel_loop3A_877 = tpu.assume_multiple %parallel_loop3A_876, 16 : i32
      %parallel_loop3A_878 = arith.index_cast %parallel_loop3A_874 : i32 to index
      %parallel_loop3A_879 = arith.index_cast %parallel_loop3A_877 : i32 to index
      %parallel_loop3A_880 = tpu.vector_load %arg5[%parallel_loop3A_878, %parallel_loop3A_879] {strides = array<i32>} : memref<32x512xf32, #tpu.memory_space<vmem>>, vector<1x16xf32>,
      %parallel_loop3A_881 = vector.shape_cast %parallel_loop3A_880 : vector<1x16xf32> to vector<16xf32>
      %parallel_loop3A_882 = arith.constant 0 : i32
      %parallel_loop3A_883 = arith.index_cast %parallel_loop3A_882 : i32 to index
      %parallel_loop3A_884 = arith.index_cast %parallel_loop3A_874 : i32 to index
      %parallel_loop3A_885 = arith.index_cast %parallel_loop3A_877 : i32 to index
      %parallel_loop3A_886 = tpu.vector_load %arg6[%parallel_loop3A_883, %parallel_loop3A_884, %parallel_loop3A_885] {strides = array<i32>} : memref<1x32x512xf32, #tpu.memory_space<vmem>>, vector<1x1x16xf32>,
      %parallel_loop3A_887 = vector.shape_cast %parallel_loop3A_886 : vector<1x1x16xf32> to vector<16xf32>
      %parallel_loop3A_888 = vector.shape_cast %parallel_loop3A_881 : vector<16xf32> to vector<1x1x16xf32>
      tpu.vector_store %arg6[%parallel_loop3A_883, %parallel_loop3A_884, %parallel_loop3A_885], %parallel_loop3A_888 {add = true, strides = array<i32>} : memref<1x32x512xf32, #tpu.memory_space<vmem>>, vector<1x1x16xf32>,
    } {sc.loop_unroll_factor = 8 : i64, sc.parallel_access}
    %dma_start3A_515 = arith.constant 18 : i32
    %dma_start3A_516 = arith.constant 0 : i32
    %dma_start3A_517 = tpu.memref_slice %arg4[%dma_start3A_515, %mul3A_2, %dma_start3A_516] : memref<32x1024x512xf32, #tpu.memory_space<hbm>> -> memref<1x32x512xf32, #tpu.memory_space<hbm>>
    %dma_start3A_518 = arith.constant 18 : i32
    %dma_start3A_519 = arith.constant 0 : i32
    %dma_start3A_520 = tpu.memref_slice %arg4[%dma_start3A_518, %mul3A_2, %dma_start3A_519] : memref<32x1024x512xf32, #tpu.memory_space<hbm>> -> memref<1x32x512xf32, #tpu.memory_space<hbm>>
    tpu.enqueue_dma source(%arg6 : memref<1x32x512xf32, #tpu.memory_space<vmem>>) target(%dma_start3A_520 : memref<1x32x512xf32, #tpu.memory_space<hbm>>) target_semaphore(%arg18 : memref<!tpu.dma_semaphore, #tpu.memory_space<semaphore_mem>>)
    %dma_wait3A_521 = arith.constant 16 : i32
    %dma_wait3A_522 = arith.constant 0 : i32
    %dma_wait3A_523 = tpu.memref_slice %arg4[%dma_wait3A_521, %mul3A_2, %dma_wait3A_522] : memref<32x1024x512xf32, #tpu.memory_space<hbm>> -> memref<1x32x512xf32, #tpu.memory_space<hbm>>
    %dma_wait3A_524 = arith.constant 16 : i32
    %dma_wait3A_525 = arith.constant 0 : i32
    %dma_wait3A_526 = tpu.memref_slice %arg4[%dma_wait3A_524, %mul3A_2, %dma_wait3A_525] : memref<32x1024x512xf32, #tpu.memory_space<hbm>> -> memref<1x32x512xf32, #tpu.memory_space<hbm>>
    tpu.wait_dma2 semaphore(%arg22 : memref<!tpu.dma_semaphore, #tpu.memory_space<semaphore_mem>>) src(%arg10 : memref<1x32x512xf32, #tpu.memory_space<vmem>>) dst(%dma_wait3A_526 : memref<1x32x512xf32, #tpu.memory_space<hbm>>)
    %dma_start3A_527 = arith.constant 22 : i32
    %dma_start3A_528 = arith.constant 0 : i32
    %dma_start3A_529 = tpu.memref_slice %arg2[%dma_start3A_527, %mul3A_2, %dma_start3A_528] : memref<32x1024x512xf32, #tpu.memory_space<hbm>> -> memref<1x32x512xf32, #tpu.memory_space<hbm>>
    %dma_start3A_530 = arith.constant 22 : i32
    %dma_start3A_531 = arith.constant 0 : i32
    %dma_start3A_532 = tpu.memref_slice %arg2[%dma_start3A_530, %mul3A_2, %dma_start3A_531] : memref<32x1024x512xf32, #tpu.memory_space<hbm>> -> memref<1x32x512xf32, #tpu.memory_space<hbm>>
    tpu.enqueue_dma source(%dma_start3A_532 : memref<1x32x512xf32, #tpu.memory_space<hbm>>) target(%arg10 : memref<1x32x512xf32, #tpu.memory_space<vmem>>) target_semaphore(%arg16 : memref<!tpu.dma_semaphore, #tpu.memory_space<semaphore_mem>>)
    %dma_wait3A_533 = arith.constant 19 : i32
    %dma_wait3A_534 = arith.constant 0 : i32
    %dma_wait3A_535 = tpu.memref_slice %arg2[%dma_wait3A_533, %mul3A_2, %dma_wait3A_534] : memref<32x1024x512xf32, #tpu.memory_space<hbm>> -> memref<1x32x512xf32, #tpu.memory_space<hbm>>
    %dma_wait3A_536 = arith.constant 19 : i32
    %dma_wait3A_537 = arith.constant 0 : i32
    %dma_wait3A_538 = tpu.memref_slice %arg2[%dma_wait3A_536, %mul3A_2, %dma_wait3A_537] : memref<32x1024x512xf32, #tpu.memory_space<hbm>> -> memref<1x32x512xf32, #tpu.memory_space<hbm>>
    tpu.wait_dma2 semaphore(%arg13 : memref<!tpu.dma_semaphore, #tpu.memory_space<semaphore_mem>>) src(%dma_wait3A_538 : memref<1x32x512xf32, #tpu.memory_space<hbm>>) dst(%arg7 : memref<1x32x512xf32, #tpu.memory_space<vmem>>)
    %parallel_loop3A_539 = arith.constant 0 : i32
    %parallel_loop3A_540 = arith.constant 16384 : i32
    %parallel_loop3A_541 = arith.constant 16 : i32
    scf.for %parallel_loop3A_872 = %parallel_loop3A_539 to %parallel_loop3A_540 step %parallel_loop3A_541  : i32 {
      %parallel_loop3A_873 = arith.constant 9 : i32
      %parallel_loop3A_874 = arith.shrsi %parallel_loop3A_872, %parallel_loop3A_873 : i32
      %parallel_loop3A_875 = arith.constant 511 : i32
      %parallel_loop3A_876 = arith.andi %parallel_loop3A_872, %parallel_loop3A_875 : i32
      %parallel_loop3A_877 = tpu.assume_multiple %parallel_loop3A_876, 16 : i32
      %parallel_loop3A_878 = arith.index_cast %parallel_loop3A_874 : i32 to index
      %parallel_loop3A_879 = arith.index_cast %parallel_loop3A_877 : i32 to index
      %parallel_loop3A_880 = tpu.vector_load %arg5[%parallel_loop3A_878, %parallel_loop3A_879] {strides = array<i32>} : memref<32x512xf32, #tpu.memory_space<vmem>>, vector<1x16xf32>,
      %parallel_loop3A_881 = vector.shape_cast %parallel_loop3A_880 : vector<1x16xf32> to vector<16xf32>
      %parallel_loop3A_882 = arith.constant 0 : i32
      %parallel_loop3A_883 = arith.index_cast %parallel_loop3A_882 : i32 to index
      %parallel_loop3A_884 = arith.index_cast %parallel_loop3A_874 : i32 to index
      %parallel_loop3A_885 = arith.index_cast %parallel_loop3A_877 : i32 to index
      %parallel_loop3A_886 = tpu.vector_load %arg7[%parallel_loop3A_883, %parallel_loop3A_884, %parallel_loop3A_885] {strides = array<i32>} : memref<1x32x512xf32, #tpu.memory_space<vmem>>, vector<1x1x16xf32>,
      %parallel_loop3A_887 = vector.shape_cast %parallel_loop3A_886 : vector<1x1x16xf32> to vector<16xf32>
      %parallel_loop3A_888 = vector.shape_cast %parallel_loop3A_881 : vector<16xf32> to vector<1x1x16xf32>
      tpu.vector_store %arg7[%parallel_loop3A_883, %parallel_loop3A_884, %parallel_loop3A_885], %parallel_loop3A_888 {add = true, strides = array<i32>} : memref<1x32x512xf32, #tpu.memory_space<vmem>>, vector<1x1x16xf32>,
    } {sc.loop_unroll_factor = 8 : i64, sc.parallel_access}
    %dma_start3A_542 = arith.constant 19 : i32
    %dma_start3A_543 = arith.constant 0 : i32
    %dma_start3A_544 = tpu.memref_slice %arg4[%dma_start3A_542, %mul3A_2, %dma_start3A_543] : memref<32x1024x512xf32, #tpu.memory_space<hbm>> -> memref<1x32x512xf32, #tpu.memory_space<hbm>>
    %dma_start3A_545 = arith.constant 19 : i32
    %dma_start3A_546 = arith.constant 0 : i32
    %dma_start3A_547 = tpu.memref_slice %arg4[%dma_start3A_545, %mul3A_2, %dma_start3A_546] : memref<32x1024x512xf32, #tpu.memory_space<hbm>> -> memref<1x32x512xf32, #tpu.memory_space<hbm>>
    tpu.enqueue_dma source(%arg7 : memref<1x32x512xf32, #tpu.memory_space<vmem>>) target(%dma_start3A_547 : memref<1x32x512xf32, #tpu.memory_space<hbm>>) target_semaphore(%arg19 : memref<!tpu.dma_semaphore, #tpu.memory_space<semaphore_mem>>)
    %dma_wait3A_548 = arith.constant 17 : i32
    %dma_wait3A_549 = arith.constant 0 : i32
    %dma_wait3A_550 = tpu.memref_slice %arg4[%dma_wait3A_548, %mul3A_2, %dma_wait3A_549] : memref<32x1024x512xf32, #tpu.memory_space<hbm>> -> memref<1x32x512xf32, #tpu.memory_space<hbm>>
    %dma_wait3A_551 = arith.constant 17 : i32
    %dma_wait3A_552 = arith.constant 0 : i32
    %dma_wait3A_553 = tpu.memref_slice %arg4[%dma_wait3A_551, %mul3A_2, %dma_wait3A_552] : memref<32x1024x512xf32, #tpu.memory_space<hbm>> -> memref<1x32x512xf32, #tpu.memory_space<hbm>>
    tpu.wait_dma2 semaphore(%arg23 : memref<!tpu.dma_semaphore, #tpu.memory_space<semaphore_mem>>) src(%arg11 : memref<1x32x512xf32, #tpu.memory_space<vmem>>) dst(%dma_wait3A_553 : memref<1x32x512xf32, #tpu.memory_space<hbm>>)
    %dma_start3A_554 = arith.constant 23 : i32
    %dma_start3A_555 = arith.constant 0 : i32
    %dma_start3A_556 = tpu.memref_slice %arg2[%dma_start3A_554, %mul3A_2, %dma_start3A_555] : memref<32x1024x512xf32, #tpu.memory_space<hbm>> -> memref<1x32x512xf32, #tpu.memory_space<hbm>>
    %dma_start3A_557 = arith.constant 23 : i32
    %dma_start3A_558 = arith.constant 0 : i32
    %dma_start3A_559 = tpu.memref_slice %arg2[%dma_start3A_557, %mul3A_2, %dma_start3A_558] : memref<32x1024x512xf32, #tpu.memory_space<hbm>> -> memref<1x32x512xf32, #tpu.memory_space<hbm>>
    tpu.enqueue_dma source(%dma_start3A_559 : memref<1x32x512xf32, #tpu.memory_space<hbm>>) target(%arg11 : memref<1x32x512xf32, #tpu.memory_space<vmem>>) target_semaphore(%arg17 : memref<!tpu.dma_semaphore, #tpu.memory_space<semaphore_mem>>)
    %dma_wait3A_560 = arith.constant 20 : i32
    %dma_wait3A_561 = arith.constant 0 : i32
    %dma_wait3A_562 = tpu.memref_slice %arg2[%dma_wait3A_560, %mul3A_2, %dma_wait3A_561] : memref<32x1024x512xf32, #tpu.memory_space<hbm>> -> memref<1x32x512xf32, #tpu.memory_space<hbm>>
    %dma_wait3A_563 = arith.constant 20 : i32
    %dma_wait3A_564 = arith.constant 0 : i32
    %dma_wait3A_565 = tpu.memref_slice %arg2[%dma_wait3A_563, %mul3A_2, %dma_wait3A_564] : memref<32x1024x512xf32, #tpu.memory_space<hbm>> -> memref<1x32x512xf32, #tpu.memory_space<hbm>>
    tpu.wait_dma2 semaphore(%arg14 : memref<!tpu.dma_semaphore, #tpu.memory_space<semaphore_mem>>) src(%dma_wait3A_565 : memref<1x32x512xf32, #tpu.memory_space<hbm>>) dst(%arg8 : memref<1x32x512xf32, #tpu.memory_space<vmem>>)
    %parallel_loop3A_566 = arith.constant 0 : i32
    %parallel_loop3A_567 = arith.constant 16384 : i32
    %parallel_loop3A_568 = arith.constant 16 : i32
    scf.for %parallel_loop3A_872 = %parallel_loop3A_566 to %parallel_loop3A_567 step %parallel_loop3A_568  : i32 {
      %parallel_loop3A_873 = arith.constant 9 : i32
      %parallel_loop3A_874 = arith.shrsi %parallel_loop3A_872, %parallel_loop3A_873 : i32
      %parallel_loop3A_875 = arith.constant 511 : i32
      %parallel_loop3A_876 = arith.andi %parallel_loop3A_872, %parallel_loop3A_875 : i32
      %parallel_loop3A_877 = tpu.assume_multiple %parallel_loop3A_876, 16 : i32
      %parallel_loop3A_878 = arith.index_cast %parallel_loop3A_874 : i32 to index
      %parallel_loop3A_879 = arith.index_cast %parallel_loop3A_877 : i32 to index
      %parallel_loop3A_880 = tpu.vector_load %arg5[%parallel_loop3A_878, %parallel_loop3A_879] {strides = array<i32>} : memref<32x512xf32, #tpu.memory_space<vmem>>, vector<1x16xf32>,
      %parallel_loop3A_881 = vector.shape_cast %parallel_loop3A_880 : vector<1x16xf32> to vector<16xf32>
      %parallel_loop3A_882 = arith.constant 0 : i32
      %parallel_loop3A_883 = arith.index_cast %parallel_loop3A_882 : i32 to index
      %parallel_loop3A_884 = arith.index_cast %parallel_loop3A_874 : i32 to index
      %parallel_loop3A_885 = arith.index_cast %parallel_loop3A_877 : i32 to index
      %parallel_loop3A_886 = tpu.vector_load %arg8[%parallel_loop3A_883, %parallel_loop3A_884, %parallel_loop3A_885] {strides = array<i32>} : memref<1x32x512xf32, #tpu.memory_space<vmem>>, vector<1x1x16xf32>,
      %parallel_loop3A_887 = vector.shape_cast %parallel_loop3A_886 : vector<1x1x16xf32> to vector<16xf32>
      %parallel_loop3A_888 = vector.shape_cast %parallel_loop3A_881 : vector<16xf32> to vector<1x1x16xf32>
      tpu.vector_store %arg8[%parallel_loop3A_883, %parallel_loop3A_884, %parallel_loop3A_885], %parallel_loop3A_888 {add = true, strides = array<i32>} : memref<1x32x512xf32, #tpu.memory_space<vmem>>, vector<1x1x16xf32>,
    } {sc.loop_unroll_factor = 8 : i64, sc.parallel_access}
    %dma_start3A_569 = arith.constant 20 : i32
    %dma_start3A_570 = arith.constant 0 : i32
    %dma_start3A_571 = tpu.memref_slice %arg4[%dma_start3A_569, %mul3A_2, %dma_start3A_570] : memref<32x1024x512xf32, #tpu.memory_space<hbm>> -> memref<1x32x512xf32, #tpu.memory_space<hbm>>
    %dma_start3A_572 = arith.constant 20 : i32
    %dma_start3A_573 = arith.constant 0 : i32
    %dma_start3A_574 = tpu.memref_slice %arg4[%dma_start3A_572, %mul3A_2, %dma_start3A_573] : memref<32x1024x512xf32, #tpu.memory_space<hbm>> -> memref<1x32x512xf32, #tpu.memory_space<hbm>>
    tpu.enqueue_dma source(%arg8 : memref<1x32x512xf32, #tpu.memory_space<vmem>>) target(%dma_start3A_574 : memref<1x32x512xf32, #tpu.memory_space<hbm>>) target_semaphore(%arg20 : memref<!tpu.dma_semaphore, #tpu.memory_space<semaphore_mem>>)
    %dma_wait3A_575 = arith.constant 18 : i32
    %dma_wait3A_576 = arith.constant 0 : i32
    %dma_wait3A_577 = tpu.memref_slice %arg4[%dma_wait3A_575, %mul3A_2, %dma_wait3A_576] : memref<32x1024x512xf32, #tpu.memory_space<hbm>> -> memref<1x32x512xf32, #tpu.memory_space<hbm>>
    %dma_wait3A_578 = arith.constant 18 : i32
    %dma_wait3A_579 = arith.constant 0 : i32
    %dma_wait3A_580 = tpu.memref_slice %arg4[%dma_wait3A_578, %mul3A_2, %dma_wait3A_579] : memref<32x1024x512xf32, #tpu.memory_space<hbm>> -> memref<1x32x512xf32, #tpu.memory_space<hbm>>
    tpu.wait_dma2 semaphore(%arg18 : memref<!tpu.dma_semaphore, #tpu.memory_space<semaphore_mem>>) src(%arg6 : memref<1x32x512xf32, #tpu.memory_space<vmem>>) dst(%dma_wait3A_580 : memref<1x32x512xf32, #tpu.memory_space<hbm>>)
    %dma_start3A_581 = arith.constant 24 : i32
    %dma_start3A_582 = arith.constant 0 : i32
    %dma_start3A_583 = tpu.memref_slice %arg2[%dma_start3A_581, %mul3A_2, %dma_start3A_582] : memref<32x1024x512xf32, #tpu.memory_space<hbm>> -> memref<1x32x512xf32, #tpu.memory_space<hbm>>
    %dma_start3A_584 = arith.constant 24 : i32
    %dma_start3A_585 = arith.constant 0 : i32
    %dma_start3A_586 = tpu.memref_slice %arg2[%dma_start3A_584, %mul3A_2, %dma_start3A_585] : memref<32x1024x512xf32, #tpu.memory_space<hbm>> -> memref<1x32x512xf32, #tpu.memory_space<hbm>>
    tpu.enqueue_dma source(%dma_start3A_586 : memref<1x32x512xf32, #tpu.memory_space<hbm>>) target(%arg6 : memref<1x32x512xf32, #tpu.memory_space<vmem>>) target_semaphore(%arg12 : memref<!tpu.dma_semaphore, #tpu.memory_space<semaphore_mem>>)
    %dma_wait3A_587 = arith.constant 21 : i32
    %dma_wait3A_588 = arith.constant 0 : i32
    %dma_wait3A_589 = tpu.memref_slice %arg2[%dma_wait3A_587, %mul3A_2, %dma_wait3A_588] : memref<32x1024x512xf32, #tpu.memory_space<hbm>> -> memref<1x32x512xf32, #tpu.memory_space<hbm>>
    %dma_wait3A_590 = arith.constant 21 : i32
    %dma_wait3A_591 = arith.constant 0 : i32
    %dma_wait3A_592 = tpu.memref_slice %arg2[%dma_wait3A_590, %mul3A_2, %dma_wait3A_591] : memref<32x1024x512xf32, #tpu.memory_space<hbm>> -> memref<1x32x512xf32, #tpu.memory_space<hbm>>
    tpu.wait_dma2 semaphore(%arg15 : memref<!tpu.dma_semaphore, #tpu.memory_space<semaphore_mem>>) src(%dma_wait3A_592 : memref<1x32x512xf32, #tpu.memory_space<hbm>>) dst(%arg9 : memref<1x32x512xf32, #tpu.memory_space<vmem>>)
    %parallel_loop3A_593 = arith.constant 0 : i32
    %parallel_loop3A_594 = arith.constant 16384 : i32
    %parallel_loop3A_595 = arith.constant 16 : i32
    scf.for %parallel_loop3A_872 = %parallel_loop3A_593 to %parallel_loop3A_594 step %parallel_loop3A_595  : i32 {
      %parallel_loop3A_873 = arith.constant 9 : i32
      %parallel_loop3A_874 = arith.shrsi %parallel_loop3A_872, %parallel_loop3A_873 : i32
      %parallel_loop3A_875 = arith.constant 511 : i32
      %parallel_loop3A_876 = arith.andi %parallel_loop3A_872, %parallel_loop3A_875 : i32
      %parallel_loop3A_877 = tpu.assume_multiple %parallel_loop3A_876, 16 : i32
      %parallel_loop3A_878 = arith.index_cast %parallel_loop3A_874 : i32 to index
      %parallel_loop3A_879 = arith.index_cast %parallel_loop3A_877 : i32 to index
      %parallel_loop3A_880 = tpu.vector_load %arg5[%parallel_loop3A_878, %parallel_loop3A_879] {strides = array<i32>} : memref<32x512xf32, #tpu.memory_space<vmem>>, vector<1x16xf32>,
      %parallel_loop3A_881 = vector.shape_cast %parallel_loop3A_880 : vector<1x16xf32> to vector<16xf32>
      %parallel_loop3A_882 = arith.constant 0 : i32
      %parallel_loop3A_883 = arith.index_cast %parallel_loop3A_882 : i32 to index
      %parallel_loop3A_884 = arith.index_cast %parallel_loop3A_874 : i32 to index
      %parallel_loop3A_885 = arith.index_cast %parallel_loop3A_877 : i32 to index
      %parallel_loop3A_886 = tpu.vector_load %arg9[%parallel_loop3A_883, %parallel_loop3A_884, %parallel_loop3A_885] {strides = array<i32>} : memref<1x32x512xf32, #tpu.memory_space<vmem>>, vector<1x1x16xf32>,
      %parallel_loop3A_887 = vector.shape_cast %parallel_loop3A_886 : vector<1x1x16xf32> to vector<16xf32>
      %parallel_loop3A_888 = vector.shape_cast %parallel_loop3A_881 : vector<16xf32> to vector<1x1x16xf32>
      tpu.vector_store %arg9[%parallel_loop3A_883, %parallel_loop3A_884, %parallel_loop3A_885], %parallel_loop3A_888 {add = true, strides = array<i32>} : memref<1x32x512xf32, #tpu.memory_space<vmem>>, vector<1x1x16xf32>,
    } {sc.loop_unroll_factor = 8 : i64, sc.parallel_access}
    %dma_start3A_596 = arith.constant 21 : i32
    %dma_start3A_597 = arith.constant 0 : i32
    %dma_start3A_598 = tpu.memref_slice %arg4[%dma_start3A_596, %mul3A_2, %dma_start3A_597] : memref<32x1024x512xf32, #tpu.memory_space<hbm>> -> memref<1x32x512xf32, #tpu.memory_space<hbm>>
    %dma_start3A_599 = arith.constant 21 : i32
    %dma_start3A_600 = arith.constant 0 : i32
    %dma_start3A_601 = tpu.memref_slice %arg4[%dma_start3A_599, %mul3A_2, %dma_start3A_600] : memref<32x1024x512xf32, #tpu.memory_space<hbm>> -> memref<1x32x512xf32, #tpu.memory_space<hbm>>
    tpu.enqueue_dma source(%arg9 : memref<1x32x512xf32, #tpu.memory_space<vmem>>) target(%dma_start3A_601 : memref<1x32x512xf32, #tpu.memory_space<hbm>>) target_semaphore(%arg21 : memref<!tpu.dma_semaphore, #tpu.memory_space<semaphore_mem>>)
    %dma_wait3A_602 = arith.constant 19 : i32
    %dma_wait3A_603 = arith.constant 0 : i32
    %dma_wait3A_604 = tpu.memref_slice %arg4[%dma_wait3A_602, %mul3A_2, %dma_wait3A_603] : memref<32x1024x512xf32, #tpu.memory_space<hbm>> -> memref<1x32x512xf32, #tpu.memory_space<hbm>>
    %dma_wait3A_605 = arith.constant 19 : i32
    %dma_wait3A_606 = arith.constant 0 : i32
    %dma_wait3A_607 = tpu.memref_slice %arg4[%dma_wait3A_605, %mul3A_2, %dma_wait3A_606] : memref<32x1024x512xf32, #tpu.memory_space<hbm>> -> memref<1x32x512xf32, #tpu.memory_space<hbm>>
    tpu.wait_dma2 semaphore(%arg19 : memref<!tpu.dma_semaphore, #tpu.memory_space<semaphore_mem>>) src(%arg7 : memref<1x32x512xf32, #tpu.memory_space<vmem>>) dst(%dma_wait3A_607 : memref<1x32x512xf32, #tpu.memory_space<hbm>>)
    %dma_start3A_608 = arith.constant 25 : i32
    %dma_start3A_609 = arith.constant 0 : i32
    %dma_start3A_610 = tpu.memref_slice %arg2[%dma_start3A_608, %mul3A_2, %dma_start3A_609] : memref<32x1024x512xf32, #tpu.memory_space<hbm>> -> memref<1x32x512xf32, #tpu.memory_space<hbm>>
    %dma_start3A_611 = arith.constant 25 : i32
    %dma_start3A_612 = arith.constant 0 : i32
    %dma_start3A_613 = tpu.memref_slice %arg2[%dma_start3A_611, %mul3A_2, %dma_start3A_612] : memref<32x1024x512xf32, #tpu.memory_space<hbm>> -> memref<1x32x512xf32, #tpu.memory_space<hbm>>
    tpu.enqueue_dma source(%dma_start3A_613 : memref<1x32x512xf32, #tpu.memory_space<hbm>>) target(%arg7 : memref<1x32x512xf32, #tpu.memory_space<vmem>>) target_semaphore(%arg13 : memref<!tpu.dma_semaphore, #tpu.memory_space<semaphore_mem>>)
    %dma_wait3A_614 = arith.constant 22 : i32
    %dma_wait3A_615 = arith.constant 0 : i32
    %dma_wait3A_616 = tpu.memref_slice %arg2[%dma_wait3A_614, %mul3A_2, %dma_wait3A_615] : memref<32x1024x512xf32, #tpu.memory_space<hbm>> -> memref<1x32x512xf32, #tpu.memory_space<hbm>>
    %dma_wait3A_617 = arith.constant 22 : i32
    %dma_wait3A_618 = arith.constant 0 : i32
    %dma_wait3A_619 = tpu.memref_slice %arg2[%dma_wait3A_617, %mul3A_2, %dma_wait3A_618] : memref<32x1024x512xf32, #tpu.memory_space<hbm>> -> memref<1x32x512xf32, #tpu.memory_space<hbm>>
    tpu.wait_dma2 semaphore(%arg16 : memref<!tpu.dma_semaphore, #tpu.memory_space<semaphore_mem>>) src(%dma_wait3A_619 : memref<1x32x512xf32, #tpu.memory_space<hbm>>) dst(%arg10 : memref<1x32x512xf32, #tpu.memory_space<vmem>>)
    %parallel_loop3A_620 = arith.constant 0 : i32
    %parallel_loop3A_621 = arith.constant 16384 : i32
    %parallel_loop3A_622 = arith.constant 16 : i32
    scf.for %parallel_loop3A_872 = %parallel_loop3A_620 to %parallel_loop3A_621 step %parallel_loop3A_622  : i32 {
      %parallel_loop3A_873 = arith.constant 9 : i32
      %parallel_loop3A_874 = arith.shrsi %parallel_loop3A_872, %parallel_loop3A_873 : i32
      %parallel_loop3A_875 = arith.constant 511 : i32
      %parallel_loop3A_876 = arith.andi %parallel_loop3A_872, %parallel_loop3A_875 : i32
      %parallel_loop3A_877 = tpu.assume_multiple %parallel_loop3A_876, 16 : i32
      %parallel_loop3A_878 = arith.index_cast %parallel_loop3A_874 : i32 to index
      %parallel_loop3A_879 = arith.index_cast %parallel_loop3A_877 : i32 to index
      %parallel_loop3A_880 = tpu.vector_load %arg5[%parallel_loop3A_878, %parallel_loop3A_879] {strides = array<i32>} : memref<32x512xf32, #tpu.memory_space<vmem>>, vector<1x16xf32>,
      %parallel_loop3A_881 = vector.shape_cast %parallel_loop3A_880 : vector<1x16xf32> to vector<16xf32>
      %parallel_loop3A_882 = arith.constant 0 : i32
      %parallel_loop3A_883 = arith.index_cast %parallel_loop3A_882 : i32 to index
      %parallel_loop3A_884 = arith.index_cast %parallel_loop3A_874 : i32 to index
      %parallel_loop3A_885 = arith.index_cast %parallel_loop3A_877 : i32 to index
      %parallel_loop3A_886 = tpu.vector_load %arg10[%parallel_loop3A_883, %parallel_loop3A_884, %parallel_loop3A_885] {strides = array<i32>} : memref<1x32x512xf32, #tpu.memory_space<vmem>>, vector<1x1x16xf32>,
      %parallel_loop3A_887 = vector.shape_cast %parallel_loop3A_886 : vector<1x1x16xf32> to vector<16xf32>
      %parallel_loop3A_888 = vector.shape_cast %parallel_loop3A_881 : vector<16xf32> to vector<1x1x16xf32>
      tpu.vector_store %arg10[%parallel_loop3A_883, %parallel_loop3A_884, %parallel_loop3A_885], %parallel_loop3A_888 {add = true, strides = array<i32>} : memref<1x32x512xf32, #tpu.memory_space<vmem>>, vector<1x1x16xf32>,
    } {sc.loop_unroll_factor = 8 : i64, sc.parallel_access}
    %dma_start3A_623 = arith.constant 22 : i32
    %dma_start3A_624 = arith.constant 0 : i32
    %dma_start3A_625 = tpu.memref_slice %arg4[%dma_start3A_623, %mul3A_2, %dma_start3A_624] : memref<32x1024x512xf32, #tpu.memory_space<hbm>> -> memref<1x32x512xf32, #tpu.memory_space<hbm>>
    %dma_start3A_626 = arith.constant 22 : i32
    %dma_start3A_627 = arith.constant 0 : i32
    %dma_start3A_628 = tpu.memref_slice %arg4[%dma_start3A_626, %mul3A_2, %dma_start3A_627] : memref<32x1024x512xf32, #tpu.memory_space<hbm>> -> memref<1x32x512xf32, #tpu.memory_space<hbm>>
    tpu.enqueue_dma source(%arg10 : memref<1x32x512xf32, #tpu.memory_space<vmem>>) target(%dma_start3A_628 : memref<1x32x512xf32, #tpu.memory_space<hbm>>) target_semaphore(%arg22 : memref<!tpu.dma_semaphore, #tpu.memory_space<semaphore_mem>>)
    %dma_wait3A_629 = arith.constant 20 : i32
    %dma_wait3A_630 = arith.constant 0 : i32
    %dma_wait3A_631 = tpu.memref_slice %arg4[%dma_wait3A_629, %mul3A_2, %dma_wait3A_630] : memref<32x1024x512xf32, #tpu.memory_space<hbm>> -> memref<1x32x512xf32, #tpu.memory_space<hbm>>
    %dma_wait3A_632 = arith.constant 20 : i32
    %dma_wait3A_633 = arith.constant 0 : i32
    %dma_wait3A_634 = tpu.memref_slice %arg4[%dma_wait3A_632, %mul3A_2, %dma_wait3A_633] : memref<32x1024x512xf32, #tpu.memory_space<hbm>> -> memref<1x32x512xf32, #tpu.memory_space<hbm>>
    tpu.wait_dma2 semaphore(%arg20 : memref<!tpu.dma_semaphore, #tpu.memory_space<semaphore_mem>>) src(%arg8 : memref<1x32x512xf32, #tpu.memory_space<vmem>>) dst(%dma_wait3A_634 : memref<1x32x512xf32, #tpu.memory_space<hbm>>)
    %dma_start3A_635 = arith.constant 26 : i32
    %dma_start3A_636 = arith.constant 0 : i32
    %dma_start3A_637 = tpu.memref_slice %arg2[%dma_start3A_635, %mul3A_2, %dma_start3A_636] : memref<32x1024x512xf32, #tpu.memory_space<hbm>> -> memref<1x32x512xf32, #tpu.memory_space<hbm>>
    %dma_start3A_638 = arith.constant 26 : i32
    %dma_start3A_639 = arith.constant 0 : i32
    %dma_start3A_640 = tpu.memref_slice %arg2[%dma_start3A_638, %mul3A_2, %dma_start3A_639] : memref<32x1024x512xf32, #tpu.memory_space<hbm>> -> memref<1x32x512xf32, #tpu.memory_space<hbm>>
    tpu.enqueue_dma source(%dma_start3A_640 : memref<1x32x512xf32, #tpu.memory_space<hbm>>) target(%arg8 : memref<1x32x512xf32, #tpu.memory_space<vmem>>) target_semaphore(%arg14 : memref<!tpu.dma_semaphore, #tpu.memory_space<semaphore_mem>>)
    %dma_wait3A_641 = arith.constant 23 : i32
    %dma_wait3A_642 = arith.constant 0 : i32
    %dma_wait3A_643 = tpu.memref_slice %arg2[%dma_wait3A_641, %mul3A_2, %dma_wait3A_642] : memref<32x1024x512xf32, #tpu.memory_space<hbm>> -> memref<1x32x512xf32, #tpu.memory_space<hbm>>
    %dma_wait3A_644 = arith.constant 23 : i32
    %dma_wait3A_645 = arith.constant 0 : i32
    %dma_wait3A_646 = tpu.memref_slice %arg2[%dma_wait3A_644, %mul3A_2, %dma_wait3A_645] : memref<32x1024x512xf32, #tpu.memory_space<hbm>> -> memref<1x32x512xf32, #tpu.memory_space<hbm>>
    tpu.wait_dma2 semaphore(%arg17 : memref<!tpu.dma_semaphore, #tpu.memory_space<semaphore_mem>>) src(%dma_wait3A_646 : memref<1x32x512xf32, #tpu.memory_space<hbm>>) dst(%arg11 : memref<1x32x512xf32, #tpu.memory_space<vmem>>)
    %parallel_loop3A_647 = arith.constant 0 : i32
    %parallel_loop3A_648 = arith.constant 16384 : i32
    %parallel_loop3A_649 = arith.constant 16 : i32
    scf.for %parallel_loop3A_872 = %parallel_loop3A_647 to %parallel_loop3A_648 step %parallel_loop3A_649  : i32 {
      %parallel_loop3A_873 = arith.constant 9 : i32
      %parallel_loop3A_874 = arith.shrsi %parallel_loop3A_872, %parallel_loop3A_873 : i32
      %parallel_loop3A_875 = arith.constant 511 : i32
      %parallel_loop3A_876 = arith.andi %parallel_loop3A_872, %parallel_loop3A_875 : i32
      %parallel_loop3A_877 = tpu.assume_multiple %parallel_loop3A_876, 16 : i32
      %parallel_loop3A_878 = arith.index_cast %parallel_loop3A_874 : i32 to index
      %parallel_loop3A_879 = arith.index_cast %parallel_loop3A_877 : i32 to index
      %parallel_loop3A_880 = tpu.vector_load %arg5[%parallel_loop3A_878, %parallel_loop3A_879] {strides = array<i32>} : memref<32x512xf32, #tpu.memory_space<vmem>>, vector<1x16xf32>,
      %parallel_loop3A_881 = vector.shape_cast %parallel_loop3A_880 : vector<1x16xf32> to vector<16xf32>
      %parallel_loop3A_882 = arith.constant 0 : i32
      %parallel_loop3A_883 = arith.index_cast %parallel_loop3A_882 : i32 to index
      %parallel_loop3A_884 = arith.index_cast %parallel_loop3A_874 : i32 to index
      %parallel_loop3A_885 = arith.index_cast %parallel_loop3A_877 : i32 to index
      %parallel_loop3A_886 = tpu.vector_load %arg11[%parallel_loop3A_883, %parallel_loop3A_884, %parallel_loop3A_885] {strides = array<i32>} : memref<1x32x512xf32, #tpu.memory_space<vmem>>, vector<1x1x16xf32>,
      %parallel_loop3A_887 = vector.shape_cast %parallel_loop3A_886 : vector<1x1x16xf32> to vector<16xf32>
      %parallel_loop3A_888 = vector.shape_cast %parallel_loop3A_881 : vector<16xf32> to vector<1x1x16xf32>
      tpu.vector_store %arg11[%parallel_loop3A_883, %parallel_loop3A_884, %parallel_loop3A_885], %parallel_loop3A_888 {add = true, strides = array<i32>} : memref<1x32x512xf32, #tpu.memory_space<vmem>>, vector<1x1x16xf32>,
    } {sc.loop_unroll_factor = 8 : i64, sc.parallel_access}
    %dma_start3A_650 = arith.constant 23 : i32
    %dma_start3A_651 = arith.constant 0 : i32
    %dma_start3A_652 = tpu.memref_slice %arg4[%dma_start3A_650, %mul3A_2, %dma_start3A_651] : memref<32x1024x512xf32, #tpu.memory_space<hbm>> -> memref<1x32x512xf32, #tpu.memory_space<hbm>>
    %dma_start3A_653 = arith.constant 23 : i32
    %dma_start3A_654 = arith.constant 0 : i32
    %dma_start3A_655 = tpu.memref_slice %arg4[%dma_start3A_653, %mul3A_2, %dma_start3A_654] : memref<32x1024x512xf32, #tpu.memory_space<hbm>> -> memref<1x32x512xf32, #tpu.memory_space<hbm>>
    tpu.enqueue_dma source(%arg11 : memref<1x32x512xf32, #tpu.memory_space<vmem>>) target(%dma_start3A_655 : memref<1x32x512xf32, #tpu.memory_space<hbm>>) target_semaphore(%arg23 : memref<!tpu.dma_semaphore, #tpu.memory_space<semaphore_mem>>)
    %dma_wait3A_656 = arith.constant 21 : i32
    %dma_wait3A_657 = arith.constant 0 : i32
    %dma_wait3A_658 = tpu.memref_slice %arg4[%dma_wait3A_656, %mul3A_2, %dma_wait3A_657] : memref<32x1024x512xf32, #tpu.memory_space<hbm>> -> memref<1x32x512xf32, #tpu.memory_space<hbm>>
    %dma_wait3A_659 = arith.constant 21 : i32
    %dma_wait3A_660 = arith.constant 0 : i32
    %dma_wait3A_661 = tpu.memref_slice %arg4[%dma_wait3A_659, %mul3A_2, %dma_wait3A_660] : memref<32x1024x512xf32, #tpu.memory_space<hbm>> -> memref<1x32x512xf32, #tpu.memory_space<hbm>>
    tpu.wait_dma2 semaphore(%arg21 : memref<!tpu.dma_semaphore, #tpu.memory_space<semaphore_mem>>) src(%arg9 : memref<1x32x512xf32, #tpu.memory_space<vmem>>) dst(%dma_wait3A_661 : memref<1x32x512xf32, #tpu.memory_space<hbm>>)
    %dma_start3A_662 = arith.constant 27 : i32
    %dma_start3A_663 = arith.constant 0 : i32
    %dma_start3A_664 = tpu.memref_slice %arg2[%dma_start3A_662, %mul3A_2, %dma_start3A_663] : memref<32x1024x512xf32, #tpu.memory_space<hbm>> -> memref<1x32x512xf32, #tpu.memory_space<hbm>>
    %dma_start3A_665 = arith.constant 27 : i32
    %dma_start3A_666 = arith.constant 0 : i32
    %dma_start3A_667 = tpu.memref_slice %arg2[%dma_start3A_665, %mul3A_2, %dma_start3A_666] : memref<32x1024x512xf32, #tpu.memory_space<hbm>> -> memref<1x32x512xf32, #tpu.memory_space<hbm>>
    tpu.enqueue_dma source(%dma_start3A_667 : memref<1x32x512xf32, #tpu.memory_space<hbm>>) target(%arg9 : memref<1x32x512xf32, #tpu.memory_space<vmem>>) target_semaphore(%arg15 : memref<!tpu.dma_semaphore, #tpu.memory_space<semaphore_mem>>)
    %dma_wait3A_668 = arith.constant 24 : i32
    %dma_wait3A_669 = arith.constant 0 : i32
    %dma_wait3A_670 = tpu.memref_slice %arg2[%dma_wait3A_668, %mul3A_2, %dma_wait3A_669] : memref<32x1024x512xf32, #tpu.memory_space<hbm>> -> memref<1x32x512xf32, #tpu.memory_space<hbm>>
    %dma_wait3A_671 = arith.constant 24 : i32
    %dma_wait3A_672 = arith.constant 0 : i32
    %dma_wait3A_673 = tpu.memref_slice %arg2[%dma_wait3A_671, %mul3A_2, %dma_wait3A_672] : memref<32x1024x512xf32, #tpu.memory_space<hbm>> -> memref<1x32x512xf32, #tpu.memory_space<hbm>>
    tpu.wait_dma2 semaphore(%arg12 : memref<!tpu.dma_semaphore, #tpu.memory_space<semaphore_mem>>) src(%dma_wait3A_673 : memref<1x32x512xf32, #tpu.memory_space<hbm>>) dst(%arg6 : memref<1x32x512xf32, #tpu.memory_space<vmem>>)
    %parallel_loop3A_674 = arith.constant 0 : i32
    %parallel_loop3A_675 = arith.constant 16384 : i32
    %parallel_loop3A_676 = arith.constant 16 : i32
    scf.for %parallel_loop3A_872 = %parallel_loop3A_674 to %parallel_loop3A_675 step %parallel_loop3A_676  : i32 {
      %parallel_loop3A_873 = arith.constant 9 : i32
      %parallel_loop3A_874 = arith.shrsi %parallel_loop3A_872, %parallel_loop3A_873 : i32
      %parallel_loop3A_875 = arith.constant 511 : i32
      %parallel_loop3A_876 = arith.andi %parallel_loop3A_872, %parallel_loop3A_875 : i32
      %parallel_loop3A_877 = tpu.assume_multiple %parallel_loop3A_876, 16 : i32
      %parallel_loop3A_878 = arith.index_cast %parallel_loop3A_874 : i32 to index
      %parallel_loop3A_879 = arith.index_cast %parallel_loop3A_877 : i32 to index
      %parallel_loop3A_880 = tpu.vector_load %arg5[%parallel_loop3A_878, %parallel_loop3A_879] {strides = array<i32>} : memref<32x512xf32, #tpu.memory_space<vmem>>, vector<1x16xf32>,
      %parallel_loop3A_881 = vector.shape_cast %parallel_loop3A_880 : vector<1x16xf32> to vector<16xf32>
      %parallel_loop3A_882 = arith.constant 0 : i32
      %parallel_loop3A_883 = arith.index_cast %parallel_loop3A_882 : i32 to index
      %parallel_loop3A_884 = arith.index_cast %parallel_loop3A_874 : i32 to index
      %parallel_loop3A_885 = arith.index_cast %parallel_loop3A_877 : i32 to index
      %parallel_loop3A_886 = tpu.vector_load %arg6[%parallel_loop3A_883, %parallel_loop3A_884, %parallel_loop3A_885] {strides = array<i32>} : memref<1x32x512xf32, #tpu.memory_space<vmem>>, vector<1x1x16xf32>,
      %parallel_loop3A_887 = vector.shape_cast %parallel_loop3A_886 : vector<1x1x16xf32> to vector<16xf32>
      %parallel_loop3A_888 = vector.shape_cast %parallel_loop3A_881 : vector<16xf32> to vector<1x1x16xf32>
      tpu.vector_store %arg6[%parallel_loop3A_883, %parallel_loop3A_884, %parallel_loop3A_885], %parallel_loop3A_888 {add = true, strides = array<i32>} : memref<1x32x512xf32, #tpu.memory_space<vmem>>, vector<1x1x16xf32>,
    } {sc.loop_unroll_factor = 8 : i64, sc.parallel_access}
    %dma_start3A_677 = arith.constant 24 : i32
    %dma_start3A_678 = arith.constant 0 : i32
    %dma_start3A_679 = tpu.memref_slice %arg4[%dma_start3A_677, %mul3A_2, %dma_start3A_678] : memref<32x1024x512xf32, #tpu.memory_space<hbm>> -> memref<1x32x512xf32, #tpu.memory_space<hbm>>
    %dma_start3A_680 = arith.constant 24 : i32
    %dma_start3A_681 = arith.constant 0 : i32
    %dma_start3A_682 = tpu.memref_slice %arg4[%dma_start3A_680, %mul3A_2, %dma_start3A_681] : memref<32x1024x512xf32, #tpu.memory_space<hbm>> -> memref<1x32x512xf32, #tpu.memory_space<hbm>>
    tpu.enqueue_dma source(%arg6 : memref<1x32x512xf32, #tpu.memory_space<vmem>>) target(%dma_start3A_682 : memref<1x32x512xf32, #tpu.memory_space<hbm>>) target_semaphore(%arg18 : memref<!tpu.dma_semaphore, #tpu.memory_space<semaphore_mem>>)
    %dma_wait3A_683 = arith.constant 22 : i32
    %dma_wait3A_684 = arith.constant 0 : i32
    %dma_wait3A_685 = tpu.memref_slice %arg4[%dma_wait3A_683, %mul3A_2, %dma_wait3A_684] : memref<32x1024x512xf32, #tpu.memory_space<hbm>> -> memref<1x32x512xf32, #tpu.memory_space<hbm>>
    %dma_wait3A_686 = arith.constant 22 : i32
    %dma_wait3A_687 = arith.constant 0 : i32
    %dma_wait3A_688 = tpu.memref_slice %arg4[%dma_wait3A_686, %mul3A_2, %dma_wait3A_687] : memref<32x1024x512xf32, #tpu.memory_space<hbm>> -> memref<1x32x512xf32, #tpu.memory_space<hbm>>
    tpu.wait_dma2 semaphore(%arg22 : memref<!tpu.dma_semaphore, #tpu.memory_space<semaphore_mem>>) src(%arg10 : memref<1x32x512xf32, #tpu.memory_space<vmem>>) dst(%dma_wait3A_688 : memref<1x32x512xf32, #tpu.memory_space<hbm>>)
    %dma_start3A_689 = arith.constant 28 : i32
    %dma_start3A_690 = arith.constant 0 : i32
    %dma_start3A_691 = tpu.memref_slice %arg2[%dma_start3A_689, %mul3A_2, %dma_start3A_690] : memref<32x1024x512xf32, #tpu.memory_space<hbm>> -> memref<1x32x512xf32, #tpu.memory_space<hbm>>
    %dma_start3A_692 = arith.constant 28 : i32
    %dma_start3A_693 = arith.constant 0 : i32
    %dma_start3A_694 = tpu.memref_slice %arg2[%dma_start3A_692, %mul3A_2, %dma_start3A_693] : memref<32x1024x512xf32, #tpu.memory_space<hbm>> -> memref<1x32x512xf32, #tpu.memory_space<hbm>>
    tpu.enqueue_dma source(%dma_start3A_694 : memref<1x32x512xf32, #tpu.memory_space<hbm>>) target(%arg10 : memref<1x32x512xf32, #tpu.memory_space<vmem>>) target_semaphore(%arg16 : memref<!tpu.dma_semaphore, #tpu.memory_space<semaphore_mem>>)
    %dma_wait3A_695 = arith.constant 25 : i32
    %dma_wait3A_696 = arith.constant 0 : i32
    %dma_wait3A_697 = tpu.memref_slice %arg2[%dma_wait3A_695, %mul3A_2, %dma_wait3A_696] : memref<32x1024x512xf32, #tpu.memory_space<hbm>> -> memref<1x32x512xf32, #tpu.memory_space<hbm>>
    %dma_wait3A_698 = arith.constant 25 : i32
    %dma_wait3A_699 = arith.constant 0 : i32
    %dma_wait3A_700 = tpu.memref_slice %arg2[%dma_wait3A_698, %mul3A_2, %dma_wait3A_699] : memref<32x1024x512xf32, #tpu.memory_space<hbm>> -> memref<1x32x512xf32, #tpu.memory_space<hbm>>
    tpu.wait_dma2 semaphore(%arg13 : memref<!tpu.dma_semaphore, #tpu.memory_space<semaphore_mem>>) src(%dma_wait3A_700 : memref<1x32x512xf32, #tpu.memory_space<hbm>>) dst(%arg7 : memref<1x32x512xf32, #tpu.memory_space<vmem>>)
    %parallel_loop3A_701 = arith.constant 0 : i32
    %parallel_loop3A_702 = arith.constant 16384 : i32
    %parallel_loop3A_703 = arith.constant 16 : i32
    scf.for %parallel_loop3A_872 = %parallel_loop3A_701 to %parallel_loop3A_702 step %parallel_loop3A_703  : i32 {
      %parallel_loop3A_873 = arith.constant 9 : i32
      %parallel_loop3A_874 = arith.shrsi %parallel_loop3A_872, %parallel_loop3A_873 : i32
      %parallel_loop3A_875 = arith.constant 511 : i32
      %parallel_loop3A_876 = arith.andi %parallel_loop3A_872, %parallel_loop3A_875 : i32
      %parallel_loop3A_877 = tpu.assume_multiple %parallel_loop3A_876, 16 : i32
      %parallel_loop3A_878 = arith.index_cast %parallel_loop3A_874 : i32 to index
      %parallel_loop3A_879 = arith.index_cast %parallel_loop3A_877 : i32 to index
      %parallel_loop3A_880 = tpu.vector_load %arg5[%parallel_loop3A_878, %parallel_loop3A_879] {strides = array<i32>} : memref<32x512xf32, #tpu.memory_space<vmem>>, vector<1x16xf32>,
      %parallel_loop3A_881 = vector.shape_cast %parallel_loop3A_880 : vector<1x16xf32> to vector<16xf32>
      %parallel_loop3A_882 = arith.constant 0 : i32
      %parallel_loop3A_883 = arith.index_cast %parallel_loop3A_882 : i32 to index
      %parallel_loop3A_884 = arith.index_cast %parallel_loop3A_874 : i32 to index
      %parallel_loop3A_885 = arith.index_cast %parallel_loop3A_877 : i32 to index
      %parallel_loop3A_886 = tpu.vector_load %arg7[%parallel_loop3A_883, %parallel_loop3A_884, %parallel_loop3A_885] {strides = array<i32>} : memref<1x32x512xf32, #tpu.memory_space<vmem>>, vector<1x1x16xf32>,
      %parallel_loop3A_887 = vector.shape_cast %parallel_loop3A_886 : vector<1x1x16xf32> to vector<16xf32>
      %parallel_loop3A_888 = vector.shape_cast %parallel_loop3A_881 : vector<16xf32> to vector<1x1x16xf32>
      tpu.vector_store %arg7[%parallel_loop3A_883, %parallel_loop3A_884, %parallel_loop3A_885], %parallel_loop3A_888 {add = true, strides = array<i32>} : memref<1x32x512xf32, #tpu.memory_space<vmem>>, vector<1x1x16xf32>,
    } {sc.loop_unroll_factor = 8 : i64, sc.parallel_access}
    %dma_start3A_704 = arith.constant 25 : i32
    %dma_start3A_705 = arith.constant 0 : i32
    %dma_start3A_706 = tpu.memref_slice %arg4[%dma_start3A_704, %mul3A_2, %dma_start3A_705] : memref<32x1024x512xf32, #tpu.memory_space<hbm>> -> memref<1x32x512xf32, #tpu.memory_space<hbm>>
    %dma_start3A_707 = arith.constant 25 : i32
    %dma_start3A_708 = arith.constant 0 : i32
    %dma_start3A_709 = tpu.memref_slice %arg4[%dma_start3A_707, %mul3A_2, %dma_start3A_708] : memref<32x1024x512xf32, #tpu.memory_space<hbm>> -> memref<1x32x512xf32, #tpu.memory_space<hbm>>
    tpu.enqueue_dma source(%arg7 : memref<1x32x512xf32, #tpu.memory_space<vmem>>) target(%dma_start3A_709 : memref<1x32x512xf32, #tpu.memory_space<hbm>>) target_semaphore(%arg19 : memref<!tpu.dma_semaphore, #tpu.memory_space<semaphore_mem>>)
    %dma_wait3A_710 = arith.constant 23 : i32
    %dma_wait3A_711 = arith.constant 0 : i32
    %dma_wait3A_712 = tpu.memref_slice %arg4[%dma_wait3A_710, %mul3A_2, %dma_wait3A_711] : memref<32x1024x512xf32, #tpu.memory_space<hbm>> -> memref<1x32x512xf32, #tpu.memory_space<hbm>>
    %dma_wait3A_713 = arith.constant 23 : i32
    %dma_wait3A_714 = arith.constant 0 : i32
    %dma_wait3A_715 = tpu.memref_slice %arg4[%dma_wait3A_713, %mul3A_2, %dma_wait3A_714] : memref<32x1024x512xf32, #tpu.memory_space<hbm>> -> memref<1x32x512xf32, #tpu.memory_space<hbm>>
    tpu.wait_dma2 semaphore(%arg23 : memref<!tpu.dma_semaphore, #tpu.memory_space<semaphore_mem>>) src(%arg11 : memref<1x32x512xf32, #tpu.memory_space<vmem>>) dst(%dma_wait3A_715 : memref<1x32x512xf32, #tpu.memory_space<hbm>>)
    %dma_start3A_716 = arith.constant 29 : i32
    %dma_start3A_717 = arith.constant 0 : i32
    %dma_start3A_718 = tpu.memref_slice %arg2[%dma_start3A_716, %mul3A_2, %dma_start3A_717] : memref<32x1024x512xf32, #tpu.memory_space<hbm>> -> memref<1x32x512xf32, #tpu.memory_space<hbm>>
    %dma_start3A_719 = arith.constant 29 : i32
    %dma_start3A_720 = arith.constant 0 : i32
    %dma_start3A_721 = tpu.memref_slice %arg2[%dma_start3A_719, %mul3A_2, %dma_start3A_720] : memref<32x1024x512xf32, #tpu.memory_space<hbm>> -> memref<1x32x512xf32, #tpu.memory_space<hbm>>
    tpu.enqueue_dma source(%dma_start3A_721 : memref<1x32x512xf32, #tpu.memory_space<hbm>>) target(%arg11 : memref<1x32x512xf32, #tpu.memory_space<vmem>>) target_semaphore(%arg17 : memref<!tpu.dma_semaphore, #tpu.memory_space<semaphore_mem>>)
    %dma_wait3A_722 = arith.constant 26 : i32
    %dma_wait3A_723 = arith.constant 0 : i32
    %dma_wait3A_724 = tpu.memref_slice %arg2[%dma_wait3A_722, %mul3A_2, %dma_wait3A_723] : memref<32x1024x512xf32, #tpu.memory_space<hbm>> -> memref<1x32x512xf32, #tpu.memory_space<hbm>>
    %dma_wait3A_725 = arith.constant 26 : i32
    %dma_wait3A_726 = arith.constant 0 : i32
    %dma_wait3A_727 = tpu.memref_slice %arg2[%dma_wait3A_725, %mul3A_2, %dma_wait3A_726] : memref<32x1024x512xf32, #tpu.memory_space<hbm>> -> memref<1x32x512xf32, #tpu.memory_space<hbm>>
    tpu.wait_dma2 semaphore(%arg14 : memref<!tpu.dma_semaphore, #tpu.memory_space<semaphore_mem>>) src(%dma_wait3A_727 : memref<1x32x512xf32, #tpu.memory_space<hbm>>) dst(%arg8 : memref<1x32x512xf32, #tpu.memory_space<vmem>>)
    %parallel_loop3A_728 = arith.constant 0 : i32
    %parallel_loop3A_729 = arith.constant 16384 : i32
    %parallel_loop3A_730 = arith.constant 16 : i32
    scf.for %parallel_loop3A_872 = %parallel_loop3A_728 to %parallel_loop3A_729 step %parallel_loop3A_730  : i32 {
      %parallel_loop3A_873 = arith.constant 9 : i32
      %parallel_loop3A_874 = arith.shrsi %parallel_loop3A_872, %parallel_loop3A_873 : i32
      %parallel_loop3A_875 = arith.constant 511 : i32
      %parallel_loop3A_876 = arith.andi %parallel_loop3A_872, %parallel_loop3A_875 : i32
      %parallel_loop3A_877 = tpu.assume_multiple %parallel_loop3A_876, 16 : i32
      %parallel_loop3A_878 = arith.index_cast %parallel_loop3A_874 : i32 to index
      %parallel_loop3A_879 = arith.index_cast %parallel_loop3A_877 : i32 to index
      %parallel_loop3A_880 = tpu.vector_load %arg5[%parallel_loop3A_878, %parallel_loop3A_879] {strides = array<i32>} : memref<32x512xf32, #tpu.memory_space<vmem>>, vector<1x16xf32>,
      %parallel_loop3A_881 = vector.shape_cast %parallel_loop3A_880 : vector<1x16xf32> to vector<16xf32>
      %parallel_loop3A_882 = arith.constant 0 : i32
      %parallel_loop3A_883 = arith.index_cast %parallel_loop3A_882 : i32 to index
      %parallel_loop3A_884 = arith.index_cast %parallel_loop3A_874 : i32 to index
      %parallel_loop3A_885 = arith.index_cast %parallel_loop3A_877 : i32 to index
      %parallel_loop3A_886 = tpu.vector_load %arg8[%parallel_loop3A_883, %parallel_loop3A_884, %parallel_loop3A_885] {strides = array<i32>} : memref<1x32x512xf32, #tpu.memory_space<vmem>>, vector<1x1x16xf32>,
      %parallel_loop3A_887 = vector.shape_cast %parallel_loop3A_886 : vector<1x1x16xf32> to vector<16xf32>
      %parallel_loop3A_888 = vector.shape_cast %parallel_loop3A_881 : vector<16xf32> to vector<1x1x16xf32>
      tpu.vector_store %arg8[%parallel_loop3A_883, %parallel_loop3A_884, %parallel_loop3A_885], %parallel_loop3A_888 {add = true, strides = array<i32>} : memref<1x32x512xf32, #tpu.memory_space<vmem>>, vector<1x1x16xf32>,
    } {sc.loop_unroll_factor = 8 : i64, sc.parallel_access}
    %dma_start3A_731 = arith.constant 26 : i32
    %dma_start3A_732 = arith.constant 0 : i32
    %dma_start3A_733 = tpu.memref_slice %arg4[%dma_start3A_731, %mul3A_2, %dma_start3A_732] : memref<32x1024x512xf32, #tpu.memory_space<hbm>> -> memref<1x32x512xf32, #tpu.memory_space<hbm>>
    %dma_start3A_734 = arith.constant 26 : i32
    %dma_start3A_735 = arith.constant 0 : i32
    %dma_start3A_736 = tpu.memref_slice %arg4[%dma_start3A_734, %mul3A_2, %dma_start3A_735] : memref<32x1024x512xf32, #tpu.memory_space<hbm>> -> memref<1x32x512xf32, #tpu.memory_space<hbm>>
    tpu.enqueue_dma source(%arg8 : memref<1x32x512xf32, #tpu.memory_space<vmem>>) target(%dma_start3A_736 : memref<1x32x512xf32, #tpu.memory_space<hbm>>) target_semaphore(%arg20 : memref<!tpu.dma_semaphore, #tpu.memory_space<semaphore_mem>>)
    %dma_wait3A_737 = arith.constant 24 : i32
    %dma_wait3A_738 = arith.constant 0 : i32
    %dma_wait3A_739 = tpu.memref_slice %arg4[%dma_wait3A_737, %mul3A_2, %dma_wait3A_738] : memref<32x1024x512xf32, #tpu.memory_space<hbm>> -> memref<1x32x512xf32, #tpu.memory_space<hbm>>
    %dma_wait3A_740 = arith.constant 24 : i32
    %dma_wait3A_741 = arith.constant 0 : i32
    %dma_wait3A_742 = tpu.memref_slice %arg4[%dma_wait3A_740, %mul3A_2, %dma_wait3A_741] : memref<32x1024x512xf32, #tpu.memory_space<hbm>> -> memref<1x32x512xf32, #tpu.memory_space<hbm>>
    tpu.wait_dma2 semaphore(%arg18 : memref<!tpu.dma_semaphore, #tpu.memory_space<semaphore_mem>>) src(%arg6 : memref<1x32x512xf32, #tpu.memory_space<vmem>>) dst(%dma_wait3A_742 : memref<1x32x512xf32, #tpu.memory_space<hbm>>)
    %dma_start3A_743 = arith.constant 30 : i32
    %dma_start3A_744 = arith.constant 0 : i32
    %dma_start3A_745 = tpu.memref_slice %arg2[%dma_start3A_743, %mul3A_2, %dma_start3A_744] : memref<32x1024x512xf32, #tpu.memory_space<hbm>> -> memref<1x32x512xf32, #tpu.memory_space<hbm>>
    %dma_start3A_746 = arith.constant 30 : i32
    %dma_start3A_747 = arith.constant 0 : i32
    %dma_start3A_748 = tpu.memref_slice %arg2[%dma_start3A_746, %mul3A_2, %dma_start3A_747] : memref<32x1024x512xf32, #tpu.memory_space<hbm>> -> memref<1x32x512xf32, #tpu.memory_space<hbm>>
    tpu.enqueue_dma source(%dma_start3A_748 : memref<1x32x512xf32, #tpu.memory_space<hbm>>) target(%arg6 : memref<1x32x512xf32, #tpu.memory_space<vmem>>) target_semaphore(%arg12 : memref<!tpu.dma_semaphore, #tpu.memory_space<semaphore_mem>>)
    %dma_wait3A_749 = arith.constant 27 : i32
    %dma_wait3A_750 = arith.constant 0 : i32
    %dma_wait3A_751 = tpu.memref_slice %arg2[%dma_wait3A_749, %mul3A_2, %dma_wait3A_750] : memref<32x1024x512xf32, #tpu.memory_space<hbm>> -> memref<1x32x512xf32, #tpu.memory_space<hbm>>
    %dma_wait3A_752 = arith.constant 27 : i32
    %dma_wait3A_753 = arith.constant 0 : i32
    %dma_wait3A_754 = tpu.memref_slice %arg2[%dma_wait3A_752, %mul3A_2, %dma_wait3A_753] : memref<32x1024x512xf32, #tpu.memory_space<hbm>> -> memref<1x32x512xf32, #tpu.memory_space<hbm>>
    tpu.wait_dma2 semaphore(%arg15 : memref<!tpu.dma_semaphore, #tpu.memory_space<semaphore_mem>>) src(%dma_wait3A_754 : memref<1x32x512xf32, #tpu.memory_space<hbm>>) dst(%arg9 : memref<1x32x512xf32, #tpu.memory_space<vmem>>)
    %parallel_loop3A_755 = arith.constant 0 : i32
    %parallel_loop3A_756 = arith.constant 16384 : i32
    %parallel_loop3A_757 = arith.constant 16 : i32
    scf.for %parallel_loop3A_872 = %parallel_loop3A_755 to %parallel_loop3A_756 step %parallel_loop3A_757  : i32 {
      %parallel_loop3A_873 = arith.constant 9 : i32
      %parallel_loop3A_874 = arith.shrsi %parallel_loop3A_872, %parallel_loop3A_873 : i32
      %parallel_loop3A_875 = arith.constant 511 : i32
      %parallel_loop3A_876 = arith.andi %parallel_loop3A_872, %parallel_loop3A_875 : i32
      %parallel_loop3A_877 = tpu.assume_multiple %parallel_loop3A_876, 16 : i32
      %parallel_loop3A_878 = arith.index_cast %parallel_loop3A_874 : i32 to index
      %parallel_loop3A_879 = arith.index_cast %parallel_loop3A_877 : i32 to index
      %parallel_loop3A_880 = tpu.vector_load %arg5[%parallel_loop3A_878, %parallel_loop3A_879] {strides = array<i32>} : memref<32x512xf32, #tpu.memory_space<vmem>>, vector<1x16xf32>,
      %parallel_loop3A_881 = vector.shape_cast %parallel_loop3A_880 : vector<1x16xf32> to vector<16xf32>
      %parallel_loop3A_882 = arith.constant 0 : i32
      %parallel_loop3A_883 = arith.index_cast %parallel_loop3A_882 : i32 to index
      %parallel_loop3A_884 = arith.index_cast %parallel_loop3A_874 : i32 to index
      %parallel_loop3A_885 = arith.index_cast %parallel_loop3A_877 : i32 to index
      %parallel_loop3A_886 = tpu.vector_load %arg9[%parallel_loop3A_883, %parallel_loop3A_884, %parallel_loop3A_885] {strides = array<i32>} : memref<1x32x512xf32, #tpu.memory_space<vmem>>, vector<1x1x16xf32>,
      %parallel_loop3A_887 = vector.shape_cast %parallel_loop3A_886 : vector<1x1x16xf32> to vector<16xf32>
      %parallel_loop3A_888 = vector.shape_cast %parallel_loop3A_881 : vector<16xf32> to vector<1x1x16xf32>
      tpu.vector_store %arg9[%parallel_loop3A_883, %parallel_loop3A_884, %parallel_loop3A_885], %parallel_loop3A_888 {add = true, strides = array<i32>} : memref<1x32x512xf32, #tpu.memory_space<vmem>>, vector<1x1x16xf32>,
    } {sc.loop_unroll_factor = 8 : i64, sc.parallel_access}
    %dma_start3A_758 = arith.constant 27 : i32
    %dma_start3A_759 = arith.constant 0 : i32
    %dma_start3A_760 = tpu.memref_slice %arg4[%dma_start3A_758, %mul3A_2, %dma_start3A_759] : memref<32x1024x512xf32, #tpu.memory_space<hbm>> -> memref<1x32x512xf32, #tpu.memory_space<hbm>>
    %dma_start3A_761 = arith.constant 27 : i32
    %dma_start3A_762 = arith.constant 0 : i32
    %dma_start3A_763 = tpu.memref_slice %arg4[%dma_start3A_761, %mul3A_2, %dma_start3A_762] : memref<32x1024x512xf32, #tpu.memory_space<hbm>> -> memref<1x32x512xf32, #tpu.memory_space<hbm>>
    tpu.enqueue_dma source(%arg9 : memref<1x32x512xf32, #tpu.memory_space<vmem>>) target(%dma_start3A_763 : memref<1x32x512xf32, #tpu.memory_space<hbm>>) target_semaphore(%arg21 : memref<!tpu.dma_semaphore, #tpu.memory_space<semaphore_mem>>)
    %dma_wait3A_764 = arith.constant 25 : i32
    %dma_wait3A_765 = arith.constant 0 : i32
    %dma_wait3A_766 = tpu.memref_slice %arg4[%dma_wait3A_764, %mul3A_2, %dma_wait3A_765] : memref<32x1024x512xf32, #tpu.memory_space<hbm>> -> memref<1x32x512xf32, #tpu.memory_space<hbm>>
    %dma_wait3A_767 = arith.constant 25 : i32
    %dma_wait3A_768 = arith.constant 0 : i32
    %dma_wait3A_769 = tpu.memref_slice %arg4[%dma_wait3A_767, %mul3A_2, %dma_wait3A_768] : memref<32x1024x512xf32, #tpu.memory_space<hbm>> -> memref<1x32x512xf32, #tpu.memory_space<hbm>>
    tpu.wait_dma2 semaphore(%arg19 : memref<!tpu.dma_semaphore, #tpu.memory_space<semaphore_mem>>) src(%arg7 : memref<1x32x512xf32, #tpu.memory_space<vmem>>) dst(%dma_wait3A_769 : memref<1x32x512xf32, #tpu.memory_space<hbm>>)
    %dma_start3A_770 = arith.constant 31 : i32
    %dma_start3A_771 = arith.constant 0 : i32
    %dma_start3A_772 = tpu.memref_slice %arg2[%dma_start3A_770, %mul3A_2, %dma_start3A_771] : memref<32x1024x512xf32, #tpu.memory_space<hbm>> -> memref<1x32x512xf32, #tpu.memory_space<hbm>>
    %dma_start3A_773 = arith.constant 31 : i32
    %dma_start3A_774 = arith.constant 0 : i32
    %dma_start3A_775 = tpu.memref_slice %arg2[%dma_start3A_773, %mul3A_2, %dma_start3A_774] : memref<32x1024x512xf32, #tpu.memory_space<hbm>> -> memref<1x32x512xf32, #tpu.memory_space<hbm>>
    tpu.enqueue_dma source(%dma_start3A_775 : memref<1x32x512xf32, #tpu.memory_space<hbm>>) target(%arg7 : memref<1x32x512xf32, #tpu.memory_space<vmem>>) target_semaphore(%arg13 : memref<!tpu.dma_semaphore, #tpu.memory_space<semaphore_mem>>)
    %dma_wait3A_776 = arith.constant 28 : i32
    %dma_wait3A_777 = arith.constant 0 : i32
    %dma_wait3A_778 = tpu.memref_slice %arg2[%dma_wait3A_776, %mul3A_2, %dma_wait3A_777] : memref<32x1024x512xf32, #tpu.memory_space<hbm>> -> memref<1x32x512xf32, #tpu.memory_space<hbm>>
    %dma_wait3A_779 = arith.constant 28 : i32
    %dma_wait3A_780 = arith.constant 0 : i32
    %dma_wait3A_781 = tpu.memref_slice %arg2[%dma_wait3A_779, %mul3A_2, %dma_wait3A_780] : memref<32x1024x512xf32, #tpu.memory_space<hbm>> -> memref<1x32x512xf32, #tpu.memory_space<hbm>>
    tpu.wait_dma2 semaphore(%arg16 : memref<!tpu.dma_semaphore, #tpu.memory_space<semaphore_mem>>) src(%dma_wait3A_781 : memref<1x32x512xf32, #tpu.memory_space<hbm>>) dst(%arg10 : memref<1x32x512xf32, #tpu.memory_space<vmem>>)
    %parallel_loop3A_782 = arith.constant 0 : i32
    %parallel_loop3A_783 = arith.constant 16384 : i32
    %parallel_loop3A_784 = arith.constant 16 : i32
    scf.for %parallel_loop3A_872 = %parallel_loop3A_782 to %parallel_loop3A_783 step %parallel_loop3A_784  : i32 {
      %parallel_loop3A_873 = arith.constant 9 : i32
      %parallel_loop3A_874 = arith.shrsi %parallel_loop3A_872, %parallel_loop3A_873 : i32
      %parallel_loop3A_875 = arith.constant 511 : i32
      %parallel_loop3A_876 = arith.andi %parallel_loop3A_872, %parallel_loop3A_875 : i32
      %parallel_loop3A_877 = tpu.assume_multiple %parallel_loop3A_876, 16 : i32
      %parallel_loop3A_878 = arith.index_cast %parallel_loop3A_874 : i32 to index
      %parallel_loop3A_879 = arith.index_cast %parallel_loop3A_877 : i32 to index
      %parallel_loop3A_880 = tpu.vector_load %arg5[%parallel_loop3A_878, %parallel_loop3A_879] {strides = array<i32>} : memref<32x512xf32, #tpu.memory_space<vmem>>, vector<1x16xf32>,
      %parallel_loop3A_881 = vector.shape_cast %parallel_loop3A_880 : vector<1x16xf32> to vector<16xf32>
      %parallel_loop3A_882 = arith.constant 0 : i32
      %parallel_loop3A_883 = arith.index_cast %parallel_loop3A_882 : i32 to index
      %parallel_loop3A_884 = arith.index_cast %parallel_loop3A_874 : i32 to index
      %parallel_loop3A_885 = arith.index_cast %parallel_loop3A_877 : i32 to index
      %parallel_loop3A_886 = tpu.vector_load %arg10[%parallel_loop3A_883, %parallel_loop3A_884, %parallel_loop3A_885] {strides = array<i32>} : memref<1x32x512xf32, #tpu.memory_space<vmem>>, vector<1x1x16xf32>,
      %parallel_loop3A_887 = vector.shape_cast %parallel_loop3A_886 : vector<1x1x16xf32> to vector<16xf32>
      %parallel_loop3A_888 = vector.shape_cast %parallel_loop3A_881 : vector<16xf32> to vector<1x1x16xf32>
      tpu.vector_store %arg10[%parallel_loop3A_883, %parallel_loop3A_884, %parallel_loop3A_885], %parallel_loop3A_888 {add = true, strides = array<i32>} : memref<1x32x512xf32, #tpu.memory_space<vmem>>, vector<1x1x16xf32>,
    } {sc.loop_unroll_factor = 8 : i64, sc.parallel_access}
    %dma_start3A_785 = arith.constant 28 : i32
    %dma_start3A_786 = arith.constant 0 : i32
    %dma_start3A_787 = tpu.memref_slice %arg4[%dma_start3A_785, %mul3A_2, %dma_start3A_786] : memref<32x1024x512xf32, #tpu.memory_space<hbm>> -> memref<1x32x512xf32, #tpu.memory_space<hbm>>
    %dma_start3A_788 = arith.constant 28 : i32
    %dma_start3A_789 = arith.constant 0 : i32
    %dma_start3A_790 = tpu.memref_slice %arg4[%dma_start3A_788, %mul3A_2, %dma_start3A_789] : memref<32x1024x512xf32, #tpu.memory_space<hbm>> -> memref<1x32x512xf32, #tpu.memory_space<hbm>>
    tpu.enqueue_dma source(%arg10 : memref<1x32x512xf32, #tpu.memory_space<vmem>>) target(%dma_start3A_790 : memref<1x32x512xf32, #tpu.memory_space<hbm>>) target_semaphore(%arg22 : memref<!tpu.dma_semaphore, #tpu.memory_space<semaphore_mem>>)
    %dma_wait3A_791 = arith.constant 29 : i32
    %dma_wait3A_792 = arith.constant 0 : i32
    %dma_wait3A_793 = tpu.memref_slice %arg2[%dma_wait3A_791, %mul3A_2, %dma_wait3A_792] : memref<32x1024x512xf32, #tpu.memory_space<hbm>> -> memref<1x32x512xf32, #tpu.memory_space<hbm>>
    %dma_wait3A_794 = arith.constant 29 : i32
    %dma_wait3A_795 = arith.constant 0 : i32
    %dma_wait3A_796 = tpu.memref_slice %arg2[%dma_wait3A_794, %mul3A_2, %dma_wait3A_795] : memref<32x1024x512xf32, #tpu.memory_space<hbm>> -> memref<1x32x512xf32, #tpu.memory_space<hbm>>
    tpu.wait_dma2 semaphore(%arg17 : memref<!tpu.dma_semaphore, #tpu.memory_space<semaphore_mem>>) src(%dma_wait3A_796 : memref<1x32x512xf32, #tpu.memory_space<hbm>>) dst(%arg11 : memref<1x32x512xf32, #tpu.memory_space<vmem>>)
    %parallel_loop3A_797 = arith.constant 0 : i32
    %parallel_loop3A_798 = arith.constant 16384 : i32
    %parallel_loop3A_799 = arith.constant 16 : i32
    scf.for %parallel_loop3A_872 = %parallel_loop3A_797 to %parallel_loop3A_798 step %parallel_loop3A_799  : i32 {
      %parallel_loop3A_873 = arith.constant 9 : i32
      %parallel_loop3A_874 = arith.shrsi %parallel_loop3A_872, %parallel_loop3A_873 : i32
      %parallel_loop3A_875 = arith.constant 511 : i32
      %parallel_loop3A_876 = arith.andi %parallel_loop3A_872, %parallel_loop3A_875 : i32
      %parallel_loop3A_877 = tpu.assume_multiple %parallel_loop3A_876, 16 : i32
      %parallel_loop3A_878 = arith.index_cast %parallel_loop3A_874 : i32 to index
      %parallel_loop3A_879 = arith.index_cast %parallel_loop3A_877 : i32 to index
      %parallel_loop3A_880 = tpu.vector_load %arg5[%parallel_loop3A_878, %parallel_loop3A_879] {strides = array<i32>} : memref<32x512xf32, #tpu.memory_space<vmem>>, vector<1x16xf32>,
      %parallel_loop3A_881 = vector.shape_cast %parallel_loop3A_880 : vector<1x16xf32> to vector<16xf32>
      %parallel_loop3A_882 = arith.constant 0 : i32
      %parallel_loop3A_883 = arith.index_cast %parallel_loop3A_882 : i32 to index
      %parallel_loop3A_884 = arith.index_cast %parallel_loop3A_874 : i32 to index
      %parallel_loop3A_885 = arith.index_cast %parallel_loop3A_877 : i32 to index
      %parallel_loop3A_886 = tpu.vector_load %arg11[%parallel_loop3A_883, %parallel_loop3A_884, %parallel_loop3A_885] {strides = array<i32>} : memref<1x32x512xf32, #tpu.memory_space<vmem>>, vector<1x1x16xf32>,
      %parallel_loop3A_887 = vector.shape_cast %parallel_loop3A_886 : vector<1x1x16xf32> to vector<16xf32>
      %parallel_loop3A_888 = vector.shape_cast %parallel_loop3A_881 : vector<16xf32> to vector<1x1x16xf32>
      tpu.vector_store %arg11[%parallel_loop3A_883, %parallel_loop3A_884, %parallel_loop3A_885], %parallel_loop3A_888 {add = true, strides = array<i32>} : memref<1x32x512xf32, #tpu.memory_space<vmem>>, vector<1x1x16xf32>,
    } {sc.loop_unroll_factor = 8 : i64, sc.parallel_access}
    %dma_start3A_800 = arith.constant 29 : i32
    %dma_start3A_801 = arith.constant 0 : i32
    %dma_start3A_802 = tpu.memref_slice %arg4[%dma_start3A_800, %mul3A_2, %dma_start3A_801] : memref<32x1024x512xf32, #tpu.memory_space<hbm>> -> memref<1x32x512xf32, #tpu.memory_space<hbm>>
    %dma_start3A_803 = arith.constant 29 : i32
    %dma_start3A_804 = arith.constant 0 : i32
    %dma_start3A_805 = tpu.memref_slice %arg4[%dma_start3A_803, %mul3A_2, %dma_start3A_804] : memref<32x1024x512xf32, #tpu.memory_space<hbm>> -> memref<1x32x512xf32, #tpu.memory_space<hbm>>
    tpu.enqueue_dma source(%arg11 : memref<1x32x512xf32, #tpu.memory_space<vmem>>) target(%dma_start3A_805 : memref<1x32x512xf32, #tpu.memory_space<hbm>>) target_semaphore(%arg23 : memref<!tpu.dma_semaphore, #tpu.memory_space<semaphore_mem>>)
    %dma_wait3A_806 = arith.constant 30 : i32
    %dma_wait3A_807 = arith.constant 0 : i32
    %dma_wait3A_808 = tpu.memref_slice %arg2[%dma_wait3A_806, %mul3A_2, %dma_wait3A_807] : memref<32x1024x512xf32, #tpu.memory_space<hbm>> -> memref<1x32x512xf32, #tpu.memory_space<hbm>>
    %dma_wait3A_809 = arith.constant 30 : i32
    %dma_wait3A_810 = arith.constant 0 : i32
    %dma_wait3A_811 = tpu.memref_slice %arg2[%dma_wait3A_809, %mul3A_2, %dma_wait3A_810] : memref<32x1024x512xf32, #tpu.memory_space<hbm>> -> memref<1x32x512xf32, #tpu.memory_space<hbm>>
    tpu.wait_dma2 semaphore(%arg12 : memref<!tpu.dma_semaphore, #tpu.memory_space<semaphore_mem>>) src(%dma_wait3A_811 : memref<1x32x512xf32, #tpu.memory_space<hbm>>) dst(%arg6 : memref<1x32x512xf32, #tpu.memory_space<vmem>>)
    %parallel_loop3A_812 = arith.constant 0 : i32
    %parallel_loop3A_813 = arith.constant 16384 : i32
    %parallel_loop3A_814 = arith.constant 16 : i32
    scf.for %parallel_loop3A_872 = %parallel_loop3A_812 to %parallel_loop3A_813 step %parallel_loop3A_814  : i32 {
      %parallel_loop3A_873 = arith.constant 9 : i32
      %parallel_loop3A_874 = arith.shrsi %parallel_loop3A_872, %parallel_loop3A_873 : i32
      %parallel_loop3A_875 = arith.constant 511 : i32
      %parallel_loop3A_876 = arith.andi %parallel_loop3A_872, %parallel_loop3A_875 : i32
      %parallel_loop3A_877 = tpu.assume_multiple %parallel_loop3A_876, 16 : i32
      %parallel_loop3A_878 = arith.index_cast %parallel_loop3A_874 : i32 to index
      %parallel_loop3A_879 = arith.index_cast %parallel_loop3A_877 : i32 to index
      %parallel_loop3A_880 = tpu.vector_load %arg5[%parallel_loop3A_878, %parallel_loop3A_879] {strides = array<i32>} : memref<32x512xf32, #tpu.memory_space<vmem>>, vector<1x16xf32>,
      %parallel_loop3A_881 = vector.shape_cast %parallel_loop3A_880 : vector<1x16xf32> to vector<16xf32>
      %parallel_loop3A_882 = arith.constant 0 : i32
      %parallel_loop3A_883 = arith.index_cast %parallel_loop3A_882 : i32 to index
      %parallel_loop3A_884 = arith.index_cast %parallel_loop3A_874 : i32 to index
      %parallel_loop3A_885 = arith.index_cast %parallel_loop3A_877 : i32 to index
      %parallel_loop3A_886 = tpu.vector_load %arg6[%parallel_loop3A_883, %parallel_loop3A_884, %parallel_loop3A_885] {strides = array<i32>} : memref<1x32x512xf32, #tpu.memory_space<vmem>>, vector<1x1x16xf32>,
      %parallel_loop3A_887 = vector.shape_cast %parallel_loop3A_886 : vector<1x1x16xf32> to vector<16xf32>
      %parallel_loop3A_888 = vector.shape_cast %parallel_loop3A_881 : vector<16xf32> to vector<1x1x16xf32>
      tpu.vector_store %arg6[%parallel_loop3A_883, %parallel_loop3A_884, %parallel_loop3A_885], %parallel_loop3A_888 {add = true, strides = array<i32>} : memref<1x32x512xf32, #tpu.memory_space<vmem>>, vector<1x1x16xf32>,
    } {sc.loop_unroll_factor = 8 : i64, sc.parallel_access}
    %dma_start3A_815 = arith.constant 30 : i32
    %dma_start3A_816 = arith.constant 0 : i32
    %dma_start3A_817 = tpu.memref_slice %arg4[%dma_start3A_815, %mul3A_2, %dma_start3A_816] : memref<32x1024x512xf32, #tpu.memory_space<hbm>> -> memref<1x32x512xf32, #tpu.memory_space<hbm>>
    %dma_start3A_818 = arith.constant 30 : i32
    %dma_start3A_819 = arith.constant 0 : i32
    %dma_start3A_820 = tpu.memref_slice %arg4[%dma_start3A_818, %mul3A_2, %dma_start3A_819] : memref<32x1024x512xf32, #tpu.memory_space<hbm>> -> memref<1x32x512xf32, #tpu.memory_space<hbm>>
    tpu.enqueue_dma source(%arg6 : memref<1x32x512xf32, #tpu.memory_space<vmem>>) target(%dma_start3A_820 : memref<1x32x512xf32, #tpu.memory_space<hbm>>) target_semaphore(%arg18 : memref<!tpu.dma_semaphore, #tpu.memory_space<semaphore_mem>>)
    %dma_wait3A_821 = arith.constant 31 : i32
    %dma_wait3A_822 = arith.constant 0 : i32
    %dma_wait3A_823 = tpu.memref_slice %arg2[%dma_wait3A_821, %mul3A_2, %dma_wait3A_822] : memref<32x1024x512xf32, #tpu.memory_space<hbm>> -> memref<1x32x512xf32, #tpu.memory_space<hbm>>
    %dma_wait3A_824 = arith.constant 31 : i32
    %dma_wait3A_825 = arith.constant 0 : i32
    %dma_wait3A_826 = tpu.memref_slice %arg2[%dma_wait3A_824, %mul3A_2, %dma_wait3A_825] : memref<32x1024x512xf32, #tpu.memory_space<hbm>> -> memref<1x32x512xf32, #tpu.memory_space<hbm>>
    tpu.wait_dma2 semaphore(%arg13 : memref<!tpu.dma_semaphore, #tpu.memory_space<semaphore_mem>>) src(%dma_wait3A_826 : memref<1x32x512xf32, #tpu.memory_space<hbm>>) dst(%arg7 : memref<1x32x512xf32, #tpu.memory_space<vmem>>)
    %parallel_loop3A_827 = arith.constant 0 : i32
    %parallel_loop3A_828 = arith.constant 16384 : i32
    %parallel_loop3A_829 = arith.constant 16 : i32
    scf.for %parallel_loop3A_872 = %parallel_loop3A_827 to %parallel_loop3A_828 step %parallel_loop3A_829  : i32 {
      %parallel_loop3A_873 = arith.constant 9 : i32
      %parallel_loop3A_874 = arith.shrsi %parallel_loop3A_872, %parallel_loop3A_873 : i32
      %parallel_loop3A_875 = arith.constant 511 : i32
      %parallel_loop3A_876 = arith.andi %parallel_loop3A_872, %parallel_loop3A_875 : i32
      %parallel_loop3A_877 = tpu.assume_multiple %parallel_loop3A_876, 16 : i32
      %parallel_loop3A_878 = arith.index_cast %parallel_loop3A_874 : i32 to index
      %parallel_loop3A_879 = arith.index_cast %parallel_loop3A_877 : i32 to index
      %parallel_loop3A_880 = tpu.vector_load %arg5[%parallel_loop3A_878, %parallel_loop3A_879] {strides = array<i32>} : memref<32x512xf32, #tpu.memory_space<vmem>>, vector<1x16xf32>,
      %parallel_loop3A_881 = vector.shape_cast %parallel_loop3A_880 : vector<1x16xf32> to vector<16xf32>
      %parallel_loop3A_882 = arith.constant 0 : i32
      %parallel_loop3A_883 = arith.index_cast %parallel_loop3A_882 : i32 to index
      %parallel_loop3A_884 = arith.index_cast %parallel_loop3A_874 : i32 to index
      %parallel_loop3A_885 = arith.index_cast %parallel_loop3A_877 : i32 to index
      %parallel_loop3A_886 = tpu.vector_load %arg7[%parallel_loop3A_883, %parallel_loop3A_884, %parallel_loop3A_885] {strides = array<i32>} : memref<1x32x512xf32, #tpu.memory_space<vmem>>, vector<1x1x16xf32>,
      %parallel_loop3A_887 = vector.shape_cast %parallel_loop3A_886 : vector<1x1x16xf32> to vector<16xf32>
      %parallel_loop3A_888 = vector.shape_cast %parallel_loop3A_881 : vector<16xf32> to vector<1x1x16xf32>
      tpu.vector_store %arg7[%parallel_loop3A_883, %parallel_loop3A_884, %parallel_loop3A_885], %parallel_loop3A_888 {add = true, strides = array<i32>} : memref<1x32x512xf32, #tpu.memory_space<vmem>>, vector<1x1x16xf32>,
    } {sc.loop_unroll_factor = 8 : i64, sc.parallel_access}
    %dma_start3A_830 = arith.constant 31 : i32
    %dma_start3A_831 = arith.constant 0 : i32
    %dma_start3A_832 = tpu.memref_slice %arg4[%dma_start3A_830, %mul3A_2, %dma_start3A_831] : memref<32x1024x512xf32, #tpu.memory_space<hbm>> -> memref<1x32x512xf32, #tpu.memory_space<hbm>>
    %dma_start3A_833 = arith.constant 31 : i32
    %dma_start3A_834 = arith.constant 0 : i32
    %dma_start3A_835 = tpu.memref_slice %arg4[%dma_start3A_833, %mul3A_2, %dma_start3A_834] : memref<32x1024x512xf32, #tpu.memory_space<hbm>> -> memref<1x32x512xf32, #tpu.memory_space<hbm>>
    tpu.enqueue_dma source(%arg7 : memref<1x32x512xf32, #tpu.memory_space<vmem>>) target(%dma_start3A_835 : memref<1x32x512xf32, #tpu.memory_space<hbm>>) target_semaphore(%arg19 : memref<!tpu.dma_semaphore, #tpu.memory_space<semaphore_mem>>)
    %dma_wait3A_836 = arith.constant 26 : i32
    %dma_wait3A_837 = arith.constant 0 : i32
    %dma_wait3A_838 = tpu.memref_slice %arg4[%dma_wait3A_836, %mul3A_2, %dma_wait3A_837] : memref<32x1024x512xf32, #tpu.memory_space<hbm>> -> memref<1x32x512xf32, #tpu.memory_space<hbm>>
    %dma_wait3A_839 = arith.constant 26 : i32
    %dma_wait3A_840 = arith.constant 0 : i32
    %dma_wait3A_841 = tpu.memref_slice %arg4[%dma_wait3A_839, %mul3A_2, %dma_wait3A_840] : memref<32x1024x512xf32, #tpu.memory_space<hbm>> -> memref<1x32x512xf32, #tpu.memory_space<hbm>>
    tpu.wait_dma2 semaphore(%arg20 : memref<!tpu.dma_semaphore, #tpu.memory_space<semaphore_mem>>) src(%arg8 : memref<1x32x512xf32, #tpu.memory_space<vmem>>) dst(%dma_wait3A_841 : memref<1x32x512xf32, #tpu.memory_space<hbm>>)
    %dma_wait3A_842 = arith.constant 27 : i32
    %dma_wait3A_843 = arith.constant 0 : i32
    %dma_wait3A_844 = tpu.memref_slice %arg4[%dma_wait3A_842, %mul3A_2, %dma_wait3A_843] : memref<32x1024x512xf32, #tpu.memory_space<hbm>> -> memref<1x32x512xf32, #tpu.memory_space<hbm>>
    %dma_wait3A_845 = arith.constant 27 : i32
    %dma_wait3A_846 = arith.constant 0 : i32
    %dma_wait3A_847 = tpu.memref_slice %arg4[%dma_wait3A_845, %mul3A_2, %dma_wait3A_846] : memref<32x1024x512xf32, #tpu.memory_space<hbm>> -> memref<1x32x512xf32, #tpu.memory_space<hbm>>
    tpu.wait_dma2 semaphore(%arg21 : memref<!tpu.dma_semaphore, #tpu.memory_space<semaphore_mem>>) src(%arg9 : memref<1x32x512xf32, #tpu.memory_space<vmem>>) dst(%dma_wait3A_847 : memref<1x32x512xf32, #tpu.memory_space<hbm>>)
    %dma_wait3A_848 = arith.constant 28 : i32
    %dma_wait3A_849 = arith.constant 0 : i32
    %dma_wait3A_850 = tpu.memref_slice %arg4[%dma_wait3A_848, %mul3A_2, %dma_wait3A_849] : memref<32x1024x512xf32, #tpu.memory_space<hbm>> -> memref<1x32x512xf32, #tpu.memory_space<hbm>>
    %dma_wait3A_851 = arith.constant 28 : i32
    %dma_wait3A_852 = arith.constant 0 : i32
    %dma_wait3A_853 = tpu.memref_slice %arg4[%dma_wait3A_851, %mul3A_2, %dma_wait3A_852] : memref<32x1024x512xf32, #tpu.memory_space<hbm>> -> memref<1x32x512xf32, #tpu.memory_space<hbm>>
    tpu.wait_dma2 semaphore(%arg22 : memref<!tpu.dma_semaphore, #tpu.memory_space<semaphore_mem>>) src(%arg10 : memref<1x32x512xf32, #tpu.memory_space<vmem>>) dst(%dma_wait3A_853 : memref<1x32x512xf32, #tpu.memory_space<hbm>>)
    %dma_wait3A_854 = arith.constant 29 : i32
    %dma_wait3A_855 = arith.constant 0 : i32
    %dma_wait3A_856 = tpu.memref_slice %arg4[%dma_wait3A_854, %mul3A_2, %dma_wait3A_855] : memref<32x1024x512xf32, #tpu.memory_space<hbm>> -> memref<1x32x512xf32, #tpu.memory_space<hbm>>
    %dma_wait3A_857 = arith.constant 29 : i32
    %dma_wait3A_858 = arith.constant 0 : i32
    %dma_wait3A_859 = tpu.memref_slice %arg4[%dma_wait3A_857, %mul3A_2, %dma_wait3A_858] : memref<32x1024x512xf32, #tpu.memory_space<hbm>> -> memref<1x32x512xf32, #tpu.memory_space<hbm>>
    tpu.wait_dma2 semaphore(%arg23 : memref<!tpu.dma_semaphore, #tpu.memory_space<semaphore_mem>>) src(%arg11 : memref<1x32x512xf32, #tpu.memory_space<vmem>>) dst(%dma_wait3A_859 : memref<1x32x512xf32, #tpu.memory_space<hbm>>)
    %dma_wait3A_860 = arith.constant 30 : i32
    %dma_wait3A_861 = arith.constant 0 : i32
    %dma_wait3A_862 = tpu.memref_slice %arg4[%dma_wait3A_860, %mul3A_2, %dma_wait3A_861] : memref<32x1024x512xf32, #tpu.memory_space<hbm>> -> memref<1x32x512xf32, #tpu.memory_space<hbm>>
    %dma_wait3A_863 = arith.constant 30 : i32
    %dma_wait3A_864 = arith.constant 0 : i32
    %dma_wait3A_865 = tpu.memref_slice %arg4[%dma_wait3A_863, %mul3A_2, %dma_wait3A_864] : memref<32x1024x512xf32, #tpu.memory_space<hbm>> -> memref<1x32x512xf32, #tpu.memory_space<hbm>>
    tpu.wait_dma2 semaphore(%arg18 : memref<!tpu.dma_semaphore, #tpu.memory_space<semaphore_mem>>) src(%arg6 : memref<1x32x512xf32, #tpu.memory_space<vmem>>) dst(%dma_wait3A_865 : memref<1x32x512xf32, #tpu.memory_space<hbm>>)
    %dma_wait3A_866 = arith.constant 31 : i32
    %dma_wait3A_867 = arith.constant 0 : i32
    %dma_wait3A_868 = tpu.memref_slice %arg4[%dma_wait3A_866, %mul3A_2, %dma_wait3A_867] : memref<32x1024x512xf32, #tpu.memory_space<hbm>> -> memref<1x32x512xf32, #tpu.memory_space<hbm>>
    %dma_wait3A_869 = arith.constant 31 : i32
    %dma_wait3A_870 = arith.constant 0 : i32
    %dma_wait3A_871 = tpu.memref_slice %arg4[%dma_wait3A_869, %mul3A_2, %dma_wait3A_870] : memref<32x1024x512xf32, #tpu.memory_space<hbm>> -> memref<1x32x512xf32, #tpu.memory_space<hbm>>
    tpu.wait_dma2 semaphore(%arg19 : memref<!tpu.dma_semaphore, #tpu.memory_space<semaphore_mem>>) src(%arg7 : memref<1x32x512xf32, #tpu.memory_space<vmem>>) dst(%dma_wait3A_871 : memref<1x32x512xf32, #tpu.memory_space<hbm>>)
    return
  }
}

</mosaic_0001>

<sc_bundles>
// kernel: kernel.3.cloned.1.call-start
scs
__scs_entry_jumppad:
0x0: {  	(pc) =	sbr.rel $0x88, $3  }
0x1: {  	(tag) =	ssettag $0x0;
	lr =	simm.s32 $0x1  }
0x2: {  	[smem:$0x3F9F] =	sst lr;
	_ =	strace $0xD0000000  }
0x3: {  	_ = 	snop  }
0x4: {  	_ = 	snop  }
0x5: {  	_ = 	snop  }
0x6: {  	_ = 	snop  }
0x7: {  	_ = 	snop  }
__scs_overlays_trampoline_lowered:
0x8: {  	[smem:$0x3FAE] =	sst s0  }
0x9: {  	[smem:$0x3FAF] =	sst s1  }
0xa: {  	[smem:$0x3FB0] =	sst s2  }
0xb: {  	[smem:$0x3FB1] =	sst s3  }
0xc: {  	[smem:$0x3FB2] =	sst s4  }
0xd: {  	[smem:$0x3FB3] =	sst s5  }
0xe: {  	[smem:$0x3FB4] =	sst s6  }
0xf: {  	[smem:$0x3FB5] =	sst s7  }
0x10: {  	[smem:$0x3FB6] =	sst s8  }
0x11: {  	[smem:$0x3FB7] =	sst s9;
	s0 =	simm.s32 @!p0 $0x0  }
0x12: {  	s1 =	sld [smem:$0x3F9D];
	s0 =	simm.s32 @p0 $0x1  }
0x13: {  	[smem:$0x3FB8] =	sst s0;
	s0 =	simm.s32 @!p1 $0x0  }
0x14: {  	s2 =	sld [smem:$0x3F9C];
	s0 =	simm.s32 @p1 $0x1  }
0x15: {  	[smem:$0x3FB9] =	sst s0;
	s0 =	simm.s32 @!p2 $0x0  }
0x16: {  	s3 =	sld [smem:$0x3FDB];
	s0 =	simm.s32 @p2 $0x1  }
0x17: {  	s4 =	simm.s32 $0x1BF5;
	[smem:$0x3FBB] =	sst s0  }
0x18: {  	s0 =	sld [smem:$0x3F9E];
	_ =	swait.ge [sflag:s4], $0x0  }
0x19: {  	s7 =	sld [smem:$0x3F9F]  }
0x1a: {  	s8 =	sadd.s32 $0xFFFFE003, lr  }
0x1b: {  	s9 =	sadd.s32 $0xFFFFFEF7, lr;
	s5 =	simm.s32 $0xFFFFFFFF;
	p2 =	slt.u32 s8, $0xFFFFF086  }
0x1c: {  	p1 =	slt.u32 s9, $0xF7A;
	s5 =	simm.s32 @!p2 $0x0  }
0x1d: {  	s5 =	simm.s32 @p1 $0x1;
	p0 =	seq.s32 s7, s2  }
0x1e: {  	s7 =	smul.u32 @!p0 $0xF7A, s2;
	p2 =	seq.s32 @!p0 s5, $0x0  }
0x1f: {  	s9 =	smul.u32 $0xF7A, s1;
	s8 =	simm.s32 @!p0 $0x1BF5;
	p2 =	por !p2, p0  }
0x20: {  	[sflag:s8] =	ssyncset.s32 @!p0 $0xFFFFF086;
	s6 =	sadd.s32 @!p0 s3, s7;
	s7 =	simm.s32 @!p0 $0x108  }
0x21: {  	s3 =	sadd.s32 s3, s9;
	s6 =	sadd.s32 @!p0 $0x88, s6;
	s7 =	simm.s32 @p2 $0x1082  }
0x22: {  	[simem:s7], [sflag:s8] =	dma.local @!p0 [hbm:s6], $0xF7A  }
0x23: {  	s9 =	sor.u32 $0xD0000000, s2;
	s6 =	simm.s32 $0x108;
	_ =	swait.ge @!p0 [sflag:s8], $0x0  }
0x24: {  	s3 =	sadd.s32 $0x88, s3;
	s6 =	simm.s32 @!p1 $0x1082;
	[sflag:s4] =	ssyncset.s32 $0xFFFFF086  }
0x25: {  	[simem:s6], [sflag:s4] =	dma.local [hbm:s3], $0xF7A  }
0x26: {  	[smem:$0x3F9F] =	sst s1;
	(tag) =	ssettag s2;
	_ =	strace s9  }
0x27: {  	s1 =	sld [smem:$0x3FAF]  }
0x28: {  	s2 =	sld [smem:$0x3FB0]  }
0x29: {  	s4 =	sld [smem:$0x3FB2]  }
0x2a: {  	p0 =	seq.s32 s5, $0x0;
	s5 =	sld [smem:$0x3FB3]  }
0x2b: {  	s6 =	sld [smem:$0x3FB4]  }
0x2c: {  	s7 =	sld [smem:$0x3FB5]  }
0x2d: {  	s3 =	simm.s32 $0x108;
	s8 =	sld [smem:$0x3FB6]  }
0x2e: {  	s3 =	simm.s32 @!p0 $0x1082;
	s9 =	sld [smem:$0x3FB7]  }
0x2f: {  	lr =	sadd.s32 s0, s3;
	s0 =	sld [smem:$0x3FAE]  }
0x30: {  	s3 =	sld [smem:$0x3FB1]  }
0x31: {  	[smem:$0x3FBA] =	sst s10  }
0x32: {  	s10 =	sld [smem:$0x3FB8];
	_ =	sdelay $0x3  }
0x33: {  	p0 =	seq.s32 s10, $0x1;
	s10 =	sld [smem:$0x3FBA];
	_ =	sdelay $0x3  }
0x34: {  	[smem:$0x3FBA] =	sst s10  }
0x35: {  	s10 =	sld [smem:$0x3FB9];
	_ =	sdelay $0x3  }
0x36: {  	p1 =	seq.s32 s10, $0x1;
	s10 =	sld [smem:$0x3FBA];
	_ =	sdelay $0x3  }
0x37: {  	[smem:$0x3FBA] =	sst s10  }
0x38: {  	s10 =	sld [smem:$0x3FBB]  }
0x39: {  	_ = 	snop;
	(pc) =	sbr.ind lr, $3  }
0x3a: {  	_ = 	snop  }
0x3b: {  	_ = 	snop  }
0x3c: {  	p2 =	seq.s32 s10, $0x1;
	s10 =	sld [smem:$0x3FBA]  }
0x3d: {  	_ =	shalt  }
0x3e: {  	_ =	shalt  }
0x3f: {  	_ =	shalt  }
0x40: {  	_ =	shalt  }
0x41: {  	_ =	shalt  }
0x42: {  	_ =	shalt  }
0x43: {  	_ =	shalt  }
0x44: {  	_ =	shalt  }
0x45: {  	_ =	shalt  }
0x46: {  	_ =	shalt  }
0x47: {  	_ =	shalt  }
0x48: {  	_ =	shalt  }
0x49: {  	_ =	shalt  }
0x4a: {  	_ =	shalt  }
0x4b: {  	_ =	shalt  }
0x4c: {  	_ =	shalt  }
0x4d: {  	_ =	shalt  }
0x4e: {  	_ =	shalt  }
0x4f: {  	_ =	shalt  }
0x50: {  	_ =	shalt  }
0x51: {  	_ =	shalt  }
0x52: {  	_ =	shalt  }
0x53: {  	_ =	shalt  }
0x54: {  	_ =	shalt  }
0x55: {  	_ =	shalt  }
0x56: {  	_ =	shalt  }
0x57: {  	_ =	shalt  }
0x58: {  	_ =	shalt  }
0x59: {  	_ =	shalt  }
0x5a: {  	_ =	shalt  }
0x5b: {  	_ =	shalt  }
0x5c: {  	_ =	shalt  }
0x5d: {  	_ =	shalt  }
0x5e: {  	_ =	shalt  }
0x5f: {  	_ =	shalt  }
0x60: {  	_ =	shalt  }
0x61: {  	_ =	shalt  }
0x62: {  	_ =	shalt  }
0x63: {  	_ =	shalt  }
0x64: {  	_ =	shalt  }
0x65: {  	_ =	shalt  }
0x66: {  	_ =	shalt  }
0x67: {  	_ =	shalt  }
0x68: {  	_ =	shalt  }
0x69: {  	_ =	shalt  }
0x6a: {  	_ =	shalt  }
0x6b: {  	_ =	shalt  }
0x6c: {  	_ =	shalt  }
0x6d: {  	_ =	shalt  }
0x6e: {  	_ =	shalt  }
0x6f: {  	_ =	shalt  }
0x70: {  	_ =	shalt  }
0x71: {  	_ =	shalt  }
0x72: {  	_ =	shalt  }
0x73: {  	_ =	shalt  }
0x74: {  	_ =	shalt  }
0x75: {  	_ =	shalt  }
0x76: {  	_ =	shalt  }
0x77: {  	_ =	shalt  }
0x78: {  	_ =	shalt  }
0x79: {  	_ =	shalt  }
0x7a: {  	_ =	shalt  }
0x7b: {  	_ =	shalt  }
0x7c: {  	_ =	shalt  }
0x7d: {  	_ =	shalt  }
0x7e: {  	_ =	shalt  }
0x7f: {  	_ =	shalt  }
0x80: {  	_ =	shalt  }
0x81: {  	_ =	shalt  }
0x82: {  	_ =	shalt  }
0x83: {  	_ =	shalt  }
0x84: {  	_ =	shalt  }
0x85: {  	_ =	shalt  }
0x86: {  	_ =	shalt  }
0x87: {  	_ =	shalt  }
.Lfunc_end0:
.L_simem_size_0:
called_computation_lowered:
.L_overlay_start_0:
0x88: {  	s2 =	sld [smem:$0x3FD9]  }
0x89: {  	s3 =	sld [smem:$0x3FFE];
	_ =	sdelay $0x1  }
0x8a: {  	s1 =	srdreg.scid  }
0x8b: {  	s0 =	sand.u32 $0x1, s1  }
0x8c: {  	s18 =	sshll.u32 s0, $0xA;
	s2 =	sadd.s32 s3, s2  }
0x8d: {  	s2 =	sadd.s32 s2, s18  }
0x8e: {  	[smem:$0x3FC6] =	sst s2  }
0x8f: {  	_ = 	snop  }
0x90: {  	s2 =	sld [smem:$0x3FC9]  }
0x91: {  	s19 =	sld [smem:$0x3FC8]  }
0x92: {  	s4 =	sld [smem:$0x3FD0];
	(tm) =	ssettm $0x1  }
0x93: {  	s5 =	sld [smem:$0x3FFB];
	_ =	sdelay $0x3  }
0x94: {  	_ =	strace s5  }
0x95: {  	s5 =	sld [smem:$0x3FFC];
	_ =	sdelay $0x3  }
0x96: {  	_ =	strace s5  }
0x97: {  	s5 =	sld [smem:$0x3FFD];
	_ =	sdelay $0x3  }
0x98: {  	_ =	strace s5  }
0x99: {  	_ =	strace $0x8FFFFFFF  }
0x9a: {  	s20 =	sld [smem:$0x3FDB];
	_ =	sdelay $0x1  }
0x9b: {  	s6 =	simm.s32 $_scs_section_size  }
0x9c: {  	s7 =	simm.s32 $_size__tile_overlayer_lowered;
	s8 =	simm.s32 $_tile_overlayer_lowered  }
0x9d: {  	s23 =	simm.s32 $0x1BFF;
	s22 =	sshll.u32 s8, $0x1;
	s5 =	sadd.s32 s6, s20  }
0x9e: {  	s9 =	simm.s32 $0x0;
	s21 =	sshll.u32 s7, $0x1;
	s7 =	sadd.s32 s22, s5  }
0x9f: {  	[timem:s9], [sflag:s23] =	dma.local [hbm:s7], s21  }
0xa0: {  	_ =	swait.ge [sflag:s23], s21  }
0xa1: {  	s6 =	ssub.s32 $0x0, s21;
	[sflag:s23] =	ssyncset.done $0x0  }
0xa2: {  	[sflag:s23] =	ssyncadd.s32 s6;
	_ =	sdelay $0x1  }
0xa3: {  	s24 =	simm.s32 $0x1B8B  }
0xa4: {  	_ =	swait.ge [sflag:s24], $0x1  }
0xa5: {  	[sflag:s24] =	ssyncset.done $0x0  }
0xa6: {  	s25 =	simm.s32 $0x1B8E;
	[sflag:s24] =	ssyncadd.s32 $0xFFFFFFFF  }
0xa7: {  	s26 =	simm.s32 $execute0_lowered;
	[smem:$0x3FD2] =	sst s25  }
0xa8: {  	s6 =	sshll.u32 s26, $0x1;
	_ =	strace $0x80000046;
	[dreg:$0x1] =	wrdreg $0xFFFFFFFF  }
0xa9: {  	s28 =	simm.s32 $_size_execute0_lowered;
	s5 =	sadd.s32 s5, s6;
	[dreg:$0x0] =	wrdreg $0x0  }
0xaa: {  	s6 =	sshll.u32 s28, $0x1;
	[dreg:$0x2] =	wrdreg s5  }
0xab: {  	[dreg:$0x3] =	wrdreg s6  }
0xac: {  	[dreg:$0x4] =	wrdreg $0xC0  }
0xad: {  	_ =	task [dreg:s9], $0x5FFFF  }
0xae: {  	[dreg:$0x1] =	wrdreg $0xFFFFFFFF  }
0xaf: {  	[dreg:$0x0] =	wrdreg $0x60  }
0xb0: {  	[dreg:$0x2] =	wrdreg s2  }
0xb1: {  	[dreg:$0x3] =	wrdreg s19  }
0xb2: {  	[dreg:$0x4] =	wrdreg s4  }
0xb3: {  	[dreg:$0x5] =	wrdreg $0x9  }
0xb4: {  	_ =	task.clear_ibuf [dreg:s9], $0x6FFFF;
	_ =	strace $0x90000046  }
0xb5: {  	s29 =	simm.s32 $0x9;
	_ =	strace $0x80000048  }
0xb6: {  	_ =	swait.ge [sflag:s29], $0x1  }
0xb7: {  	[sflag:s29] =	ssyncadd.s32 $0xFFFFFFFF  }
0xb8: {  	_ =	strace $0x90000048  }
0xb9: {  	_ =	sfence  }
0xba: {  	s30 =	sld [smem:$0x0];
	_ =	sdelay $0x2  }
0xbb: {  	s31 =	sshll.u32 s1, $0xD;
	s1 =	sshrl.u32 s1, $0x2  }
0xbc: {  	s3 =	sand.u32 $0x4000, s31;
	s1 =	sadd.s32 s1, s30  }
0xbd: {  	s0 =	sor.u32 s3, s0;
	s1 =	sshll.u32 s1, $0x11  }
0xbe: {  	s0 =	sor.u32 s1, s0  }
0xbf: {  	s0 =	sadd.s32 $0x8F2B, s0  }
0xc0: {  	[sflag:s0] =	ssyncadd.remote.s32 $0x1  }
0xc1: {  	_ =	sfence.sel $0xFFFF  }
0xc2: {  	[dreg:$0x0] =	wrdreg $0xFFFFFFFF;
	(pc) =	sbr.abs _section_cstart, $3  }
0xc3: {  	[dreg:$0x1] =	wrdreg $0xFFFFFFFF  }
0xc4: {  	_ =	task.clear_ibuf [dreg:s9], $0x2FFFF;
	_ =	strace $0x9FFFFFFF  }
0xc5: {  	(tm) =	ssettm $0x7FFFFFFF  }
tec
execute0_lowered:
.L_overlay_start_1:
0x0: {  	(tag) =	ssettag $0x1  }
0x1: {  	s2 =	rddreg [dreg:$0x0];
	s0 =	srdreg.scid  }
0x2: {  	s3 =	rddreg [dreg:$0x1];
	s1 =	stileid.u32;
	s0 =	sand.u32 $0x1, s0  }
0x3: {  	s5 =	sshll.u32 s1, $0xC;
	s4 =	ssub.s32 $0x2, s0;
	s0 =	sshll.u32 s0, $0xB  }
0x4: {  	s6 =	rddreg [dreg:$0x2];
	s12 =	simm.s32 $0x0;
	s0 =	sor.u32 s0, s5  }
0x5: {  	[smem:$0x7FF] =	sst s12;
	s26 =	sadd.s32 s3, s0;
	s29 =	sor.u32 $0x10000, s0  }
0x6: {  	s31 =	sor.u32 $0x20000, s0;
	[dreg:$0x4] =	wrdreg s26;
	s30 =	sadd.s32 s2, s29  }
0x7: {  	s5 =	sor.u32 $0x30000, s0;
	s9 =	sadd.s32 s2, s31;
	[dreg:$0x5] =	wrdreg s30  }
0x8: {  	s8 =	sor.u32 $0x40000, s0;
	s10 =	sadd.s32 s2, s5;
	[dreg:$0x6] =	wrdreg s9  }
0x9: {  	s11 =	sadd.s32 s2, s8;
	[dreg:$0x7] =	wrdreg s10  }
0xa: {  	s14 =	sor.u32 $0x50000, s0;
	s13 =	sadd.s32 s6, s29;
	[dreg:$0x8] =	wrdreg s11  }
0xb: {  	s15 =	sadd.s32 s2, s14;
	[dreg:$0x9] =	wrdreg s13  }
0xc: {  	s17 =	sor.u32 $0x60000, s0;
	s16 =	sadd.s32 s6, s31;
	[dreg:$0xa] =	wrdreg s15  }
0xd: {  	s18 =	sadd.s32 s2, s17;
	[dreg:$0xb] =	wrdreg s16  }
0xe: {  	s20 =	sor.u32 $0x70000, s0;
	s19 =	sadd.s32 s6, s5;
	[dreg:$0xc] =	wrdreg s18  }
0xf: {  	s21 =	sadd.s32 s2, s20;
	[dreg:$0xd] =	wrdreg s19  }
0x10: {  	s23 =	sor.u32 $0x80000, s0;
	s22 =	sadd.s32 s6, s8;
	[dreg:$0xe] =	wrdreg s21  }
0x11: {  	s24 =	sadd.s32 s2, s23;
	[dreg:$0xf] =	wrdreg s22  }
0x12: {  	s25 =	sadd.s32 s6, s14;
	[dreg:$0x10] =	wrdreg s24  }
0x13: {  	s5 =	sadd.s32 s6, s20;
	[dreg:$0x11] =	wrdreg s25  }
0x14: {  	s26 =	sor.u32 $0x90000, s0;
	s8 =	sadd.s32 s6, s23;
	[dreg:$0x14] =	wrdreg s5  }
0x15: {  	s29 =	sadd.s32 s2, s26;
	[dreg:$0x15] =	wrdreg s8  }
0x16: {  	s7 =	sshrl.u32 s4, $0x1;
	s30 =	sadd.s32 s6, s17;
	[dreg:$0x12] =	wrdreg s29  }
0x17: {  	s31 =	sor.u32 $0xA0000, s0;
	s9 =	sadd.s32 s6, s26;
	[dreg:$0x13] =	wrdreg s30  }
0x18: {  	s7 =	ssub.s32 s4, s7;
	s10 =	sadd.s32 s2, s31;
	[dreg:$0x16] =	wrdreg s9  }
0x19: {  	s4 =	sor.u32 $0x110000, s0;
	s11 =	sadd.s32 s6, s31;
	[dreg:$0x17] =	wrdreg s10  }
0x1a: {  	s5 =	sadd.s32 s2, s4;
	[dreg:$0x18] =	wrdreg s11  }
0x1b: {  	s13 =	sor.u32 $0xB0000, s0;
	s8 =	sadd.s32 s6, s4;
	[smem:$0x7DD] =	sst s5  }
0x1c: {  	s14 =	sadd.s32 s2, s13;
	[smem:$0x7DE] =	sst s8  }
0x1d: {  	s16 =	sor.u32 $0xC0000, s0;
	s15 =	sadd.s32 s6, s13;
	[dreg:$0x19] =	wrdreg s14  }
0x1e: {  	s17 =	sadd.s32 s2, s16;
	[dreg:$0x1a] =	wrdreg s15  }
0x1f: {  	s19 =	sor.u32 $0xD0000, s0;
	s18 =	sadd.s32 s6, s16;
	[dreg:$0x1b] =	wrdreg s17  }
0x20: {  	s20 =	sadd.s32 s2, s19;
	[dreg:$0x1c] =	wrdreg s18  }
0x21: {  	s22 =	sor.u32 $0xE0000, s0;
	s21 =	sadd.s32 s6, s19;
	[dreg:$0x1d] =	wrdreg s20  }
0x22: {  	s23 =	sadd.s32 s2, s22;
	[dreg:$0x1e] =	wrdreg s21  }
0x23: {  	s25 =	sor.u32 $0xF0000, s0;
	s24 =	sadd.s32 s6, s22;
	[dreg:$0x1f] =	wrdreg s23  }
0x24: {  	s26 =	sadd.s32 s2, s25;
	[smem:$0x7D8] =	sst s24  }
0x25: {  	s29 =	sadd.s32 s6, s25;
	s30 =	sor.u32 $0x100000, s0;
	[smem:$0x7D9] =	sst s26  }
0x26: {  	[smem:$0x7DA] =	sst s29;
	s31 =	sadd.s32 s2, s30  }
0x27: {  	s9 =	sor.u32 $0x120000, s0;
	s3 =	sadd.s32 s6, s30;
	[smem:$0x7DB] =	sst s31  }
0x28: {  	s10 =	sadd.s32 s2, s9;
	[smem:$0x7DC] =	sst s3  }
0x29: {  	s13 =	sor.u32 $0x130000, s0;
	s11 =	sadd.s32 s6, s9;
	[smem:$0x7DF] =	sst s10  }
0x2a: {  	s14 =	sadd.s32 s2, s13;
	[smem:$0x7E0] =	sst s11  }
0x2b: {  	s16 =	sor.u32 $0x140000, s0;
	s15 =	sadd.s32 s6, s13;
	[smem:$0x7E1] =	sst s14  }
0x2c: {  	s17 =	sadd.s32 s2, s16;
	[smem:$0x7E2] =	sst s15  }
0x2d: {  	s19 =	sor.u32 $0x150000, s0;
	s18 =	sadd.s32 s6, s16;
	[smem:$0x7E3] =	sst s17  }
0x2e: {  	s20 =	sadd.s32 s2, s19;
	[smem:$0x7E4] =	sst s18  }
0x2f: {  	s22 =	sor.u32 $0x160000, s0;
	s21 =	sadd.s32 s6, s19;
	[smem:$0x7E5] =	sst s20  }
0x30: {  	s23 =	sadd.s32 s2, s22;
	[smem:$0x7E6] =	sst s21  }
0x31: {  	s25 =	sor.u32 $0x170000, s0;
	s24 =	sadd.s32 s6, s22;
	[smem:$0x7E7] =	sst s23  }
0x32: {  	s26 =	sadd.s32 s2, s25;
	[smem:$0x7E8] =	sst s24  }
0x33: {  	s5 =	sor.u32 $0x190000, s0;
	s29 =	sadd.s32 s6, s25;
	[smem:$0x7E9] =	sst s26  }
0x34: {  	s28 =	simm.s32 $0x0;
	s8 =	sadd.s32 s2, s5;
	[smem:$0x7EA] =	sst s29  }
0x35: {  	s30 =	sor.u32 $0x180000, s0;
	s9 =	sadd.s32 s6, s5;
	[smem:$0x7ED] =	sst s8  }
0x36: {  	s19 =	sor.u32 $0x1C0000, s0;
	s31 =	sadd.s32 s2, s30;
	[smem:$0x7EE] =	sst s9  }
0x37: {  	s4 =	sadd.s32 s6, s30;
	s10 =	sor.u32 $0x1A0000, s0;
	[smem:$0x7EB] =	sst s31  }
0x38: {  	s14 =	sor.u32 $0x1B0000, s0;
	s17 =	sadd.s32 s2, s0;
	[smem:$0x7EC] =	sst s4  }
0x39: {  	s18 =	sadd.s32 s6, s0;
	s20 =	sor.u32 $0x1D0000, s0;
	[smem:$0x7F3] =	sst s17  }
0x3a: {  	s21 =	sor.u32 $0x1E0000, s0;
	s22 =	sadd.s32 s2, s19;
	[smem:$0x7F4] =	sst s18  }
0x3b: {  	s0 =	sor.u32 $0x1F0000, s0;
	s26 =	sadd.s32 s6, s19;
	[smem:$0x7F5] =	sst s22  }
0x3c: {  	s8 =	simm.s32 $0x4000;
	s11 =	sadd.s32 s2, s10;
	[smem:$0x7F9] =	sst s26  }
0x3d: {  	s9 =	simm.s32 $0x8000;
	s13 =	sadd.s32 s6, s10;
	[smem:$0x7EF] =	sst s11  }
0x3e: {  	s19 =	simm.s32 $0x4;
	s15 =	sadd.s32 s2, s14;
	[smem:$0x7F0] =	sst s13  }
0x3f: {  	s16 =	sadd.s32 s6, s14;
	s23 =	sadd.s32 s2, s20;
	[smem:$0x7F1] =	sst s15  }
0x40: {  	s24 =	sadd.s32 s2, s21;
	s25 =	sadd.s32 s2, s0;
	[smem:$0x7F2] =	sst s16  }
0x41: {  	s29 =	sadd.s32 s6, s20;
	s30 =	sadd.s32 s6, s21;
	[smem:$0x7F6] =	sst s23  }
0x42: {  	s0 =	sadd.s32 s6, s0;
	s31 =	smax.u32 s7, $0x1;
	[smem:$0x7F7] =	sst s24  }
0x43: {  	s10 =	simm.s32 $0xC000;
	s14 =	simm.s32 $0x14000;
	[smem:$0x7F8] =	sst s25  }
0x44: {  	s17 =	simm.s32 $0x3;
	s18 =	simm.s32 $0x7;
	[smem:$0x7FA] =	sst s29  }
0x45: {  	s20 =	simm.s32 $0x8;
	s21 =	simm.s32 $0x5;
	[smem:$0x7FB] =	sst s30  }
0x46: {  	s22 =	simm.s32 $0x9;
	s26 =	simm.s32 $0xC;
	[smem:$0x7FC] =	sst s0  }
0x47: {  	s11 =	simm.s32 $0x10000;
	s13 =	simm.s32 $0x1;
	s15 =	simm.s32 $0x2  }
0x48: {  	s16 =	simm.s32 $0x18000;
	s23 =	simm.s32 $0x6;
	s24 =	simm.s32 $0xA  }
0x49: {  	s25 =	simm.s32 $0xB;
	_ =	strace $0x80000047;
	[smem:$0x7FD] =	sst s31  }
.LBB2_1:
0x4a: {  	s0 =	rddreg [dreg:$0x4]  }
0x4b: {  	s1 =	sld [smem:$0x7F3]  }
0x4c: {  	[tilespmem:s12], [sflag:$0xD] =	stream.linear.gather [hbm4b:s0+s12], $0x4000, $0x38;
	[tilespmem:$0x1C000] =	vst v63  }
0x4d: {  	_ = 	snop  }
0x4e: {  	[tilespmem:s8], [sflag:$0x1] =	stream.linear.gather [hbm4b:s1+s12], $0x4000, $0x38;
	[tilespmem:$0x1C000] =	vst v63  }
0x4f: {  	s2 =	rddreg [dreg:$0x5]  }
0x50: {  	[tilespmem:s9], [sflag:$0x2] =	stream.linear.gather [hbm4b:s2+s12], $0x4000, $0x38;
	[tilespmem:$0x1C000] =	vst v63  }
0x51: {  	s3 =	rddreg [dreg:$0x6]  }
0x52: {  	[tilespmem:s10], [sflag:$0x3] =	stream.linear.gather [hbm4b:s3+s12], $0x4000, $0x38;
	[tilespmem:$0x1C000] =	vst v63  }
0x53: {  	s4 =	rddreg [dreg:$0x7];
	s5 =	simm.s32 $0xD  }
0x54: {  	[tilespmem:s11], [sflag:$0x4] =	stream.linear.gather [hbm4b:s4+s12], $0x4000, $0x38;
	[tilespmem:$0x1C000] =	vst v63  }
0x55: {  	_ =	swait.ge [sflag:s5], $0x4000  }
0x56: {  	[sflag:s5] =	ssyncset.done $0x0  }
0x57: {  	s29 =	simm.s32 $0x0;
	[sflag:s5] =	ssyncadd.s32 $0xFFFFC000  }
0x58: {  	s6 =	sand.u32 $0x3000, s29;
	s2 =	sand.u32 $0xC00, s12;
	_ =	swait.ge [sflag:s13], $0x4000  }
0x59: {  	s7 =	sand.u32 $0x380, s12;
	s0 =	sor.u32 s6, s2;
	[sflag:s13] =	ssyncset.done $0x0  }
0x5a: {  	s2 =	sor.u32 s7, s0;
	[sflag:s13] =	ssyncadd.s32 $0xFFFFC000  }
0x5b: {  	v0 =	vld [tilespmem:s2+$0x70]  }
0x5c: {  	v4 =	vld [tilespmem:s2+$0x0]  }
0x5d: {  	v5 =	vld [tilespmem:s2+$0x10]  }
0x5e: {  	v6 =	vld [tilespmem:s2+$0x20]  }
0x5f: {  	v2 =	vld [tilespmem:s2+$0x30]  }
0x60: {  	v3 =	vld [tilespmem:s2+$0x40]  }
0x61: {  	s0 =	sor.u32 $0x4070, s2;
	v1 =	vld [tilespmem:s2+$0x60]  }
0x62: {  	[tilespmem:s0+$0x0] =	vst.add.f32.msk $0xffff, v0  }
0x63: {  	s12 =	sor.u32 $0x4000, s2;
	v0 =	vld [tilespmem:s2+$0x50]  }
0x64: {  	s30 =	sor.u32 $0x4010, s2;
	s31 =	sor.u32 $0x4020, s2;
	[tilespmem:s12+$0x0] =	vst.add.f32.msk $0xffff, v4  }
0x65: {  	s3 =	sor.u32 $0x4040, s2;
	s4 =	sor.u32 $0x4030, s2;
	s0 =	sor.u32 $0x4050, s2;
	[tilespmem:s30+$0x0] =	vst.add.f32.msk $0xffff, v5  }
0x66: {  	s2 =	sor.u32 $0x4060, s2;
	[tilespmem:s31+$0x0] =	vst.add.f32.msk $0xffff, v6;
	s30 =	simm.s32 $0x0;
	s31 =	simm.s32 $0x0  }
.LBB2_2:
0x67: {  	s29 =	sadd.s32 $0x80, s29;
	[tilespmem:s4+$0x0] =	vst.add.f32.msk $0xffff, v2;
	s30 =	sadd.s32 $0x400, s30  }
0x68: {  	s31 =	sadd.s32 $0x20, s31;
	s4 =	sand.u32 $0x3000, s29;
	s5 =	sand.u32 $0xC00, s30;
	[tilespmem:s3+$0x0] =	vst.add.f32.msk $0xffff, v3  }
0x69: {  	p0 =	slt.u32 s29, $0x3F80;
	s3 =	sor.u32 s4, s5;
	s4 =	sand.u32 $0x380, s31;
	[tilespmem:s0+$0x0] =	vst.add.f32.msk $0xffff, v0  }
0x6a: {  	s5 =	sor.u32 s4, s3;
	[tilespmem:s2+$0x0] =	vst.add.f32.msk $0xffff, v1  }
0x6b: {  	s6 =	sor.u32 $0x4000, s5;
	s7 =	sor.u32 $0x4010, s5;
	s12 =	sor.u32 $0x4020, s5;
	v0 =	vld [tilespmem:s5+$0x70]  }
0x6c: {  	s4 =	sor.u32 $0x4030, s5;
	s3 =	sor.u32 $0x4040, s5;
	s0 =	sor.u32 $0x4050, s5;
	v4 =	vld [tilespmem:s5+$0x0]  }
0x6d: {  	s2 =	sor.u32 $0x4060, s5;
	v5 =	vld [tilespmem:s5+$0x10]  }
0x6e: {  	v6 =	vld [tilespmem:s5+$0x20]  }
0x6f: {  	s1 =	sor.u32 $0x4070, s5;
	v2 =	vld [tilespmem:s5+$0x30]  }
0x70: {  	[tilespmem:s1+$0x0] =	vst.add.f32.msk $0xffff, v0  }
0x71: {  	v3 =	vld [tilespmem:s5+$0x40]  }
.Ltmp0:
0x72: {  	v0 =	vld [tilespmem:s5+$0x50];
	(pc) =	sbr.rel @p0 .LBB2_2-.Ltmp0, $4  }
0x73: {  	v1 =	vld [tilespmem:s5+$0x60]  }
0x74: {  	[tilespmem:s6+$0x0] =	vst.add.f32.msk $0xffff, v4  }
0x75: {  	[tilespmem:s7+$0x0] =	vst.add.f32.msk $0xffff, v5  }
0x76: {  	[tilespmem:s12+$0x0] =	vst.add.f32.msk $0xffff, v6  }
0x77: {  	[tilespmem:s4+$0x0] =	vst.add.f32.msk $0xffff, v2  }
0x78: {  	[tilespmem:s3+$0x0] =	vst.add.f32.msk $0xffff, v3  }
0x79: {  	[tilespmem:s0+$0x0] =	vst.add.f32.msk $0xffff, v0  }
0x7a: {  	[tilespmem:s2+$0x0] =	vst.add.f32.msk $0xffff, v1  }
0x7b: {  	s0 =	sld [smem:$0x7F4];
	_ =	sdelay $0x1  }
0x7c: {  	s29 =	simm.s32 $0x0  }
0x7d: {  	[hbm4b:s0+s29] =	stream.linear.scatter [tilespmem:s8], [sflag:$0x7], $0x4000, $0x38;
	[tilespmem:$0x1C000] =	vst v63  }
0x7e: {  	s30 =	simm.s32 $0x0;
	s4 =	rddreg [dreg:$0x8]  }
0x7f: {  	[tilespmem:s14], [sflag:$0x5] =	stream.linear.gather [hbm4b:s4+s29], $0x4000, $0x38;
	[tilespmem:$0x1C000] =	vst v63  }
0x80: {  	s5 =	sand.u32 $0x3000, s30;
	s1 =	sand.u32 $0xC00, s29;
	_ =	swait.ge [sflag:s15], $0x4000  }
0x81: {  	s6 =	sand.u32 $0x380, s29;
	s0 =	sor.u32 s5, s1;
	[sflag:s15] =	ssyncset.done $0x0  }
0x82: {  	s1 =	sor.u32 s6, s0;
	[sflag:s15] =	ssyncadd.s32 $0xFFFFC000  }
0x83: {  	v0 =	vld [tilespmem:s1+$0x70]  }
0x84: {  	v4 =	vld [tilespmem:s1+$0x0]  }
0x85: {  	v5 =	vld [tilespmem:s1+$0x10]  }
0x86: {  	v6 =	vld [tilespmem:s1+$0x20]  }
0x87: {  	v2 =	vld [tilespmem:s1+$0x30]  }
0x88: {  	v3 =	vld [tilespmem:s1+$0x40]  }
0x89: {  	s0 =	sor.u32 $0x8070, s1;
	v1 =	vld [tilespmem:s1+$0x60]  }
0x8a: {  	[tilespmem:s0+$0x0] =	vst.add.f32.msk $0xffff, v0  }
0x8b: {  	s7 =	sor.u32 $0x8000, s1;
	v0 =	vld [tilespmem:s1+$0x50]  }
0x8c: {  	s12 =	sor.u32 $0x8010, s1;
	[tilespmem:s7+$0x0] =	vst.add.f32.msk $0xffff, v4  }
0x8d: {  	s31 =	simm.s32 $0x0;
	s5 =	sor.u32 $0x8020, s1;
	s4 =	sor.u32 $0x8030, s1;
	[tilespmem:s12+$0x0] =	vst.add.f32.msk $0xffff, v5  }
0x8e: {  	s3 =	sor.u32 $0x8040, s1;
	s2 =	sor.u32 $0x8060, s1;
	s0 =	sor.u32 $0x8050, s1;
	[tilespmem:s5+$0x0] =	vst.add.f32.msk $0xffff, v6  }
.LBB2_4:
0x8f: {  	s30 =	sadd.s32 $0x80, s30;
	[tilespmem:s4+$0x0] =	vst.add.f32.msk $0xffff, v2;
	s29 =	sadd.s32 $0x400, s29  }
0x90: {  	s31 =	sadd.s32 $0x20, s31;
	s1 =	sand.u32 $0x3000, s30;
	s4 =	sand.u32 $0xC00, s29;
	[tilespmem:s3+$0x0] =	vst.add.f32.msk $0xffff, v3  }
0x91: {  	s3 =	sand.u32 $0x380, s31;
	p0 =	slt.u32 s30, $0x3F80;
	s1 =	sor.u32 s1, s4;
	[tilespmem:s0+$0x0] =	vst.add.f32.msk $0xffff, v0  }
0x92: {  	s1 =	sor.u32 s3, s1;
	[tilespmem:s2+$0x0] =	vst.add.f32.msk $0xffff, v1  }
0x93: {  	s5 =	sor.u32 $0x8000, s1;
	s6 =	sor.u32 $0x8010, s1;
	s7 =	sor.u32 $0x8020, s1;
	v0 =	vld [tilespmem:s1+$0x70]  }
0x94: {  	s4 =	sor.u32 $0x8030, s1;
	s3 =	sor.u32 $0x8040, s1;
	s0 =	sor.u32 $0x8050, s1;
	v4 =	vld [tilespmem:s1+$0x0]  }
0x95: {  	s2 =	sor.u32 $0x8060, s1;
	v5 =	vld [tilespmem:s1+$0x10]  }
0x96: {  	v6 =	vld [tilespmem:s1+$0x20]  }
0x97: {  	s12 =	sor.u32 $0x8070, s1;
	v2 =	vld [tilespmem:s1+$0x30]  }
0x98: {  	[tilespmem:s12+$0x0] =	vst.add.f32.msk $0xffff, v0  }
0x99: {  	v3 =	vld [tilespmem:s1+$0x40]  }
.Ltmp1:
0x9a: {  	v0 =	vld [tilespmem:s1+$0x50];
	(pc) =	sbr.rel @p0 .LBB2_4-.Ltmp1, $4  }
0x9b: {  	v1 =	vld [tilespmem:s1+$0x60]  }
0x9c: {  	[tilespmem:s5+$0x0] =	vst.add.f32.msk $0xffff, v4  }
0x9d: {  	[tilespmem:s6+$0x0] =	vst.add.f32.msk $0xffff, v5  }
0x9e: {  	[tilespmem:s7+$0x0] =	vst.add.f32.msk $0xffff, v6  }
0x9f: {  	[tilespmem:s4+$0x0] =	vst.add.f32.msk $0xffff, v2  }
0xa0: {  	[tilespmem:s3+$0x0] =	vst.add.f32.msk $0xffff, v3  }
0xa1: {  	[tilespmem:s0+$0x0] =	vst.add.f32.msk $0xffff, v0  }
0xa2: {  	[tilespmem:s2+$0x0] =	vst.add.f32.msk $0xffff, v1  }
0xa3: {  	s29 =	simm.s32 $0x0;
	s0 =	rddreg [dreg:$0x9]  }
0xa4: {  	[hbm4b:s0+s29] =	stream.linear.scatter [tilespmem:s9], [sflag:$0x8], $0x4000, $0x38;
	[tilespmem:$0x1C000] =	vst v63  }
0xa5: {  	s30 =	simm.s32 $0x0;
	s4 =	rddreg [dreg:$0xa]  }
0xa6: {  	[tilespmem:s16], [sflag:$0x6] =	stream.linear.gather [hbm4b:s4+s29], $0x4000, $0x38;
	[tilespmem:$0x1C000] =	vst v63  }
0xa7: {  	s5 =	sand.u32 $0x3000, s30;
	s1 =	sand.u32 $0xC00, s29;
	_ =	swait.ge [sflag:s17], $0x4000  }
0xa8: {  	s6 =	sand.u32 $0x380, s29;
	s0 =	sor.u32 s5, s1;
	[sflag:s17] =	ssyncset.done $0x0  }
0xa9: {  	s1 =	sor.u32 s6, s0;
	[sflag:s17] =	ssyncadd.s32 $0xFFFFC000  }
0xaa: {  	v0 =	vld [tilespmem:s1+$0x70]  }
0xab: {  	v4 =	vld [tilespmem:s1+$0x0]  }
0xac: {  	v5 =	vld [tilespmem:s1+$0x10]  }
0xad: {  	v6 =	vld [tilespmem:s1+$0x20]  }
0xae: {  	v2 =	vld [tilespmem:s1+$0x30]  }
0xaf: {  	v3 =	vld [tilespmem:s1+$0x40]  }
0xb0: {  	s0 =	sor.u32 $0xC070, s1;
	v1 =	vld [tilespmem:s1+$0x60]  }
0xb1: {  	[tilespmem:s0+$0x0] =	vst.add.f32.msk $0xffff, v0  }
0xb2: {  	s7 =	sor.u32 $0xC000, s1;
	v0 =	vld [tilespmem:s1+$0x50]  }
0xb3: {  	s12 =	sor.u32 $0xC010, s1;
	[tilespmem:s7+$0x0] =	vst.add.f32.msk $0xffff, v4  }
0xb4: {  	s31 =	simm.s32 $0x0;
	s5 =	sor.u32 $0xC020, s1;
	s4 =	sor.u32 $0xC030, s1;
	[tilespmem:s12+$0x0] =	vst.add.f32.msk $0xffff, v5  }
0xb5: {  	s3 =	sor.u32 $0xC040, s1;
	s2 =	sor.u32 $0xC060, s1;
	s0 =	sor.u32 $0xC050, s1;
	[tilespmem:s5+$0x0] =	vst.add.f32.msk $0xffff, v6  }
.LBB2_6:
0xb6: {  	s30 =	sadd.s32 $0x80, s30;
	[tilespmem:s4+$0x0] =	vst.add.f32.msk $0xffff, v2;
	s29 =	sadd.s32 $0x400, s29  }
0xb7: {  	s31 =	sadd.s32 $0x20, s31;
	s1 =	sand.u32 $0x3000, s30;
	s4 =	sand.u32 $0xC00, s29;
	[tilespmem:s3+$0x0] =	vst.add.f32.msk $0xffff, v3  }
0xb8: {  	s3 =	sand.u32 $0x380, s31;
	p0 =	slt.u32 s30, $0x3F80;
	s1 =	sor.u32 s1, s4;
	[tilespmem:s0+$0x0] =	vst.add.f32.msk $0xffff, v0  }
0xb9: {  	s1 =	sor.u32 s3, s1;
	[tilespmem:s2+$0x0] =	vst.add.f32.msk $0xffff, v1  }
0xba: {  	s5 =	sor.u32 $0xC000, s1;
	s6 =	sor.u32 $0xC010, s1;
	s7 =	sor.u32 $0xC020, s1;
	v0 =	vld [tilespmem:s1+$0x70]  }
0xbb: {  	s4 =	sor.u32 $0xC030, s1;
	s3 =	sor.u32 $0xC040, s1;
	s0 =	sor.u32 $0xC050, s1;
	v4 =	vld [tilespmem:s1+$0x0]  }
0xbc: {  	s2 =	sor.u32 $0xC060, s1;
	v5 =	vld [tilespmem:s1+$0x10]  }
0xbd: {  	v6 =	vld [tilespmem:s1+$0x20]  }
0xbe: {  	s12 =	sor.u32 $0xC070, s1;
	v2 =	vld [tilespmem:s1+$0x30]  }
0xbf: {  	[tilespmem:s12+$0x0] =	vst.add.f32.msk $0xffff, v0  }
0xc0: {  	v3 =	vld [tilespmem:s1+$0x40]  }
.Ltmp2:
0xc1: {  	v0 =	vld [tilespmem:s1+$0x50];
	(pc) =	sbr.rel @p0 .LBB2_6-.Ltmp2, $4  }
0xc2: {  	v1 =	vld [tilespmem:s1+$0x60]  }
0xc3: {  	[tilespmem:s5+$0x0] =	vst.add.f32.msk $0xffff, v4  }
0xc4: {  	[tilespmem:s6+$0x0] =	vst.add.f32.msk $0xffff, v5  }
0xc5: {  	[tilespmem:s7+$0x0] =	vst.add.f32.msk $0xffff, v6  }
0xc6: {  	[tilespmem:s4+$0x0] =	vst.add.f32.msk $0xffff, v2  }
0xc7: {  	[tilespmem:s3+$0x0] =	vst.add.f32.msk $0xffff, v3  }
0xc8: {  	[tilespmem:s0+$0x0] =	vst.add.f32.msk $0xffff, v0  }
0xc9: {  	[tilespmem:s2+$0x0] =	vst.add.f32.msk $0xffff, v1  }
0xca: {  	s29 =	simm.s32 $0x0;
	s0 =	rddreg [dreg:$0xb]  }
0xcb: {  	[hbm4b:s0+s29] =	stream.linear.scatter [tilespmem:s10], [sflag:$0x9], $0x4000, $0x38;
	[tilespmem:$0x1C000] =	vst v63  }
0xcc: {  	_ =	swait.ge [sflag:s18], $0x4000  }
0xcd: {  	[sflag:s18] =	ssyncset.done $0x0  }
0xce: {  	s30 =	simm.s32 $0x0;
	s4 =	rddreg [dreg:$0xc];
	[sflag:s18] =	ssyncadd.s32 $0xFFFFC000  }
0xcf: {  	[tilespmem:s8], [sflag:$0x1] =	stream.linear.gather [hbm4b:s4+s29], $0x4000, $0x38;
	[tilespmem:$0x1C000] =	vst v63  }
0xd0: {  	s5 =	sand.u32 $0x3000, s30;
	s1 =	sand.u32 $0xC00, s29;
	_ =	swait.ge [sflag:s19], $0x4000  }
0xd1: {  	s6 =	sand.u32 $0x380, s29;
	s0 =	sor.u32 s5, s1;
	[sflag:s19] =	ssyncset.done $0x0  }
0xd2: {  	s1 =	sor.u32 s6, s0;
	[sflag:s19] =	ssyncadd.s32 $0xFFFFC000  }
0xd3: {  	v0 =	vld [tilespmem:s1+$0x70]  }
0xd4: {  	v4 =	vld [tilespmem:s1+$0x0]  }
0xd5: {  	v5 =	vld [tilespmem:s1+$0x10]  }
0xd6: {  	v6 =	vld [tilespmem:s1+$0x20]  }
0xd7: {  	v2 =	vld [tilespmem:s1+$0x30]  }
0xd8: {  	v3 =	vld [tilespmem:s1+$0x40]  }
0xd9: {  	s0 =	sor.u32 $0x10070, s1;
	v1 =	vld [tilespmem:s1+$0x60]  }
0xda: {  	[tilespmem:s0+$0x0] =	vst.add.f32.msk $0xffff, v0  }
0xdb: {  	s7 =	sor.u32 $0x10000, s1;
	v0 =	vld [tilespmem:s1+$0x50]  }
0xdc: {  	s12 =	sor.u32 $0x10010, s1;
	[tilespmem:s7+$0x0] =	vst.add.f32.msk $0xffff, v4  }
0xdd: {  	s31 =	simm.s32 $0x0;
	s5 =	sor.u32 $0x10020, s1;
	s3 =	sor.u32 $0x10040, s1;
	[tilespmem:s12+$0x0] =	vst.add.f32.msk $0xffff, v5  }
0xde: {  	s2 =	sor.u32 $0x10060, s1;
	s4 =	sor.u32 $0x10030, s1;
	s0 =	sor.u32 $0x10050, s1;
	[tilespmem:s5+$0x0] =	vst.add.f32.msk $0xffff, v6  }
.LBB2_8:
0xdf: {  	s30 =	sadd.s32 $0x80, s30;
	[tilespmem:s4+$0x0] =	vst.add.f32.msk $0xffff, v2;
	s29 =	sadd.s32 $0x400, s29  }
0xe0: {  	s31 =	sadd.s32 $0x20, s31;
	s1 =	sand.u32 $0x3000, s30;
	s4 =	sand.u32 $0xC00, s29;
	[tilespmem:s3+$0x0] =	vst.add.f32.msk $0xffff, v3  }
0xe1: {  	s3 =	sand.u32 $0x380, s31;
	p0 =	slt.u32 s30, $0x3F80;
	s1 =	sor.u32 s1, s4;
	[tilespmem:s0+$0x0] =	vst.add.f32.msk $0xffff, v0  }
0xe2: {  	s1 =	sor.u32 s3, s1;
	[tilespmem:s2+$0x0] =	vst.add.f32.msk $0xffff, v1  }
0xe3: {  	s5 =	sor.u32 $0x10000, s1;
	s6 =	sor.u32 $0x10010, s1;
	s7 =	sor.u32 $0x10020, s1;
	v0 =	vld [tilespmem:s1+$0x70]  }
0xe4: {  	s4 =	sor.u32 $0x10030, s1;
	s3 =	sor.u32 $0x10040, s1;
	s0 =	sor.u32 $0x10050, s1;
	v4 =	vld [tilespmem:s1+$0x0]  }
0xe5: {  	s2 =	sor.u32 $0x10060, s1;
	v5 =	vld [tilespmem:s1+$0x10]  }
0xe6: {  	v6 =	vld [tilespmem:s1+$0x20]  }
0xe7: {  	s12 =	sor.u32 $0x10070, s1;
	v2 =	vld [tilespmem:s1+$0x30]  }
0xe8: {  	[tilespmem:s12+$0x0] =	vst.add.f32.msk $0xffff, v0  }
0xe9: {  	v3 =	vld [tilespmem:s1+$0x40]  }
.Ltmp3:
0xea: {  	v0 =	vld [tilespmem:s1+$0x50];
	(pc) =	sbr.rel @p0 .LBB2_8-.Ltmp3, $4  }
0xeb: {  	v1 =	vld [tilespmem:s1+$0x60]  }
0xec: {  	[tilespmem:s5+$0x0] =	vst.add.f32.msk $0xffff, v4  }
0xed: {  	[tilespmem:s6+$0x0] =	vst.add.f32.msk $0xffff, v5  }
0xee: {  	[tilespmem:s7+$0x0] =	vst.add.f32.msk $0xffff, v6  }
0xef: {  	[tilespmem:s4+$0x0] =	vst.add.f32.msk $0xffff, v2  }
0xf0: {  	[tilespmem:s3+$0x0] =	vst.add.f32.msk $0xffff, v3  }
0xf1: {  	[tilespmem:s0+$0x0] =	vst.add.f32.msk $0xffff, v0  }
0xf2: {  	[tilespmem:s2+$0x0] =	vst.add.f32.msk $0xffff, v1  }
0xf3: {  	s29 =	simm.s32 $0x0;
	s0 =	rddreg [dreg:$0xd]  }
0xf4: {  	[hbm4b:s0+s29] =	stream.linear.scatter [tilespmem:s11], [sflag:$0xA], $0x4000, $0x38;
	[tilespmem:$0x1C000] =	vst v63  }
0xf5: {  	_ =	swait.ge [sflag:s20], $0x4000  }
0xf6: {  	[sflag:s20] =	ssyncset.done $0x0  }
0xf7: {  	s30 =	simm.s32 $0x0;
	s4 =	rddreg [dreg:$0xe];
	[sflag:s20] =	ssyncadd.s32 $0xFFFFC000  }
0xf8: {  	[tilespmem:s9], [sflag:$0x2] =	stream.linear.gather [hbm4b:s4+s29], $0x4000, $0x38;
	[tilespmem:$0x1C000] =	vst v63  }
0xf9: {  	s5 =	sand.u32 $0x3000, s30;
	s1 =	sand.u32 $0xC00, s29;
	_ =	swait.ge [sflag:s21], $0x4000  }
0xfa: {  	s6 =	sand.u32 $0x380, s29;
	s0 =	sor.u32 s5, s1;
	[sflag:s21] =	ssyncset.done $0x0  }
0xfb: {  	s1 =	sor.u32 s6, s0;
	[sflag:s21] =	ssyncadd.s32 $0xFFFFC000  }
0xfc: {  	v0 =	vld [tilespmem:s1+$0x70]  }
0xfd: {  	v4 =	vld [tilespmem:s1+$0x0]  }
0xfe: {  	v5 =	vld [tilespmem:s1+$0x10]  }
0xff: {  	v6 =	vld [tilespmem:s1+$0x20]  }
0x100: {  	v2 =	vld [tilespmem:s1+$0x30]  }
0x101: {  	v3 =	vld [tilespmem:s1+$0x40]  }
0x102: {  	s0 =	sor.u32 $0x14070, s1;
	v1 =	vld [tilespmem:s1+$0x60]  }
0x103: {  	[tilespmem:s0+$0x0] =	vst.add.f32.msk $0xffff, v0  }
0x104: {  	s7 =	sor.u32 $0x14000, s1;
	v0 =	vld [tilespmem:s1+$0x50]  }
0x105: {  	s12 =	sor.u32 $0x14010, s1;
	[tilespmem:s7+$0x0] =	vst.add.f32.msk $0xffff, v4  }
0x106: {  	s31 =	simm.s32 $0x0;
	s5 =	sor.u32 $0x14020, s1;
	s3 =	sor.u32 $0x14040, s1;
	[tilespmem:s12+$0x0] =	vst.add.f32.msk $0xffff, v5  }
0x107: {  	s2 =	sor.u32 $0x14060, s1;
	s4 =	sor.u32 $0x14030, s1;
	s0 =	sor.u32 $0x14050, s1;
	[tilespmem:s5+$0x0] =	vst.add.f32.msk $0xffff, v6  }
.LBB2_10:
0x108: {  	s30 =	sadd.s32 $0x80, s30;
	[tilespmem:s4+$0x0] =	vst.add.f32.msk $0xffff, v2;
	s29 =	sadd.s32 $0x400, s29  }
0x109: {  	s31 =	sadd.s32 $0x20, s31;
	s1 =	sand.u32 $0x3000, s30;
	s4 =	sand.u32 $0xC00, s29;
	[tilespmem:s3+$0x0] =	vst.add.f32.msk $0xffff, v3  }
0x10a: {  	s3 =	sand.u32 $0x380, s31;
	p0 =	slt.u32 s30, $0x3F80;
	s1 =	sor.u32 s1, s4;
	[tilespmem:s0+$0x0] =	vst.add.f32.msk $0xffff, v0  }
0x10b: {  	s1 =	sor.u32 s3, s1;
	[tilespmem:s2+$0x0] =	vst.add.f32.msk $0xffff, v1  }
0x10c: {  	s5 =	sor.u32 $0x14000, s1;
	s6 =	sor.u32 $0x14010, s1;
	s7 =	sor.u32 $0x14020, s1;
	v0 =	vld [tilespmem:s1+$0x70]  }
0x10d: {  	s4 =	sor.u32 $0x14030, s1;
	s3 =	sor.u32 $0x14040, s1;
	s0 =	sor.u32 $0x14050, s1;
	v4 =	vld [tilespmem:s1+$0x0]  }
0x10e: {  	s2 =	sor.u32 $0x14060, s1;
	v5 =	vld [tilespmem:s1+$0x10]  }
0x10f: {  	v6 =	vld [tilespmem:s1+$0x20]  }
0x110: {  	s12 =	sor.u32 $0x14070, s1;
	v2 =	vld [tilespmem:s1+$0x30]  }
0x111: {  	[tilespmem:s12+$0x0] =	vst.add.f32.msk $0xffff, v0  }
0x112: {  	v3 =	vld [tilespmem:s1+$0x40]  }
.Ltmp4:
0x113: {  	v0 =	vld [tilespmem:s1+$0x50];
	(pc) =	sbr.rel @p0 .LBB2_10-.Ltmp4, $4  }
0x114: {  	v1 =	vld [tilespmem:s1+$0x60]  }
0x115: {  	[tilespmem:s5+$0x0] =	vst.add.f32.msk $0xffff, v4  }
0x116: {  	[tilespmem:s6+$0x0] =	vst.add.f32.msk $0xffff, v5  }
0x117: {  	[tilespmem:s7+$0x0] =	vst.add.f32.msk $0xffff, v6  }
0x118: {  	[tilespmem:s4+$0x0] =	vst.add.f32.msk $0xffff, v2  }
0x119: {  	[tilespmem:s3+$0x0] =	vst.add.f32.msk $0xffff, v3  }
0x11a: {  	[tilespmem:s0+$0x0] =	vst.add.f32.msk $0xffff, v0  }
0x11b: {  	[tilespmem:s2+$0x0] =	vst.add.f32.msk $0xffff, v1  }
0x11c: {  	s29 =	simm.s32 $0x0;
	s0 =	rddreg [dreg:$0xf]  }
0x11d: {  	[hbm4b:s0+s29] =	stream.linear.scatter [tilespmem:s14], [sflag:$0xB], $0x4000, $0x38;
	[tilespmem:$0x1C000] =	vst v63  }
0x11e: {  	_ =	swait.ge [sflag:s22], $0x4000  }
0x11f: {  	[sflag:s22] =	ssyncset.done $0x0  }
0x120: {  	s30 =	simm.s32 $0x0;
	s4 =	rddreg [dreg:$0x10];
	[sflag:s22] =	ssyncadd.s32 $0xFFFFC000  }
0x121: {  	[tilespmem:s10], [sflag:$0x3] =	stream.linear.gather [hbm4b:s4+s29], $0x4000, $0x38;
	[tilespmem:$0x1C000] =	vst v63  }
0x122: {  	s5 =	sand.u32 $0x3000, s30;
	s1 =	sand.u32 $0xC00, s29;
	_ =	swait.ge [sflag:s23], $0x4000  }
0x123: {  	s6 =	sand.u32 $0x380, s29;
	s0 =	sor.u32 s5, s1;
	[sflag:s23] =	ssyncset.done $0x0  }
0x124: {  	s1 =	sor.u32 s6, s0;
	[sflag:s23] =	ssyncadd.s32 $0xFFFFC000  }
0x125: {  	v0 =	vld [tilespmem:s1+$0x70]  }
0x126: {  	v4 =	vld [tilespmem:s1+$0x0]  }
0x127: {  	v5 =	vld [tilespmem:s1+$0x10]  }
0x128: {  	v6 =	vld [tilespmem:s1+$0x20]  }
0x129: {  	v2 =	vld [tilespmem:s1+$0x30]  }
0x12a: {  	v3 =	vld [tilespmem:s1+$0x40]  }
0x12b: {  	s0 =	sor.u32 $0x18070, s1;
	v1 =	vld [tilespmem:s1+$0x60]  }
0x12c: {  	[tilespmem:s0+$0x0] =	vst.add.f32.msk $0xffff, v0  }
0x12d: {  	s7 =	sor.u32 $0x18000, s1;
	v0 =	vld [tilespmem:s1+$0x50]  }
0x12e: {  	s12 =	sor.u32 $0x18010, s1;
	[tilespmem:s7+$0x0] =	vst.add.f32.msk $0xffff, v4  }
0x12f: {  	s31 =	simm.s32 $0x0;
	s5 =	sor.u32 $0x18020, s1;
	s3 =	sor.u32 $0x18040, s1;
	[tilespmem:s12+$0x0] =	vst.add.f32.msk $0xffff, v5  }
0x130: {  	s2 =	sor.u32 $0x18060, s1;
	s4 =	sor.u32 $0x18030, s1;
	s0 =	sor.u32 $0x18050, s1;
	[tilespmem:s5+$0x0] =	vst.add.f32.msk $0xffff, v6  }
.LBB2_12:
0x131: {  	s30 =	sadd.s32 $0x80, s30;
	[tilespmem:s4+$0x0] =	vst.add.f32.msk $0xffff, v2;
	s29 =	sadd.s32 $0x400, s29  }
0x132: {  	s31 =	sadd.s32 $0x20, s31;
	s1 =	sand.u32 $0x3000, s30;
	s4 =	sand.u32 $0xC00, s29;
	[tilespmem:s3+$0x0] =	vst.add.f32.msk $0xffff, v3  }
0x133: {  	s3 =	sand.u32 $0x380, s31;
	p0 =	slt.u32 s30, $0x3F80;
	s1 =	sor.u32 s1, s4;
	[tilespmem:s0+$0x0] =	vst.add.f32.msk $0xffff, v0  }
0x134: {  	s1 =	sor.u32 s3, s1;
	[tilespmem:s2+$0x0] =	vst.add.f32.msk $0xffff, v1  }
0x135: {  	s5 =	sor.u32 $0x18000, s1;
	s6 =	sor.u32 $0x18010, s1;
	s7 =	sor.u32 $0x18020, s1;
	v0 =	vld [tilespmem:s1+$0x70]  }
0x136: {  	s4 =	sor.u32 $0x18030, s1;
	s3 =	sor.u32 $0x18040, s1;
	s0 =	sor.u32 $0x18050, s1;
	v4 =	vld [tilespmem:s1+$0x0]  }
0x137: {  	s2 =	sor.u32 $0x18060, s1;
	v5 =	vld [tilespmem:s1+$0x10]  }
0x138: {  	v6 =	vld [tilespmem:s1+$0x20]  }
0x139: {  	s12 =	sor.u32 $0x18070, s1;
	v2 =	vld [tilespmem:s1+$0x30]  }
0x13a: {  	[tilespmem:s12+$0x0] =	vst.add.f32.msk $0xffff, v0  }
0x13b: {  	v3 =	vld [tilespmem:s1+$0x40]  }
.Ltmp5:
0x13c: {  	v0 =	vld [tilespmem:s1+$0x50];
	(pc) =	sbr.rel @p0 .LBB2_12-.Ltmp5, $4  }
0x13d: {  	v1 =	vld [tilespmem:s1+$0x60]  }
0x13e: {  	[tilespmem:s5+$0x0] =	vst.add.f32.msk $0xffff, v4  }
0x13f: {  	[tilespmem:s6+$0x0] =	vst.add.f32.msk $0xffff, v5  }
0x140: {  	[tilespmem:s7+$0x0] =	vst.add.f32.msk $0xffff, v6  }
0x141: {  	[tilespmem:s4+$0x0] =	vst.add.f32.msk $0xffff, v2  }
0x142: {  	[tilespmem:s3+$0x0] =	vst.add.f32.msk $0xffff, v3  }
0x143: {  	[tilespmem:s0+$0x0] =	vst.add.f32.msk $0xffff, v0  }
0x144: {  	[tilespmem:s2+$0x0] =	vst.add.f32.msk $0xffff, v1  }
0x145: {  	s29 =	simm.s32 $0x0;
	s0 =	rddreg [dreg:$0x11]  }
0x146: {  	[hbm4b:s0+s29] =	stream.linear.scatter [tilespmem:s16], [sflag:$0xC], $0x4000, $0x38;
	[tilespmem:$0x1C000] =	vst v63  }
0x147: {  	_ =	swait.ge [sflag:s24], $0x4000  }
0x148: {  	[sflag:s24] =	ssyncset.done $0x0  }
0x149: {  	s30 =	simm.s32 $0x0;
	s4 =	rddreg [dreg:$0x12];
	[sflag:s24] =	ssyncadd.s32 $0xFFFFC000  }
0x14a: {  	[tilespmem:s11], [sflag:$0x4] =	stream.linear.gather [hbm4b:s4+s29], $0x4000, $0x38;
	[tilespmem:$0x1C000] =	vst v63  }
0x14b: {  	s5 =	sand.u32 $0x3000, s30;
	s1 =	sand.u32 $0xC00, s29;
	_ =	swait.ge [sflag:s13], $0x4000  }
0x14c: {  	s6 =	sand.u32 $0x380, s29;
	s0 =	sor.u32 s5, s1;
	[sflag:s13] =	ssyncset.done $0x0  }
0x14d: {  	s1 =	sor.u32 s6, s0;
	[sflag:s13] =	ssyncadd.s32 $0xFFFFC000  }
0x14e: {  	v0 =	vld [tilespmem:s1+$0x70]  }
0x14f: {  	v4 =	vld [tilespmem:s1+$0x0]  }
0x150: {  	v5 =	vld [tilespmem:s1+$0x10]  }
0x151: {  	v6 =	vld [tilespmem:s1+$0x20]  }
0x152: {  	v2 =	vld [tilespmem:s1+$0x30]  }
0x153: {  	v3 =	vld [tilespmem:s1+$0x40]  }
0x154: {  	s0 =	sor.u32 $0x4070, s1;
	v1 =	vld [tilespmem:s1+$0x60]  }
0x155: {  	[tilespmem:s0+$0x0] =	vst.add.f32.msk $0xffff, v0  }
0x156: {  	s7 =	sor.u32 $0x4000, s1;
	v0 =	vld [tilespmem:s1+$0x50]  }
0x157: {  	s12 =	sor.u32 $0x4010, s1;
	[tilespmem:s7+$0x0] =	vst.add.f32.msk $0xffff, v4  }
0x158: {  	s31 =	simm.s32 $0x0;
	s5 =	sor.u32 $0x4020, s1;
	s3 =	sor.u32 $0x4040, s1;
	[tilespmem:s12+$0x0] =	vst.add.f32.msk $0xffff, v5  }
0x159: {  	s2 =	sor.u32 $0x4060, s1;
	s4 =	sor.u32 $0x4030, s1;
	s0 =	sor.u32 $0x4050, s1;
	[tilespmem:s5+$0x0] =	vst.add.f32.msk $0xffff, v6  }
.LBB2_14:
0x15a: {  	s30 =	sadd.s32 $0x80, s30;
	[tilespmem:s4+$0x0] =	vst.add.f32.msk $0xffff, v2;
	s29 =	sadd.s32 $0x400, s29  }
0x15b: {  	s31 =	sadd.s32 $0x20, s31;
	s1 =	sand.u32 $0x3000, s30;
	s4 =	sand.u32 $0xC00, s29;
	[tilespmem:s3+$0x0] =	vst.add.f32.msk $0xffff, v3  }
0x15c: {  	s3 =	sand.u32 $0x380, s31;
	p0 =	slt.u32 s30, $0x3F80;
	s1 =	sor.u32 s1, s4;
	[tilespmem:s0+$0x0] =	vst.add.f32.msk $0xffff, v0  }
0x15d: {  	s1 =	sor.u32 s3, s1;
	[tilespmem:s2+$0x0] =	vst.add.f32.msk $0xffff, v1  }
0x15e: {  	s5 =	sor.u32 $0x4000, s1;
	s6 =	sor.u32 $0x4010, s1;
	s7 =	sor.u32 $0x4020, s1;
	v0 =	vld [tilespmem:s1+$0x70]  }
0x15f: {  	s4 =	sor.u32 $0x4030, s1;
	s3 =	sor.u32 $0x4040, s1;
	s0 =	sor.u32 $0x4050, s1;
	v4 =	vld [tilespmem:s1+$0x0]  }
0x160: {  	s2 =	sor.u32 $0x4060, s1;
	v5 =	vld [tilespmem:s1+$0x10]  }
0x161: {  	v6 =	vld [tilespmem:s1+$0x20]  }
0x162: {  	s12 =	sor.u32 $0x4070, s1;
	v2 =	vld [tilespmem:s1+$0x30]  }
0x163: {  	[tilespmem:s12+$0x0] =	vst.add.f32.msk $0xffff, v0  }
0x164: {  	v3 =	vld [tilespmem:s1+$0x40]  }
.Ltmp6:
0x165: {  	v0 =	vld [tilespmem:s1+$0x50];
	(pc) =	sbr.rel @p0 .LBB2_14-.Ltmp6, $4  }
0x166: {  	v1 =	vld [tilespmem:s1+$0x60]  }
0x167: {  	[tilespmem:s5+$0x0] =	vst.add.f32.msk $0xffff, v4  }
0x168: {  	[tilespmem:s6+$0x0] =	vst.add.f32.msk $0xffff, v5  }
0x169: {  	[tilespmem:s7+$0x0] =	vst.add.f32.msk $0xffff, v6  }
0x16a: {  	[tilespmem:s4+$0x0] =	vst.add.f32.msk $0xffff, v2  }
0x16b: {  	[tilespmem:s3+$0x0] =	vst.add.f32.msk $0xffff, v3  }
0x16c: {  	[tilespmem:s0+$0x0] =	vst.add.f32.msk $0xffff, v0  }
0x16d: {  	[tilespmem:s2+$0x0] =	vst.add.f32.msk $0xffff, v1  }
0x16e: {  	s29 =	simm.s32 $0x0;
	s0 =	rddreg [dreg:$0x13]  }
0x16f: {  	[hbm4b:s0+s29] =	stream.linear.scatter [tilespmem:s8], [sflag:$0x7], $0x4000, $0x38;
	[tilespmem:$0x1C000] =	vst v63  }
0x170: {  	_ =	swait.ge [sflag:s25], $0x4000  }
0x171: {  	[sflag:s25] =	ssyncset.done $0x0  }
0x172: {  	s30 =	simm.s32 $0x0;
	s4 =	rddreg [dreg:$0x17];
	[sflag:s25] =	ssyncadd.s32 $0xFFFFC000  }
0x173: {  	[tilespmem:s14], [sflag:$0x5] =	stream.linear.gather [hbm4b:s4+s29], $0x4000, $0x38;
	[tilespmem:$0x1C000] =	vst v63  }
0x174: {  	s5 =	sand.u32 $0x3000, s30;
	s1 =	sand.u32 $0xC00, s29;
	_ =	swait.ge [sflag:s15], $0x4000  }
0x175: {  	s6 =	sand.u32 $0x380, s29;
	s0 =	sor.u32 s5, s1;
	[sflag:s15] =	ssyncset.done $0x0  }
0x176: {  	s1 =	sor.u32 s6, s0;
	[sflag:s15] =	ssyncadd.s32 $0xFFFFC000  }
0x177: {  	v0 =	vld [tilespmem:s1+$0x70]  }
0x178: {  	v4 =	vld [tilespmem:s1+$0x0]  }
0x179: {  	v5 =	vld [tilespmem:s1+$0x10]  }
0x17a: {  	v6 =	vld [tilespmem:s1+$0x20]  }
0x17b: {  	v2 =	vld [tilespmem:s1+$0x30]  }
0x17c: {  	v3 =	vld [tilespmem:s1+$0x40]  }
0x17d: {  	s0 =	sor.u32 $0x8070, s1;
	v1 =	vld [tilespmem:s1+$0x60]  }
0x17e: {  	[tilespmem:s0+$0x0] =	vst.add.f32.msk $0xffff, v0  }
0x17f: {  	s7 =	sor.u32 $0x8000, s1;
	v0 =	vld [tilespmem:s1+$0x50]  }
0x180: {  	s12 =	sor.u32 $0x8010, s1;
	[tilespmem:s7+$0x0] =	vst.add.f32.msk $0xffff, v4  }
0x181: {  	s31 =	simm.s32 $0x0;
	s5 =	sor.u32 $0x8020, s1;
	s3 =	sor.u32 $0x8040, s1;
	[tilespmem:s12+$0x0] =	vst.add.f32.msk $0xffff, v5  }
0x182: {  	s2 =	sor.u32 $0x8060, s1;
	s4 =	sor.u32 $0x8030, s1;
	s0 =	sor.u32 $0x8050, s1;
	[tilespmem:s5+$0x0] =	vst.add.f32.msk $0xffff, v6  }
.LBB2_16:
0x183: {  	s30 =	sadd.s32 $0x80, s30;
	[tilespmem:s4+$0x0] =	vst.add.f32.msk $0xffff, v2;
	s29 =	sadd.s32 $0x400, s29  }
0x184: {  	s31 =	sadd.s32 $0x20, s31;
	s1 =	sand.u32 $0x3000, s30;
	s4 =	sand.u32 $0xC00, s29;
	[tilespmem:s3+$0x0] =	vst.add.f32.msk $0xffff, v3  }
0x185: {  	s3 =	sand.u32 $0x380, s31;
	p0 =	slt.u32 s30, $0x3F80;
	s1 =	sor.u32 s1, s4;
	[tilespmem:s0+$0x0] =	vst.add.f32.msk $0xffff, v0  }
0x186: {  	s1 =	sor.u32 s3, s1;
	[tilespmem:s2+$0x0] =	vst.add.f32.msk $0xffff, v1  }
0x187: {  	s5 =	sor.u32 $0x8000, s1;
	s6 =	sor.u32 $0x8010, s1;
	s7 =	sor.u32 $0x8020, s1;
	v0 =	vld [tilespmem:s1+$0x70]  }
0x188: {  	s4 =	sor.u32 $0x8030, s1;
	s3 =	sor.u32 $0x8040, s1;
	s0 =	sor.u32 $0x8050, s1;
	v4 =	vld [tilespmem:s1+$0x0]  }
0x189: {  	s2 =	sor.u32 $0x8060, s1;
	v5 =	vld [tilespmem:s1+$0x10]  }
0x18a: {  	v6 =	vld [tilespmem:s1+$0x20]  }
0x18b: {  	s12 =	sor.u32 $0x8070, s1;
	v2 =	vld [tilespmem:s1+$0x30]  }
0x18c: {  	[tilespmem:s12+$0x0] =	vst.add.f32.msk $0xffff, v0  }
0x18d: {  	v3 =	vld [tilespmem:s1+$0x40]  }
.Ltmp7:
0x18e: {  	v0 =	vld [tilespmem:s1+$0x50];
	(pc) =	sbr.rel @p0 .LBB2_16-.Ltmp7, $4  }
0x18f: {  	v1 =	vld [tilespmem:s1+$0x60]  }
0x190: {  	[tilespmem:s5+$0x0] =	vst.add.f32.msk $0xffff, v4  }
0x191: {  	[tilespmem:s6+$0x0] =	vst.add.f32.msk $0xffff, v5  }
0x192: {  	[tilespmem:s7+$0x0] =	vst.add.f32.msk $0xffff, v6  }
0x193: {  	[tilespmem:s4+$0x0] =	vst.add.f32.msk $0xffff, v2  }
0x194: {  	[tilespmem:s3+$0x0] =	vst.add.f32.msk $0xffff, v3  }
0x195: {  	[tilespmem:s0+$0x0] =	vst.add.f32.msk $0xffff, v0  }
0x196: {  	[tilespmem:s2+$0x0] =	vst.add.f32.msk $0xffff, v1  }
0x197: {  	s29 =	simm.s32 $0x0;
	s0 =	rddreg [dreg:$0x14]  }
0x198: {  	[hbm4b:s0+s29] =	stream.linear.scatter [tilespmem:s9], [sflag:$0x8], $0x4000, $0x38;
	[tilespmem:$0x1C000] =	vst v63  }
0x199: {  	_ =	swait.ge [sflag:s26], $0x4000  }
0x19a: {  	[sflag:s26] =	ssyncset.done $0x0  }
0x19b: {  	s30 =	simm.s32 $0x0;
	s4 =	rddreg [dreg:$0x19];
	[sflag:s26] =	ssyncadd.s32 $0xFFFFC000  }
0x19c: {  	[tilespmem:s16], [sflag:$0x6] =	stream.linear.gather [hbm4b:s4+s29], $0x4000, $0x38;
	[tilespmem:$0x1C000] =	vst v63  }
0x19d: {  	s5 =	sand.u32 $0x3000, s30;
	s1 =	sand.u32 $0xC00, s29;
	_ =	swait.ge [sflag:s17], $0x4000  }
0x19e: {  	s6 =	sand.u32 $0x380, s29;
	s0 =	sor.u32 s5, s1;
	[sflag:s17] =	ssyncset.done $0x0  }
0x19f: {  	s1 =	sor.u32 s6, s0;
	[sflag:s17] =	ssyncadd.s32 $0xFFFFC000  }
0x1a0: {  	v0 =	vld [tilespmem:s1+$0x70]  }
0x1a1: {  	v4 =	vld [tilespmem:s1+$0x0]  }
0x1a2: {  	v5 =	vld [tilespmem:s1+$0x10]  }
0x1a3: {  	v6 =	vld [tilespmem:s1+$0x20]  }
0x1a4: {  	v2 =	vld [tilespmem:s1+$0x30]  }
0x1a5: {  	v3 =	vld [tilespmem:s1+$0x40]  }
0x1a6: {  	s0 =	sor.u32 $0xC070, s1;
	v1 =	vld [tilespmem:s1+$0x60]  }
0x1a7: {  	[tilespmem:s0+$0x0] =	vst.add.f32.msk $0xffff, v0  }
0x1a8: {  	s7 =	sor.u32 $0xC000, s1;
	v0 =	vld [tilespmem:s1+$0x50]  }
0x1a9: {  	s12 =	sor.u32 $0xC010, s1;
	[tilespmem:s7+$0x0] =	vst.add.f32.msk $0xffff, v4  }
0x1aa: {  	s31 =	simm.s32 $0x0;
	s5 =	sor.u32 $0xC020, s1;
	s3 =	sor.u32 $0xC040, s1;
	[tilespmem:s12+$0x0] =	vst.add.f32.msk $0xffff, v5  }
0x1ab: {  	s2 =	sor.u32 $0xC060, s1;
	s4 =	sor.u32 $0xC030, s1;
	s0 =	sor.u32 $0xC050, s1;
	[tilespmem:s5+$0x0] =	vst.add.f32.msk $0xffff, v6  }
.LBB2_18:
0x1ac: {  	s30 =	sadd.s32 $0x80, s30;
	[tilespmem:s4+$0x0] =	vst.add.f32.msk $0xffff, v2;
	s29 =	sadd.s32 $0x400, s29  }
0x1ad: {  	s31 =	sadd.s32 $0x20, s31;
	s1 =	sand.u32 $0x3000, s30;
	s4 =	sand.u32 $0xC00, s29;
	[tilespmem:s3+$0x0] =	vst.add.f32.msk $0xffff, v3  }
0x1ae: {  	s3 =	sand.u32 $0x380, s31;
	p0 =	slt.u32 s30, $0x3F80;
	s1 =	sor.u32 s1, s4;
	[tilespmem:s0+$0x0] =	vst.add.f32.msk $0xffff, v0  }
0x1af: {  	s1 =	sor.u32 s3, s1;
	[tilespmem:s2+$0x0] =	vst.add.f32.msk $0xffff, v1  }
0x1b0: {  	s5 =	sor.u32 $0xC000, s1;
	s6 =	sor.u32 $0xC010, s1;
	s7 =	sor.u32 $0xC020, s1;
	v0 =	vld [tilespmem:s1+$0x70]  }
0x1b1: {  	s4 =	sor.u32 $0xC030, s1;
	s3 =	sor.u32 $0xC040, s1;
	s0 =	sor.u32 $0xC050, s1;
	v4 =	vld [tilespmem:s1+$0x0]  }
0x1b2: {  	s2 =	sor.u32 $0xC060, s1;
	v5 =	vld [tilespmem:s1+$0x10]  }
0x1b3: {  	v6 =	vld [tilespmem:s1+$0x20]  }
0x1b4: {  	s12 =	sor.u32 $0xC070, s1;
	v2 =	vld [tilespmem:s1+$0x30]  }
0x1b5: {  	[tilespmem:s12+$0x0] =	vst.add.f32.msk $0xffff, v0  }
0x1b6: {  	v3 =	vld [tilespmem:s1+$0x40]  }
.Ltmp8:
0x1b7: {  	v0 =	vld [tilespmem:s1+$0x50];
	(pc) =	sbr.rel @p0 .LBB2_18-.Ltmp8, $4  }
0x1b8: {  	v1 =	vld [tilespmem:s1+$0x60]  }
0x1b9: {  	[tilespmem:s5+$0x0] =	vst.add.f32.msk $0xffff, v4  }
0x1ba: {  	[tilespmem:s6+$0x0] =	vst.add.f32.msk $0xffff, v5  }
0x1bb: {  	[tilespmem:s7+$0x0] =	vst.add.f32.msk $0xffff, v6  }
0x1bc: {  	[tilespmem:s4+$0x0] =	vst.add.f32.msk $0xffff, v2  }
0x1bd: {  	[tilespmem:s3+$0x0] =	vst.add.f32.msk $0xffff, v3  }
0x1be: {  	[tilespmem:s0+$0x0] =	vst.add.f32.msk $0xffff, v0  }
0x1bf: {  	[tilespmem:s2+$0x0] =	vst.add.f32.msk $0xffff, v1  }
0x1c0: {  	s29 =	simm.s32 $0x0;
	s0 =	rddreg [dreg:$0x15]  }
0x1c1: {  	[hbm4b:s0+s29] =	stream.linear.scatter [tilespmem:s10], [sflag:$0x9], $0x4000, $0x38;
	[tilespmem:$0x1C000] =	vst v63  }
0x1c2: {  	_ =	swait.ge [sflag:s18], $0x4000  }
0x1c3: {  	[sflag:s18] =	ssyncset.done $0x0  }
0x1c4: {  	s30 =	simm.s32 $0x0;
	s4 =	rddreg [dreg:$0x1b];
	[sflag:s18] =	ssyncadd.s32 $0xFFFFC000  }
0x1c5: {  	[tilespmem:s8], [sflag:$0x1] =	stream.linear.gather [hbm4b:s4+s29], $0x4000, $0x38;
	[tilespmem:$0x1C000] =	vst v63  }
0x1c6: {  	s5 =	sand.u32 $0x3000, s30;
	s1 =	sand.u32 $0xC00, s29;
	_ =	swait.ge [sflag:s19], $0x4000  }
0x1c7: {  	s6 =	sand.u32 $0x380, s29;
	s0 =	sor.u32 s5, s1;
	[sflag:s19] =	ssyncset.done $0x0  }
0x1c8: {  	s1 =	sor.u32 s6, s0;
	[sflag:s19] =	ssyncadd.s32 $0xFFFFC000  }
0x1c9: {  	v0 =	vld [tilespmem:s1+$0x70]  }
0x1ca: {  	v4 =	vld [tilespmem:s1+$0x0]  }
0x1cb: {  	v5 =	vld [tilespmem:s1+$0x10]  }
0x1cc: {  	v6 =	vld [tilespmem:s1+$0x20]  }
0x1cd: {  	v2 =	vld [tilespmem:s1+$0x30]  }
0x1ce: {  	v3 =	vld [tilespmem:s1+$0x40]  }
0x1cf: {  	s0 =	sor.u32 $0x10070, s1;
	v1 =	vld [tilespmem:s1+$0x60]  }
0x1d0: {  	[tilespmem:s0+$0x0] =	vst.add.f32.msk $0xffff, v0  }
0x1d1: {  	s7 =	sor.u32 $0x10000, s1;
	v0 =	vld [tilespmem:s1+$0x50]  }
0x1d2: {  	s12 =	sor.u32 $0x10010, s1;
	[tilespmem:s7+$0x0] =	vst.add.f32.msk $0xffff, v4  }
0x1d3: {  	s31 =	simm.s32 $0x0;
	s5 =	sor.u32 $0x10020, s1;
	s3 =	sor.u32 $0x10040, s1;
	[tilespmem:s12+$0x0] =	vst.add.f32.msk $0xffff, v5  }
0x1d4: {  	s2 =	sor.u32 $0x10060, s1;
	s4 =	sor.u32 $0x10030, s1;
	s0 =	sor.u32 $0x10050, s1;
	[tilespmem:s5+$0x0] =	vst.add.f32.msk $0xffff, v6  }
.LBB2_20:
0x1d5: {  	s30 =	sadd.s32 $0x80, s30;
	[tilespmem:s4+$0x0] =	vst.add.f32.msk $0xffff, v2;
	s29 =	sadd.s32 $0x400, s29  }
0x1d6: {  	s31 =	sadd.s32 $0x20, s31;
	s1 =	sand.u32 $0x3000, s30;
	s4 =	sand.u32 $0xC00, s29;
	[tilespmem:s3+$0x0] =	vst.add.f32.msk $0xffff, v3  }
0x1d7: {  	s3 =	sand.u32 $0x380, s31;
	p0 =	slt.u32 s30, $0x3F80;
	s1 =	sor.u32 s1, s4;
	[tilespmem:s0+$0x0] =	vst.add.f32.msk $0xffff, v0  }
0x1d8: {  	s1 =	sor.u32 s3, s1;
	[tilespmem:s2+$0x0] =	vst.add.f32.msk $0xffff, v1  }
0x1d9: {  	s5 =	sor.u32 $0x10000, s1;
	s6 =	sor.u32 $0x10010, s1;
	s7 =	sor.u32 $0x10020, s1;
	v0 =	vld [tilespmem:s1+$0x70]  }
0x1da: {  	s4 =	sor.u32 $0x10030, s1;
	s3 =	sor.u32 $0x10040, s1;
	s0 =	sor.u32 $0x10050, s1;
	v4 =	vld [tilespmem:s1+$0x0]  }
0x1db: {  	s2 =	sor.u32 $0x10060, s1;
	v5 =	vld [tilespmem:s1+$0x10]  }
0x1dc: {  	v6 =	vld [tilespmem:s1+$0x20]  }
0x1dd: {  	s12 =	sor.u32 $0x10070, s1;
	v2 =	vld [tilespmem:s1+$0x30]  }
0x1de: {  	[tilespmem:s12+$0x0] =	vst.add.f32.msk $0xffff, v0  }
0x1df: {  	v3 =	vld [tilespmem:s1+$0x40]  }
.Ltmp9:
0x1e0: {  	v0 =	vld [tilespmem:s1+$0x50];
	(pc) =	sbr.rel @p0 .LBB2_20-.Ltmp9, $4  }
0x1e1: {  	v1 =	vld [tilespmem:s1+$0x60]  }
0x1e2: {  	[tilespmem:s5+$0x0] =	vst.add.f32.msk $0xffff, v4  }
0x1e3: {  	[tilespmem:s6+$0x0] =	vst.add.f32.msk $0xffff, v5  }
0x1e4: {  	[tilespmem:s7+$0x0] =	vst.add.f32.msk $0xffff, v6  }
0x1e5: {  	[tilespmem:s4+$0x0] =	vst.add.f32.msk $0xffff, v2  }
0x1e6: {  	[tilespmem:s3+$0x0] =	vst.add.f32.msk $0xffff, v3  }
0x1e7: {  	[tilespmem:s0+$0x0] =	vst.add.f32.msk $0xffff, v0  }
0x1e8: {  	[tilespmem:s2+$0x0] =	vst.add.f32.msk $0xffff, v1  }
0x1e9: {  	s29 =	simm.s32 $0x0;
	s0 =	rddreg [dreg:$0x16]  }
0x1ea: {  	[hbm4b:s0+s29] =	stream.linear.scatter [tilespmem:s11], [sflag:$0xA], $0x4000, $0x38;
	[tilespmem:$0x1C000] =	vst v63  }
0x1eb: {  	_ =	swait.ge [sflag:s20], $0x4000  }
0x1ec: {  	[sflag:s20] =	ssyncset.done $0x0  }
0x1ed: {  	s30 =	simm.s32 $0x0;
	s4 =	rddreg [dreg:$0x1d];
	[sflag:s20] =	ssyncadd.s32 $0xFFFFC000  }
0x1ee: {  	[tilespmem:s9], [sflag:$0x2] =	stream.linear.gather [hbm4b:s4+s29], $0x4000, $0x38;
	[tilespmem:$0x1C000] =	vst v63  }
0x1ef: {  	s5 =	sand.u32 $0x3000, s30;
	s1 =	sand.u32 $0xC00, s29;
	_ =	swait.ge [sflag:s21], $0x4000  }
0x1f0: {  	s6 =	sand.u32 $0x380, s29;
	s0 =	sor.u32 s5, s1;
	[sflag:s21] =	ssyncset.done $0x0  }
0x1f1: {  	s1 =	sor.u32 s6, s0;
	[sflag:s21] =	ssyncadd.s32 $0xFFFFC000  }
0x1f2: {  	v0 =	vld [tilespmem:s1+$0x70]  }
0x1f3: {  	v4 =	vld [tilespmem:s1+$0x0]  }
0x1f4: {  	v5 =	vld [tilespmem:s1+$0x10]  }
0x1f5: {  	v6 =	vld [tilespmem:s1+$0x20]  }
0x1f6: {  	v2 =	vld [tilespmem:s1+$0x30]  }
0x1f7: {  	v3 =	vld [tilespmem:s1+$0x40]  }
0x1f8: {  	s0 =	sor.u32 $0x14070, s1;
	v1 =	vld [tilespmem:s1+$0x60]  }
0x1f9: {  	[tilespmem:s0+$0x0] =	vst.add.f32.msk $0xffff, v0  }
0x1fa: {  	s7 =	sor.u32 $0x14000, s1;
	v0 =	vld [tilespmem:s1+$0x50]  }
0x1fb: {  	s12 =	sor.u32 $0x14010, s1;
	[tilespmem:s7+$0x0] =	vst.add.f32.msk $0xffff, v4  }
0x1fc: {  	s31 =	simm.s32 $0x0;
	s5 =	sor.u32 $0x14020, s1;
	s3 =	sor.u32 $0x14040, s1;
	[tilespmem:s12+$0x0] =	vst.add.f32.msk $0xffff, v5  }
0x1fd: {  	s2 =	sor.u32 $0x14060, s1;
	s4 =	sor.u32 $0x14030, s1;
	s0 =	sor.u32 $0x14050, s1;
	[tilespmem:s5+$0x0] =	vst.add.f32.msk $0xffff, v6  }
.LBB2_22:
0x1fe: {  	s30 =	sadd.s32 $0x80, s30;
	[tilespmem:s4+$0x0] =	vst.add.f32.msk $0xffff, v2;
	s29 =	sadd.s32 $0x400, s29  }
0x1ff: {  	s31 =	sadd.s32 $0x20, s31;
	s1 =	sand.u32 $0x3000, s30;
	s4 =	sand.u32 $0xC00, s29;
	[tilespmem:s3+$0x0] =	vst.add.f32.msk $0xffff, v3  }
0x200: {  	s3 =	sand.u32 $0x380, s31;
	p0 =	slt.u32 s30, $0x3F80;
	s1 =	sor.u32 s1, s4;
	[tilespmem:s0+$0x0] =	vst.add.f32.msk $0xffff, v0  }
0x201: {  	s1 =	sor.u32 s3, s1;
	[tilespmem:s2+$0x0] =	vst.add.f32.msk $0xffff, v1  }
0x202: {  	s5 =	sor.u32 $0x14000, s1;
	s6 =	sor.u32 $0x14010, s1;
	s7 =	sor.u32 $0x14020, s1;
	v0 =	vld [tilespmem:s1+$0x70]  }
0x203: {  	s4 =	sor.u32 $0x14030, s1;
	s3 =	sor.u32 $0x14040, s1;
	s0 =	sor.u32 $0x14050, s1;
	v4 =	vld [tilespmem:s1+$0x0]  }
0x204: {  	s2 =	sor.u32 $0x14060, s1;
	v5 =	vld [tilespmem:s1+$0x10]  }
0x205: {  	v6 =	vld [tilespmem:s1+$0x20]  }
0x206: {  	s12 =	sor.u32 $0x14070, s1;
	v2 =	vld [tilespmem:s1+$0x30]  }
0x207: {  	[tilespmem:s12+$0x0] =	vst.add.f32.msk $0xffff, v0  }
0x208: {  	v3 =	vld [tilespmem:s1+$0x40]  }
.Ltmp10:
0x209: {  	v0 =	vld [tilespmem:s1+$0x50];
	(pc) =	sbr.rel @p0 .LBB2_22-.Ltmp10, $4  }
0x20a: {  	v1 =	vld [tilespmem:s1+$0x60]  }
0x20b: {  	[tilespmem:s5+$0x0] =	vst.add.f32.msk $0xffff, v4  }
0x20c: {  	[tilespmem:s6+$0x0] =	vst.add.f32.msk $0xffff, v5  }
0x20d: {  	[tilespmem:s7+$0x0] =	vst.add.f32.msk $0xffff, v6  }
0x20e: {  	[tilespmem:s4+$0x0] =	vst.add.f32.msk $0xffff, v2  }
0x20f: {  	[tilespmem:s3+$0x0] =	vst.add.f32.msk $0xffff, v3  }
0x210: {  	[tilespmem:s0+$0x0] =	vst.add.f32.msk $0xffff, v0  }
0x211: {  	[tilespmem:s2+$0x0] =	vst.add.f32.msk $0xffff, v1  }
0x212: {  	s29 =	simm.s32 $0x0;
	s0 =	rddreg [dreg:$0x18]  }
0x213: {  	[hbm4b:s0+s29] =	stream.linear.scatter [tilespmem:s14], [sflag:$0xB], $0x4000, $0x38;
	[tilespmem:$0x1C000] =	vst v63  }
0x214: {  	_ =	swait.ge [sflag:s22], $0x4000  }
0x215: {  	[sflag:s22] =	ssyncset.done $0x0  }
0x216: {  	s30 =	simm.s32 $0x0;
	s4 =	rddreg [dreg:$0x1f];
	[sflag:s22] =	ssyncadd.s32 $0xFFFFC000  }
0x217: {  	[tilespmem:s10], [sflag:$0x3] =	stream.linear.gather [hbm4b:s4+s29], $0x4000, $0x38;
	[tilespmem:$0x1C000] =	vst v63  }
0x218: {  	s5 =	sand.u32 $0x3000, s30;
	s1 =	sand.u32 $0xC00, s29;
	_ =	swait.ge [sflag:s23], $0x4000  }
0x219: {  	s6 =	sand.u32 $0x380, s29;
	s0 =	sor.u32 s5, s1;
	[sflag:s23] =	ssyncset.done $0x0  }
0x21a: {  	s1 =	sor.u32 s6, s0;
	[sflag:s23] =	ssyncadd.s32 $0xFFFFC000  }
0x21b: {  	v0 =	vld [tilespmem:s1+$0x70]  }
0x21c: {  	v4 =	vld [tilespmem:s1+$0x0]  }
0x21d: {  	v5 =	vld [tilespmem:s1+$0x10]  }
0x21e: {  	v6 =	vld [tilespmem:s1+$0x20]  }
0x21f: {  	v2 =	vld [tilespmem:s1+$0x30]  }
0x220: {  	v3 =	vld [tilespmem:s1+$0x40]  }
0x221: {  	s0 =	sor.u32 $0x18070, s1;
	v1 =	vld [tilespmem:s1+$0x60]  }
0x222: {  	[tilespmem:s0+$0x0] =	vst.add.f32.msk $0xffff, v0  }
0x223: {  	s7 =	sor.u32 $0x18000, s1;
	v0 =	vld [tilespmem:s1+$0x50]  }
0x224: {  	s12 =	sor.u32 $0x18010, s1;
	[tilespmem:s7+$0x0] =	vst.add.f32.msk $0xffff, v4  }
0x225: {  	s31 =	simm.s32 $0x0;
	s5 =	sor.u32 $0x18020, s1;
	s3 =	sor.u32 $0x18040, s1;
	[tilespmem:s12+$0x0] =	vst.add.f32.msk $0xffff, v5  }
0x226: {  	s2 =	sor.u32 $0x18060, s1;
	s4 =	sor.u32 $0x18030, s1;
	s0 =	sor.u32 $0x18050, s1;
	[tilespmem:s5+$0x0] =	vst.add.f32.msk $0xffff, v6  }
.LBB2_24:
0x227: {  	s30 =	sadd.s32 $0x80, s30;
	[tilespmem:s4+$0x0] =	vst.add.f32.msk $0xffff, v2;
	s29 =	sadd.s32 $0x400, s29  }
0x228: {  	s31 =	sadd.s32 $0x20, s31;
	s1 =	sand.u32 $0x3000, s30;
	s4 =	sand.u32 $0xC00, s29;
	[tilespmem:s3+$0x0] =	vst.add.f32.msk $0xffff, v3  }
0x229: {  	s3 =	sand.u32 $0x380, s31;
	p0 =	slt.u32 s30, $0x3F80;
	s1 =	sor.u32 s1, s4;
	[tilespmem:s0+$0x0] =	vst.add.f32.msk $0xffff, v0  }
0x22a: {  	s1 =	sor.u32 s3, s1;
	[tilespmem:s2+$0x0] =	vst.add.f32.msk $0xffff, v1  }
0x22b: {  	s5 =	sor.u32 $0x18000, s1;
	s6 =	sor.u32 $0x18010, s1;
	s7 =	sor.u32 $0x18020, s1;
	v0 =	vld [tilespmem:s1+$0x70]  }
0x22c: {  	s4 =	sor.u32 $0x18030, s1;
	s3 =	sor.u32 $0x18040, s1;
	s0 =	sor.u32 $0x18050, s1;
	v4 =	vld [tilespmem:s1+$0x0]  }
0x22d: {  	s2 =	sor.u32 $0x18060, s1;
	v5 =	vld [tilespmem:s1+$0x10]  }
0x22e: {  	v6 =	vld [tilespmem:s1+$0x20]  }
0x22f: {  	s12 =	sor.u32 $0x18070, s1;
	v2 =	vld [tilespmem:s1+$0x30]  }
0x230: {  	[tilespmem:s12+$0x0] =	vst.add.f32.msk $0xffff, v0  }
0x231: {  	v3 =	vld [tilespmem:s1+$0x40]  }
.Ltmp11:
0x232: {  	v0 =	vld [tilespmem:s1+$0x50];
	(pc) =	sbr.rel @p0 .LBB2_24-.Ltmp11, $4  }
0x233: {  	v1 =	vld [tilespmem:s1+$0x60]  }
0x234: {  	[tilespmem:s5+$0x0] =	vst.add.f32.msk $0xffff, v4  }
0x235: {  	[tilespmem:s6+$0x0] =	vst.add.f32.msk $0xffff, v5  }
0x236: {  	[tilespmem:s7+$0x0] =	vst.add.f32.msk $0xffff, v6  }
0x237: {  	[tilespmem:s4+$0x0] =	vst.add.f32.msk $0xffff, v2  }
0x238: {  	[tilespmem:s3+$0x0] =	vst.add.f32.msk $0xffff, v3  }
0x239: {  	[tilespmem:s0+$0x0] =	vst.add.f32.msk $0xffff, v0  }
0x23a: {  	[tilespmem:s2+$0x0] =	vst.add.f32.msk $0xffff, v1  }
0x23b: {  	s29 =	simm.s32 $0x0;
	s0 =	rddreg [dreg:$0x1a]  }
0x23c: {  	[hbm4b:s0+s29] =	stream.linear.scatter [tilespmem:s16], [sflag:$0xC], $0x4000, $0x38;
	[tilespmem:$0x1C000] =	vst v63  }
0x23d: {  	_ =	swait.ge [sflag:s24], $0x4000  }
0x23e: {  	s4 =	sld [smem:$0x7D9]  }
0x23f: {  	[sflag:s24] =	ssyncset.done $0x0  }
0x240: {  	s30 =	simm.s32 $0x0;
	[sflag:s24] =	ssyncadd.s32 $0xFFFFC000  }
0x241: {  	[tilespmem:s11], [sflag:$0x4] =	stream.linear.gather [hbm4b:s4+s29], $0x4000, $0x38;
	[tilespmem:$0x1C000] =	vst v63  }
0x242: {  	s5 =	sand.u32 $0x3000, s30;
	s1 =	sand.u32 $0xC00, s29;
	_ =	swait.ge [sflag:s13], $0x4000  }
0x243: {  	s6 =	sand.u32 $0x380, s29;
	s0 =	sor.u32 s5, s1;
	[sflag:s13] =	ssyncset.done $0x0  }
0x244: {  	s1 =	sor.u32 s6, s0;
	[sflag:s13] =	ssyncadd.s32 $0xFFFFC000  }
0x245: {  	v0 =	vld [tilespmem:s1+$0x70]  }
0x246: {  	v4 =	vld [tilespmem:s1+$0x0]  }
0x247: {  	v5 =	vld [tilespmem:s1+$0x10]  }
0x248: {  	v6 =	vld [tilespmem:s1+$0x20]  }
0x249: {  	v2 =	vld [tilespmem:s1+$0x30]  }
0x24a: {  	v3 =	vld [tilespmem:s1+$0x40]  }
0x24b: {  	s0 =	sor.u32 $0x4070, s1;
	v1 =	vld [tilespmem:s1+$0x60]  }
0x24c: {  	[tilespmem:s0+$0x0] =	vst.add.f32.msk $0xffff, v0  }
0x24d: {  	s7 =	sor.u32 $0x4000, s1;
	v0 =	vld [tilespmem:s1+$0x50]  }
0x24e: {  	s12 =	sor.u32 $0x4010, s1;
	[tilespmem:s7+$0x0] =	vst.add.f32.msk $0xffff, v4  }
0x24f: {  	s31 =	simm.s32 $0x0;
	s5 =	sor.u32 $0x4020, s1;
	s3 =	sor.u32 $0x4040, s1;
	[tilespmem:s12+$0x0] =	vst.add.f32.msk $0xffff, v5  }
0x250: {  	s2 =	sor.u32 $0x4060, s1;
	s4 =	sor.u32 $0x4030, s1;
	s0 =	sor.u32 $0x4050, s1;
	[tilespmem:s5+$0x0] =	vst.add.f32.msk $0xffff, v6  }
.LBB2_26:
0x251: {  	s30 =	sadd.s32 $0x80, s30;
	[tilespmem:s4+$0x0] =	vst.add.f32.msk $0xffff, v2;
	s29 =	sadd.s32 $0x400, s29  }
0x252: {  	s31 =	sadd.s32 $0x20, s31;
	s1 =	sand.u32 $0x3000, s30;
	s4 =	sand.u32 $0xC00, s29;
	[tilespmem:s3+$0x0] =	vst.add.f32.msk $0xffff, v3  }
0x253: {  	s3 =	sand.u32 $0x380, s31;
	p0 =	slt.u32 s30, $0x3F80;
	s1 =	sor.u32 s1, s4;
	[tilespmem:s0+$0x0] =	vst.add.f32.msk $0xffff, v0  }
0x254: {  	s1 =	sor.u32 s3, s1;
	[tilespmem:s2+$0x0] =	vst.add.f32.msk $0xffff, v1  }
0x255: {  	s5 =	sor.u32 $0x4000, s1;
	s6 =	sor.u32 $0x4010, s1;
	s7 =	sor.u32 $0x4020, s1;
	v0 =	vld [tilespmem:s1+$0x70]  }
0x256: {  	s4 =	sor.u32 $0x4030, s1;
	s3 =	sor.u32 $0x4040, s1;
	s0 =	sor.u32 $0x4050, s1;
	v4 =	vld [tilespmem:s1+$0x0]  }
0x257: {  	s2 =	sor.u32 $0x4060, s1;
	v5 =	vld [tilespmem:s1+$0x10]  }
0x258: {  	v6 =	vld [tilespmem:s1+$0x20]  }
0x259: {  	s12 =	sor.u32 $0x4070, s1;
	v2 =	vld [tilespmem:s1+$0x30]  }
0x25a: {  	[tilespmem:s12+$0x0] =	vst.add.f32.msk $0xffff, v0  }
0x25b: {  	v3 =	vld [tilespmem:s1+$0x40]  }
.Ltmp12:
0x25c: {  	v0 =	vld [tilespmem:s1+$0x50];
	(pc) =	sbr.rel @p0 .LBB2_26-.Ltmp12, $4  }
0x25d: {  	v1 =	vld [tilespmem:s1+$0x60]  }
0x25e: {  	[tilespmem:s5+$0x0] =	vst.add.f32.msk $0xffff, v4  }
0x25f: {  	[tilespmem:s6+$0x0] =	vst.add.f32.msk $0xffff, v5  }
0x260: {  	[tilespmem:s7+$0x0] =	vst.add.f32.msk $0xffff, v6  }
0x261: {  	[tilespmem:s4+$0x0] =	vst.add.f32.msk $0xffff, v2  }
0x262: {  	[tilespmem:s3+$0x0] =	vst.add.f32.msk $0xffff, v3  }
0x263: {  	[tilespmem:s0+$0x0] =	vst.add.f32.msk $0xffff, v0  }
0x264: {  	[tilespmem:s2+$0x0] =	vst.add.f32.msk $0xffff, v1  }
0x265: {  	s29 =	simm.s32 $0x0;
	s0 =	rddreg [dreg:$0x1c]  }
0x266: {  	[hbm4b:s0+s29] =	stream.linear.scatter [tilespmem:s8], [sflag:$0x7], $0x4000, $0x38;
	[tilespmem:$0x1C000] =	vst v63  }
0x267: {  	_ =	swait.ge [sflag:s25], $0x4000  }
0x268: {  	s4 =	sld [smem:$0x7DB]  }
0x269: {  	[sflag:s25] =	ssyncset.done $0x0  }
0x26a: {  	s30 =	simm.s32 $0x0;
	[sflag:s25] =	ssyncadd.s32 $0xFFFFC000  }
0x26b: {  	[tilespmem:s14], [sflag:$0x5] =	stream.linear.gather [hbm4b:s4+s29], $0x4000, $0x38;
	[tilespmem:$0x1C000] =	vst v63  }
0x26c: {  	s5 =	sand.u32 $0x3000, s30;
	s1 =	sand.u32 $0xC00, s29;
	_ =	swait.ge [sflag:s15], $0x4000  }
0x26d: {  	s6 =	sand.u32 $0x380, s29;
	s0 =	sor.u32 s5, s1;
	[sflag:s15] =	ssyncset.done $0x0  }
0x26e: {  	s1 =	sor.u32 s6, s0;
	[sflag:s15] =	ssyncadd.s32 $0xFFFFC000  }
0x26f: {  	v0 =	vld [tilespmem:s1+$0x70]  }
0x270: {  	v4 =	vld [tilespmem:s1+$0x0]  }
0x271: {  	v5 =	vld [tilespmem:s1+$0x10]  }
0x272: {  	v6 =	vld [tilespmem:s1+$0x20]  }
0x273: {  	v2 =	vld [tilespmem:s1+$0x30]  }
0x274: {  	v3 =	vld [tilespmem:s1+$0x40]  }
0x275: {  	s0 =	sor.u32 $0x8070, s1;
	v1 =	vld [tilespmem:s1+$0x60]  }
0x276: {  	[tilespmem:s0+$0x0] =	vst.add.f32.msk $0xffff, v0  }
0x277: {  	s7 =	sor.u32 $0x8000, s1;
	v0 =	vld [tilespmem:s1+$0x50]  }
0x278: {  	s12 =	sor.u32 $0x8010, s1;
	[tilespmem:s7+$0x0] =	vst.add.f32.msk $0xffff, v4  }
0x279: {  	s31 =	simm.s32 $0x0;
	s5 =	sor.u32 $0x8020, s1;
	s3 =	sor.u32 $0x8040, s1;
	[tilespmem:s12+$0x0] =	vst.add.f32.msk $0xffff, v5  }
0x27a: {  	s2 =	sor.u32 $0x8060, s1;
	s4 =	sor.u32 $0x8030, s1;
	s0 =	sor.u32 $0x8050, s1;
	[tilespmem:s5+$0x0] =	vst.add.f32.msk $0xffff, v6  }
.LBB2_28:
0x27b: {  	s30 =	sadd.s32 $0x80, s30;
	[tilespmem:s4+$0x0] =	vst.add.f32.msk $0xffff, v2;
	s29 =	sadd.s32 $0x400, s29  }
0x27c: {  	s31 =	sadd.s32 $0x20, s31;
	s1 =	sand.u32 $0x3000, s30;
	s4 =	sand.u32 $0xC00, s29;
	[tilespmem:s3+$0x0] =	vst.add.f32.msk $0xffff, v3  }
0x27d: {  	s3 =	sand.u32 $0x380, s31;
	p0 =	slt.u32 s30, $0x3F80;
	s1 =	sor.u32 s1, s4;
	[tilespmem:s0+$0x0] =	vst.add.f32.msk $0xffff, v0  }
0x27e: {  	s1 =	sor.u32 s3, s1;
	[tilespmem:s2+$0x0] =	vst.add.f32.msk $0xffff, v1  }
0x27f: {  	s5 =	sor.u32 $0x8000, s1;
	s6 =	sor.u32 $0x8010, s1;
	s7 =	sor.u32 $0x8020, s1;
	v0 =	vld [tilespmem:s1+$0x70]  }
0x280: {  	s4 =	sor.u32 $0x8030, s1;
	s3 =	sor.u32 $0x8040, s1;
	s0 =	sor.u32 $0x8050, s1;
	v4 =	vld [tilespmem:s1+$0x0]  }
0x281: {  	s2 =	sor.u32 $0x8060, s1;
	v5 =	vld [tilespmem:s1+$0x10]  }
0x282: {  	v6 =	vld [tilespmem:s1+$0x20]  }
0x283: {  	s12 =	sor.u32 $0x8070, s1;
	v2 =	vld [tilespmem:s1+$0x30]  }
0x284: {  	[tilespmem:s12+$0x0] =	vst.add.f32.msk $0xffff, v0  }
0x285: {  	v3 =	vld [tilespmem:s1+$0x40]  }
.Ltmp13:
0x286: {  	v0 =	vld [tilespmem:s1+$0x50];
	(pc) =	sbr.rel @p0 .LBB2_28-.Ltmp13, $4  }
0x287: {  	v1 =	vld [tilespmem:s1+$0x60]  }
0x288: {  	[tilespmem:s5+$0x0] =	vst.add.f32.msk $0xffff, v4  }
0x289: {  	[tilespmem:s6+$0x0] =	vst.add.f32.msk $0xffff, v5  }
0x28a: {  	[tilespmem:s7+$0x0] =	vst.add.f32.msk $0xffff, v6  }
0x28b: {  	[tilespmem:s4+$0x0] =	vst.add.f32.msk $0xffff, v2  }
0x28c: {  	[tilespmem:s3+$0x0] =	vst.add.f32.msk $0xffff, v3  }
0x28d: {  	[tilespmem:s0+$0x0] =	vst.add.f32.msk $0xffff, v0  }
0x28e: {  	[tilespmem:s2+$0x0] =	vst.add.f32.msk $0xffff, v1  }
0x28f: {  	s29 =	simm.s32 $0x0;
	s0 =	rddreg [dreg:$0x1e]  }
0x290: {  	[hbm4b:s0+s29] =	stream.linear.scatter [tilespmem:s9], [sflag:$0x8], $0x4000, $0x38;
	[tilespmem:$0x1C000] =	vst v63  }
0x291: {  	_ =	swait.ge [sflag:s26], $0x4000  }
0x292: {  	s4 =	sld [smem:$0x7DD]  }
0x293: {  	[sflag:s26] =	ssyncset.done $0x0  }
0x294: {  	s30 =	simm.s32 $0x0;
	[sflag:s26] =	ssyncadd.s32 $0xFFFFC000  }
0x295: {  	[tilespmem:s16], [sflag:$0x6] =	stream.linear.gather [hbm4b:s4+s29], $0x4000, $0x38;
	[tilespmem:$0x1C000] =	vst v63  }
0x296: {  	s5 =	sand.u32 $0x3000, s30;
	s1 =	sand.u32 $0xC00, s29;
	_ =	swait.ge [sflag:s17], $0x4000  }
0x297: {  	s6 =	sand.u32 $0x380, s29;
	s0 =	sor.u32 s5, s1;
	[sflag:s17] =	ssyncset.done $0x0  }
0x298: {  	s1 =	sor.u32 s6, s0;
	[sflag:s17] =	ssyncadd.s32 $0xFFFFC000  }
0x299: {  	v0 =	vld [tilespmem:s1+$0x70]  }
0x29a: {  	v4 =	vld [tilespmem:s1+$0x0]  }
0x29b: {  	v5 =	vld [tilespmem:s1+$0x10]  }
0x29c: {  	v6 =	vld [tilespmem:s1+$0x20]  }
0x29d: {  	v2 =	vld [tilespmem:s1+$0x30]  }
0x29e: {  	v3 =	vld [tilespmem:s1+$0x40]  }
0x29f: {  	s0 =	sor.u32 $0xC070, s1;
	v1 =	vld [tilespmem:s1+$0x60]  }
0x2a0: {  	[tilespmem:s0+$0x0] =	vst.add.f32.msk $0xffff, v0  }
0x2a1: {  	s7 =	sor.u32 $0xC000, s1;
	v0 =	vld [tilespmem:s1+$0x50]  }
0x2a2: {  	s12 =	sor.u32 $0xC010, s1;
	[tilespmem:s7+$0x0] =	vst.add.f32.msk $0xffff, v4  }
0x2a3: {  	s31 =	simm.s32 $0x0;
	s5 =	sor.u32 $0xC020, s1;
	s3 =	sor.u32 $0xC040, s1;
	[tilespmem:s12+$0x0] =	vst.add.f32.msk $0xffff, v5  }
0x2a4: {  	s2 =	sor.u32 $0xC060, s1;
	s4 =	sor.u32 $0xC030, s1;
	s0 =	sor.u32 $0xC050, s1;
	[tilespmem:s5+$0x0] =	vst.add.f32.msk $0xffff, v6  }
.LBB2_30:
0x2a5: {  	s30 =	sadd.s32 $0x80, s30;
	[tilespmem:s4+$0x0] =	vst.add.f32.msk $0xffff, v2;
	s29 =	sadd.s32 $0x400, s29  }
0x2a6: {  	s31 =	sadd.s32 $0x20, s31;
	s1 =	sand.u32 $0x3000, s30;
	s4 =	sand.u32 $0xC00, s29;
	[tilespmem:s3+$0x0] =	vst.add.f32.msk $0xffff, v3  }
0x2a7: {  	s3 =	sand.u32 $0x380, s31;
	p0 =	slt.u32 s30, $0x3F80;
	s1 =	sor.u32 s1, s4;
	[tilespmem:s0+$0x0] =	vst.add.f32.msk $0xffff, v0  }
0x2a8: {  	s1 =	sor.u32 s3, s1;
	[tilespmem:s2+$0x0] =	vst.add.f32.msk $0xffff, v1  }
0x2a9: {  	s5 =	sor.u32 $0xC000, s1;
	s6 =	sor.u32 $0xC010, s1;
	s7 =	sor.u32 $0xC020, s1;
	v0 =	vld [tilespmem:s1+$0x70]  }
0x2aa: {  	s4 =	sor.u32 $0xC030, s1;
	s3 =	sor.u32 $0xC040, s1;
	s0 =	sor.u32 $0xC050, s1;
	v4 =	vld [tilespmem:s1+$0x0]  }
0x2ab: {  	s2 =	sor.u32 $0xC060, s1;
	v5 =	vld [tilespmem:s1+$0x10]  }
0x2ac: {  	v6 =	vld [tilespmem:s1+$0x20]  }
0x2ad: {  	s12 =	sor.u32 $0xC070, s1;
	v2 =	vld [tilespmem:s1+$0x30]  }
0x2ae: {  	[tilespmem:s12+$0x0] =	vst.add.f32.msk $0xffff, v0  }
0x2af: {  	v3 =	vld [tilespmem:s1+$0x40]  }
.Ltmp14:
0x2b0: {  	v0 =	vld [tilespmem:s1+$0x50];
	(pc) =	sbr.rel @p0 .LBB2_30-.Ltmp14, $4  }
0x2b1: {  	v1 =	vld [tilespmem:s1+$0x60]  }
0x2b2: {  	[tilespmem:s5+$0x0] =	vst.add.f32.msk $0xffff, v4  }
0x2b3: {  	[tilespmem:s6+$0x0] =	vst.add.f32.msk $0xffff, v5  }
0x2b4: {  	[tilespmem:s7+$0x0] =	vst.add.f32.msk $0xffff, v6  }
0x2b5: {  	[tilespmem:s4+$0x0] =	vst.add.f32.msk $0xffff, v2  }
0x2b6: {  	[tilespmem:s3+$0x0] =	vst.add.f32.msk $0xffff, v3  }
0x2b7: {  	[tilespmem:s0+$0x0] =	vst.add.f32.msk $0xffff, v0  }
0x2b8: {  	[tilespmem:s2+$0x0] =	vst.add.f32.msk $0xffff, v1  }
0x2b9: {  	s0 =	sld [smem:$0x7D8];
	_ =	sdelay $0x1  }
0x2ba: {  	s29 =	simm.s32 $0x0  }
0x2bb: {  	[hbm4b:s0+s29] =	stream.linear.scatter [tilespmem:s10], [sflag:$0x9], $0x4000, $0x38;
	[tilespmem:$0x1C000] =	vst v63  }
0x2bc: {  	_ =	swait.ge [sflag:s18], $0x4000  }
0x2bd: {  	s4 =	sld [smem:$0x7DF]  }
0x2be: {  	[sflag:s18] =	ssyncset.done $0x0  }
0x2bf: {  	s30 =	simm.s32 $0x0;
	[sflag:s18] =	ssyncadd.s32 $0xFFFFC000  }
0x2c0: {  	[tilespmem:s8], [sflag:$0x1] =	stream.linear.gather [hbm4b:s4+s29], $0x4000, $0x38;
	[tilespmem:$0x1C000] =	vst v63  }
0x2c1: {  	s5 =	sand.u32 $0x3000, s30;
	s1 =	sand.u32 $0xC00, s29;
	_ =	swait.ge [sflag:s19], $0x4000  }
0x2c2: {  	s6 =	sand.u32 $0x380, s29;
	s0 =	sor.u32 s5, s1;
	[sflag:s19] =	ssyncset.done $0x0  }
0x2c3: {  	s1 =	sor.u32 s6, s0;
	[sflag:s19] =	ssyncadd.s32 $0xFFFFC000  }
0x2c4: {  	v0 =	vld [tilespmem:s1+$0x70]  }
0x2c5: {  	v4 =	vld [tilespmem:s1+$0x0]  }
0x2c6: {  	v5 =	vld [tilespmem:s1+$0x10]  }
0x2c7: {  	v6 =	vld [tilespmem:s1+$0x20]  }
0x2c8: {  	v2 =	vld [tilespmem:s1+$0x30]  }
0x2c9: {  	v3 =	vld [tilespmem:s1+$0x40]  }
0x2ca: {  	s0 =	sor.u32 $0x10070, s1;
	v1 =	vld [tilespmem:s1+$0x60]  }
0x2cb: {  	[tilespmem:s0+$0x0] =	vst.add.f32.msk $0xffff, v0  }
0x2cc: {  	s7 =	sor.u32 $0x10000, s1;
	v0 =	vld [tilespmem:s1+$0x50]  }
0x2cd: {  	s12 =	sor.u32 $0x10010, s1;
	[tilespmem:s7+$0x0] =	vst.add.f32.msk $0xffff, v4  }
0x2ce: {  	s31 =	simm.s32 $0x0;
	s5 =	sor.u32 $0x10020, s1;
	s3 =	sor.u32 $0x10040, s1;
	[tilespmem:s12+$0x0] =	vst.add.f32.msk $0xffff, v5  }
0x2cf: {  	s2 =	sor.u32 $0x10060, s1;
	s4 =	sor.u32 $0x10030, s1;
	s0 =	sor.u32 $0x10050, s1;
	[tilespmem:s5+$0x0] =	vst.add.f32.msk $0xffff, v6  }
.LBB2_32:
0x2d0: {  	s30 =	sadd.s32 $0x80, s30;
	[tilespmem:s4+$0x0] =	vst.add.f32.msk $0xffff, v2;
	s29 =	sadd.s32 $0x400, s29  }
0x2d1: {  	s31 =	sadd.s32 $0x20, s31;
	s1 =	sand.u32 $0x3000, s30;
	s4 =	sand.u32 $0xC00, s29;
	[tilespmem:s3+$0x0] =	vst.add.f32.msk $0xffff, v3  }
0x2d2: {  	s3 =	sand.u32 $0x380, s31;
	p0 =	slt.u32 s30, $0x3F80;
	s1 =	sor.u32 s1, s4;
	[tilespmem:s0+$0x0] =	vst.add.f32.msk $0xffff, v0  }
0x2d3: {  	s1 =	sor.u32 s3, s1;
	[tilespmem:s2+$0x0] =	vst.add.f32.msk $0xffff, v1  }
0x2d4: {  	s5 =	sor.u32 $0x10000, s1;
	s6 =	sor.u32 $0x10010, s1;
	s7 =	sor.u32 $0x10020, s1;
	v0 =	vld [tilespmem:s1+$0x70]  }
0x2d5: {  	s4 =	sor.u32 $0x10030, s1;
	s3 =	sor.u32 $0x10040, s1;
	s0 =	sor.u32 $0x10050, s1;
	v4 =	vld [tilespmem:s1+$0x0]  }
0x2d6: {  	s2 =	sor.u32 $0x10060, s1;
	v5 =	vld [tilespmem:s1+$0x10]  }
0x2d7: {  	v6 =	vld [tilespmem:s1+$0x20]  }
0x2d8: {  	s12 =	sor.u32 $0x10070, s1;
	v2 =	vld [tilespmem:s1+$0x30]  }
0x2d9: {  	[tilespmem:s12+$0x0] =	vst.add.f32.msk $0xffff, v0  }
0x2da: {  	v3 =	vld [tilespmem:s1+$0x40]  }
.Ltmp15:
0x2db: {  	v0 =	vld [tilespmem:s1+$0x50];
	(pc) =	sbr.rel @p0 .LBB2_32-.Ltmp15, $4  }
0x2dc: {  	v1 =	vld [tilespmem:s1+$0x60]  }
0x2dd: {  	[tilespmem:s5+$0x0] =	vst.add.f32.msk $0xffff, v4  }
0x2de: {  	[tilespmem:s6+$0x0] =	vst.add.f32.msk $0xffff, v5  }
0x2df: {  	[tilespmem:s7+$0x0] =	vst.add.f32.msk $0xffff, v6  }
0x2e0: {  	[tilespmem:s4+$0x0] =	vst.add.f32.msk $0xffff, v2  }
0x2e1: {  	[tilespmem:s3+$0x0] =	vst.add.f32.msk $0xffff, v3  }
0x2e2: {  	[tilespmem:s0+$0x0] =	vst.add.f32.msk $0xffff, v0  }
0x2e3: {  	[tilespmem:s2+$0x0] =	vst.add.f32.msk $0xffff, v1  }
0x2e4: {  	s0 =	sld [smem:$0x7DA];
	_ =	sdelay $0x1  }
0x2e5: {  	s29 =	simm.s32 $0x0  }
0x2e6: {  	[hbm4b:s0+s29] =	stream.linear.scatter [tilespmem:s11], [sflag:$0xA], $0x4000, $0x38;
	[tilespmem:$0x1C000] =	vst v63  }
0x2e7: {  	_ =	swait.ge [sflag:s20], $0x4000  }
0x2e8: {  	s4 =	sld [smem:$0x7E1]  }
0x2e9: {  	[sflag:s20] =	ssyncset.done $0x0  }
0x2ea: {  	s30 =	simm.s32 $0x0;
	[sflag:s20] =	ssyncadd.s32 $0xFFFFC000  }
0x2eb: {  	[tilespmem:s9], [sflag:$0x2] =	stream.linear.gather [hbm4b:s4+s29], $0x4000, $0x38;
	[tilespmem:$0x1C000] =	vst v63  }
0x2ec: {  	s5 =	sand.u32 $0x3000, s30;
	s1 =	sand.u32 $0xC00, s29;
	_ =	swait.ge [sflag:s21], $0x4000  }
0x2ed: {  	s6 =	sand.u32 $0x380, s29;
	s0 =	sor.u32 s5, s1;
	[sflag:s21] =	ssyncset.done $0x0  }
0x2ee: {  	s1 =	sor.u32 s6, s0;
	[sflag:s21] =	ssyncadd.s32 $0xFFFFC000  }
0x2ef: {  	v0 =	vld [tilespmem:s1+$0x70]  }
0x2f0: {  	v4 =	vld [tilespmem:s1+$0x0]  }
0x2f1: {  	v5 =	vld [tilespmem:s1+$0x10]  }
0x2f2: {  	v6 =	vld [tilespmem:s1+$0x20]  }
0x2f3: {  	v2 =	vld [tilespmem:s1+$0x30]  }
0x2f4: {  	v3 =	vld [tilespmem:s1+$0x40]  }
0x2f5: {  	s0 =	sor.u32 $0x14070, s1;
	v1 =	vld [tilespmem:s1+$0x60]  }
0x2f6: {  	[tilespmem:s0+$0x0] =	vst.add.f32.msk $0xffff, v0  }
0x2f7: {  	s7 =	sor.u32 $0x14000, s1;
	v0 =	vld [tilespmem:s1+$0x50]  }
0x2f8: {  	s12 =	sor.u32 $0x14010, s1;
	[tilespmem:s7+$0x0] =	vst.add.f32.msk $0xffff, v4  }
0x2f9: {  	s31 =	simm.s32 $0x0;
	s5 =	sor.u32 $0x14020, s1;
	s3 =	sor.u32 $0x14040, s1;
	[tilespmem:s12+$0x0] =	vst.add.f32.msk $0xffff, v5  }
0x2fa: {  	s2 =	sor.u32 $0x14060, s1;
	s4 =	sor.u32 $0x14030, s1;
	s0 =	sor.u32 $0x14050, s1;
	[tilespmem:s5+$0x0] =	vst.add.f32.msk $0xffff, v6  }
.LBB2_34:
0x2fb: {  	s30 =	sadd.s32 $0x80, s30;
	[tilespmem:s4+$0x0] =	vst.add.f32.msk $0xffff, v2;
	s29 =	sadd.s32 $0x400, s29  }
0x2fc: {  	s31 =	sadd.s32 $0x20, s31;
	s1 =	sand.u32 $0x3000, s30;
	s4 =	sand.u32 $0xC00, s29;
	[tilespmem:s3+$0x0] =	vst.add.f32.msk $0xffff, v3  }
0x2fd: {  	s3 =	sand.u32 $0x380, s31;
	p0 =	slt.u32 s30, $0x3F80;
	s1 =	sor.u32 s1, s4;
	[tilespmem:s0+$0x0] =	vst.add.f32.msk $0xffff, v0  }
0x2fe: {  	s1 =	sor.u32 s3, s1;
	[tilespmem:s2+$0x0] =	vst.add.f32.msk $0xffff, v1  }
0x2ff: {  	s5 =	sor.u32 $0x14000, s1;
	s6 =	sor.u32 $0x14010, s1;
	s7 =	sor.u32 $0x14020, s1;
	v0 =	vld [tilespmem:s1+$0x70]  }
0x300: {  	s4 =	sor.u32 $0x14030, s1;
	s3 =	sor.u32 $0x14040, s1;
	s0 =	sor.u32 $0x14050, s1;
	v4 =	vld [tilespmem:s1+$0x0]  }
0x301: {  	s2 =	sor.u32 $0x14060, s1;
	v5 =	vld [tilespmem:s1+$0x10]  }
0x302: {  	v6 =	vld [tilespmem:s1+$0x20]  }
0x303: {  	s12 =	sor.u32 $0x14070, s1;
	v2 =	vld [tilespmem:s1+$0x30]  }
0x304: {  	[tilespmem:s12+$0x0] =	vst.add.f32.msk $0xffff, v0  }
0x305: {  	v3 =	vld [tilespmem:s1+$0x40]  }
.Ltmp16:
0x306: {  	v0 =	vld [tilespmem:s1+$0x50];
	(pc) =	sbr.rel @p0 .LBB2_34-.Ltmp16, $4  }
0x307: {  	v1 =	vld [tilespmem:s1+$0x60]  }
0x308: {  	[tilespmem:s5+$0x0] =	vst.add.f32.msk $0xffff, v4  }
0x309: {  	[tilespmem:s6+$0x0] =	vst.add.f32.msk $0xffff, v5  }
0x30a: {  	[tilespmem:s7+$0x0] =	vst.add.f32.msk $0xffff, v6  }
0x30b: {  	[tilespmem:s4+$0x0] =	vst.add.f32.msk $0xffff, v2  }
0x30c: {  	[tilespmem:s3+$0x0] =	vst.add.f32.msk $0xffff, v3  }
0x30d: {  	[tilespmem:s0+$0x0] =	vst.add.f32.msk $0xffff, v0  }
0x30e: {  	[tilespmem:s2+$0x0] =	vst.add.f32.msk $0xffff, v1  }
0x30f: {  	s0 =	sld [smem:$0x7DC];
	_ =	sdelay $0x1  }
0x310: {  	s29 =	simm.s32 $0x0  }
0x311: {  	[hbm4b:s0+s29] =	stream.linear.scatter [tilespmem:s14], [sflag:$0xB], $0x4000, $0x38;
	[tilespmem:$0x1C000] =	vst v63  }
0x312: {  	_ =	swait.ge [sflag:s22], $0x4000  }
0x313: {  	s4 =	sld [smem:$0x7E3]  }
0x314: {  	[sflag:s22] =	ssyncset.done $0x0  }
0x315: {  	s30 =	simm.s32 $0x0;
	[sflag:s22] =	ssyncadd.s32 $0xFFFFC000  }
0x316: {  	[tilespmem:s10], [sflag:$0x3] =	stream.linear.gather [hbm4b:s4+s29], $0x4000, $0x38;
	[tilespmem:$0x1C000] =	vst v63  }
0x317: {  	s5 =	sand.u32 $0x3000, s30;
	s1 =	sand.u32 $0xC00, s29;
	_ =	swait.ge [sflag:s23], $0x4000  }
0x318: {  	s6 =	sand.u32 $0x380, s29;
	s0 =	sor.u32 s5, s1;
	[sflag:s23] =	ssyncset.done $0x0  }
0x319: {  	s1 =	sor.u32 s6, s0;
	[sflag:s23] =	ssyncadd.s32 $0xFFFFC000  }
0x31a: {  	v0 =	vld [tilespmem:s1+$0x70]  }
0x31b: {  	v4 =	vld [tilespmem:s1+$0x0]  }
0x31c: {  	v5 =	vld [tilespmem:s1+$0x10]  }
0x31d: {  	v6 =	vld [tilespmem:s1+$0x20]  }
0x31e: {  	v2 =	vld [tilespmem:s1+$0x30]  }
0x31f: {  	v3 =	vld [tilespmem:s1+$0x40]  }
0x320: {  	s0 =	sor.u32 $0x18070, s1;
	v1 =	vld [tilespmem:s1+$0x60]  }
0x321: {  	[tilespmem:s0+$0x0] =	vst.add.f32.msk $0xffff, v0  }
0x322: {  	s7 =	sor.u32 $0x18000, s1;
	v0 =	vld [tilespmem:s1+$0x50]  }
0x323: {  	s12 =	sor.u32 $0x18010, s1;
	[tilespmem:s7+$0x0] =	vst.add.f32.msk $0xffff, v4  }
0x324: {  	s31 =	simm.s32 $0x0;
	s5 =	sor.u32 $0x18020, s1;
	s3 =	sor.u32 $0x18040, s1;
	[tilespmem:s12+$0x0] =	vst.add.f32.msk $0xffff, v5  }
0x325: {  	s2 =	sor.u32 $0x18060, s1;
	s4 =	sor.u32 $0x18030, s1;
	s0 =	sor.u32 $0x18050, s1;
	[tilespmem:s5+$0x0] =	vst.add.f32.msk $0xffff, v6  }
.LBB2_36:
0x326: {  	s30 =	sadd.s32 $0x80, s30;
	[tilespmem:s4+$0x0] =	vst.add.f32.msk $0xffff, v2;
	s29 =	sadd.s32 $0x400, s29  }
0x327: {  	s31 =	sadd.s32 $0x20, s31;
	s1 =	sand.u32 $0x3000, s30;
	s4 =	sand.u32 $0xC00, s29;
	[tilespmem:s3+$0x0] =	vst.add.f32.msk $0xffff, v3  }
0x328: {  	s3 =	sand.u32 $0x380, s31;
	p0 =	slt.u32 s30, $0x3F80;
	s1 =	sor.u32 s1, s4;
	[tilespmem:s0+$0x0] =	vst.add.f32.msk $0xffff, v0  }
0x329: {  	s1 =	sor.u32 s3, s1;
	[tilespmem:s2+$0x0] =	vst.add.f32.msk $0xffff, v1  }
0x32a: {  	s5 =	sor.u32 $0x18000, s1;
	s6 =	sor.u32 $0x18010, s1;
	s7 =	sor.u32 $0x18020, s1;
	v0 =	vld [tilespmem:s1+$0x70]  }
0x32b: {  	s4 =	sor.u32 $0x18030, s1;
	s3 =	sor.u32 $0x18040, s1;
	s0 =	sor.u32 $0x18050, s1;
	v4 =	vld [tilespmem:s1+$0x0]  }
0x32c: {  	s2 =	sor.u32 $0x18060, s1;
	v5 =	vld [tilespmem:s1+$0x10]  }
0x32d: {  	v6 =	vld [tilespmem:s1+$0x20]  }
0x32e: {  	s12 =	sor.u32 $0x18070, s1;
	v2 =	vld [tilespmem:s1+$0x30]  }
0x32f: {  	[tilespmem:s12+$0x0] =	vst.add.f32.msk $0xffff, v0  }
0x330: {  	v3 =	vld [tilespmem:s1+$0x40]  }
.Ltmp17:
0x331: {  	v0 =	vld [tilespmem:s1+$0x50];
	(pc) =	sbr.rel @p0 .LBB2_36-.Ltmp17, $4  }
0x332: {  	v1 =	vld [tilespmem:s1+$0x60]  }
0x333: {  	[tilespmem:s5+$0x0] =	vst.add.f32.msk $0xffff, v4  }
0x334: {  	[tilespmem:s6+$0x0] =	vst.add.f32.msk $0xffff, v5  }
0x335: {  	[tilespmem:s7+$0x0] =	vst.add.f32.msk $0xffff, v6  }
0x336: {  	[tilespmem:s4+$0x0] =	vst.add.f32.msk $0xffff, v2  }
0x337: {  	[tilespmem:s3+$0x0] =	vst.add.f32.msk $0xffff, v3  }
0x338: {  	[tilespmem:s0+$0x0] =	vst.add.f32.msk $0xffff, v0  }
0x339: {  	[tilespmem:s2+$0x0] =	vst.add.f32.msk $0xffff, v1  }
0x33a: {  	s0 =	sld [smem:$0x7DE];
	_ =	sdelay $0x1  }
0x33b: {  	s29 =	simm.s32 $0x0  }
0x33c: {  	[hbm4b:s0+s29] =	stream.linear.scatter [tilespmem:s16], [sflag:$0xC], $0x4000, $0x38;
	[tilespmem:$0x1C000] =	vst v63  }
0x33d: {  	_ =	swait.ge [sflag:s24], $0x4000  }
0x33e: {  	s4 =	sld [smem:$0x7E5]  }
0x33f: {  	[sflag:s24] =	ssyncset.done $0x0  }
0x340: {  	s30 =	simm.s32 $0x0;
	[sflag:s24] =	ssyncadd.s32 $0xFFFFC000  }
0x341: {  	[tilespmem:s11], [sflag:$0x4] =	stream.linear.gather [hbm4b:s4+s29], $0x4000, $0x38;
	[tilespmem:$0x1C000] =	vst v63  }
0x342: {  	s5 =	sand.u32 $0x3000, s30;
	s1 =	sand.u32 $0xC00, s29;
	_ =	swait.ge [sflag:s13], $0x4000  }
0x343: {  	s6 =	sand.u32 $0x380, s29;
	s0 =	sor.u32 s5, s1;
	[sflag:s13] =	ssyncset.done $0x0  }
0x344: {  	s1 =	sor.u32 s6, s0;
	[sflag:s13] =	ssyncadd.s32 $0xFFFFC000  }
0x345: {  	v0 =	vld [tilespmem:s1+$0x70]  }
0x346: {  	v4 =	vld [tilespmem:s1+$0x0]  }
0x347: {  	v5 =	vld [tilespmem:s1+$0x10]  }
0x348: {  	v6 =	vld [tilespmem:s1+$0x20]  }
0x349: {  	v2 =	vld [tilespmem:s1+$0x30]  }
0x34a: {  	v3 =	vld [tilespmem:s1+$0x40]  }
0x34b: {  	s0 =	sor.u32 $0x4070, s1;
	v1 =	vld [tilespmem:s1+$0x60]  }
0x34c: {  	[tilespmem:s0+$0x0] =	vst.add.f32.msk $0xffff, v0  }
0x34d: {  	s7 =	sor.u32 $0x4000, s1;
	v0 =	vld [tilespmem:s1+$0x50]  }
0x34e: {  	s12 =	sor.u32 $0x4010, s1;
	[tilespmem:s7+$0x0] =	vst.add.f32.msk $0xffff, v4  }
0x34f: {  	s31 =	simm.s32 $0x0;
	s5 =	sor.u32 $0x4020, s1;
	s3 =	sor.u32 $0x4040, s1;
	[tilespmem:s12+$0x0] =	vst.add.f32.msk $0xffff, v5  }
0x350: {  	s2 =	sor.u32 $0x4060, s1;
	s4 =	sor.u32 $0x4030, s1;
	s0 =	sor.u32 $0x4050, s1;
	[tilespmem:s5+$0x0] =	vst.add.f32.msk $0xffff, v6  }
.LBB2_38:
0x351: {  	s30 =	sadd.s32 $0x80, s30;
	[tilespmem:s4+$0x0] =	vst.add.f32.msk $0xffff, v2;
	s29 =	sadd.s32 $0x400, s29  }
0x352: {  	s31 =	sadd.s32 $0x20, s31;
	s1 =	sand.u32 $0x3000, s30;
	s4 =	sand.u32 $0xC00, s29;
	[tilespmem:s3+$0x0] =	vst.add.f32.msk $0xffff, v3  }
0x353: {  	s3 =	sand.u32 $0x380, s31;
	p0 =	slt.u32 s30, $0x3F80;
	s1 =	sor.u32 s1, s4;
	[tilespmem:s0+$0x0] =	vst.add.f32.msk $0xffff, v0  }
0x354: {  	s1 =	sor.u32 s3, s1;
	[tilespmem:s2+$0x0] =	vst.add.f32.msk $0xffff, v1  }
0x355: {  	s5 =	sor.u32 $0x4000, s1;
	s6 =	sor.u32 $0x4010, s1;
	s7 =	sor.u32 $0x4020, s1;
	v0 =	vld [tilespmem:s1+$0x70]  }
0x356: {  	s4 =	sor.u32 $0x4030, s1;
	s3 =	sor.u32 $0x4040, s1;
	s0 =	sor.u32 $0x4050, s1;
	v4 =	vld [tilespmem:s1+$0x0]  }
0x357: {  	s2 =	sor.u32 $0x4060, s1;
	v5 =	vld [tilespmem:s1+$0x10]  }
0x358: {  	v6 =	vld [tilespmem:s1+$0x20]  }
0x359: {  	s12 =	sor.u32 $0x4070, s1;
	v2 =	vld [tilespmem:s1+$0x30]  }
0x35a: {  	[tilespmem:s12+$0x0] =	vst.add.f32.msk $0xffff, v0  }
0x35b: {  	v3 =	vld [tilespmem:s1+$0x40]  }
.Ltmp18:
0x35c: {  	v0 =	vld [tilespmem:s1+$0x50];
	(pc) =	sbr.rel @p0 .LBB2_38-.Ltmp18, $4  }
0x35d: {  	v1 =	vld [tilespmem:s1+$0x60]  }
0x35e: {  	[tilespmem:s5+$0x0] =	vst.add.f32.msk $0xffff, v4  }
0x35f: {  	[tilespmem:s6+$0x0] =	vst.add.f32.msk $0xffff, v5  }
0x360: {  	[tilespmem:s7+$0x0] =	vst.add.f32.msk $0xffff, v6  }
0x361: {  	[tilespmem:s4+$0x0] =	vst.add.f32.msk $0xffff, v2  }
0x362: {  	[tilespmem:s3+$0x0] =	vst.add.f32.msk $0xffff, v3  }
0x363: {  	[tilespmem:s0+$0x0] =	vst.add.f32.msk $0xffff, v0  }
0x364: {  	[tilespmem:s2+$0x0] =	vst.add.f32.msk $0xffff, v1  }
0x365: {  	s0 =	sld [smem:$0x7E0];
	_ =	sdelay $0x1  }
0x366: {  	s29 =	simm.s32 $0x0  }
0x367: {  	[hbm4b:s0+s29] =	stream.linear.scatter [tilespmem:s8], [sflag:$0x7], $0x4000, $0x38;
	[tilespmem:$0x1C000] =	vst v63  }
0x368: {  	_ =	swait.ge [sflag:s25], $0x4000  }
0x369: {  	s4 =	sld [smem:$0x7E7]  }
0x36a: {  	[sflag:s25] =	ssyncset.done $0x0  }
0x36b: {  	s30 =	simm.s32 $0x0;
	[sflag:s25] =	ssyncadd.s32 $0xFFFFC000  }
0x36c: {  	[tilespmem:s14], [sflag:$0x5] =	stream.linear.gather [hbm4b:s4+s29], $0x4000, $0x38;
	[tilespmem:$0x1C000] =	vst v63  }
0x36d: {  	s5 =	sand.u32 $0x3000, s30;
	s1 =	sand.u32 $0xC00, s29;
	_ =	swait.ge [sflag:s15], $0x4000  }
0x36e: {  	s6 =	sand.u32 $0x380, s29;
	s0 =	sor.u32 s5, s1;
	[sflag:s15] =	ssyncset.done $0x0  }
0x36f: {  	s1 =	sor.u32 s6, s0;
	[sflag:s15] =	ssyncadd.s32 $0xFFFFC000  }
0x370: {  	v0 =	vld [tilespmem:s1+$0x70]  }
0x371: {  	v4 =	vld [tilespmem:s1+$0x0]  }
0x372: {  	v5 =	vld [tilespmem:s1+$0x10]  }
0x373: {  	v6 =	vld [tilespmem:s1+$0x20]  }
0x374: {  	v2 =	vld [tilespmem:s1+$0x30]  }
0x375: {  	v3 =	vld [tilespmem:s1+$0x40]  }
0x376: {  	s0 =	sor.u32 $0x8070, s1;
	v1 =	vld [tilespmem:s1+$0x60]  }
0x377: {  	[tilespmem:s0+$0x0] =	vst.add.f32.msk $0xffff, v0  }
0x378: {  	s7 =	sor.u32 $0x8000, s1;
	v0 =	vld [tilespmem:s1+$0x50]  }
0x379: {  	s12 =	sor.u32 $0x8010, s1;
	[tilespmem:s7+$0x0] =	vst.add.f32.msk $0xffff, v4  }
0x37a: {  	s31 =	simm.s32 $0x0;
	s5 =	sor.u32 $0x8020, s1;
	s3 =	sor.u32 $0x8040, s1;
	[tilespmem:s12+$0x0] =	vst.add.f32.msk $0xffff, v5  }
0x37b: {  	s2 =	sor.u32 $0x8060, s1;
	s4 =	sor.u32 $0x8030, s1;
	s0 =	sor.u32 $0x8050, s1;
	[tilespmem:s5+$0x0] =	vst.add.f32.msk $0xffff, v6  }
.LBB2_40:
0x37c: {  	s30 =	sadd.s32 $0x80, s30;
	[tilespmem:s4+$0x0] =	vst.add.f32.msk $0xffff, v2;
	s29 =	sadd.s32 $0x400, s29  }
0x37d: {  	s31 =	sadd.s32 $0x20, s31;
	s1 =	sand.u32 $0x3000, s30;
	s4 =	sand.u32 $0xC00, s29;
	[tilespmem:s3+$0x0] =	vst.add.f32.msk $0xffff, v3  }
0x37e: {  	s3 =	sand.u32 $0x380, s31;
	p0 =	slt.u32 s30, $0x3F80;
	s1 =	sor.u32 s1, s4;
	[tilespmem:s0+$0x0] =	vst.add.f32.msk $0xffff, v0  }
0x37f: {  	s1 =	sor.u32 s3, s1;
	[tilespmem:s2+$0x0] =	vst.add.f32.msk $0xffff, v1  }
0x380: {  	s5 =	sor.u32 $0x8000, s1;
	s6 =	sor.u32 $0x8010, s1;
	s7 =	sor.u32 $0x8020, s1;
	v0 =	vld [tilespmem:s1+$0x70]  }
0x381: {  	s4 =	sor.u32 $0x8030, s1;
	s3 =	sor.u32 $0x8040, s1;
	s0 =	sor.u32 $0x8050, s1;
	v4 =	vld [tilespmem:s1+$0x0]  }
0x382: {  	s2 =	sor.u32 $0x8060, s1;
	v5 =	vld [tilespmem:s1+$0x10]  }
0x383: {  	v6 =	vld [tilespmem:s1+$0x20]  }
0x384: {  	s12 =	sor.u32 $0x8070, s1;
	v2 =	vld [tilespmem:s1+$0x30]  }
0x385: {  	[tilespmem:s12+$0x0] =	vst.add.f32.msk $0xffff, v0  }
0x386: {  	v3 =	vld [tilespmem:s1+$0x40]  }
.Ltmp19:
0x387: {  	v0 =	vld [tilespmem:s1+$0x50];
	(pc) =	sbr.rel @p0 .LBB2_40-.Ltmp19, $4  }
0x388: {  	v1 =	vld [tilespmem:s1+$0x60]  }
0x389: {  	[tilespmem:s5+$0x0] =	vst.add.f32.msk $0xffff, v4  }
0x38a: {  	[tilespmem:s6+$0x0] =	vst.add.f32.msk $0xffff, v5  }
0x38b: {  	[tilespmem:s7+$0x0] =	vst.add.f32.msk $0xffff, v6  }
0x38c: {  	[tilespmem:s4+$0x0] =	vst.add.f32.msk $0xffff, v2  }
0x38d: {  	[tilespmem:s3+$0x0] =	vst.add.f32.msk $0xffff, v3  }
0x38e: {  	[tilespmem:s0+$0x0] =	vst.add.f32.msk $0xffff, v0  }
0x38f: {  	[tilespmem:s2+$0x0] =	vst.add.f32.msk $0xffff, v1  }
0x390: {  	s0 =	sld [smem:$0x7E2];
	_ =	sdelay $0x1  }
0x391: {  	s29 =	simm.s32 $0x0  }
0x392: {  	[hbm4b:s0+s29] =	stream.linear.scatter [tilespmem:s9], [sflag:$0x8], $0x4000, $0x38;
	[tilespmem:$0x1C000] =	vst v63  }
0x393: {  	_ =	swait.ge [sflag:s26], $0x4000  }
0x394: {  	s4 =	sld [smem:$0x7E9]  }
0x395: {  	[sflag:s26] =	ssyncset.done $0x0  }
0x396: {  	s30 =	simm.s32 $0x0;
	[sflag:s26] =	ssyncadd.s32 $0xFFFFC000  }
0x397: {  	[tilespmem:s16], [sflag:$0x6] =	stream.linear.gather [hbm4b:s4+s29], $0x4000, $0x38;
	[tilespmem:$0x1C000] =	vst v63  }
0x398: {  	s5 =	sand.u32 $0x3000, s30;
	s1 =	sand.u32 $0xC00, s29;
	_ =	swait.ge [sflag:s17], $0x4000  }
0x399: {  	s6 =	sand.u32 $0x380, s29;
	s0 =	sor.u32 s5, s1;
	[sflag:s17] =	ssyncset.done $0x0  }
0x39a: {  	s1 =	sor.u32 s6, s0;
	[sflag:s17] =	ssyncadd.s32 $0xFFFFC000  }
0x39b: {  	v0 =	vld [tilespmem:s1+$0x70]  }
0x39c: {  	v4 =	vld [tilespmem:s1+$0x0]  }
0x39d: {  	v5 =	vld [tilespmem:s1+$0x10]  }
0x39e: {  	v6 =	vld [tilespmem:s1+$0x20]  }
0x39f: {  	v2 =	vld [tilespmem:s1+$0x30]  }
0x3a0: {  	v3 =	vld [tilespmem:s1+$0x40]  }
0x3a1: {  	s0 =	sor.u32 $0xC070, s1;
	v1 =	vld [tilespmem:s1+$0x60]  }
0x3a2: {  	[tilespmem:s0+$0x0] =	vst.add.f32.msk $0xffff, v0  }
0x3a3: {  	s7 =	sor.u32 $0xC000, s1;
	v0 =	vld [tilespmem:s1+$0x50]  }
0x3a4: {  	s12 =	sor.u32 $0xC010, s1;
	[tilespmem:s7+$0x0] =	vst.add.f32.msk $0xffff, v4  }
0x3a5: {  	s31 =	simm.s32 $0x0;
	s5 =	sor.u32 $0xC020, s1;
	s3 =	sor.u32 $0xC040, s1;
	[tilespmem:s12+$0x0] =	vst.add.f32.msk $0xffff, v5  }
0x3a6: {  	s2 =	sor.u32 $0xC060, s1;
	s4 =	sor.u32 $0xC030, s1;
	s0 =	sor.u32 $0xC050, s1;
	[tilespmem:s5+$0x0] =	vst.add.f32.msk $0xffff, v6  }
.LBB2_42:
0x3a7: {  	s30 =	sadd.s32 $0x80, s30;
	[tilespmem:s4+$0x0] =	vst.add.f32.msk $0xffff, v2;
	s29 =	sadd.s32 $0x400, s29  }
0x3a8: {  	s31 =	sadd.s32 $0x20, s31;
	s1 =	sand.u32 $0x3000, s30;
	s4 =	sand.u32 $0xC00, s29;
	[tilespmem:s3+$0x0] =	vst.add.f32.msk $0xffff, v3  }
0x3a9: {  	s3 =	sand.u32 $0x380, s31;
	p0 =	slt.u32 s30, $0x3F80;
	s1 =	sor.u32 s1, s4;
	[tilespmem:s0+$0x0] =	vst.add.f32.msk $0xffff, v0  }
0x3aa: {  	s1 =	sor.u32 s3, s1;
	[tilespmem:s2+$0x0] =	vst.add.f32.msk $0xffff, v1  }
0x3ab: {  	s5 =	sor.u32 $0xC000, s1;
	s6 =	sor.u32 $0xC010, s1;
	s7 =	sor.u32 $0xC020, s1;
	v0 =	vld [tilespmem:s1+$0x70]  }
0x3ac: {  	s4 =	sor.u32 $0xC030, s1;
	s3 =	sor.u32 $0xC040, s1;
	s0 =	sor.u32 $0xC050, s1;
	v4 =	vld [tilespmem:s1+$0x0]  }
0x3ad: {  	s2 =	sor.u32 $0xC060, s1;
	v5 =	vld [tilespmem:s1+$0x10]  }
0x3ae: {  	v6 =	vld [tilespmem:s1+$0x20]  }
0x3af: {  	s12 =	sor.u32 $0xC070, s1;
	v2 =	vld [tilespmem:s1+$0x30]  }
0x3b0: {  	[tilespmem:s12+$0x0] =	vst.add.f32.msk $0xffff, v0  }
0x3b1: {  	v3 =	vld [tilespmem:s1+$0x40]  }
.Ltmp20:
0x3b2: {  	v0 =	vld [tilespmem:s1+$0x50];
	(pc) =	sbr.rel @p0 .LBB2_42-.Ltmp20, $4  }
0x3b3: {  	v1 =	vld [tilespmem:s1+$0x60]  }
0x3b4: {  	[tilespmem:s5+$0x0] =	vst.add.f32.msk $0xffff, v4  }
0x3b5: {  	[tilespmem:s6+$0x0] =	vst.add.f32.msk $0xffff, v5  }
0x3b6: {  	[tilespmem:s7+$0x0] =	vst.add.f32.msk $0xffff, v6  }
0x3b7: {  	[tilespmem:s4+$0x0] =	vst.add.f32.msk $0xffff, v2  }
0x3b8: {  	[tilespmem:s3+$0x0] =	vst.add.f32.msk $0xffff, v3  }
0x3b9: {  	[tilespmem:s0+$0x0] =	vst.add.f32.msk $0xffff, v0  }
0x3ba: {  	[tilespmem:s2+$0x0] =	vst.add.f32.msk $0xffff, v1  }
0x3bb: {  	s0 =	sld [smem:$0x7E4];
	_ =	sdelay $0x1  }
0x3bc: {  	s29 =	simm.s32 $0x0  }
0x3bd: {  	[hbm4b:s0+s29] =	stream.linear.scatter [tilespmem:s10], [sflag:$0x9], $0x4000, $0x38;
	[tilespmem:$0x1C000] =	vst v63  }
0x3be: {  	_ =	swait.ge [sflag:s18], $0x4000  }
0x3bf: {  	s4 =	sld [smem:$0x7EB]  }
0x3c0: {  	[sflag:s18] =	ssyncset.done $0x0  }
0x3c1: {  	s30 =	simm.s32 $0x0;
	[sflag:s18] =	ssyncadd.s32 $0xFFFFC000  }
0x3c2: {  	[tilespmem:s8], [sflag:$0x1] =	stream.linear.gather [hbm4b:s4+s29], $0x4000, $0x38;
	[tilespmem:$0x1C000] =	vst v63  }
0x3c3: {  	s5 =	sand.u32 $0x3000, s30;
	s1 =	sand.u32 $0xC00, s29;
	_ =	swait.ge [sflag:s19], $0x4000  }
0x3c4: {  	s6 =	sand.u32 $0x380, s29;
	s0 =	sor.u32 s5, s1;
	[sflag:s19] =	ssyncset.done $0x0  }
0x3c5: {  	s1 =	sor.u32 s6, s0;
	[sflag:s19] =	ssyncadd.s32 $0xFFFFC000  }
0x3c6: {  	v0 =	vld [tilespmem:s1+$0x70]  }
0x3c7: {  	v4 =	vld [tilespmem:s1+$0x0]  }
0x3c8: {  	v5 =	vld [tilespmem:s1+$0x10]  }
0x3c9: {  	v6 =	vld [tilespmem:s1+$0x20]  }
0x3ca: {  	v2 =	vld [tilespmem:s1+$0x30]  }
0x3cb: {  	v3 =	vld [tilespmem:s1+$0x40]  }
0x3cc: {  	s0 =	sor.u32 $0x10070, s1;
	v1 =	vld [tilespmem:s1+$0x60]  }
0x3cd: {  	[tilespmem:s0+$0x0] =	vst.add.f32.msk $0xffff, v0  }
0x3ce: {  	s7 =	sor.u32 $0x10000, s1;
	v0 =	vld [tilespmem:s1+$0x50]  }
0x3cf: {  	s12 =	sor.u32 $0x10010, s1;
	[tilespmem:s7+$0x0] =	vst.add.f32.msk $0xffff, v4  }
0x3d0: {  	s31 =	simm.s32 $0x0;
	s5 =	sor.u32 $0x10020, s1;
	s3 =	sor.u32 $0x10040, s1;
	[tilespmem:s12+$0x0] =	vst.add.f32.msk $0xffff, v5  }
0x3d1: {  	s2 =	sor.u32 $0x10060, s1;
	s4 =	sor.u32 $0x10030, s1;
	s0 =	sor.u32 $0x10050, s1;
	[tilespmem:s5+$0x0] =	vst.add.f32.msk $0xffff, v6  }
.LBB2_44:
0x3d2: {  	s30 =	sadd.s32 $0x80, s30;
	[tilespmem:s4+$0x0] =	vst.add.f32.msk $0xffff, v2;
	s29 =	sadd.s32 $0x400, s29  }
0x3d3: {  	s31 =	sadd.s32 $0x20, s31;
	s1 =	sand.u32 $0x3000, s30;
	s4 =	sand.u32 $0xC00, s29;
	[tilespmem:s3+$0x0] =	vst.add.f32.msk $0xffff, v3  }
0x3d4: {  	s3 =	sand.u32 $0x380, s31;
	p0 =	slt.u32 s30, $0x3F80;
	s1 =	sor.u32 s1, s4;
	[tilespmem:s0+$0x0] =	vst.add.f32.msk $0xffff, v0  }
0x3d5: {  	s1 =	sor.u32 s3, s1;
	[tilespmem:s2+$0x0] =	vst.add.f32.msk $0xffff, v1  }
0x3d6: {  	s5 =	sor.u32 $0x10000, s1;
	s6 =	sor.u32 $0x10010, s1;
	s7 =	sor.u32 $0x10020, s1;
	v0 =	vld [tilespmem:s1+$0x70]  }
0x3d7: {  	s4 =	sor.u32 $0x10030, s1;
	s3 =	sor.u32 $0x10040, s1;
	s0 =	sor.u32 $0x10050, s1;
	v4 =	vld [tilespmem:s1+$0x0]  }
0x3d8: {  	s2 =	sor.u32 $0x10060, s1;
	v5 =	vld [tilespmem:s1+$0x10]  }
0x3d9: {  	v6 =	vld [tilespmem:s1+$0x20]  }
0x3da: {  	s12 =	sor.u32 $0x10070, s1;
	v2 =	vld [tilespmem:s1+$0x30]  }
0x3db: {  	[tilespmem:s12+$0x0] =	vst.add.f32.msk $0xffff, v0  }
0x3dc: {  	v3 =	vld [tilespmem:s1+$0x40]  }
.Ltmp21:
0x3dd: {  	v0 =	vld [tilespmem:s1+$0x50];
	(pc) =	sbr.rel @p0 .LBB2_44-.Ltmp21, $4  }
0x3de: {  	v1 =	vld [tilespmem:s1+$0x60]  }
0x3df: {  	[tilespmem:s5+$0x0] =	vst.add.f32.msk $0xffff, v4  }
0x3e0: {  	[tilespmem:s6+$0x0] =	vst.add.f32.msk $0xffff, v5  }
0x3e1: {  	[tilespmem:s7+$0x0] =	vst.add.f32.msk $0xffff, v6  }
0x3e2: {  	[tilespmem:s4+$0x0] =	vst.add.f32.msk $0xffff, v2  }
0x3e3: {  	[tilespmem:s3+$0x0] =	vst.add.f32.msk $0xffff, v3  }
0x3e4: {  	[tilespmem:s0+$0x0] =	vst.add.f32.msk $0xffff, v0  }
0x3e5: {  	[tilespmem:s2+$0x0] =	vst.add.f32.msk $0xffff, v1  }
0x3e6: {  	s0 =	sld [smem:$0x7E6];
	_ =	sdelay $0x1  }
0x3e7: {  	s29 =	simm.s32 $0x0  }
0x3e8: {  	[hbm4b:s0+s29] =	stream.linear.scatter [tilespmem:s11], [sflag:$0xA], $0x4000, $0x38;
	[tilespmem:$0x1C000] =	vst v63  }
0x3e9: {  	_ =	swait.ge [sflag:s20], $0x4000  }
0x3ea: {  	s4 =	sld [smem:$0x7ED]  }
0x3eb: {  	[sflag:s20] =	ssyncset.done $0x0  }
0x3ec: {  	s30 =	simm.s32 $0x0;
	[sflag:s20] =	ssyncadd.s32 $0xFFFFC000  }
0x3ed: {  	[tilespmem:s9], [sflag:$0x2] =	stream.linear.gather [hbm4b:s4+s29], $0x4000, $0x38;
	[tilespmem:$0x1C000] =	vst v63  }
0x3ee: {  	s5 =	sand.u32 $0x3000, s30;
	s1 =	sand.u32 $0xC00, s29;
	_ =	swait.ge [sflag:s21], $0x4000  }
0x3ef: {  	s6 =	sand.u32 $0x380, s29;
	s0 =	sor.u32 s5, s1;
	[sflag:s21] =	ssyncset.done $0x0  }
0x3f0: {  	s1 =	sor.u32 s6, s0;
	[sflag:s21] =	ssyncadd.s32 $0xFFFFC000  }
0x3f1: {  	v0 =	vld [tilespmem:s1+$0x70]  }
0x3f2: {  	v4 =	vld [tilespmem:s1+$0x0]  }
0x3f3: {  	v5 =	vld [tilespmem:s1+$0x10]  }
0x3f4: {  	v6 =	vld [tilespmem:s1+$0x20]  }
0x3f5: {  	v2 =	vld [tilespmem:s1+$0x30]  }
0x3f6: {  	v3 =	vld [tilespmem:s1+$0x40]  }
0x3f7: {  	s0 =	sor.u32 $0x14070, s1;
	v1 =	vld [tilespmem:s1+$0x60]  }
0x3f8: {  	[tilespmem:s0+$0x0] =	vst.add.f32.msk $0xffff, v0  }
0x3f9: {  	s7 =	sor.u32 $0x14000, s1;
	v0 =	vld [tilespmem:s1+$0x50]  }
0x3fa: {  	s12 =	sor.u32 $0x14010, s1;
	[tilespmem:s7+$0x0] =	vst.add.f32.msk $0xffff, v4  }
0x3fb: {  	s31 =	simm.s32 $0x0;
	s5 =	sor.u32 $0x14020, s1;
	s3 =	sor.u32 $0x14040, s1;
	[tilespmem:s12+$0x0] =	vst.add.f32.msk $0xffff, v5  }
0x3fc: {  	s2 =	sor.u32 $0x14060, s1;
	s4 =	sor.u32 $0x14030, s1;
	s0 =	sor.u32 $0x14050, s1;
	[tilespmem:s5+$0x0] =	vst.add.f32.msk $0xffff, v6  }
.LBB2_46:
0x3fd: {  	s30 =	sadd.s32 $0x80, s30;
	[tilespmem:s4+$0x0] =	vst.add.f32.msk $0xffff, v2;
	s29 =	sadd.s32 $0x400, s29  }
0x3fe: {  	s31 =	sadd.s32 $0x20, s31;
	s1 =	sand.u32 $0x3000, s30;
	s4 =	sand.u32 $0xC00, s29;
	[tilespmem:s3+$0x0] =	vst.add.f32.msk $0xffff, v3  }
0x3ff: {  	s3 =	sand.u32 $0x380, s31;
	p0 =	slt.u32 s30, $0x3F80;
	s1 =	sor.u32 s1, s4;
	[tilespmem:s0+$0x0] =	vst.add.f32.msk $0xffff, v0  }
0x400: {  	s1 =	sor.u32 s3, s1;
	[tilespmem:s2+$0x0] =	vst.add.f32.msk $0xffff, v1  }
0x401: {  	s5 =	sor.u32 $0x14000, s1;
	s6 =	sor.u32 $0x14010, s1;
	s7 =	sor.u32 $0x14020, s1;
	v0 =	vld [tilespmem:s1+$0x70]  }
0x402: {  	s4 =	sor.u32 $0x14030, s1;
	s3 =	sor.u32 $0x14040, s1;
	s0 =	sor.u32 $0x14050, s1;
	v4 =	vld [tilespmem:s1+$0x0]  }
0x403: {  	s2 =	sor.u32 $0x14060, s1;
	v5 =	vld [tilespmem:s1+$0x10]  }
0x404: {  	v6 =	vld [tilespmem:s1+$0x20]  }
0x405: {  	s12 =	sor.u32 $0x14070, s1;
	v2 =	vld [tilespmem:s1+$0x30]  }
0x406: {  	[tilespmem:s12+$0x0] =	vst.add.f32.msk $0xffff, v0  }
0x407: {  	v3 =	vld [tilespmem:s1+$0x40]  }
.Ltmp22:
0x408: {  	v0 =	vld [tilespmem:s1+$0x50];
	(pc) =	sbr.rel @p0 .LBB2_46-.Ltmp22, $4  }
0x409: {  	v1 =	vld [tilespmem:s1+$0x60]  }
0x40a: {  	[tilespmem:s5+$0x0] =	vst.add.f32.msk $0xffff, v4  }
0x40b: {  	[tilespmem:s6+$0x0] =	vst.add.f32.msk $0xffff, v5  }
0x40c: {  	[tilespmem:s7+$0x0] =	vst.add.f32.msk $0xffff, v6  }
0x40d: {  	[tilespmem:s4+$0x0] =	vst.add.f32.msk $0xffff, v2  }
0x40e: {  	[tilespmem:s3+$0x0] =	vst.add.f32.msk $0xffff, v3  }
0x40f: {  	[tilespmem:s0+$0x0] =	vst.add.f32.msk $0xffff, v0  }
0x410: {  	[tilespmem:s2+$0x0] =	vst.add.f32.msk $0xffff, v1  }
0x411: {  	s0 =	sld [smem:$0x7E8];
	_ =	sdelay $0x1  }
0x412: {  	s29 =	simm.s32 $0x0  }
0x413: {  	[hbm4b:s0+s29] =	stream.linear.scatter [tilespmem:s14], [sflag:$0xB], $0x4000, $0x38;
	[tilespmem:$0x1C000] =	vst v63  }
0x414: {  	_ =	swait.ge [sflag:s22], $0x4000  }
0x415: {  	s4 =	sld [smem:$0x7EF]  }
0x416: {  	[sflag:s22] =	ssyncset.done $0x0  }
0x417: {  	s30 =	simm.s32 $0x0;
	[sflag:s22] =	ssyncadd.s32 $0xFFFFC000  }
0x418: {  	[tilespmem:s10], [sflag:$0x3] =	stream.linear.gather [hbm4b:s4+s29], $0x4000, $0x38;
	[tilespmem:$0x1C000] =	vst v63  }
0x419: {  	s5 =	sand.u32 $0x3000, s30;
	s1 =	sand.u32 $0xC00, s29;
	_ =	swait.ge [sflag:s23], $0x4000  }
0x41a: {  	s6 =	sand.u32 $0x380, s29;
	s0 =	sor.u32 s5, s1;
	[sflag:s23] =	ssyncset.done $0x0  }
0x41b: {  	s1 =	sor.u32 s6, s0;
	[sflag:s23] =	ssyncadd.s32 $0xFFFFC000  }
0x41c: {  	v0 =	vld [tilespmem:s1+$0x70]  }
0x41d: {  	v4 =	vld [tilespmem:s1+$0x0]  }
0x41e: {  	v5 =	vld [tilespmem:s1+$0x10]  }
0x41f: {  	v6 =	vld [tilespmem:s1+$0x20]  }
0x420: {  	v2 =	vld [tilespmem:s1+$0x30]  }
0x421: {  	v3 =	vld [tilespmem:s1+$0x40]  }
0x422: {  	s0 =	sor.u32 $0x18070, s1;
	v1 =	vld [tilespmem:s1+$0x60]  }
0x423: {  	[tilespmem:s0+$0x0] =	vst.add.f32.msk $0xffff, v0  }
0x424: {  	s7 =	sor.u32 $0x18000, s1;
	v0 =	vld [tilespmem:s1+$0x50]  }
0x425: {  	s12 =	sor.u32 $0x18010, s1;
	[tilespmem:s7+$0x0] =	vst.add.f32.msk $0xffff, v4  }
0x426: {  	s31 =	simm.s32 $0x0;
	s5 =	sor.u32 $0x18020, s1;
	s3 =	sor.u32 $0x18040, s1;
	[tilespmem:s12+$0x0] =	vst.add.f32.msk $0xffff, v5  }
0x427: {  	s2 =	sor.u32 $0x18060, s1;
	s4 =	sor.u32 $0x18030, s1;
	s0 =	sor.u32 $0x18050, s1;
	[tilespmem:s5+$0x0] =	vst.add.f32.msk $0xffff, v6  }
.LBB2_48:
0x428: {  	s30 =	sadd.s32 $0x80, s30;
	[tilespmem:s4+$0x0] =	vst.add.f32.msk $0xffff, v2;
	s29 =	sadd.s32 $0x400, s29  }
0x429: {  	s31 =	sadd.s32 $0x20, s31;
	s1 =	sand.u32 $0x3000, s30;
	s4 =	sand.u32 $0xC00, s29;
	[tilespmem:s3+$0x0] =	vst.add.f32.msk $0xffff, v3  }
0x42a: {  	s3 =	sand.u32 $0x380, s31;
	p0 =	slt.u32 s30, $0x3F80;
	s1 =	sor.u32 s1, s4;
	[tilespmem:s0+$0x0] =	vst.add.f32.msk $0xffff, v0  }
0x42b: {  	s1 =	sor.u32 s3, s1;
	[tilespmem:s2+$0x0] =	vst.add.f32.msk $0xffff, v1  }
0x42c: {  	s5 =	sor.u32 $0x18000, s1;
	s6 =	sor.u32 $0x18010, s1;
	s7 =	sor.u32 $0x18020, s1;
	v0 =	vld [tilespmem:s1+$0x70]  }
0x42d: {  	s4 =	sor.u32 $0x18030, s1;
	s3 =	sor.u32 $0x18040, s1;
	s0 =	sor.u32 $0x18050, s1;
	v4 =	vld [tilespmem:s1+$0x0]  }
0x42e: {  	s2 =	sor.u32 $0x18060, s1;
	v5 =	vld [tilespmem:s1+$0x10]  }
0x42f: {  	v6 =	vld [tilespmem:s1+$0x20]  }
0x430: {  	s12 =	sor.u32 $0x18070, s1;
	v2 =	vld [tilespmem:s1+$0x30]  }
0x431: {  	[tilespmem:s12+$0x0] =	vst.add.f32.msk $0xffff, v0  }
0x432: {  	v3 =	vld [tilespmem:s1+$0x40]  }
.Ltmp23:
0x433: {  	v0 =	vld [tilespmem:s1+$0x50];
	(pc) =	sbr.rel @p0 .LBB2_48-.Ltmp23, $4  }
0x434: {  	v1 =	vld [tilespmem:s1+$0x60]  }
0x435: {  	[tilespmem:s5+$0x0] =	vst.add.f32.msk $0xffff, v4  }
0x436: {  	[tilespmem:s6+$0x0] =	vst.add.f32.msk $0xffff, v5  }
0x437: {  	[tilespmem:s7+$0x0] =	vst.add.f32.msk $0xffff, v6  }
0x438: {  	[tilespmem:s4+$0x0] =	vst.add.f32.msk $0xffff, v2  }
0x439: {  	[tilespmem:s3+$0x0] =	vst.add.f32.msk $0xffff, v3  }
0x43a: {  	[tilespmem:s0+$0x0] =	vst.add.f32.msk $0xffff, v0  }
0x43b: {  	[tilespmem:s2+$0x0] =	vst.add.f32.msk $0xffff, v1  }
0x43c: {  	s0 =	sld [smem:$0x7EA];
	_ =	sdelay $0x1  }
0x43d: {  	s29 =	simm.s32 $0x0  }
0x43e: {  	[hbm4b:s0+s29] =	stream.linear.scatter [tilespmem:s16], [sflag:$0xC], $0x4000, $0x38;
	[tilespmem:$0x1C000] =	vst v63  }
0x43f: {  	_ =	swait.ge [sflag:s24], $0x4000  }
0x440: {  	s4 =	sld [smem:$0x7F1]  }
0x441: {  	[sflag:s24] =	ssyncset.done $0x0  }
0x442: {  	s30 =	simm.s32 $0x0;
	[sflag:s24] =	ssyncadd.s32 $0xFFFFC000  }
0x443: {  	[tilespmem:s11], [sflag:$0x4] =	stream.linear.gather [hbm4b:s4+s29], $0x4000, $0x38;
	[tilespmem:$0x1C000] =	vst v63  }
0x444: {  	s5 =	sand.u32 $0x3000, s30;
	s1 =	sand.u32 $0xC00, s29;
	_ =	swait.ge [sflag:s13], $0x4000  }
0x445: {  	s6 =	sand.u32 $0x380, s29;
	s0 =	sor.u32 s5, s1;
	[sflag:s13] =	ssyncset.done $0x0  }
0x446: {  	s1 =	sor.u32 s6, s0;
	[sflag:s13] =	ssyncadd.s32 $0xFFFFC000  }
0x447: {  	v0 =	vld [tilespmem:s1+$0x70]  }
0x448: {  	v4 =	vld [tilespmem:s1+$0x0]  }
0x449: {  	v5 =	vld [tilespmem:s1+$0x10]  }
0x44a: {  	v6 =	vld [tilespmem:s1+$0x20]  }
0x44b: {  	v2 =	vld [tilespmem:s1+$0x30]  }
0x44c: {  	v3 =	vld [tilespmem:s1+$0x40]  }
0x44d: {  	s0 =	sor.u32 $0x4070, s1;
	v1 =	vld [tilespmem:s1+$0x60]  }
0x44e: {  	[tilespmem:s0+$0x0] =	vst.add.f32.msk $0xffff, v0  }
0x44f: {  	s7 =	sor.u32 $0x4000, s1;
	v0 =	vld [tilespmem:s1+$0x50]  }
0x450: {  	s12 =	sor.u32 $0x4010, s1;
	[tilespmem:s7+$0x0] =	vst.add.f32.msk $0xffff, v4  }
0x451: {  	s31 =	simm.s32 $0x0;
	s5 =	sor.u32 $0x4020, s1;
	s3 =	sor.u32 $0x4040, s1;
	[tilespmem:s12+$0x0] =	vst.add.f32.msk $0xffff, v5  }
0x452: {  	s2 =	sor.u32 $0x4060, s1;
	s4 =	sor.u32 $0x4030, s1;
	s0 =	sor.u32 $0x4050, s1;
	[tilespmem:s5+$0x0] =	vst.add.f32.msk $0xffff, v6  }
.LBB2_50:
0x453: {  	s30 =	sadd.s32 $0x80, s30;
	[tilespmem:s4+$0x0] =	vst.add.f32.msk $0xffff, v2;
	s29 =	sadd.s32 $0x400, s29  }
0x454: {  	s31 =	sadd.s32 $0x20, s31;
	s1 =	sand.u32 $0x3000, s30;
	s4 =	sand.u32 $0xC00, s29;
	[tilespmem:s3+$0x0] =	vst.add.f32.msk $0xffff, v3  }
0x455: {  	s3 =	sand.u32 $0x380, s31;
	p0 =	slt.u32 s30, $0x3F80;
	s1 =	sor.u32 s1, s4;
	[tilespmem:s0+$0x0] =	vst.add.f32.msk $0xffff, v0  }
0x456: {  	s1 =	sor.u32 s3, s1;
	[tilespmem:s2+$0x0] =	vst.add.f32.msk $0xffff, v1  }
0x457: {  	s5 =	sor.u32 $0x4000, s1;
	s6 =	sor.u32 $0x4010, s1;
	s7 =	sor.u32 $0x4020, s1;
	v0 =	vld [tilespmem:s1+$0x70]  }
0x458: {  	s4 =	sor.u32 $0x4030, s1;
	s3 =	sor.u32 $0x4040, s1;
	s0 =	sor.u32 $0x4050, s1;
	v4 =	vld [tilespmem:s1+$0x0]  }
0x459: {  	s2 =	sor.u32 $0x4060, s1;
	v5 =	vld [tilespmem:s1+$0x10]  }
0x45a: {  	v6 =	vld [tilespmem:s1+$0x20]  }
0x45b: {  	s12 =	sor.u32 $0x4070, s1;
	v2 =	vld [tilespmem:s1+$0x30]  }
0x45c: {  	[tilespmem:s12+$0x0] =	vst.add.f32.msk $0xffff, v0  }
0x45d: {  	v3 =	vld [tilespmem:s1+$0x40]  }
.Ltmp24:
0x45e: {  	v0 =	vld [tilespmem:s1+$0x50];
	(pc) =	sbr.rel @p0 .LBB2_50-.Ltmp24, $4  }
0x45f: {  	v1 =	vld [tilespmem:s1+$0x60]  }
0x460: {  	[tilespmem:s5+$0x0] =	vst.add.f32.msk $0xffff, v4  }
0x461: {  	[tilespmem:s6+$0x0] =	vst.add.f32.msk $0xffff, v5  }
0x462: {  	[tilespmem:s7+$0x0] =	vst.add.f32.msk $0xffff, v6  }
0x463: {  	[tilespmem:s4+$0x0] =	vst.add.f32.msk $0xffff, v2  }
0x464: {  	[tilespmem:s3+$0x0] =	vst.add.f32.msk $0xffff, v3  }
0x465: {  	[tilespmem:s0+$0x0] =	vst.add.f32.msk $0xffff, v0  }
0x466: {  	[tilespmem:s2+$0x0] =	vst.add.f32.msk $0xffff, v1  }
0x467: {  	s0 =	sld [smem:$0x7EC];
	_ =	sdelay $0x1  }
0x468: {  	s29 =	simm.s32 $0x0  }
0x469: {  	[hbm4b:s0+s29] =	stream.linear.scatter [tilespmem:s8], [sflag:$0x7], $0x4000, $0x38;
	[tilespmem:$0x1C000] =	vst v63  }
0x46a: {  	_ =	swait.ge [sflag:s25], $0x4000  }
0x46b: {  	s4 =	sld [smem:$0x7F5]  }
0x46c: {  	[sflag:s25] =	ssyncset.done $0x0  }
0x46d: {  	s30 =	simm.s32 $0x0;
	[sflag:s25] =	ssyncadd.s32 $0xFFFFC000  }
0x46e: {  	[tilespmem:s14], [sflag:$0x5] =	stream.linear.gather [hbm4b:s4+s29], $0x4000, $0x38;
	[tilespmem:$0x1C000] =	vst v63  }
0x46f: {  	s5 =	sand.u32 $0x3000, s30;
	s1 =	sand.u32 $0xC00, s29;
	_ =	swait.ge [sflag:s15], $0x4000  }
0x470: {  	s6 =	sand.u32 $0x380, s29;
	s0 =	sor.u32 s5, s1;
	[sflag:s15] =	ssyncset.done $0x0  }
0x471: {  	s1 =	sor.u32 s6, s0;
	[sflag:s15] =	ssyncadd.s32 $0xFFFFC000  }
0x472: {  	v0 =	vld [tilespmem:s1+$0x70]  }
0x473: {  	v4 =	vld [tilespmem:s1+$0x0]  }
0x474: {  	v5 =	vld [tilespmem:s1+$0x10]  }
0x475: {  	v6 =	vld [tilespmem:s1+$0x20]  }
0x476: {  	v2 =	vld [tilespmem:s1+$0x30]  }
0x477: {  	v3 =	vld [tilespmem:s1+$0x40]  }
0x478: {  	s0 =	sor.u32 $0x8070, s1;
	v1 =	vld [tilespmem:s1+$0x60]  }
0x479: {  	[tilespmem:s0+$0x0] =	vst.add.f32.msk $0xffff, v0  }
0x47a: {  	s7 =	sor.u32 $0x8000, s1;
	v0 =	vld [tilespmem:s1+$0x50]  }
0x47b: {  	s12 =	sor.u32 $0x8010, s1;
	[tilespmem:s7+$0x0] =	vst.add.f32.msk $0xffff, v4  }
0x47c: {  	s31 =	simm.s32 $0x0;
	s5 =	sor.u32 $0x8020, s1;
	s3 =	sor.u32 $0x8040, s1;
	[tilespmem:s12+$0x0] =	vst.add.f32.msk $0xffff, v5  }
0x47d: {  	s2 =	sor.u32 $0x8060, s1;
	s4 =	sor.u32 $0x8030, s1;
	s0 =	sor.u32 $0x8050, s1;
	[tilespmem:s5+$0x0] =	vst.add.f32.msk $0xffff, v6  }
.LBB2_52:
0x47e: {  	s30 =	sadd.s32 $0x80, s30;
	[tilespmem:s4+$0x0] =	vst.add.f32.msk $0xffff, v2;
	s29 =	sadd.s32 $0x400, s29  }
0x47f: {  	s31 =	sadd.s32 $0x20, s31;
	s1 =	sand.u32 $0x3000, s30;
	s4 =	sand.u32 $0xC00, s29;
	[tilespmem:s3+$0x0] =	vst.add.f32.msk $0xffff, v3  }
0x480: {  	s3 =	sand.u32 $0x380, s31;
	p0 =	slt.u32 s30, $0x3F80;
	s1 =	sor.u32 s1, s4;
	[tilespmem:s0+$0x0] =	vst.add.f32.msk $0xffff, v0  }
0x481: {  	s1 =	sor.u32 s3, s1;
	[tilespmem:s2+$0x0] =	vst.add.f32.msk $0xffff, v1  }
0x482: {  	s5 =	sor.u32 $0x8000, s1;
	s6 =	sor.u32 $0x8010, s1;
	s7 =	sor.u32 $0x8020, s1;
	v0 =	vld [tilespmem:s1+$0x70]  }
0x483: {  	s4 =	sor.u32 $0x8030, s1;
	s3 =	sor.u32 $0x8040, s1;
	s0 =	sor.u32 $0x8050, s1;
	v4 =	vld [tilespmem:s1+$0x0]  }
0x484: {  	s2 =	sor.u32 $0x8060, s1;
	v5 =	vld [tilespmem:s1+$0x10]  }
0x485: {  	v6 =	vld [tilespmem:s1+$0x20]  }
0x486: {  	s12 =	sor.u32 $0x8070, s1;
	v2 =	vld [tilespmem:s1+$0x30]  }
0x487: {  	[tilespmem:s12+$0x0] =	vst.add.f32.msk $0xffff, v0  }
0x488: {  	v3 =	vld [tilespmem:s1+$0x40]  }
.Ltmp25:
0x489: {  	v0 =	vld [tilespmem:s1+$0x50];
	(pc) =	sbr.rel @p0 .LBB2_52-.Ltmp25, $4  }
0x48a: {  	v1 =	vld [tilespmem:s1+$0x60]  }
0x48b: {  	[tilespmem:s5+$0x0] =	vst.add.f32.msk $0xffff, v4  }
0x48c: {  	[tilespmem:s6+$0x0] =	vst.add.f32.msk $0xffff, v5  }
0x48d: {  	[tilespmem:s7+$0x0] =	vst.add.f32.msk $0xffff, v6  }
0x48e: {  	[tilespmem:s4+$0x0] =	vst.add.f32.msk $0xffff, v2  }
0x48f: {  	[tilespmem:s3+$0x0] =	vst.add.f32.msk $0xffff, v3  }
0x490: {  	[tilespmem:s0+$0x0] =	vst.add.f32.msk $0xffff, v0  }
0x491: {  	[tilespmem:s2+$0x0] =	vst.add.f32.msk $0xffff, v1  }
0x492: {  	s0 =	sld [smem:$0x7EE];
	_ =	sdelay $0x1  }
0x493: {  	s29 =	simm.s32 $0x0  }
0x494: {  	[hbm4b:s0+s29] =	stream.linear.scatter [tilespmem:s9], [sflag:$0x8], $0x4000, $0x38;
	[tilespmem:$0x1C000] =	vst v63  }
0x495: {  	_ =	swait.ge [sflag:s26], $0x4000  }
0x496: {  	s4 =	sld [smem:$0x7F6]  }
0x497: {  	[sflag:s26] =	ssyncset.done $0x0  }
0x498: {  	s30 =	simm.s32 $0x0;
	[sflag:s26] =	ssyncadd.s32 $0xFFFFC000  }
0x499: {  	[tilespmem:s16], [sflag:$0x6] =	stream.linear.gather [hbm4b:s4+s29], $0x4000, $0x38;
	[tilespmem:$0x1C000] =	vst v63  }
0x49a: {  	s5 =	sand.u32 $0x3000, s30;
	s1 =	sand.u32 $0xC00, s29;
	_ =	swait.ge [sflag:s17], $0x4000  }
0x49b: {  	s6 =	sand.u32 $0x380, s29;
	s0 =	sor.u32 s5, s1;
	[sflag:s17] =	ssyncset.done $0x0  }
0x49c: {  	s1 =	sor.u32 s6, s0;
	[sflag:s17] =	ssyncadd.s32 $0xFFFFC000  }
0x49d: {  	v0 =	vld [tilespmem:s1+$0x70]  }
0x49e: {  	v4 =	vld [tilespmem:s1+$0x0]  }
0x49f: {  	v5 =	vld [tilespmem:s1+$0x10]  }
0x4a0: {  	v6 =	vld [tilespmem:s1+$0x20]  }
0x4a1: {  	v2 =	vld [tilespmem:s1+$0x30]  }
0x4a2: {  	v3 =	vld [tilespmem:s1+$0x40]  }
0x4a3: {  	s0 =	sor.u32 $0xC070, s1;
	v1 =	vld [tilespmem:s1+$0x60]  }
0x4a4: {  	[tilespmem:s0+$0x0] =	vst.add.f32.msk $0xffff, v0  }
0x4a5: {  	s7 =	sor.u32 $0xC000, s1;
	v0 =	vld [tilespmem:s1+$0x50]  }
0x4a6: {  	s12 =	sor.u32 $0xC010, s1;
	[tilespmem:s7+$0x0] =	vst.add.f32.msk $0xffff, v4  }
0x4a7: {  	s31 =	simm.s32 $0x0;
	s5 =	sor.u32 $0xC020, s1;
	s3 =	sor.u32 $0xC040, s1;
	[tilespmem:s12+$0x0] =	vst.add.f32.msk $0xffff, v5  }
0x4a8: {  	s2 =	sor.u32 $0xC060, s1;
	s4 =	sor.u32 $0xC030, s1;
	s0 =	sor.u32 $0xC050, s1;
	[tilespmem:s5+$0x0] =	vst.add.f32.msk $0xffff, v6  }
.LBB2_54:
0x4a9: {  	s30 =	sadd.s32 $0x80, s30;
	[tilespmem:s4+$0x0] =	vst.add.f32.msk $0xffff, v2;
	s29 =	sadd.s32 $0x400, s29  }
0x4aa: {  	s31 =	sadd.s32 $0x20, s31;
	s1 =	sand.u32 $0x3000, s30;
	s4 =	sand.u32 $0xC00, s29;
	[tilespmem:s3+$0x0] =	vst.add.f32.msk $0xffff, v3  }
0x4ab: {  	s3 =	sand.u32 $0x380, s31;
	p0 =	slt.u32 s30, $0x3F80;
	s1 =	sor.u32 s1, s4;
	[tilespmem:s0+$0x0] =	vst.add.f32.msk $0xffff, v0  }
0x4ac: {  	s1 =	sor.u32 s3, s1;
	[tilespmem:s2+$0x0] =	vst.add.f32.msk $0xffff, v1  }
0x4ad: {  	s5 =	sor.u32 $0xC000, s1;
	s6 =	sor.u32 $0xC010, s1;
	s7 =	sor.u32 $0xC020, s1;
	v0 =	vld [tilespmem:s1+$0x70]  }
0x4ae: {  	s4 =	sor.u32 $0xC030, s1;
	s3 =	sor.u32 $0xC040, s1;
	s0 =	sor.u32 $0xC050, s1;
	v4 =	vld [tilespmem:s1+$0x0]  }
0x4af: {  	s2 =	sor.u32 $0xC060, s1;
	v5 =	vld [tilespmem:s1+$0x10]  }
0x4b0: {  	v6 =	vld [tilespmem:s1+$0x20]  }
0x4b1: {  	s12 =	sor.u32 $0xC070, s1;
	v2 =	vld [tilespmem:s1+$0x30]  }
0x4b2: {  	[tilespmem:s12+$0x0] =	vst.add.f32.msk $0xffff, v0  }
0x4b3: {  	v3 =	vld [tilespmem:s1+$0x40]  }
.Ltmp26:
0x4b4: {  	v0 =	vld [tilespmem:s1+$0x50];
	(pc) =	sbr.rel @p0 .LBB2_54-.Ltmp26, $4  }
0x4b5: {  	v1 =	vld [tilespmem:s1+$0x60]  }
0x4b6: {  	[tilespmem:s5+$0x0] =	vst.add.f32.msk $0xffff, v4  }
0x4b7: {  	[tilespmem:s6+$0x0] =	vst.add.f32.msk $0xffff, v5  }
0x4b8: {  	[tilespmem:s7+$0x0] =	vst.add.f32.msk $0xffff, v6  }
0x4b9: {  	[tilespmem:s4+$0x0] =	vst.add.f32.msk $0xffff, v2  }
0x4ba: {  	[tilespmem:s3+$0x0] =	vst.add.f32.msk $0xffff, v3  }
0x4bb: {  	[tilespmem:s0+$0x0] =	vst.add.f32.msk $0xffff, v0  }
0x4bc: {  	[tilespmem:s2+$0x0] =	vst.add.f32.msk $0xffff, v1  }
0x4bd: {  	s0 =	sld [smem:$0x7F0];
	_ =	sdelay $0x1  }
0x4be: {  	s29 =	simm.s32 $0x0  }
0x4bf: {  	[hbm4b:s0+s29] =	stream.linear.scatter [tilespmem:s10], [sflag:$0x9], $0x4000, $0x38;
	[tilespmem:$0x1C000] =	vst v63  }
0x4c0: {  	_ =	swait.ge [sflag:s18], $0x4000  }
0x4c1: {  	s4 =	sld [smem:$0x7F7]  }
0x4c2: {  	[sflag:s18] =	ssyncset.done $0x0  }
0x4c3: {  	s30 =	simm.s32 $0x0;
	[sflag:s18] =	ssyncadd.s32 $0xFFFFC000  }
0x4c4: {  	[tilespmem:s8], [sflag:$0x1] =	stream.linear.gather [hbm4b:s4+s29], $0x4000, $0x38;
	[tilespmem:$0x1C000] =	vst v63  }
0x4c5: {  	s5 =	sand.u32 $0x3000, s30;
	s1 =	sand.u32 $0xC00, s29;
	_ =	swait.ge [sflag:s19], $0x4000  }
0x4c6: {  	s6 =	sand.u32 $0x380, s29;
	s0 =	sor.u32 s5, s1;
	[sflag:s19] =	ssyncset.done $0x0  }
0x4c7: {  	s1 =	sor.u32 s6, s0;
	[sflag:s19] =	ssyncadd.s32 $0xFFFFC000  }
0x4c8: {  	v0 =	vld [tilespmem:s1+$0x70]  }
0x4c9: {  	v4 =	vld [tilespmem:s1+$0x0]  }
0x4ca: {  	v5 =	vld [tilespmem:s1+$0x10]  }
0x4cb: {  	v6 =	vld [tilespmem:s1+$0x20]  }
0x4cc: {  	v2 =	vld [tilespmem:s1+$0x30]  }
0x4cd: {  	v3 =	vld [tilespmem:s1+$0x40]  }
0x4ce: {  	s0 =	sor.u32 $0x10070, s1;
	v1 =	vld [tilespmem:s1+$0x60]  }
0x4cf: {  	[tilespmem:s0+$0x0] =	vst.add.f32.msk $0xffff, v0  }
0x4d0: {  	s7 =	sor.u32 $0x10000, s1;
	v0 =	vld [tilespmem:s1+$0x50]  }
0x4d1: {  	s12 =	sor.u32 $0x10010, s1;
	[tilespmem:s7+$0x0] =	vst.add.f32.msk $0xffff, v4  }
0x4d2: {  	s31 =	simm.s32 $0x0;
	s5 =	sor.u32 $0x10020, s1;
	s3 =	sor.u32 $0x10040, s1;
	[tilespmem:s12+$0x0] =	vst.add.f32.msk $0xffff, v5  }
0x4d3: {  	s2 =	sor.u32 $0x10060, s1;
	s4 =	sor.u32 $0x10030, s1;
	s0 =	sor.u32 $0x10050, s1;
	[tilespmem:s5+$0x0] =	vst.add.f32.msk $0xffff, v6  }
.LBB2_56:
0x4d4: {  	s30 =	sadd.s32 $0x80, s30;
	[tilespmem:s4+$0x0] =	vst.add.f32.msk $0xffff, v2;
	s29 =	sadd.s32 $0x400, s29  }
0x4d5: {  	s31 =	sadd.s32 $0x20, s31;
	s1 =	sand.u32 $0x3000, s30;
	s4 =	sand.u32 $0xC00, s29;
	[tilespmem:s3+$0x0] =	vst.add.f32.msk $0xffff, v3  }
0x4d6: {  	s3 =	sand.u32 $0x380, s31;
	p0 =	slt.u32 s30, $0x3F80;
	s1 =	sor.u32 s1, s4;
	[tilespmem:s0+$0x0] =	vst.add.f32.msk $0xffff, v0  }
0x4d7: {  	s1 =	sor.u32 s3, s1;
	[tilespmem:s2+$0x0] =	vst.add.f32.msk $0xffff, v1  }
0x4d8: {  	s5 =	sor.u32 $0x10000, s1;
	s6 =	sor.u32 $0x10010, s1;
	s7 =	sor.u32 $0x10020, s1;
	v0 =	vld [tilespmem:s1+$0x70]  }
0x4d9: {  	s4 =	sor.u32 $0x10030, s1;
	s3 =	sor.u32 $0x10040, s1;
	s0 =	sor.u32 $0x10050, s1;
	v4 =	vld [tilespmem:s1+$0x0]  }
0x4da: {  	s2 =	sor.u32 $0x10060, s1;
	v5 =	vld [tilespmem:s1+$0x10]  }
0x4db: {  	v6 =	vld [tilespmem:s1+$0x20]  }
0x4dc: {  	s12 =	sor.u32 $0x10070, s1;
	v2 =	vld [tilespmem:s1+$0x30]  }
0x4dd: {  	[tilespmem:s12+$0x0] =	vst.add.f32.msk $0xffff, v0  }
0x4de: {  	v3 =	vld [tilespmem:s1+$0x40]  }
.Ltmp27:
0x4df: {  	v0 =	vld [tilespmem:s1+$0x50];
	(pc) =	sbr.rel @p0 .LBB2_56-.Ltmp27, $4  }
0x4e0: {  	v1 =	vld [tilespmem:s1+$0x60]  }
0x4e1: {  	[tilespmem:s5+$0x0] =	vst.add.f32.msk $0xffff, v4  }
0x4e2: {  	[tilespmem:s6+$0x0] =	vst.add.f32.msk $0xffff, v5  }
0x4e3: {  	[tilespmem:s7+$0x0] =	vst.add.f32.msk $0xffff, v6  }
0x4e4: {  	[tilespmem:s4+$0x0] =	vst.add.f32.msk $0xffff, v2  }
0x4e5: {  	[tilespmem:s3+$0x0] =	vst.add.f32.msk $0xffff, v3  }
0x4e6: {  	[tilespmem:s0+$0x0] =	vst.add.f32.msk $0xffff, v0  }
0x4e7: {  	[tilespmem:s2+$0x0] =	vst.add.f32.msk $0xffff, v1  }
0x4e8: {  	s0 =	sld [smem:$0x7F2];
	_ =	sdelay $0x1  }
0x4e9: {  	s29 =	simm.s32 $0x0  }
0x4ea: {  	[hbm4b:s0+s29] =	stream.linear.scatter [tilespmem:s11], [sflag:$0xA], $0x4000, $0x38;
	[tilespmem:$0x1C000] =	vst v63  }
0x4eb: {  	_ =	swait.ge [sflag:s20], $0x4000  }
0x4ec: {  	s4 =	sld [smem:$0x7F8]  }
0x4ed: {  	[sflag:s20] =	ssyncset.done $0x0  }
0x4ee: {  	s30 =	simm.s32 $0x0;
	[sflag:s20] =	ssyncadd.s32 $0xFFFFC000  }
0x4ef: {  	[tilespmem:s9], [sflag:$0x2] =	stream.linear.gather [hbm4b:s4+s29], $0x4000, $0x38;
	[tilespmem:$0x1C000] =	vst v63  }
0x4f0: {  	s5 =	sand.u32 $0x3000, s30;
	s1 =	sand.u32 $0xC00, s29;
	_ =	swait.ge [sflag:s21], $0x4000  }
0x4f1: {  	s6 =	sand.u32 $0x380, s29;
	s0 =	sor.u32 s5, s1;
	[sflag:s21] =	ssyncset.done $0x0  }
0x4f2: {  	s1 =	sor.u32 s6, s0;
	[sflag:s21] =	ssyncadd.s32 $0xFFFFC000  }
0x4f3: {  	v0 =	vld [tilespmem:s1+$0x70]  }
0x4f4: {  	v4 =	vld [tilespmem:s1+$0x0]  }
0x4f5: {  	v5 =	vld [tilespmem:s1+$0x10]  }
0x4f6: {  	v6 =	vld [tilespmem:s1+$0x20]  }
0x4f7: {  	v2 =	vld [tilespmem:s1+$0x30]  }
0x4f8: {  	v3 =	vld [tilespmem:s1+$0x40]  }
0x4f9: {  	s0 =	sor.u32 $0x14070, s1;
	v1 =	vld [tilespmem:s1+$0x60]  }
0x4fa: {  	[tilespmem:s0+$0x0] =	vst.add.f32.msk $0xffff, v0  }
0x4fb: {  	s7 =	sor.u32 $0x14000, s1;
	v0 =	vld [tilespmem:s1+$0x50]  }
0x4fc: {  	s12 =	sor.u32 $0x14010, s1;
	[tilespmem:s7+$0x0] =	vst.add.f32.msk $0xffff, v4  }
0x4fd: {  	s31 =	simm.s32 $0x0;
	s5 =	sor.u32 $0x14020, s1;
	s3 =	sor.u32 $0x14040, s1;
	[tilespmem:s12+$0x0] =	vst.add.f32.msk $0xffff, v5  }
0x4fe: {  	s2 =	sor.u32 $0x14060, s1;
	s4 =	sor.u32 $0x14030, s1;
	s0 =	sor.u32 $0x14050, s1;
	[tilespmem:s5+$0x0] =	vst.add.f32.msk $0xffff, v6  }
.LBB2_58:
0x4ff: {  	s30 =	sadd.s32 $0x80, s30;
	[tilespmem:s4+$0x0] =	vst.add.f32.msk $0xffff, v2;
	s29 =	sadd.s32 $0x400, s29  }
0x500: {  	s31 =	sadd.s32 $0x20, s31;
	s1 =	sand.u32 $0x3000, s30;
	s4 =	sand.u32 $0xC00, s29;
	[tilespmem:s3+$0x0] =	vst.add.f32.msk $0xffff, v3  }
0x501: {  	s3 =	sand.u32 $0x380, s31;
	p0 =	slt.u32 s30, $0x3F80;
	s1 =	sor.u32 s1, s4;
	[tilespmem:s0+$0x0] =	vst.add.f32.msk $0xffff, v0  }
0x502: {  	s1 =	sor.u32 s3, s1;
	[tilespmem:s2+$0x0] =	vst.add.f32.msk $0xffff, v1  }
0x503: {  	s5 =	sor.u32 $0x14000, s1;
	s6 =	sor.u32 $0x14010, s1;
	s7 =	sor.u32 $0x14020, s1;
	v0 =	vld [tilespmem:s1+$0x70]  }
0x504: {  	s4 =	sor.u32 $0x14030, s1;
	s3 =	sor.u32 $0x14040, s1;
	s0 =	sor.u32 $0x14050, s1;
	v4 =	vld [tilespmem:s1+$0x0]  }
0x505: {  	s2 =	sor.u32 $0x14060, s1;
	v5 =	vld [tilespmem:s1+$0x10]  }
0x506: {  	v6 =	vld [tilespmem:s1+$0x20]  }
0x507: {  	s12 =	sor.u32 $0x14070, s1;
	v2 =	vld [tilespmem:s1+$0x30]  }
0x508: {  	[tilespmem:s12+$0x0] =	vst.add.f32.msk $0xffff, v0  }
0x509: {  	v3 =	vld [tilespmem:s1+$0x40]  }
.Ltmp28:
0x50a: {  	v0 =	vld [tilespmem:s1+$0x50];
	(pc) =	sbr.rel @p0 .LBB2_58-.Ltmp28, $4  }
0x50b: {  	v1 =	vld [tilespmem:s1+$0x60]  }
0x50c: {  	[tilespmem:s5+$0x0] =	vst.add.f32.msk $0xffff, v4  }
0x50d: {  	[tilespmem:s6+$0x0] =	vst.add.f32.msk $0xffff, v5  }
0x50e: {  	[tilespmem:s7+$0x0] =	vst.add.f32.msk $0xffff, v6  }
0x50f: {  	[tilespmem:s4+$0x0] =	vst.add.f32.msk $0xffff, v2  }
0x510: {  	[tilespmem:s3+$0x0] =	vst.add.f32.msk $0xffff, v3  }
0x511: {  	[tilespmem:s0+$0x0] =	vst.add.f32.msk $0xffff, v0  }
0x512: {  	[tilespmem:s2+$0x0] =	vst.add.f32.msk $0xffff, v1  }
0x513: {  	s0 =	sld [smem:$0x7F9];
	_ =	sdelay $0x1  }
0x514: {  	s29 =	simm.s32 $0x0;
	s30 =	simm.s32 $0x0  }
0x515: {  	[hbm4b:s0+s29] =	stream.linear.scatter [tilespmem:s14], [sflag:$0xB], $0x4000, $0x38;
	[tilespmem:$0x1C000] =	vst v63  }
0x516: {  	s5 =	sand.u32 $0x3000, s30;
	s1 =	sand.u32 $0xC00, s29;
	_ =	swait.ge [sflag:s23], $0x4000  }
0x517: {  	s6 =	sand.u32 $0x380, s29;
	s0 =	sor.u32 s5, s1;
	[sflag:s23] =	ssyncset.done $0x0  }
0x518: {  	s1 =	sor.u32 s6, s0;
	[sflag:s23] =	ssyncadd.s32 $0xFFFFC000  }
0x519: {  	v0 =	vld [tilespmem:s1+$0x70]  }
0x51a: {  	v4 =	vld [tilespmem:s1+$0x0]  }
0x51b: {  	v5 =	vld [tilespmem:s1+$0x10]  }
0x51c: {  	v6 =	vld [tilespmem:s1+$0x20]  }
0x51d: {  	v2 =	vld [tilespmem:s1+$0x30]  }
0x51e: {  	v3 =	vld [tilespmem:s1+$0x40]  }
0x51f: {  	s0 =	sor.u32 $0x18070, s1;
	v1 =	vld [tilespmem:s1+$0x60]  }
0x520: {  	[tilespmem:s0+$0x0] =	vst.add.f32.msk $0xffff, v0  }
0x521: {  	s7 =	sor.u32 $0x18000, s1;
	v0 =	vld [tilespmem:s1+$0x50]  }
0x522: {  	s12 =	sor.u32 $0x18010, s1;
	[tilespmem:s7+$0x0] =	vst.add.f32.msk $0xffff, v4  }
0x523: {  	s31 =	simm.s32 $0x0;
	s5 =	sor.u32 $0x18020, s1;
	s4 =	sor.u32 $0x18030, s1;
	[tilespmem:s12+$0x0] =	vst.add.f32.msk $0xffff, v5  }
0x524: {  	s3 =	sor.u32 $0x18040, s1;
	s2 =	sor.u32 $0x18060, s1;
	s0 =	sor.u32 $0x18050, s1;
	[tilespmem:s5+$0x0] =	vst.add.f32.msk $0xffff, v6  }
.LBB2_60:
0x525: {  	s30 =	sadd.s32 $0x80, s30;
	[tilespmem:s4+$0x0] =	vst.add.f32.msk $0xffff, v2;
	s29 =	sadd.s32 $0x400, s29  }
0x526: {  	s31 =	sadd.s32 $0x20, s31;
	s1 =	sand.u32 $0x3000, s30;
	s4 =	sand.u32 $0xC00, s29;
	[tilespmem:s3+$0x0] =	vst.add.f32.msk $0xffff, v3  }
0x527: {  	s3 =	sand.u32 $0x380, s31;
	p0 =	slt.u32 s30, $0x3F80;
	s1 =	sor.u32 s1, s4;
	[tilespmem:s0+$0x0] =	vst.add.f32.msk $0xffff, v0  }
0x528: {  	s1 =	sor.u32 s3, s1;
	[tilespmem:s2+$0x0] =	vst.add.f32.msk $0xffff, v1  }
0x529: {  	s5 =	sor.u32 $0x18000, s1;
	s6 =	sor.u32 $0x18010, s1;
	s7 =	sor.u32 $0x18020, s1;
	v0 =	vld [tilespmem:s1+$0x70]  }
0x52a: {  	s4 =	sor.u32 $0x18030, s1;
	s3 =	sor.u32 $0x18040, s1;
	s0 =	sor.u32 $0x18050, s1;
	v4 =	vld [tilespmem:s1+$0x0]  }
0x52b: {  	s2 =	sor.u32 $0x18060, s1;
	v5 =	vld [tilespmem:s1+$0x10]  }
0x52c: {  	v6 =	vld [tilespmem:s1+$0x20]  }
0x52d: {  	s12 =	sor.u32 $0x18070, s1;
	v2 =	vld [tilespmem:s1+$0x30]  }
0x52e: {  	[tilespmem:s12+$0x0] =	vst.add.f32.msk $0xffff, v0  }
0x52f: {  	v3 =	vld [tilespmem:s1+$0x40]  }
.Ltmp29:
0x530: {  	v0 =	vld [tilespmem:s1+$0x50];
	(pc) =	sbr.rel @p0 .LBB2_60-.Ltmp29, $4  }
0x531: {  	v1 =	vld [tilespmem:s1+$0x60]  }
0x532: {  	[tilespmem:s5+$0x0] =	vst.add.f32.msk $0xffff, v4  }
0x533: {  	[tilespmem:s6+$0x0] =	vst.add.f32.msk $0xffff, v5  }
0x534: {  	[tilespmem:s7+$0x0] =	vst.add.f32.msk $0xffff, v6  }
0x535: {  	[tilespmem:s4+$0x0] =	vst.add.f32.msk $0xffff, v2  }
0x536: {  	[tilespmem:s3+$0x0] =	vst.add.f32.msk $0xffff, v3  }
0x537: {  	[tilespmem:s0+$0x0] =	vst.add.f32.msk $0xffff, v0  }
0x538: {  	[tilespmem:s2+$0x0] =	vst.add.f32.msk $0xffff, v1  }
0x539: {  	s0 =	sld [smem:$0x7FA];
	_ =	sdelay $0x1  }
0x53a: {  	s29 =	simm.s32 $0x0;
	s30 =	simm.s32 $0x0  }
0x53b: {  	[hbm4b:s0+s29] =	stream.linear.scatter [tilespmem:s16], [sflag:$0xC], $0x4000, $0x38;
	[tilespmem:$0x1C000] =	vst v63  }
0x53c: {  	s5 =	sand.u32 $0x3000, s30;
	s1 =	sand.u32 $0xC00, s29;
	_ =	swait.ge [sflag:s13], $0x4000  }
0x53d: {  	s6 =	sand.u32 $0x380, s29;
	s0 =	sor.u32 s5, s1;
	[sflag:s13] =	ssyncset.done $0x0  }
0x53e: {  	s1 =	sor.u32 s6, s0;
	[sflag:s13] =	ssyncadd.s32 $0xFFFFC000  }
0x53f: {  	v0 =	vld [tilespmem:s1+$0x70]  }
0x540: {  	v4 =	vld [tilespmem:s1+$0x0]  }
0x541: {  	v5 =	vld [tilespmem:s1+$0x10]  }
0x542: {  	v6 =	vld [tilespmem:s1+$0x20]  }
0x543: {  	v2 =	vld [tilespmem:s1+$0x30]  }
0x544: {  	v3 =	vld [tilespmem:s1+$0x40]  }
0x545: {  	s0 =	sor.u32 $0x4070, s1;
	v1 =	vld [tilespmem:s1+$0x60]  }
0x546: {  	[tilespmem:s0+$0x0] =	vst.add.f32.msk $0xffff, v0  }
0x547: {  	s7 =	sor.u32 $0x4000, s1;
	v0 =	vld [tilespmem:s1+$0x50]  }
0x548: {  	s12 =	sor.u32 $0x4010, s1;
	[tilespmem:s7+$0x0] =	vst.add.f32.msk $0xffff, v4  }
0x549: {  	s31 =	simm.s32 $0x0;
	s5 =	sor.u32 $0x4020, s1;
	s4 =	sor.u32 $0x4030, s1;
	[tilespmem:s12+$0x0] =	vst.add.f32.msk $0xffff, v5  }
0x54a: {  	s3 =	sor.u32 $0x4040, s1;
	s2 =	sor.u32 $0x4060, s1;
	s0 =	sor.u32 $0x4050, s1;
	[tilespmem:s5+$0x0] =	vst.add.f32.msk $0xffff, v6  }
.LBB2_62:
0x54b: {  	s30 =	sadd.s32 $0x80, s30;
	[tilespmem:s4+$0x0] =	vst.add.f32.msk $0xffff, v2;
	s29 =	sadd.s32 $0x400, s29  }
0x54c: {  	s31 =	sadd.s32 $0x20, s31;
	s1 =	sand.u32 $0x3000, s30;
	s4 =	sand.u32 $0xC00, s29;
	[tilespmem:s3+$0x0] =	vst.add.f32.msk $0xffff, v3  }
0x54d: {  	s3 =	sand.u32 $0x380, s31;
	p0 =	slt.u32 s30, $0x3F80;
	s1 =	sor.u32 s1, s4;
	[tilespmem:s0+$0x0] =	vst.add.f32.msk $0xffff, v0  }
0x54e: {  	s1 =	sor.u32 s3, s1;
	[tilespmem:s2+$0x0] =	vst.add.f32.msk $0xffff, v1  }
0x54f: {  	s5 =	sor.u32 $0x4000, s1;
	s6 =	sor.u32 $0x4010, s1;
	s7 =	sor.u32 $0x4020, s1;
	v0 =	vld [tilespmem:s1+$0x70]  }
0x550: {  	s4 =	sor.u32 $0x4030, s1;
	s3 =	sor.u32 $0x4040, s1;
	s0 =	sor.u32 $0x4050, s1;
	v4 =	vld [tilespmem:s1+$0x0]  }
0x551: {  	s2 =	sor.u32 $0x4060, s1;
	v5 =	vld [tilespmem:s1+$0x10]  }
0x552: {  	v6 =	vld [tilespmem:s1+$0x20]  }
0x553: {  	s12 =	sor.u32 $0x4070, s1;
	v2 =	vld [tilespmem:s1+$0x30]  }
0x554: {  	[tilespmem:s12+$0x0] =	vst.add.f32.msk $0xffff, v0  }
0x555: {  	v3 =	vld [tilespmem:s1+$0x40]  }
.Ltmp30:
0x556: {  	v0 =	vld [tilespmem:s1+$0x50];
	(pc) =	sbr.rel @p0 .LBB2_62-.Ltmp30, $4  }
0x557: {  	v1 =	vld [tilespmem:s1+$0x60]  }
0x558: {  	[tilespmem:s5+$0x0] =	vst.add.f32.msk $0xffff, v4  }
0x559: {  	[tilespmem:s6+$0x0] =	vst.add.f32.msk $0xffff, v5  }
0x55a: {  	[tilespmem:s7+$0x0] =	vst.add.f32.msk $0xffff, v6  }
0x55b: {  	[tilespmem:s4+$0x0] =	vst.add.f32.msk $0xffff, v2  }
0x55c: {  	[tilespmem:s3+$0x0] =	vst.add.f32.msk $0xffff, v3  }
0x55d: {  	[tilespmem:s0+$0x0] =	vst.add.f32.msk $0xffff, v0  }
0x55e: {  	[tilespmem:s2+$0x0] =	vst.add.f32.msk $0xffff, v1  }
0x55f: {  	s0 =	sld [smem:$0x7FB];
	_ =	sdelay $0x1  }
0x560: {  	s29 =	simm.s32 $0x0;
	s30 =	simm.s32 $0x0  }
0x561: {  	[hbm4b:s0+s29] =	stream.linear.scatter [tilespmem:s8], [sflag:$0x7], $0x4000, $0x38;
	[tilespmem:$0x1C000] =	vst v63  }
0x562: {  	s5 =	sand.u32 $0x3000, s30;
	s1 =	sand.u32 $0xC00, s29;
	_ =	swait.ge [sflag:s15], $0x4000  }
0x563: {  	s6 =	sand.u32 $0x380, s29;
	s0 =	sor.u32 s5, s1;
	[sflag:s15] =	ssyncset.done $0x0  }
0x564: {  	s1 =	sor.u32 s6, s0;
	[sflag:s15] =	ssyncadd.s32 $0xFFFFC000  }
0x565: {  	v0 =	vld [tilespmem:s1+$0x70]  }
0x566: {  	v4 =	vld [tilespmem:s1+$0x0]  }
0x567: {  	v5 =	vld [tilespmem:s1+$0x10]  }
0x568: {  	v6 =	vld [tilespmem:s1+$0x20]  }
0x569: {  	v2 =	vld [tilespmem:s1+$0x30]  }
0x56a: {  	v3 =	vld [tilespmem:s1+$0x40]  }
0x56b: {  	s0 =	sor.u32 $0x8070, s1;
	v1 =	vld [tilespmem:s1+$0x60]  }
0x56c: {  	[tilespmem:s0+$0x0] =	vst.add.f32.msk $0xffff, v0  }
0x56d: {  	s7 =	sor.u32 $0x8000, s1;
	v0 =	vld [tilespmem:s1+$0x50]  }
0x56e: {  	s12 =	sor.u32 $0x8010, s1;
	[tilespmem:s7+$0x0] =	vst.add.f32.msk $0xffff, v4  }
0x56f: {  	s31 =	simm.s32 $0x0;
	s5 =	sor.u32 $0x8020, s1;
	s4 =	sor.u32 $0x8030, s1;
	[tilespmem:s12+$0x0] =	vst.add.f32.msk $0xffff, v5  }
0x570: {  	s3 =	sor.u32 $0x8040, s1;
	s2 =	sor.u32 $0x8060, s1;
	s0 =	sor.u32 $0x8050, s1;
	[tilespmem:s5+$0x0] =	vst.add.f32.msk $0xffff, v6  }
.LBB2_64:
0x571: {  	s30 =	sadd.s32 $0x80, s30;
	[tilespmem:s4+$0x0] =	vst.add.f32.msk $0xffff, v2;
	s29 =	sadd.s32 $0x400, s29  }
0x572: {  	s31 =	sadd.s32 $0x20, s31;
	s1 =	sand.u32 $0x3000, s30;
	s4 =	sand.u32 $0xC00, s29;
	[tilespmem:s3+$0x0] =	vst.add.f32.msk $0xffff, v3  }
0x573: {  	s3 =	sand.u32 $0x380, s31;
	p0 =	slt.u32 s30, $0x3F80;
	s1 =	sor.u32 s1, s4;
	[tilespmem:s0+$0x0] =	vst.add.f32.msk $0xffff, v0  }
0x574: {  	s1 =	sor.u32 s3, s1;
	[tilespmem:s2+$0x0] =	vst.add.f32.msk $0xffff, v1  }
0x575: {  	s5 =	sor.u32 $0x8000, s1;
	s6 =	sor.u32 $0x8010, s1;
	s7 =	sor.u32 $0x8020, s1;
	v0 =	vld [tilespmem:s1+$0x70]  }
0x576: {  	s4 =	sor.u32 $0x8030, s1;
	s3 =	sor.u32 $0x8040, s1;
	s0 =	sor.u32 $0x8050, s1;
	v4 =	vld [tilespmem:s1+$0x0]  }
0x577: {  	s2 =	sor.u32 $0x8060, s1;
	v5 =	vld [tilespmem:s1+$0x10]  }
0x578: {  	v6 =	vld [tilespmem:s1+$0x20]  }
0x579: {  	s12 =	sor.u32 $0x8070, s1;
	v2 =	vld [tilespmem:s1+$0x30]  }
0x57a: {  	[tilespmem:s12+$0x0] =	vst.add.f32.msk $0xffff, v0  }
0x57b: {  	v3 =	vld [tilespmem:s1+$0x40]  }
.Ltmp31:
0x57c: {  	v0 =	vld [tilespmem:s1+$0x50];
	(pc) =	sbr.rel @p0 .LBB2_64-.Ltmp31, $4  }
0x57d: {  	v1 =	vld [tilespmem:s1+$0x60]  }
0x57e: {  	[tilespmem:s5+$0x0] =	vst.add.f32.msk $0xffff, v4  }
0x57f: {  	[tilespmem:s6+$0x0] =	vst.add.f32.msk $0xffff, v5  }
0x580: {  	[tilespmem:s7+$0x0] =	vst.add.f32.msk $0xffff, v6  }
0x581: {  	[tilespmem:s4+$0x0] =	vst.add.f32.msk $0xffff, v2  }
0x582: {  	[tilespmem:s3+$0x0] =	vst.add.f32.msk $0xffff, v3  }
0x583: {  	[tilespmem:s0+$0x0] =	vst.add.f32.msk $0xffff, v0  }
0x584: {  	[tilespmem:s2+$0x0] =	vst.add.f32.msk $0xffff, v1  }
0x585: {  	s0 =	sld [smem:$0x7FC];
	_ =	sdelay $0x1  }
0x586: {  	s12 =	simm.s32 $0x0  }
0x587: {  	[hbm4b:s0+s12] =	stream.linear.scatter [tilespmem:s9], [sflag:$0x8], $0x4000, $0x38;
	[tilespmem:$0x1C000] =	vst v63  }
0x588: {  	_ =	swait.ge [sflag:s22], $0x4000  }
0x589: {  	[sflag:s22] =	ssyncset.done $0x0  }
0x58a: {  	[sflag:s22] =	ssyncadd.s32 $0xFFFFC000  }
0x58b: {  	_ =	swait.ge [sflag:s24], $0x4000  }
0x58c: {  	[sflag:s24] =	ssyncset.done $0x0  }
0x58d: {  	[sflag:s24] =	ssyncadd.s32 $0xFFFFC000  }
0x58e: {  	_ =	swait.ge [sflag:s25], $0x4000  }
0x58f: {  	[sflag:s25] =	ssyncset.done $0x0  }
0x590: {  	[sflag:s25] =	ssyncadd.s32 $0xFFFFC000  }
0x591: {  	_ =	swait.ge [sflag:s26], $0x4000  }
0x592: {  	[sflag:s26] =	ssyncset.done $0x0  }
0x593: {  	[sflag:s26] =	ssyncadd.s32 $0xFFFFC000  }
0x594: {  	_ =	swait.ge [sflag:s18], $0x4000  }
0x595: {  	[sflag:s18] =	ssyncset.done $0x0  }
0x596: {  	[sflag:s18] =	ssyncadd.s32 $0xFFFFC000  }
0x597: {  	_ =	swait.ge [sflag:s20], $0x4000  }
0x598: {  	s31 =	sld [smem:$0x7FD];
	_ =	sdelay $0x1  }
0x599: {  	s28 =	sadd.s32 $0x1, s28  }
0x59a: {  	p0 =	sne.s32 s28, s31  }
.Ltmp32:
0x59b: {  	_ = 	snop;
	(pc) =	sbr.rel @p0 .LBB2_1-.Ltmp32, $3  }
0x59c: {  	_ =	sdelay $0x1  }
0x59d: {  	[sflag:s20] =	ssyncset.done $0x0  }
0x59e: {  	[sflag:s20] =	ssyncadd.s32 $0xFFFFC000  }
0x59f: {  	_ =	sfence.sel $0x180000  }
0x5a0: {  	[bflag:$0x0] =	sbarrier.arrive $0xFFFF  }
0x5a1: {  	_ =	strace $0x90000047  }
0x5a2: {  	s0 =	stileid.u32;
	[bflag:$0x2] =	sbarrier.arrive $0xFFFF  }
0x5a3: {  	p0 =	sne.s32 s0, $0x0;
	s0 =	rddreg [dreg:$0x3]  }
0x5a4: {  	s0 =	sadd.s32 @!p0 $0x100000, s0  }
0x5a5: {  	[sflag:s0] =	ssyncadd.tile.s32 @!p0 $0x1;
	_ =	shalt  }
.Lfunc_end2:
_tile_overlayer_lowered:
.L_overlay_start_2:
0x5a6: {  	(tag) =	ssettag $0x2  }
0x5a7: {  	s0 =	rddreg [dreg:$0x0];
	s2 =	stileid.u32  }
0x5a8: {  	s1 =	rddreg [dreg:$0x1];
	p0 =	sne.s32 s2, $0x0  }
0x5a9: {  	s3 =	rddreg [dreg:$0x2];
	[bflag:$0x3] =	sbarrier.arrive $0xFFFF;
	s2 =	simm.s32 @!p0 $0x1C0E  }
0x5aa: {  	[timem:s3], [sflag:s2] =	dma.local @!p0 [hbm:s0], s1  }
0x5ab: {  	s0 =	simm.s32 @!p0 $0xE  }
0x5ac: {  	_ =	swait.ge @!p0 [sflag:s0], s1  }
0x5ad: {  	s1 =	ssub.s32 @!p0 $0x0, s1;
	[sflag:s0] =	ssyncset.done @!p0 $0x0  }
0x5ae: {  	[sflag:s0] =	ssyncadd.s32 @!p0 s1  }
0x5af: {  	[bflag:$0x3] =	sbarrier.arrive $0xFFFF  }
0x5b0: {  	_ =	shalt  }

</sc_bundles>
